<compile_context>
chip_gen: v7x
topology: tpu7x:2x2x1
jax: 0.10.2.dev20260603
libtpu: 0.0.44.dev20260713+nightly
codegen_flags: <defaults>
</compile_context>

<pallas_src>
import functools

import jax
import jax.numpy as jnp
from jax import lax
from jax.experimental import pallas as pl
from jax.experimental.pallas import tpu as pltpu
from jax.experimental.pallas import tpu_sc as plsc

N = 10000
DIN = 128
DH = 32
NCLS = 2
E = 320000

NC = 2
NS = 16
NW = NC * NS
CHUNK = 128
NCH = 80
EPT = NCH * CHUNK
EPAD = NW * EPT
NBUF = 16
LOOK = 8
NBUF2 = 8
LOOK2 = 4
RG = 160
BM = 1280

NDEG = 10240
DEG_SL = NDEG // NS
NACC = 10240
ROW_SL = NACC // NS

_sc_mesh = plsc.VectorSubcoreMesh(
    core_axis_name="c", subcore_axis_name="s", num_cores=NC, num_subcores=NS
)
_sc_params = pltpu.CompilerParams(use_tc_tiling_on_sc=False)


@functools.partial(
    pl.kernel,
    out_type=jax.ShapeDtypeStruct((NC, NDEG), jnp.float32),
    mesh=_sc_mesh,
    compiler_params=_sc_params,
    scratch_types=[
        pltpu.VMEM_SHARED((NDEG,), jnp.float32),
        pltpu.VMEM((NCH, CHUNK), jnp.int32),
        pltpu.VMEM((CHUNK,), jnp.float32),
        pltpu.SemaphoreType.DMA,
    ],
)
def _deg_kernel(dst_hbm, zeros1_hbm, ones_hbm, deg_out, deg_sp, dst_all, ones_v, sem):
    c = lax.axis_index("c")
    s = lax.axis_index("s")
    wid = c * NS + s
    pltpu.sync_copy(
        zeros1_hbm.at[pl.ds(s * DEG_SL, DEG_SL)],
        deg_sp.at[pl.ds(s * DEG_SL, DEG_SL)],
    )
    pltpu.sync_copy(ones_hbm, ones_v)
    pltpu.sync_copy(dst_hbm.at[wid], dst_all)
    plsc.subcore_barrier()

    def body(o, carry):
        for b in range(8):
            pltpu.async_copy(ones_v, deg_sp.at[dst_all.at[o * 8 + b]], sem, add=True)
        for b in range(8):
            pltpu.make_async_copy(ones_hbm, ones_v, sem).wait()
        return carry

    lax.fori_loop(0, NCH // 8, body, 0)
    plsc.subcore_barrier()
    pltpu.sync_copy(
        deg_sp.at[pl.ds(s * DEG_SL, DEG_SL)],
        deg_out.at[c].at[pl.ds(s * DEG_SL, DEG_SL)],
    )


@functools.partial(
    pl.kernel,
    out_type=jax.ShapeDtypeStruct((NC, NACC, DH), jnp.float32),
    mesh=_sc_mesh,
    compiler_params=_sc_params,
    scratch_types=[
        pltpu.VMEM_SHARED((NACC, DH), jnp.float32),
        pltpu.VMEM((NCH, CHUNK), jnp.int32),
        pltpu.VMEM((NCH, CHUNK), jnp.int32),
        pltpu.VMEM((NBUF, CHUNK, DH), jnp.float32),
        pltpu.SemaphoreType.DMA((NBUF,)),
    ],
)
def _msg_kernel(hs_hbm, src_hbm, dst_hbm, zeros2_hbm, acc_out,
                acc_sp, src_all, dst_all, rows, gsem):
    c = lax.axis_index("c")
    s = lax.axis_index("s")
    wid = c * NS + s
    pltpu.sync_copy(
        zeros2_hbm.at[pl.ds(s * ROW_SL, ROW_SL)],
        acc_sp.at[pl.ds(s * ROW_SL, ROW_SL)],
    )
    pltpu.sync_copy(src_hbm.at[wid], src_all)
    pltpu.sync_copy(dst_hbm.at[wid], dst_all)
    plsc.subcore_barrier()

    for k in range(LOOK):
        pltpu.async_copy(hs_hbm.at[src_all.at[k]], rows.at[k], gsem.at[k])

    def body(o, carry):
        for b in range(NBUF):
            ch = o * NBUF + b
            bf = (b + LOOK) % NBUF

            @pl.when(ch + LOOK < NCH)
            def _():
                pltpu.async_copy(
                    hs_hbm.at[src_all.at[ch + LOOK]], rows.at[bf], gsem.at[bf]
                )

            pltpu.make_async_copy(
                hs_hbm.at[pl.ds(0, CHUNK)], rows.at[b], gsem.at[b]
            ).wait()
            pltpu.sync_copy(rows.at[b], acc_sp.at[dst_all.at[ch]], add=True)
        return carry

    lax.fori_loop(0, NCH // NBUF, body, 0)
    plsc.subcore_barrier()
    pltpu.sync_copy(
        acc_sp.at[pl.ds(s * ROW_SL, ROW_SL)],
        acc_out.at[c].at[pl.ds(s * ROW_SL, ROW_SL)],
    )


@functools.partial(
    pl.kernel,
    out_type=(
        jax.ShapeDtypeStruct((NC, NACC, DH), jnp.float32),
        jax.ShapeDtypeStruct((NACC, DH), jnp.float32),
    ),
    mesh=_sc_mesh,
    compiler_params=_sc_params,
    scratch_types=[
        pltpu.VMEM_SHARED((NACC, DH), jnp.float32),
        pltpu.VMEM_SHARED((NACC, DH), jnp.float32),
        pltpu.VMEM((RG, DH), jnp.float32),
        pltpu.VMEM((RG, DH), jnp.float32),
        pltpu.VMEM((RG, DH), jnp.float32),
        pltpu.VMEM((RG, DH), jnp.float32),
        pltpu.VMEM((RG, DH), jnp.float32),
        pltpu.VMEM((DH,), jnp.float32),
        pltpu.VMEM((NCH, CHUNK), jnp.int32),
        pltpu.VMEM((NCH, CHUNK), jnp.int32),
        pltpu.VMEM((NBUF2, CHUNK, DH), jnp.float32),
        pltpu.SemaphoreType.DMA((NBUF2,)),
    ],
)
def _msg2_kernel(acc1_hbm, hs1_hbm, drep_hbm, b1_hbm, src_hbm, dst_hbm,
                 zeros2_hbm, acc2_out, hs2_out,
                 hs2_sp, acc2_sp, a0v, a1v, h1v, drv, h2v, b1v,
                 src_all, dst_all, rows, gsem):
    c = lax.axis_index("c")
    s = lax.axis_index("s")
    wid = c * NS + s
    pltpu.sync_copy(
        zeros2_hbm.at[pl.ds(s * ROW_SL, ROW_SL)],
        acc2_sp.at[pl.ds(s * ROW_SL, ROW_SL)],
    )
    pltpu.sync_copy(src_hbm.at[wid], src_all)
    pltpu.sync_copy(dst_hbm.at[wid], dst_all)
    pltpu.sync_copy(b1_hbm, b1v)

    def group(g, carry):
        base = s * ROW_SL + g * RG
        pltpu.sync_copy(acc1_hbm.at[0].at[pl.ds(base, RG)], a0v)
        pltpu.sync_copy(acc1_hbm.at[1].at[pl.ds(base, RG)], a1v)
        pltpu.sync_copy(hs1_hbm.at[pl.ds(base, RG)], h1v)
        pltpu.sync_copy(drep_hbm.at[pl.ds(base, RG)], drv)

        def row(r, carry2):
            for h in range(DH // 16):
                sl = pl.ds(h * 16, 16)
                d = drv[r, sl]
                v = (a0v[r, sl] + a1v[r, sl] + h1v[r, sl]) * d
                v = jnp.maximum(v + b1v[pl.ds(h * 16, 16)], 0.0)
                h2v[r, sl] = v * d
            return carry2

        lax.fori_loop(0, RG, row, 0)
        pltpu.sync_copy(h2v, hs2_sp.at[pl.ds(base, RG)])
        return carry

    lax.fori_loop(0, ROW_SL // RG, group, 0)
    plsc.subcore_barrier()

    for k in range(LOOK2):
        pltpu.async_copy(hs2_sp.at[src_all.at[k]], rows.at[k], gsem.at[k])

    def body(o, carry):
        for b in range(NBUF2):
            ch = o * NBUF2 + b
            bf = (b + LOOK2) % NBUF2

            @pl.when(ch + LOOK2 < NCH)
            def _():
                pltpu.async_copy(
                    hs2_sp.at[src_all.at[ch + LOOK2]], rows.at[bf], gsem.at[bf]
                )

            pltpu.make_async_copy(
                hs1_hbm.at[pl.ds(0, CHUNK)], rows.at[b], gsem.at[b]
            ).wait()
            pltpu.sync_copy(rows.at[b], acc2_sp.at[dst_all.at[ch]], add=True)
        return carry

    lax.fori_loop(0, NCH // NBUF2, body, 0)
    plsc.subcore_barrier()
    pltpu.sync_copy(
        acc2_sp.at[pl.ds(s * ROW_SL, ROW_SL)],
        acc2_out.at[c].at[pl.ds(s * ROW_SL, ROW_SL)],
    )

    @pl.when(c == 0)
    def _():
        pltpu.sync_copy(
            hs2_sp.at[pl.ds(s * ROW_SL, ROW_SL)],
            hs2_out.at[pl.ds(s * ROW_SL, ROW_SL)],
        )


def _layer1_body(x_ref, w1_ref, degcol_ref, hs1_ref, drep_ref):
    d = lax.rsqrt(degcol_ref[...])
    h = jnp.dot(x_ref[...], w1_ref[...], preferred_element_type=jnp.float32)
    hs1_ref[...] = h * d
    drep_ref[...] = d * jnp.ones((1, DH), jnp.float32)


def _final_body(acc_ref, hs2_ref, drep_ref, w2_ref, b2_ref, out_ref):
    p2 = (acc_ref[0] + acc_ref[1] + hs2_ref[...]) * drep_ref[...]
    logits = (
        jnp.dot(p2, w2_ref[...], preferred_element_type=jnp.float32)
        + b2_ref[...]
    )
    l0 = logits[:, 0:1]
    l1 = logits[:, 1:2]
    mx = jnp.maximum(l0, l1)
    lse = mx + jnp.log(jnp.exp(l0 - mx) + jnp.exp(l1 - mx))
    out_ref[...] = logits - lse


def kernel(x, edge_index, W1, b1, W2, b2):
    npad = EPAD - E
    pad_ar = jnp.arange(npad, dtype=jnp.int32)
    pad_src = (pad_ar * 13) % N
    pad_dst = N + pad_ar % (NACC - N)
    src = jnp.concatenate([edge_index[0], pad_src]).reshape(NW, NCH, CHUNK)
    dst = jnp.concatenate([edge_index[1], pad_dst]).reshape(NW, NCH, CHUNK)
    zeros1 = jnp.zeros((NDEG,), jnp.float32)
    zeros2 = jnp.zeros((NACC, DH), jnp.float32)
    ones = jnp.ones((CHUNK,), jnp.float32)

    degp = _deg_kernel(dst, zeros1, ones)
    degcol = (degp[0] + degp[1] + 1.0)[:, None]

    hs1, drep = pl.pallas_call(
        _layer1_body,
        grid=(NACC // BM,),
        in_specs=[
            pl.BlockSpec((BM, DIN), lambda i: (i, 0)),
            pl.BlockSpec((DIN, DH), lambda i: (0, 0)),
            pl.BlockSpec((BM, 1), lambda i: (i, 0)),
        ],
        out_specs=[
            pl.BlockSpec((BM, DH), lambda i: (i, 0)),
            pl.BlockSpec((BM, DH), lambda i: (i, 0)),
        ],
        out_shape=[
            jax.ShapeDtypeStruct((NACC, DH), jnp.float32),
            jax.ShapeDtypeStruct((NACC, DH), jnp.float32),
        ],
    )(x, W1, degcol)

    acc1 = _msg_kernel(hs1, src, dst, zeros2)

    acc2, hs2 = _msg2_kernel(acc1, hs1, drep, b1, src, dst, zeros2)

    out = pl.pallas_call(
        _final_body,
        grid=(NACC // BM,),
        in_specs=[
            pl.BlockSpec((NC, BM, DH), lambda i: (0, i, 0)),
            pl.BlockSpec((BM, DH), lambda i: (i, 0)),
            pl.BlockSpec((BM, DH), lambda i: (i, 0)),
            pl.BlockSpec((DH, NCLS), lambda i: (0, 0)),
            pl.BlockSpec((1, NCLS), lambda i: (0, 0)),
        ],
        out_specs=pl.BlockSpec((BM, NCLS), lambda i: (i, 0)),
        out_shape=jax.ShapeDtypeStruct((N, NCLS), jnp.float32),
    )(acc2, hs2, drep, W2, b2[None, :])
    return out

# --- scband reference (transcript-rebuilt; emitter-appended) ---
"""Pipeline reference for scband-fraud-gnn-36825049596435 (READ-ONLY COPY).

The authoritative reference and input builder live on the scoring server;
editing this copy changes nothing except your own understanding.
"""

import jax, jax.numpy as jnp
import numpy as np

N_NODES = 10000
N_EDGES = 320000
D_IN = 128
D_HID = 32
N_CLASSES = 2


def gcn_conv(x, edge_index, W, b):
    # Faithful PyG GCNConv (add_self_loops=True, normalize=True, improved=False):
    # x' = D^{-1/2} (A + I) D^{-1/2} X W + b
    n = x.shape[0]
    src = edge_index[0]
    dst = edge_index[1]
    loop = jnp.arange(n, dtype=src.dtype)
    src = jnp.concatenate([src, loop])
    dst = jnp.concatenate([dst, loop])
    # degree computed on destination (col) with edge_weight = 1
    deg = jnp.zeros((n,), dtype=x.dtype).at[dst].add(1.0)
    deg_inv_sqrt = jnp.where(deg > 0, 1.0 / jnp.sqrt(deg), 0.0)
    norm = deg_inv_sqrt[src] * deg_inv_sqrt[dst]
    h = x @ W
    msg = h[src] * norm[:, None]
    out = jnp.zeros((n, W.shape[1]), dtype=x.dtype).at[dst].add(msg)
    return out + b


def setup_inputs(seed: int = 0):
    key = jax.random.key(seed)
    k1, k2, k3, k4, k5, k6 = jax.random.split(key, 6)
    x = jax.random.normal(k1, (N_NODES, D_IN), dtype=jnp.float32)
    edge_index = jax.random.randint(k2, (2, N_EDGES), 0, N_NODES)
    W1 = jax.random.normal(k3, (D_IN, D_HID), dtype=jnp.float32) * (1.0 / np.sqrt(D_IN))
    b1 = jnp.zeros((D_HID,), dtype=jnp.float32)
    W2 = jax.random.normal(k4, (D_HID, N_CLASSES), dtype=jnp.float32) * (1.0 / np.sqrt(D_HID))
    b2 = jnp.zeros((N_CLASSES,), dtype=jnp.float32)
    return {"x": x, "edge_index": edge_index, "W1": W1, "b1": b1, "W2": W2, "b2": b2}


def reference(x, edge_index, W1, b1, W2, b2):
    # FraudGNN.forward (eval mode: dropout is identity)
    h = jax.nn.relu(gcn_conv(x, edge_index, W1, b1))
    h = gcn_conv(h, edge_index, W2, b2)
    return jax.nn.log_softmax(h, axis=1)

if __name__ == "__main__":
    import jax
    _d = setup_inputs()
    print(jax.jit(kernel)(*tuple(_d.values())))

</pallas_src>

<mosaic_0001>
#map = affine_map<(d0, d1) -> (0, 0, 0)>
#map1 = affine_map<(d0, d1) -> (0)>
#map2 = affine_map<(d0, d1) -> (0, 0)>
module attributes {stable_mosaic.version = 14 : i64} {
  func.func @_deg_kernel(%arg0: i32, %arg1: i32, %arg2: memref<32x80x128xi32, #tpu.memory_space<hbm>>, %arg3: memref<10240xf32, #tpu.memory_space<hbm>>, %arg4: memref<128xf32, #tpu.memory_space<hbm>>, %arg5: memref<2x10240xf32, #tpu.memory_space<hbm>>, %arg6: memref<10240xf32, #tpu.memory_space<vmem_shared>>, %arg7: memref<80x128xi32, #tpu.memory_space<vmem>>, %arg8: memref<128xf32, #tpu.memory_space<vmem>>, %arg9: memref<!tpu.dma_semaphore, #tpu.memory_space<semaphore_mem>>) attributes {dimension_semantics = [#tpu.dimension_semantics<core_parallel>, #tpu.dimension_semantics<subcore_parallel>], iteration_bounds = array<i64: 2, 16>, scalar_prefetch = 0 : i64, scratch_operands = 4 : i64, tpu.core_type = #tpu.core_type<sc_vector_subcore>, window_params = [{transform_indices = #map}, {transform_indices = #map1}, {transform_indices = #map1}, {transform_indices = #map2}]} {
    %mul3A = arith.constant 16 : i32
    %mul3A_0 = arith.muli %arg0, %mul3A : i32
    %add3A = arith.addi %mul3A_0, %arg1 : i32
    %mul3A_1 = arith.constant 640 : i32
    %mul3A_2 = arith.muli %arg1, %mul3A_1 : i32
    %mul3A_3 = arith.constant 640 : i32
    %mul3A_4 = arith.muli %arg1, %mul3A_3 : i32
    "tpu.region"() ({
      %run_scoped3A = tpu.sem_alloc : memref<!tpu.dma_semaphore, #tpu.memory_space<semaphore_mem>>
      %dma_start3A = tpu.memref_slice %arg6[%mul3A_4] : memref<10240xf32, #tpu.memory_space<vmem_shared>> -> memref<640xf32, #tpu.memory_space<vmem_shared>>
      %dma_start3A_15 = tpu.memref_slice %arg3[%mul3A_2] : memref<10240xf32, #tpu.memory_space<hbm>> -> memref<640xf32, #tpu.memory_space<hbm>>
      tpu.enqueue_dma source(%dma_start3A_15 : memref<640xf32, #tpu.memory_space<hbm>>) target(%dma_start3A : memref<640xf32, #tpu.memory_space<vmem_shared>>) target_semaphore(%run_scoped3A : memref<!tpu.dma_semaphore, #tpu.memory_space<semaphore_mem>>)
      %dma_wait3A = tpu.memref_slice %arg6[%mul3A_4] : memref<10240xf32, #tpu.memory_space<vmem_shared>> -> memref<640xf32, #tpu.memory_space<vmem_shared>>
      %dma_wait3A_16 = tpu.memref_slice %arg3[%mul3A_2] : memref<10240xf32, #tpu.memory_space<hbm>> -> memref<640xf32, #tpu.memory_space<hbm>>
      tpu.wait_dma2 semaphore(%run_scoped3A : memref<!tpu.dma_semaphore, #tpu.memory_space<semaphore_mem>>) src(%dma_wait3A_16 : memref<640xf32, #tpu.memory_space<hbm>>) dst(%dma_wait3A : memref<640xf32, #tpu.memory_space<vmem_shared>>)
      tpu.yield
    }) : () -> ()
    "tpu.region"() ({
      %run_scoped3A = tpu.sem_alloc : memref<!tpu.dma_semaphore, #tpu.memory_space<semaphore_mem>>
      tpu.enqueue_dma source(%arg4 : memref<128xf32, #tpu.memory_space<hbm>>) target(%arg8 : memref<128xf32, #tpu.memory_space<vmem>>) target_semaphore(%run_scoped3A : memref<!tpu.dma_semaphore, #tpu.memory_space<semaphore_mem>>)
      tpu.wait_dma2 semaphore(%run_scoped3A : memref<!tpu.dma_semaphore, #tpu.memory_space<semaphore_mem>>) src(%arg4 : memref<128xf32, #tpu.memory_space<hbm>>) dst(%arg8 : memref<128xf32, #tpu.memory_space<vmem>>)
      tpu.yield
    }) : () -> ()
    "tpu.region"() ({
      %run_scoped3A = tpu.sem_alloc : memref<!tpu.dma_semaphore, #tpu.memory_space<semaphore_mem>>
      %dma_start3A = arith.constant 0 : i32
      %dma_start3A_15 = arith.constant 0 : i32
      %dma_start3A_16 = tpu.memref_slice %arg2[%add3A, %dma_start3A, %dma_start3A_15] : memref<32x80x128xi32, #tpu.memory_space<hbm>> -> memref<1x80x128xi32, #tpu.memory_space<hbm>>
      %dma_start3A_17 = tpu.memref_squeeze %dma_start3A_16 : memref<1x80x128xi32, #tpu.memory_space<hbm>> -> memref<80x128xi32, #tpu.memory_space<hbm>>
      %dma_start3A_18 = arith.constant 0 : i32
      %dma_start3A_19 = arith.constant 0 : i32
      %dma_start3A_20 = tpu.memref_slice %arg2[%add3A, %dma_start3A_18, %dma_start3A_19] : memref<32x80x128xi32, #tpu.memory_space<hbm>> -> memref<1x80x128xi32, #tpu.memory_space<hbm>>
      %dma_start3A_21 = tpu.memref_squeeze %dma_start3A_20 : memref<1x80x128xi32, #tpu.memory_space<hbm>> -> memref<80x128xi32, #tpu.memory_space<hbm>>
      tpu.enqueue_dma source(%dma_start3A_21 : memref<80x128xi32, #tpu.memory_space<hbm>>) target(%arg7 : memref<80x128xi32, #tpu.memory_space<vmem>>) target_semaphore(%run_scoped3A : memref<!tpu.dma_semaphore, #tpu.memory_space<semaphore_mem>>)
      %dma_wait3A = arith.constant 0 : i32
      %dma_wait3A_22 = arith.constant 0 : i32
      %dma_wait3A_23 = tpu.memref_slice %arg2[%add3A, %dma_wait3A, %dma_wait3A_22] : memref<32x80x128xi32, #tpu.memory_space<hbm>> -> memref<1x80x128xi32, #tpu.memory_space<hbm>>
      %dma_wait3A_24 = tpu.memref_squeeze %dma_wait3A_23 : memref<1x80x128xi32, #tpu.memory_space<hbm>> -> memref<80x128xi32, #tpu.memory_space<hbm>>
      %dma_wait3A_25 = arith.constant 0 : i32
      %dma_wait3A_26 = arith.constant 0 : i32
      %dma_wait3A_27 = tpu.memref_slice %arg2[%add3A, %dma_wait3A_25, %dma_wait3A_26] : memref<32x80x128xi32, #tpu.memory_space<hbm>> -> memref<1x80x128xi32, #tpu.memory_space<hbm>>
      %dma_wait3A_28 = tpu.memref_squeeze %dma_wait3A_27 : memref<1x80x128xi32, #tpu.memory_space<hbm>> -> memref<80x128xi32, #tpu.memory_space<hbm>>
      tpu.wait_dma2 semaphore(%run_scoped3A : memref<!tpu.dma_semaphore, #tpu.memory_space<semaphore_mem>>) src(%dma_wait3A_28 : memref<80x128xi32, #tpu.memory_space<hbm>>) dst(%arg7 : memref<80x128xi32, #tpu.memory_space<vmem>>)
      tpu.yield
    }) : () -> ()
    %barrier3A = arith.constant 0 : index
    tpu.barrier barrier_id(%barrier3A)
    %scan3A = arith.constant 0 : i32
    %scan3A_5 = arith.constant 0 : i32
    %scan3A_6 = arith.constant 10 : i32
    %scan3A_7 = arith.addi %scan3A_5, %scan3A_6 : i32
    %scan3A_8 = arith.constant 1 : i32
    scf.for %scan3A_15 = %scan3A_5 to %scan3A_7 step %scan3A_8  : i32 {
      %mul3A_16 = arith.constant 8 : i32
      %mul3A_17 = arith.muli %scan3A_15, %mul3A_16 : i32
      %add3A_18 = arith.constant 0 : i32
      %add3A_19 = arith.addi %mul3A_17, %add3A_18 : i32
      %dma_start3A = arith.constant 0 : i32
      %dma_start3A_20 = tpu.memref_slice %arg7[%add3A_19, %dma_start3A] : memref<80x128xi32, #tpu.memory_space<vmem>> -> memref<1x128xi32, #tpu.memory_space<vmem>>
      %dma_start3A_21 = tpu.memref_squeeze %dma_start3A_20 : memref<1x128xi32, #tpu.memory_space<vmem>> -> memref<128xi32, #tpu.memory_space<vmem>>
      %dma_start3A_22 = arith.constant 0 : i32
      %dma_start3A_23 = tpu.memref_slice %arg6[%dma_start3A_22] : memref<10240xf32, #tpu.memory_space<vmem_shared>> -> memref<10240xf32, #tpu.memory_space<vmem_shared>>
      tpu.enqueue_indirect_dma source(%arg8 : memref<128xf32, #tpu.memory_space<vmem>>) target(%dma_start3A_23 : memref<10240xf32, #tpu.memory_space<vmem_shared>>) offsets(%dma_start3A_21 : memref<128xi32, #tpu.memory_space<vmem>>) semaphore(%arg9 : memref<!tpu.dma_semaphore, #tpu.memory_space<semaphore_mem>>) {add = true}
      %mul3A_24 = arith.constant 8 : i32
      %mul3A_25 = arith.muli %scan3A_15, %mul3A_24 : i32
      %add3A_26 = arith.constant 1 : i32
      %add3A_27 = arith.addi %mul3A_25, %add3A_26 : i32
      %dma_start3A_28 = arith.constant 0 : i32
      %dma_start3A_29 = tpu.memref_slice %arg7[%add3A_27, %dma_start3A_28] : memref<80x128xi32, #tpu.memory_space<vmem>> -> memref<1x128xi32, #tpu.memory_space<vmem>>
      %dma_start3A_30 = tpu.memref_squeeze %dma_start3A_29 : memref<1x128xi32, #tpu.memory_space<vmem>> -> memref<128xi32, #tpu.memory_space<vmem>>
      %dma_start3A_31 = arith.constant 0 : i32
      %dma_start3A_32 = tpu.memref_slice %arg6[%dma_start3A_31] : memref<10240xf32, #tpu.memory_space<vmem_shared>> -> memref<10240xf32, #tpu.memory_space<vmem_shared>>
      tpu.enqueue_indirect_dma source(%arg8 : memref<128xf32, #tpu.memory_space<vmem>>) target(%dma_start3A_32 : memref<10240xf32, #tpu.memory_space<vmem_shared>>) offsets(%dma_start3A_30 : memref<128xi32, #tpu.memory_space<vmem>>) semaphore(%arg9 : memref<!tpu.dma_semaphore, #tpu.memory_space<semaphore_mem>>) {add = true}
      %mul3A_33 = arith.constant 8 : i32
      %mul3A_34 = arith.muli %scan3A_15, %mul3A_33 : i32
      %add3A_35 = arith.constant 2 : i32
      %add3A_36 = arith.addi %mul3A_34, %add3A_35 : i32
      %dma_start3A_37 = arith.constant 0 : i32
      %dma_start3A_38 = tpu.memref_slice %arg7[%add3A_36, %dma_start3A_37] : memref<80x128xi32, #tpu.memory_space<vmem>> -> memref<1x128xi32, #tpu.memory_space<vmem>>
      %dma_start3A_39 = tpu.memref_squeeze %dma_start3A_38 : memref<1x128xi32, #tpu.memory_space<vmem>> -> memref<128xi32, #tpu.memory_space<vmem>>
      %dma_start3A_40 = arith.constant 0 : i32
      %dma_start3A_41 = tpu.memref_slice %arg6[%dma_start3A_40] : memref<10240xf32, #tpu.memory_space<vmem_shared>> -> memref<10240xf32, #tpu.memory_space<vmem_shared>>
      tpu.enqueue_indirect_dma source(%arg8 : memref<128xf32, #tpu.memory_space<vmem>>) target(%dma_start3A_41 : memref<10240xf32, #tpu.memory_space<vmem_shared>>) offsets(%dma_start3A_39 : memref<128xi32, #tpu.memory_space<vmem>>) semaphore(%arg9 : memref<!tpu.dma_semaphore, #tpu.memory_space<semaphore_mem>>) {add = true}
      %mul3A_42 = arith.constant 8 : i32
      %mul3A_43 = arith.muli %scan3A_15, %mul3A_42 : i32
      %add3A_44 = arith.constant 3 : i32
      %add3A_45 = arith.addi %mul3A_43, %add3A_44 : i32
      %dma_start3A_46 = arith.constant 0 : i32
      %dma_start3A_47 = tpu.memref_slice %arg7[%add3A_45, %dma_start3A_46] : memref<80x128xi32, #tpu.memory_space<vmem>> -> memref<1x128xi32, #tpu.memory_space<vmem>>
      %dma_start3A_48 = tpu.memref_squeeze %dma_start3A_47 : memref<1x128xi32, #tpu.memory_space<vmem>> -> memref<128xi32, #tpu.memory_space<vmem>>
      %dma_start3A_49 = arith.constant 0 : i32
      %dma_start3A_50 = tpu.memref_slice %arg6[%dma_start3A_49] : memref<10240xf32, #tpu.memory_space<vmem_shared>> -> memref<10240xf32, #tpu.memory_space<vmem_shared>>
      tpu.enqueue_indirect_dma source(%arg8 : memref<128xf32, #tpu.memory_space<vmem>>) target(%dma_start3A_50 : memref<10240xf32, #tpu.memory_space<vmem_shared>>) offsets(%dma_start3A_48 : memref<128xi32, #tpu.memory_space<vmem>>) semaphore(%arg9 : memref<!tpu.dma_semaphore, #tpu.memory_space<semaphore_mem>>) {add = true}
      %mul3A_51 = arith.constant 8 : i32
      %mul3A_52 = arith.muli %scan3A_15, %mul3A_51 : i32
      %add3A_53 = arith.constant 4 : i32
      %add3A_54 = arith.addi %mul3A_52, %add3A_53 : i32
      %dma_start3A_55 = arith.constant 0 : i32
      %dma_start3A_56 = tpu.memref_slice %arg7[%add3A_54, %dma_start3A_55] : memref<80x128xi32, #tpu.memory_space<vmem>> -> memref<1x128xi32, #tpu.memory_space<vmem>>
      %dma_start3A_57 = tpu.memref_squeeze %dma_start3A_56 : memref<1x128xi32, #tpu.memory_space<vmem>> -> memref<128xi32, #tpu.memory_space<vmem>>
      %dma_start3A_58 = arith.constant 0 : i32
      %dma_start3A_59 = tpu.memref_slice %arg6[%dma_start3A_58] : memref<10240xf32, #tpu.memory_space<vmem_shared>> -> memref<10240xf32, #tpu.memory_space<vmem_shared>>
      tpu.enqueue_indirect_dma source(%arg8 : memref<128xf32, #tpu.memory_space<vmem>>) target(%dma_start3A_59 : memref<10240xf32, #tpu.memory_space<vmem_shared>>) offsets(%dma_start3A_57 : memref<128xi32, #tpu.memory_space<vmem>>) semaphore(%arg9 : memref<!tpu.dma_semaphore, #tpu.memory_space<semaphore_mem>>) {add = true}
      %mul3A_60 = arith.constant 8 : i32
      %mul3A_61 = arith.muli %scan3A_15, %mul3A_60 : i32
      %add3A_62 = arith.constant 5 : i32
      %add3A_63 = arith.addi %mul3A_61, %add3A_62 : i32
      %dma_start3A_64 = arith.constant 0 : i32
      %dma_start3A_65 = tpu.memref_slice %arg7[%add3A_63, %dma_start3A_64] : memref<80x128xi32, #tpu.memory_space<vmem>> -> memref<1x128xi32, #tpu.memory_space<vmem>>
      %dma_start3A_66 = tpu.memref_squeeze %dma_start3A_65 : memref<1x128xi32, #tpu.memory_space<vmem>> -> memref<128xi32, #tpu.memory_space<vmem>>
      %dma_start3A_67 = arith.constant 0 : i32
      %dma_start3A_68 = tpu.memref_slice %arg6[%dma_start3A_67] : memref<10240xf32, #tpu.memory_space<vmem_shared>> -> memref<10240xf32, #tpu.memory_space<vmem_shared>>
      tpu.enqueue_indirect_dma source(%arg8 : memref<128xf32, #tpu.memory_space<vmem>>) target(%dma_start3A_68 : memref<10240xf32, #tpu.memory_space<vmem_shared>>) offsets(%dma_start3A_66 : memref<128xi32, #tpu.memory_space<vmem>>) semaphore(%arg9 : memref<!tpu.dma_semaphore, #tpu.memory_space<semaphore_mem>>) {add = true}
      %mul3A_69 = arith.constant 8 : i32
      %mul3A_70 = arith.muli %scan3A_15, %mul3A_69 : i32
      %add3A_71 = arith.constant 6 : i32
      %add3A_72 = arith.addi %mul3A_70, %add3A_71 : i32
      %dma_start3A_73 = arith.constant 0 : i32
      %dma_start3A_74 = tpu.memref_slice %arg7[%add3A_72, %dma_start3A_73] : memref<80x128xi32, #tpu.memory_space<vmem>> -> memref<1x128xi32, #tpu.memory_space<vmem>>
      %dma_start3A_75 = tpu.memref_squeeze %dma_start3A_74 : memref<1x128xi32, #tpu.memory_space<vmem>> -> memref<128xi32, #tpu.memory_space<vmem>>
      %dma_start3A_76 = arith.constant 0 : i32
      %dma_start3A_77 = tpu.memref_slice %arg6[%dma_start3A_76] : memref<10240xf32, #tpu.memory_space<vmem_shared>> -> memref<10240xf32, #tpu.memory_space<vmem_shared>>
      tpu.enqueue_indirect_dma source(%arg8 : memref<128xf32, #tpu.memory_space<vmem>>) target(%dma_start3A_77 : memref<10240xf32, #tpu.memory_space<vmem_shared>>) offsets(%dma_start3A_75 : memref<128xi32, #tpu.memory_space<vmem>>) semaphore(%arg9 : memref<!tpu.dma_semaphore, #tpu.memory_space<semaphore_mem>>) {add = true}
      %mul3A_78 = arith.constant 8 : i32
      %mul3A_79 = arith.muli %scan3A_15, %mul3A_78 : i32
      %add3A_80 = arith.constant 7 : i32
      %add3A_81 = arith.addi %mul3A_79, %add3A_80 : i32
      %dma_start3A_82 = arith.constant 0 : i32
      %dma_start3A_83 = tpu.memref_slice %arg7[%add3A_81, %dma_start3A_82] : memref<80x128xi32, #tpu.memory_space<vmem>> -> memref<1x128xi32, #tpu.memory_space<vmem>>
      %dma_start3A_84 = tpu.memref_squeeze %dma_start3A_83 : memref<1x128xi32, #tpu.memory_space<vmem>> -> memref<128xi32, #tpu.memory_space<vmem>>
      %dma_start3A_85 = arith.constant 0 : i32
      %dma_start3A_86 = tpu.memref_slice %arg6[%dma_start3A_85] : memref<10240xf32, #tpu.memory_space<vmem_shared>> -> memref<10240xf32, #tpu.memory_space<vmem_shared>>
      tpu.enqueue_indirect_dma source(%arg8 : memref<128xf32, #tpu.memory_space<vmem>>) target(%dma_start3A_86 : memref<10240xf32, #tpu.memory_space<vmem_shared>>) offsets(%dma_start3A_84 : memref<128xi32, #tpu.memory_space<vmem>>) semaphore(%arg9 : memref<!tpu.dma_semaphore, #tpu.memory_space<semaphore_mem>>) {add = true}
      tpu.wait_dma2 semaphore(%arg9 : memref<!tpu.dma_semaphore, #tpu.memory_space<semaphore_mem>>) src(%arg4 : memref<128xf32, #tpu.memory_space<hbm>>) dst(%arg8 : memref<128xf32, #tpu.memory_space<vmem>>)
      tpu.wait_dma2 semaphore(%arg9 : memref<!tpu.dma_semaphore, #tpu.memory_space<semaphore_mem>>) src(%arg4 : memref<128xf32, #tpu.memory_space<hbm>>) dst(%arg8 : memref<128xf32, #tpu.memory_space<vmem>>)
      tpu.wait_dma2 semaphore(%arg9 : memref<!tpu.dma_semaphore, #tpu.memory_space<semaphore_mem>>) src(%arg4 : memref<128xf32, #tpu.memory_space<hbm>>) dst(%arg8 : memref<128xf32, #tpu.memory_space<vmem>>)
      tpu.wait_dma2 semaphore(%arg9 : memref<!tpu.dma_semaphore, #tpu.memory_space<semaphore_mem>>) src(%arg4 : memref<128xf32, #tpu.memory_space<hbm>>) dst(%arg8 : memref<128xf32, #tpu.memory_space<vmem>>)
      tpu.wait_dma2 semaphore(%arg9 : memref<!tpu.dma_semaphore, #tpu.memory_space<semaphore_mem>>) src(%arg4 : memref<128xf32, #tpu.memory_space<hbm>>) dst(%arg8 : memref<128xf32, #tpu.memory_space<vmem>>)
      tpu.wait_dma2 semaphore(%arg9 : memref<!tpu.dma_semaphore, #tpu.memory_space<semaphore_mem>>) src(%arg4 : memref<128xf32, #tpu.memory_space<hbm>>) dst(%arg8 : memref<128xf32, #tpu.memory_space<vmem>>)
      tpu.wait_dma2 semaphore(%arg9 : memref<!tpu.dma_semaphore, #tpu.memory_space<semaphore_mem>>) src(%arg4 : memref<128xf32, #tpu.memory_space<hbm>>) dst(%arg8 : memref<128xf32, #tpu.memory_space<vmem>>)
      tpu.wait_dma2 semaphore(%arg9 : memref<!tpu.dma_semaphore, #tpu.memory_space<semaphore_mem>>) src(%arg4 : memref<128xf32, #tpu.memory_space<hbm>>) dst(%arg8 : memref<128xf32, #tpu.memory_space<vmem>>)
    }
    %scan3A_9 = arith.constant 10 : i32
    %barrier3A_10 = arith.constant 0 : index
    tpu.barrier barrier_id(%barrier3A_10)
    %mul3A_11 = arith.constant 640 : i32
    %mul3A_12 = arith.muli %arg1, %mul3A_11 : i32
    %mul3A_13 = arith.constant 640 : i32
    %mul3A_14 = arith.muli %arg1, %mul3A_13 : i32
    "tpu.region"() ({
      %run_scoped3A = tpu.sem_alloc : memref<!tpu.dma_semaphore, #tpu.memory_space<semaphore_mem>>
      %dma_start3A = arith.constant 0 : i32
      %dma_start3A_15 = tpu.memref_slice %arg5[%arg0, %dma_start3A] : memref<2x10240xf32, #tpu.memory_space<hbm>> -> memref<1x10240xf32, #tpu.memory_space<hbm>>
      %dma_start3A_16 = tpu.memref_squeeze %dma_start3A_15 : memref<1x10240xf32, #tpu.memory_space<hbm>> -> memref<10240xf32, #tpu.memory_space<hbm>>
      %dma_start3A_17 = tpu.memref_slice %dma_start3A_16[%mul3A_14] : memref<10240xf32, #tpu.memory_space<hbm>> -> memref<640xf32, #tpu.memory_space<hbm>>
      %dma_start3A_18 = tpu.memref_slice %arg6[%mul3A_12] : memref<10240xf32, #tpu.memory_space<vmem_shared>> -> memref<640xf32, #tpu.memory_space<vmem_shared>>
      tpu.enqueue_dma source(%dma_start3A_18 : memref<640xf32, #tpu.memory_space<vmem_shared>>) target(%dma_start3A_17 : memref<640xf32, #tpu.memory_space<hbm>>) target_semaphore(%run_scoped3A : memref<!tpu.dma_semaphore, #tpu.memory_space<semaphore_mem>>)
      %dma_wait3A = arith.constant 0 : i32
      %dma_wait3A_19 = tpu.memref_slice %arg5[%arg0, %dma_wait3A] : memref<2x10240xf32, #tpu.memory_space<hbm>> -> memref<1x10240xf32, #tpu.memory_space<hbm>>
      %dma_wait3A_20 = tpu.memref_squeeze %dma_wait3A_19 : memref<1x10240xf32, #tpu.memory_space<hbm>> -> memref<10240xf32, #tpu.memory_space<hbm>>
      %dma_wait3A_21 = tpu.memref_slice %dma_wait3A_20[%mul3A_14] : memref<10240xf32, #tpu.memory_space<hbm>> -> memref<640xf32, #tpu.memory_space<hbm>>
      %dma_wait3A_22 = tpu.memref_slice %arg6[%mul3A_12] : memref<10240xf32, #tpu.memory_space<vmem_shared>> -> memref<640xf32, #tpu.memory_space<vmem_shared>>
      tpu.wait_dma2 semaphore(%run_scoped3A : memref<!tpu.dma_semaphore, #tpu.memory_space<semaphore_mem>>) src(%dma_wait3A_22 : memref<640xf32, #tpu.memory_space<vmem_shared>>) dst(%dma_wait3A_21 : memref<640xf32, #tpu.memory_space<hbm>>)
      tpu.yield
    }) : () -> ()
    return
  }
}

#map = affine_map<(d0, d1) -> (0, 0, 0)>
#map1 = affine_map<(d0, d1) -> (0, 0)>
#map2 = affine_map<(d0, d1) -> (0)>
module attributes {stable_mosaic.version = 14 : i64} {
  func.func @_msg2_kernel(%arg0: i32, %arg1: i32, %arg2: memref<2x10240x32xf32, #tpu.memory_space<hbm>>, %arg3: memref<10240x32xf32, #tpu.memory_space<hbm>>, %arg4: memref<10240x32xf32, #tpu.memory_space<hbm>>, %arg5: memref<32xf32, #tpu.memory_space<hbm>>, %arg6: memref<32x80x128xi32, #tpu.memory_space<hbm>>, %arg7: memref<32x80x128xi32, #tpu.memory_space<hbm>>, %arg8: memref<10240x32xf32, #tpu.memory_space<hbm>>, %arg9: memref<2x10240x32xf32, #tpu.memory_space<hbm>>, %arg10: memref<10240x32xf32, #tpu.memory_space<hbm>>, %arg11: memref<10240x32xf32, #tpu.memory_space<vmem_shared>>, %arg12: memref<10240x32xf32, #tpu.memory_space<vmem_shared>>, %arg13: memref<160x32xf32, #tpu.memory_space<vmem>>, %arg14: memref<160x32xf32, #tpu.memory_space<vmem>>, %arg15: memref<160x32xf32, #tpu.memory_space<vmem>>, %arg16: memref<160x32xf32, #tpu.memory_space<vmem>>, %arg17: memref<160x32xf32, #tpu.memory_space<vmem>>, %arg18: memref<32xf32, #tpu.memory_space<vmem>>, %arg19: memref<80x128xi32, #tpu.memory_space<vmem>>, %arg20: memref<80x128xi32, #tpu.memory_space<vmem>>, %arg21: memref<8x128x32xf32, #tpu.memory_space<vmem>>, %arg22: memref<8x!tpu.dma_semaphore, #tpu.memory_space<semaphore_mem>>) attributes {dimension_semantics = [#tpu.dimension_semantics<core_parallel>, #tpu.dimension_semantics<subcore_parallel>], iteration_bounds = array<i64: 2, 16>, scalar_prefetch = 0 : i64, scratch_operands = 12 : i64, tpu.core_type = #tpu.core_type<sc_vector_subcore>, window_params = [{transform_indices = #map}, {transform_indices = #map1}, {transform_indices = #map1}, {transform_indices = #map2}, {transform_indices = #map}, {transform_indices = #map}, {transform_indices = #map1}, {transform_indices = #map}, {transform_indices = #map1}]} {
    %mul3A = arith.constant 16 : i32
    %mul3A_0 = arith.muli %arg0, %mul3A : i32
    %add3A = arith.addi %mul3A_0, %arg1 : i32
    %mul3A_1 = arith.constant 640 : i32
    %mul3A_2 = arith.muli %arg1, %mul3A_1 : i32
    %mul3A_3 = arith.constant 640 : i32
    %mul3A_4 = arith.muli %arg1, %mul3A_3 : i32
    "tpu.region"() ({
      %run_scoped3A = tpu.sem_alloc : memref<!tpu.dma_semaphore, #tpu.memory_space<semaphore_mem>>
      %dma_start3A_82 = arith.constant 0 : i32
      %dma_start3A_83 = tpu.memref_slice %arg12[%mul3A_4, %dma_start3A_82] : memref<10240x32xf32, #tpu.memory_space<vmem_shared>> -> memref<640x32xf32, #tpu.memory_space<vmem_shared>>
      %dma_start3A_84 = arith.constant 0 : i32
      %dma_start3A_85 = tpu.memref_slice %arg8[%mul3A_2, %dma_start3A_84] : memref<10240x32xf32, #tpu.memory_space<hbm>> -> memref<640x32xf32, #tpu.memory_space<hbm>>
      tpu.enqueue_dma source(%dma_start3A_85 : memref<640x32xf32, #tpu.memory_space<hbm>>) target(%dma_start3A_83 : memref<640x32xf32, #tpu.memory_space<vmem_shared>>) target_semaphore(%run_scoped3A : memref<!tpu.dma_semaphore, #tpu.memory_space<semaphore_mem>>)
      %dma_wait3A = arith.constant 0 : i32
      %dma_wait3A_86 = tpu.memref_slice %arg12[%mul3A_4, %dma_wait3A] : memref<10240x32xf32, #tpu.memory_space<vmem_shared>> -> memref<640x32xf32, #tpu.memory_space<vmem_shared>>
      %dma_wait3A_87 = arith.constant 0 : i32
      %dma_wait3A_88 = tpu.memref_slice %arg8[%mul3A_2, %dma_wait3A_87] : memref<10240x32xf32, #tpu.memory_space<hbm>> -> memref<640x32xf32, #tpu.memory_space<hbm>>
      tpu.wait_dma2 semaphore(%run_scoped3A : memref<!tpu.dma_semaphore, #tpu.memory_space<semaphore_mem>>) src(%dma_wait3A_88 : memref<640x32xf32, #tpu.memory_space<hbm>>) dst(%dma_wait3A_86 : memref<640x32xf32, #tpu.memory_space<vmem_shared>>)
      tpu.yield
    }) : () -> ()
    "tpu.region"() ({
      %run_scoped3A = tpu.sem_alloc : memref<!tpu.dma_semaphore, #tpu.memory_space<semaphore_mem>>
      %dma_start3A_82 = arith.constant 0 : i32
      %dma_start3A_83 = arith.constant 0 : i32
      %dma_start3A_84 = tpu.memref_slice %arg6[%add3A, %dma_start3A_82, %dma_start3A_83] : memref<32x80x128xi32, #tpu.memory_space<hbm>> -> memref<1x80x128xi32, #tpu.memory_space<hbm>>
      %dma_start3A_85 = tpu.memref_squeeze %dma_start3A_84 : memref<1x80x128xi32, #tpu.memory_space<hbm>> -> memref<80x128xi32, #tpu.memory_space<hbm>>
      %dma_start3A_86 = arith.constant 0 : i32
      %dma_start3A_87 = arith.constant 0 : i32
      %dma_start3A_88 = tpu.memref_slice %arg6[%add3A, %dma_start3A_86, %dma_start3A_87] : memref<32x80x128xi32, #tpu.memory_space<hbm>> -> memref<1x80x128xi32, #tpu.memory_space<hbm>>
      %dma_start3A_89 = tpu.memref_squeeze %dma_start3A_88 : memref<1x80x128xi32, #tpu.memory_space<hbm>> -> memref<80x128xi32, #tpu.memory_space<hbm>>
      tpu.enqueue_dma source(%dma_start3A_89 : memref<80x128xi32, #tpu.memory_space<hbm>>) target(%arg19 : memref<80x128xi32, #tpu.memory_space<vmem>>) target_semaphore(%run_scoped3A : memref<!tpu.dma_semaphore, #tpu.memory_space<semaphore_mem>>)
      %dma_wait3A = arith.constant 0 : i32
      %dma_wait3A_90 = arith.constant 0 : i32
      %dma_wait3A_91 = tpu.memref_slice %arg6[%add3A, %dma_wait3A, %dma_wait3A_90] : memref<32x80x128xi32, #tpu.memory_space<hbm>> -> memref<1x80x128xi32, #tpu.memory_space<hbm>>
      %dma_wait3A_92 = tpu.memref_squeeze %dma_wait3A_91 : memref<1x80x128xi32, #tpu.memory_space<hbm>> -> memref<80x128xi32, #tpu.memory_space<hbm>>
      %dma_wait3A_93 = arith.constant 0 : i32
      %dma_wait3A_94 = arith.constant 0 : i32
      %dma_wait3A_95 = tpu.memref_slice %arg6[%add3A, %dma_wait3A_93, %dma_wait3A_94] : memref<32x80x128xi32, #tpu.memory_space<hbm>> -> memref<1x80x128xi32, #tpu.memory_space<hbm>>
      %dma_wait3A_96 = tpu.memref_squeeze %dma_wait3A_95 : memref<1x80x128xi32, #tpu.memory_space<hbm>> -> memref<80x128xi32, #tpu.memory_space<hbm>>
      tpu.wait_dma2 semaphore(%run_scoped3A : memref<!tpu.dma_semaphore, #tpu.memory_space<semaphore_mem>>) src(%dma_wait3A_96 : memref<80x128xi32, #tpu.memory_space<hbm>>) dst(%arg19 : memref<80x128xi32, #tpu.memory_space<vmem>>)
      tpu.yield
    }) : () -> ()
    "tpu.region"() ({
      %run_scoped3A = tpu.sem_alloc : memref<!tpu.dma_semaphore, #tpu.memory_space<semaphore_mem>>
      %dma_start3A_82 = arith.constant 0 : i32
      %dma_start3A_83 = arith.constant 0 : i32
      %dma_start3A_84 = tpu.memref_slice %arg7[%add3A, %dma_start3A_82, %dma_start3A_83] : memref<32x80x128xi32, #tpu.memory_space<hbm>> -> memref<1x80x128xi32, #tpu.memory_space<hbm>>
      %dma_start3A_85 = tpu.memref_squeeze %dma_start3A_84 : memref<1x80x128xi32, #tpu.memory_space<hbm>> -> memref<80x128xi32, #tpu.memory_space<hbm>>
      %dma_start3A_86 = arith.constant 0 : i32
      %dma_start3A_87 = arith.constant 0 : i32
      %dma_start3A_88 = tpu.memref_slice %arg7[%add3A, %dma_start3A_86, %dma_start3A_87] : memref<32x80x128xi32, #tpu.memory_space<hbm>> -> memref<1x80x128xi32, #tpu.memory_space<hbm>>
      %dma_start3A_89 = tpu.memref_squeeze %dma_start3A_88 : memref<1x80x128xi32, #tpu.memory_space<hbm>> -> memref<80x128xi32, #tpu.memory_space<hbm>>
      tpu.enqueue_dma source(%dma_start3A_89 : memref<80x128xi32, #tpu.memory_space<hbm>>) target(%arg20 : memref<80x128xi32, #tpu.memory_space<vmem>>) target_semaphore(%run_scoped3A : memref<!tpu.dma_semaphore, #tpu.memory_space<semaphore_mem>>)
      %dma_wait3A = arith.constant 0 : i32
      %dma_wait3A_90 = arith.constant 0 : i32
      %dma_wait3A_91 = tpu.memref_slice %arg7[%add3A, %dma_wait3A, %dma_wait3A_90] : memref<32x80x128xi32, #tpu.memory_space<hbm>> -> memref<1x80x128xi32, #tpu.memory_space<hbm>>
      %dma_wait3A_92 = tpu.memref_squeeze %dma_wait3A_91 : memref<1x80x128xi32, #tpu.memory_space<hbm>> -> memref<80x128xi32, #tpu.memory_space<hbm>>
      %dma_wait3A_93 = arith.constant 0 : i32
      %dma_wait3A_94 = arith.constant 0 : i32
      %dma_wait3A_95 = tpu.memref_slice %arg7[%add3A, %dma_wait3A_93, %dma_wait3A_94] : memref<32x80x128xi32, #tpu.memory_space<hbm>> -> memref<1x80x128xi32, #tpu.memory_space<hbm>>
      %dma_wait3A_96 = tpu.memref_squeeze %dma_wait3A_95 : memref<1x80x128xi32, #tpu.memory_space<hbm>> -> memref<80x128xi32, #tpu.memory_space<hbm>>
      tpu.wait_dma2 semaphore(%run_scoped3A : memref<!tpu.dma_semaphore, #tpu.memory_space<semaphore_mem>>) src(%dma_wait3A_96 : memref<80x128xi32, #tpu.memory_space<hbm>>) dst(%arg20 : memref<80x128xi32, #tpu.memory_space<vmem>>)
      tpu.yield
    }) : () -> ()
    "tpu.region"() ({
      %run_scoped3A = tpu.sem_alloc : memref<!tpu.dma_semaphore, #tpu.memory_space<semaphore_mem>>
      tpu.enqueue_dma source(%arg5 : memref<32xf32, #tpu.memory_space<hbm>>) target(%arg18 : memref<32xf32, #tpu.memory_space<vmem>>) target_semaphore(%run_scoped3A : memref<!tpu.dma_semaphore, #tpu.memory_space<semaphore_mem>>)
      tpu.wait_dma2 semaphore(%run_scoped3A : memref<!tpu.dma_semaphore, #tpu.memory_space<semaphore_mem>>) src(%arg5 : memref<32xf32, #tpu.memory_space<hbm>>) dst(%arg18 : memref<32xf32, #tpu.memory_space<vmem>>)
      tpu.yield
    }) : () -> ()
    %scan3A = arith.constant 0 : i32
    %scan3A_5 = arith.constant 0 : i32
    %scan3A_6 = arith.constant 4 : i32
    %scan3A_7 = arith.addi %scan3A_5, %scan3A_6 : i32
    %scan3A_8 = arith.constant 1 : i32
    scf.for %scan3A_82 = %scan3A_5 to %scan3A_7 step %scan3A_8  : i32 {
      %mul3A_83 = arith.constant 640 : i32
      %mul3A_84 = arith.muli %arg1, %mul3A_83 : i32
      %mul3A_85 = arith.constant 160 : i32
      %mul3A_86 = arith.muli %scan3A_82, %mul3A_85 : i32
      %add3A_87 = arith.addi %mul3A_84, %mul3A_86 : i32
      %run_scoped3A = arith.constant 0 : i32
      "tpu.region"() ({
        %run_scoped3A_95 = tpu.sem_alloc : memref<!tpu.dma_semaphore, #tpu.memory_space<semaphore_mem>>
        %dma_start3A_96 = arith.constant 0 : i32
        %dma_start3A_97 = arith.constant 0 : i32
        %dma_start3A_98 = tpu.memref_slice %arg2[%run_scoped3A, %dma_start3A_96, %dma_start3A_97] : memref<2x10240x32xf32, #tpu.memory_space<hbm>> -> memref<1x10240x32xf32, #tpu.memory_space<hbm>>
        %dma_start3A_99 = tpu.memref_squeeze %dma_start3A_98 : memref<1x10240x32xf32, #tpu.memory_space<hbm>> -> memref<10240x32xf32, #tpu.memory_space<hbm>>
        %dma_start3A_100 = arith.constant 0 : i32
        %dma_start3A_101 = tpu.memref_slice %dma_start3A_99[%add3A_87, %dma_start3A_100] : memref<10240x32xf32, #tpu.memory_space<hbm>> -> memref<160x32xf32, #tpu.memory_space<hbm>>
        %dma_start3A_102 = arith.constant 0 : i32
        %dma_start3A_103 = arith.constant 0 : i32
        %dma_start3A_104 = tpu.memref_slice %arg2[%run_scoped3A, %dma_start3A_102, %dma_start3A_103] : memref<2x10240x32xf32, #tpu.memory_space<hbm>> -> memref<1x10240x32xf32, #tpu.memory_space<hbm>>
        %dma_start3A_105 = tpu.memref_squeeze %dma_start3A_104 : memref<1x10240x32xf32, #tpu.memory_space<hbm>> -> memref<10240x32xf32, #tpu.memory_space<hbm>>
        %dma_start3A_106 = arith.constant 0 : i32
        %dma_start3A_107 = tpu.memref_slice %dma_start3A_105[%add3A_87, %dma_start3A_106] : memref<10240x32xf32, #tpu.memory_space<hbm>> -> memref<160x32xf32, #tpu.memory_space<hbm>>
        tpu.enqueue_dma source(%dma_start3A_107 : memref<160x32xf32, #tpu.memory_space<hbm>>) target(%arg13 : memref<160x32xf32, #tpu.memory_space<vmem>>) target_semaphore(%run_scoped3A_95 : memref<!tpu.dma_semaphore, #tpu.memory_space<semaphore_mem>>)
        %dma_wait3A = arith.constant 0 : i32
        %dma_wait3A_108 = arith.constant 0 : i32
        %dma_wait3A_109 = tpu.memref_slice %arg2[%run_scoped3A, %dma_wait3A, %dma_wait3A_108] : memref<2x10240x32xf32, #tpu.memory_space<hbm>> -> memref<1x10240x32xf32, #tpu.memory_space<hbm>>
        %dma_wait3A_110 = tpu.memref_squeeze %dma_wait3A_109 : memref<1x10240x32xf32, #tpu.memory_space<hbm>> -> memref<10240x32xf32, #tpu.memory_space<hbm>>
        %dma_wait3A_111 = arith.constant 0 : i32
        %dma_wait3A_112 = tpu.memref_slice %dma_wait3A_110[%add3A_87, %dma_wait3A_111] : memref<10240x32xf32, #tpu.memory_space<hbm>> -> memref<160x32xf32, #tpu.memory_space<hbm>>
        %dma_wait3A_113 = arith.constant 0 : i32
        %dma_wait3A_114 = arith.constant 0 : i32
        %dma_wait3A_115 = tpu.memref_slice %arg2[%run_scoped3A, %dma_wait3A_113, %dma_wait3A_114] : memref<2x10240x32xf32, #tpu.memory_space<hbm>> -> memref<1x10240x32xf32, #tpu.memory_space<hbm>>
        %dma_wait3A_116 = tpu.memref_squeeze %dma_wait3A_115 : memref<1x10240x32xf32, #tpu.memory_space<hbm>> -> memref<10240x32xf32, #tpu.memory_space<hbm>>
        %dma_wait3A_117 = arith.constant 0 : i32
        %dma_wait3A_118 = tpu.memref_slice %dma_wait3A_116[%add3A_87, %dma_wait3A_117] : memref<10240x32xf32, #tpu.memory_space<hbm>> -> memref<160x32xf32, #tpu.memory_space<hbm>>
        tpu.wait_dma2 semaphore(%run_scoped3A_95 : memref<!tpu.dma_semaphore, #tpu.memory_space<semaphore_mem>>) src(%dma_wait3A_118 : memref<160x32xf32, #tpu.memory_space<hbm>>) dst(%arg13 : memref<160x32xf32, #tpu.memory_space<vmem>>)
        tpu.yield
      }) : () -> ()
      %run_scoped3A_88 = arith.constant 1 : i32
      "tpu.region"() ({
        %run_scoped3A_95 = tpu.sem_alloc : memref<!tpu.dma_semaphore, #tpu.memory_space<semaphore_mem>>
        %dma_start3A_96 = arith.constant 0 : i32
        %dma_start3A_97 = arith.constant 0 : i32
        %dma_start3A_98 = tpu.memref_slice %arg2[%run_scoped3A_88, %dma_start3A_96, %dma_start3A_97] : memref<2x10240x32xf32, #tpu.memory_space<hbm>> -> memref<1x10240x32xf32, #tpu.memory_space<hbm>>
        %dma_start3A_99 = tpu.memref_squeeze %dma_start3A_98 : memref<1x10240x32xf32, #tpu.memory_space<hbm>> -> memref<10240x32xf32, #tpu.memory_space<hbm>>
        %dma_start3A_100 = arith.constant 0 : i32
        %dma_start3A_101 = tpu.memref_slice %dma_start3A_99[%add3A_87, %dma_start3A_100] : memref<10240x32xf32, #tpu.memory_space<hbm>> -> memref<160x32xf32, #tpu.memory_space<hbm>>
        %dma_start3A_102 = arith.constant 0 : i32
        %dma_start3A_103 = arith.constant 0 : i32
        %dma_start3A_104 = tpu.memref_slice %arg2[%run_scoped3A_88, %dma_start3A_102, %dma_start3A_103] : memref<2x10240x32xf32, #tpu.memory_space<hbm>> -> memref<1x10240x32xf32, #tpu.memory_space<hbm>>
        %dma_start3A_105 = tpu.memref_squeeze %dma_start3A_104 : memref<1x10240x32xf32, #tpu.memory_space<hbm>> -> memref<10240x32xf32, #tpu.memory_space<hbm>>
        %dma_start3A_106 = arith.constant 0 : i32
        %dma_start3A_107 = tpu.memref_slice %dma_start3A_105[%add3A_87, %dma_start3A_106] : memref<10240x32xf32, #tpu.memory_space<hbm>> -> memref<160x32xf32, #tpu.memory_space<hbm>>
        tpu.enqueue_dma source(%dma_start3A_107 : memref<160x32xf32, #tpu.memory_space<hbm>>) target(%arg14 : memref<160x32xf32, #tpu.memory_space<vmem>>) target_semaphore(%run_scoped3A_95 : memref<!tpu.dma_semaphore, #tpu.memory_space<semaphore_mem>>)
        %dma_wait3A = arith.constant 0 : i32
        %dma_wait3A_108 = arith.constant 0 : i32
        %dma_wait3A_109 = tpu.memref_slice %arg2[%run_scoped3A_88, %dma_wait3A, %dma_wait3A_108] : memref<2x10240x32xf32, #tpu.memory_space<hbm>> -> memref<1x10240x32xf32, #tpu.memory_space<hbm>>
        %dma_wait3A_110 = tpu.memref_squeeze %dma_wait3A_109 : memref<1x10240x32xf32, #tpu.memory_space<hbm>> -> memref<10240x32xf32, #tpu.memory_space<hbm>>
        %dma_wait3A_111 = arith.constant 0 : i32
        %dma_wait3A_112 = tpu.memref_slice %dma_wait3A_110[%add3A_87, %dma_wait3A_111] : memref<10240x32xf32, #tpu.memory_space<hbm>> -> memref<160x32xf32, #tpu.memory_space<hbm>>
        %dma_wait3A_113 = arith.constant 0 : i32
        %dma_wait3A_114 = arith.constant 0 : i32
        %dma_wait3A_115 = tpu.memref_slice %arg2[%run_scoped3A_88, %dma_wait3A_113, %dma_wait3A_114] : memref<2x10240x32xf32, #tpu.memory_space<hbm>> -> memref<1x10240x32xf32, #tpu.memory_space<hbm>>
        %dma_wait3A_116 = tpu.memref_squeeze %dma_wait3A_115 : memref<1x10240x32xf32, #tpu.memory_space<hbm>> -> memref<10240x32xf32, #tpu.memory_space<hbm>>
        %dma_wait3A_117 = arith.constant 0 : i32
        %dma_wait3A_118 = tpu.memref_slice %dma_wait3A_116[%add3A_87, %dma_wait3A_117] : memref<10240x32xf32, #tpu.memory_space<hbm>> -> memref<160x32xf32, #tpu.memory_space<hbm>>
        tpu.wait_dma2 semaphore(%run_scoped3A_95 : memref<!tpu.dma_semaphore, #tpu.memory_space<semaphore_mem>>) src(%dma_wait3A_118 : memref<160x32xf32, #tpu.memory_space<hbm>>) dst(%arg14 : memref<160x32xf32, #tpu.memory_space<vmem>>)
        tpu.yield
      }) : () -> ()
      "tpu.region"() ({
        %run_scoped3A_95 = tpu.sem_alloc : memref<!tpu.dma_semaphore, #tpu.memory_space<semaphore_mem>>
        %dma_start3A_96 = arith.constant 0 : i32
        %dma_start3A_97 = tpu.memref_slice %arg3[%add3A_87, %dma_start3A_96] : memref<10240x32xf32, #tpu.memory_space<hbm>> -> memref<160x32xf32, #tpu.memory_space<hbm>>
        %dma_start3A_98 = arith.constant 0 : i32
        %dma_start3A_99 = tpu.memref_slice %arg3[%add3A_87, %dma_start3A_98] : memref<10240x32xf32, #tpu.memory_space<hbm>> -> memref<160x32xf32, #tpu.memory_space<hbm>>
        tpu.enqueue_dma source(%dma_start3A_99 : memref<160x32xf32, #tpu.memory_space<hbm>>) target(%arg15 : memref<160x32xf32, #tpu.memory_space<vmem>>) target_semaphore(%run_scoped3A_95 : memref<!tpu.dma_semaphore, #tpu.memory_space<semaphore_mem>>)
        %dma_wait3A = arith.constant 0 : i32
        %dma_wait3A_100 = tpu.memref_slice %arg3[%add3A_87, %dma_wait3A] : memref<10240x32xf32, #tpu.memory_space<hbm>> -> memref<160x32xf32, #tpu.memory_space<hbm>>
        %dma_wait3A_101 = arith.constant 0 : i32
        %dma_wait3A_102 = tpu.memref_slice %arg3[%add3A_87, %dma_wait3A_101] : memref<10240x32xf32, #tpu.memory_space<hbm>> -> memref<160x32xf32, #tpu.memory_space<hbm>>
        tpu.wait_dma2 semaphore(%run_scoped3A_95 : memref<!tpu.dma_semaphore, #tpu.memory_space<semaphore_mem>>) src(%dma_wait3A_102 : memref<160x32xf32, #tpu.memory_space<hbm>>) dst(%arg15 : memref<160x32xf32, #tpu.memory_space<vmem>>)
        tpu.yield
      }) : () -> ()
      "tpu.region"() ({
        %run_scoped3A_95 = tpu.sem_alloc : memref<!tpu.dma_semaphore, #tpu.memory_space<semaphore_mem>>
        %dma_start3A_96 = arith.constant 0 : i32
        %dma_start3A_97 = tpu.memref_slice %arg4[%add3A_87, %dma_start3A_96] : memref<10240x32xf32, #tpu.memory_space<hbm>> -> memref<160x32xf32, #tpu.memory_space<hbm>>
        %dma_start3A_98 = arith.constant 0 : i32
        %dma_start3A_99 = tpu.memref_slice %arg4[%add3A_87, %dma_start3A_98] : memref<10240x32xf32, #tpu.memory_space<hbm>> -> memref<160x32xf32, #tpu.memory_space<hbm>>
        tpu.enqueue_dma source(%dma_start3A_99 : memref<160x32xf32, #tpu.memory_space<hbm>>) target(%arg16 : memref<160x32xf32, #tpu.memory_space<vmem>>) target_semaphore(%run_scoped3A_95 : memref<!tpu.dma_semaphore, #tpu.memory_space<semaphore_mem>>)
        %dma_wait3A = arith.constant 0 : i32
        %dma_wait3A_100 = tpu.memref_slice %arg4[%add3A_87, %dma_wait3A] : memref<10240x32xf32, #tpu.memory_space<hbm>> -> memref<160x32xf32, #tpu.memory_space<hbm>>
        %dma_wait3A_101 = arith.constant 0 : i32
        %dma_wait3A_102 = tpu.memref_slice %arg4[%add3A_87, %dma_wait3A_101] : memref<10240x32xf32, #tpu.memory_space<hbm>> -> memref<160x32xf32, #tpu.memory_space<hbm>>
        tpu.wait_dma2 semaphore(%run_scoped3A_95 : memref<!tpu.dma_semaphore, #tpu.memory_space<semaphore_mem>>) src(%dma_wait3A_102 : memref<160x32xf32, #tpu.memory_space<hbm>>) dst(%arg16 : memref<160x32xf32, #tpu.memory_space<vmem>>)
        tpu.yield
      }) : () -> ()
      %scan3A_89 = arith.constant 0 : i32
      %scan3A_90 = arith.constant 0 : i32
      %scan3A_91 = arith.constant 160 : i32
      %scan3A_92 = arith.addi %scan3A_90, %scan3A_91 : i32
      %scan3A_93 = arith.constant 1 : i32
      scf.for %scan3A_95 = %scan3A_90 to %scan3A_92 step %scan3A_93  : i32 {
        %get3A = arith.index_cast %scan3A_95 : i32 to index
        %get3A_96 = arith.constant 0 : index
        %get3A_97 = tpu.vector_load %arg16[%get3A, %get3A_96] {strides = array<i32>} : memref<160x32xf32, #tpu.memory_space<vmem>>, vector<1x16xf32>,
        %get3A_98 = vector.shape_cast %get3A_97 : vector<1x16xf32> to vector<16xf32>
        %get3A_99 = arith.index_cast %scan3A_95 : i32 to index
        %get3A_100 = arith.constant 0 : index
        %get3A_101 = tpu.vector_load %arg13[%get3A_99, %get3A_100] {strides = array<i32>} : memref<160x32xf32, #tpu.memory_space<vmem>>, vector<1x16xf32>,
        %get3A_102 = vector.shape_cast %get3A_101 : vector<1x16xf32> to vector<16xf32>
        %get3A_103 = arith.index_cast %scan3A_95 : i32 to index
        %get3A_104 = arith.constant 0 : index
        %get3A_105 = tpu.vector_load %arg14[%get3A_103, %get3A_104] {strides = array<i32>} : memref<160x32xf32, #tpu.memory_space<vmem>>, vector<1x16xf32>,
        %get3A_106 = vector.shape_cast %get3A_105 : vector<1x16xf32> to vector<16xf32>
        %add3A_107 = arith.addf %get3A_102, %get3A_106 : vector<16xf32>
        %get3A_108 = arith.index_cast %scan3A_95 : i32 to index
        %get3A_109 = arith.constant 0 : index
        %get3A_110 = tpu.vector_load %arg15[%get3A_108, %get3A_109] {strides = array<i32>} : memref<160x32xf32, #tpu.memory_space<vmem>>, vector<1x16xf32>,
        %get3A_111 = vector.shape_cast %get3A_110 : vector<1x16xf32> to vector<16xf32>
        %add3A_112 = arith.addf %add3A_107, %get3A_111 : vector<16xf32>
        %mul3A_113 = arith.mulf %add3A_112, %get3A_98 : vector<16xf32>
        %get3A_114 = arith.constant 0 : index
        %get3A_115 = tpu.vector_load %arg18[%get3A_114] {strides = array<i32>} : memref<32xf32, #tpu.memory_space<vmem>>, vector<16xf32>,
        %get3A_116 = vector.shape_cast %get3A_115 : vector<16xf32> to vector<16xf32>
        %add3A_117 = arith.addf %mul3A_113, %get3A_116 : vector<16xf32>
        %max3A = arith.constant 0.000000e+00 : f32
        %max3A_118 = vector.broadcast %max3A : f32 to vector<16xf32>
        %max3A_119 = arith.maximumf %add3A_117, %max3A_118 : vector<16xf32>
        %mul3A_120 = arith.mulf %max3A_119, %get3A_98 : vector<16xf32>
        %swap3A = arith.index_cast %scan3A_95 : i32 to index
        %swap3A_121 = arith.constant 0 : index
        %swap3A_122 = tpu.vector_load %arg17[%swap3A, %swap3A_121] {strides = array<i32>} : memref<160x32xf32, #tpu.memory_space<vmem>>, vector<1x16xf32>,
        %swap3A_123 = vector.shape_cast %swap3A_122 : vector<1x16xf32> to vector<16xf32>
        %swap3A_124 = vector.shape_cast %mul3A_120 : vector<16xf32> to vector<1x16xf32>
        tpu.vector_store %arg17[%swap3A, %swap3A_121], %swap3A_124 {strides = array<i32>} : memref<160x32xf32, #tpu.memory_space<vmem>>, vector<1x16xf32>,
        %get3A_125 = arith.index_cast %scan3A_95 : i32 to index
        %get3A_126 = arith.constant 16 : index
        %get3A_127 = tpu.vector_load %arg16[%get3A_125, %get3A_126] {strides = array<i32>} : memref<160x32xf32, #tpu.memory_space<vmem>>, vector<1x16xf32>,
        %get3A_128 = vector.shape_cast %get3A_127 : vector<1x16xf32> to vector<16xf32>
        %get3A_129 = arith.index_cast %scan3A_95 : i32 to index
        %get3A_130 = arith.constant 16 : index
        %get3A_131 = tpu.vector_load %arg13[%get3A_129, %get3A_130] {strides = array<i32>} : memref<160x32xf32, #tpu.memory_space<vmem>>, vector<1x16xf32>,
        %get3A_132 = vector.shape_cast %get3A_131 : vector<1x16xf32> to vector<16xf32>
        %get3A_133 = arith.index_cast %scan3A_95 : i32 to index
        %get3A_134 = arith.constant 16 : index
        %get3A_135 = tpu.vector_load %arg14[%get3A_133, %get3A_134] {strides = array<i32>} : memref<160x32xf32, #tpu.memory_space<vmem>>, vector<1x16xf32>,
        %get3A_136 = vector.shape_cast %get3A_135 : vector<1x16xf32> to vector<16xf32>
        %add3A_137 = arith.addf %get3A_132, %get3A_136 : vector<16xf32>
        %get3A_138 = arith.index_cast %scan3A_95 : i32 to index
        %get3A_139 = arith.constant 16 : index
        %get3A_140 = tpu.vector_load %arg15[%get3A_138, %get3A_139] {strides = array<i32>} : memref<160x32xf32, #tpu.memory_space<vmem>>, vector<1x16xf32>,
        %get3A_141 = vector.shape_cast %get3A_140 : vector<1x16xf32> to vector<16xf32>
        %add3A_142 = arith.addf %add3A_137, %get3A_141 : vector<16xf32>
        %mul3A_143 = arith.mulf %add3A_142, %get3A_128 : vector<16xf32>
        %get3A_144 = arith.constant 16 : index
        %get3A_145 = tpu.vector_load %arg18[%get3A_144] {strides = array<i32>} : memref<32xf32, #tpu.memory_space<vmem>>, vector<16xf32>,
        %get3A_146 = vector.shape_cast %get3A_145 : vector<16xf32> to vector<16xf32>
        %add3A_147 = arith.addf %mul3A_143, %get3A_146 : vector<16xf32>
        %max3A_148 = arith.constant 0.000000e+00 : f32
        %max3A_149 = vector.broadcast %max3A_148 : f32 to vector<16xf32>
        %max3A_150 = arith.maximumf %add3A_147, %max3A_149 : vector<16xf32>
        %mul3A_151 = arith.mulf %max3A_150, %get3A_128 : vector<16xf32>
        %swap3A_152 = arith.index_cast %scan3A_95 : i32 to index
        %swap3A_153 = arith.constant 16 : index
        %swap3A_154 = tpu.vector_load %arg17[%swap3A_152, %swap3A_153] {strides = array<i32>} : memref<160x32xf32, #tpu.memory_space<vmem>>, vector<1x16xf32>,
        %swap3A_155 = vector.shape_cast %swap3A_154 : vector<1x16xf32> to vector<16xf32>
        %swap3A_156 = vector.shape_cast %mul3A_151 : vector<16xf32> to vector<1x16xf32>
        tpu.vector_store %arg17[%swap3A_152, %swap3A_153], %swap3A_156 {strides = array<i32>} : memref<160x32xf32, #tpu.memory_space<vmem>>, vector<1x16xf32>,
      }
      %scan3A_94 = arith.constant 160 : i32
      "tpu.region"() ({
        %run_scoped3A_95 = tpu.sem_alloc : memref<!tpu.dma_semaphore, #tpu.memory_space<semaphore_mem>>
        %dma_start3A_96 = arith.constant 0 : i32
        %dma_start3A_97 = tpu.memref_slice %arg11[%add3A_87, %dma_start3A_96] : memref<10240x32xf32, #tpu.memory_space<vmem_shared>> -> memref<160x32xf32, #tpu.memory_space<vmem_shared>>
        %dma_start3A_98 = arith.constant 0 : i32
        %dma_start3A_99 = tpu.memref_slice %arg11[%add3A_87, %dma_start3A_98] : memref<10240x32xf32, #tpu.memory_space<vmem_shared>> -> memref<160x32xf32, #tpu.memory_space<vmem_shared>>
        tpu.enqueue_dma source(%arg17 : memref<160x32xf32, #tpu.memory_space<vmem>>) target(%dma_start3A_99 : memref<160x32xf32, #tpu.memory_space<vmem_shared>>) target_semaphore(%run_scoped3A_95 : memref<!tpu.dma_semaphore, #tpu.memory_space<semaphore_mem>>)
        %dma_wait3A = arith.constant 0 : i32
        %dma_wait3A_100 = tpu.memref_slice %arg11[%add3A_87, %dma_wait3A] : memref<10240x32xf32, #tpu.memory_space<vmem_shared>> -> memref<160x32xf32, #tpu.memory_space<vmem_shared>>
        %dma_wait3A_101 = arith.constant 0 : i32
        %dma_wait3A_102 = tpu.memref_slice %arg11[%add3A_87, %dma_wait3A_101] : memref<10240x32xf32, #tpu.memory_space<vmem_shared>> -> memref<160x32xf32, #tpu.memory_space<vmem_shared>>
        tpu.wait_dma2 semaphore(%run_scoped3A_95 : memref<!tpu.dma_semaphore, #tpu.memory_space<semaphore_mem>>) src(%arg17 : memref<160x32xf32, #tpu.memory_space<vmem>>) dst(%dma_wait3A_102 : memref<160x32xf32, #tpu.memory_space<vmem_shared>>)
        tpu.yield
      }) : () -> ()
    }
    %scan3A_9 = arith.constant 4 : i32
    %barrier3A = arith.constant 0 : index
    tpu.barrier barrier_id(%barrier3A)
    %dma_start3A = arith.constant 0 : i32
    %dma_start3A_10 = arith.constant 0 : i32
    %dma_start3A_11 = arith.constant 0 : i32
    %dma_start3A_12 = arith.constant 0 : i32
    %dma_start3A_13 = arith.constant 0 : i32
    %dma_start3A_14 = tpu.memref_slice %arg21[%dma_start3A_10, %dma_start3A_12, %dma_start3A_13] : memref<8x128x32xf32, #tpu.memory_space<vmem>> -> memref<1x128x32xf32, #tpu.memory_space<vmem>>
    %dma_start3A_15 = tpu.memref_squeeze %dma_start3A_14 : memref<1x128x32xf32, #tpu.memory_space<vmem>> -> memref<128x32xf32, #tpu.memory_space<vmem>>
    %dma_start3A_16 = arith.constant 0 : i32
    %dma_start3A_17 = tpu.memref_slice %arg19[%dma_start3A, %dma_start3A_16] : memref<80x128xi32, #tpu.memory_space<vmem>> -> memref<1x128xi32, #tpu.memory_space<vmem>>
    %dma_start3A_18 = tpu.memref_squeeze %dma_start3A_17 : memref<1x128xi32, #tpu.memory_space<vmem>> -> memref<128xi32, #tpu.memory_space<vmem>>
    %dma_start3A_19 = arith.constant 0 : i32
    %dma_start3A_20 = arith.constant 0 : i32
    %dma_start3A_21 = tpu.memref_slice %arg11[%dma_start3A_19, %dma_start3A_20] : memref<10240x32xf32, #tpu.memory_space<vmem_shared>> -> memref<10240x32xf32, #tpu.memory_space<vmem_shared>>
    %dma_start3A_22 = tpu.memref_slice %arg22[%dma_start3A_11] : memref<8x!tpu.dma_semaphore, #tpu.memory_space<semaphore_mem>> -> memref<1x!tpu.dma_semaphore, #tpu.memory_space<semaphore_mem>>
    %dma_start3A_23 = tpu.memref_squeeze %dma_start3A_22 : memref<1x!tpu.dma_semaphore, #tpu.memory_space<semaphore_mem>> -> memref<!tpu.dma_semaphore, #tpu.memory_space<semaphore_mem>>
    tpu.enqueue_indirect_dma source(%dma_start3A_21 : memref<10240x32xf32, #tpu.memory_space<vmem_shared>>) target(%dma_start3A_15 : memref<128x32xf32, #tpu.memory_space<vmem>>) offsets(%dma_start3A_18 : memref<128xi32, #tpu.memory_space<vmem>>) semaphore(%dma_start3A_23 : memref<!tpu.dma_semaphore, #tpu.memory_space<semaphore_mem>>)
    %dma_start3A_24 = arith.constant 1 : i32
    %dma_start3A_25 = arith.constant 1 : i32
    %dma_start3A_26 = arith.constant 1 : i32
    %dma_start3A_27 = arith.constant 0 : i32
    %dma_start3A_28 = arith.constant 0 : i32
    %dma_start3A_29 = tpu.memref_slice %arg21[%dma_start3A_25, %dma_start3A_27, %dma_start3A_28] : memref<8x128x32xf32, #tpu.memory_space<vmem>> -> memref<1x128x32xf32, #tpu.memory_space<vmem>>
    %dma_start3A_30 = tpu.memref_squeeze %dma_start3A_29 : memref<1x128x32xf32, #tpu.memory_space<vmem>> -> memref<128x32xf32, #tpu.memory_space<vmem>>
    %dma_start3A_31 = arith.constant 0 : i32
    %dma_start3A_32 = tpu.memref_slice %arg19[%dma_start3A_24, %dma_start3A_31] : memref<80x128xi32, #tpu.memory_space<vmem>> -> memref<1x128xi32, #tpu.memory_space<vmem>>
    %dma_start3A_33 = tpu.memref_squeeze %dma_start3A_32 : memref<1x128xi32, #tpu.memory_space<vmem>> -> memref<128xi32, #tpu.memory_space<vmem>>
    %dma_start3A_34 = arith.constant 0 : i32
    %dma_start3A_35 = arith.constant 0 : i32
    %dma_start3A_36 = tpu.memref_slice %arg11[%dma_start3A_34, %dma_start3A_35] : memref<10240x32xf32, #tpu.memory_space<vmem_shared>> -> memref<10240x32xf32, #tpu.memory_space<vmem_shared>>
    %dma_start3A_37 = tpu.memref_slice %arg22[%dma_start3A_26] : memref<8x!tpu.dma_semaphore, #tpu.memory_space<semaphore_mem>> -> memref<1x!tpu.dma_semaphore, #tpu.memory_space<semaphore_mem>>
    %dma_start3A_38 = tpu.memref_squeeze %dma_start3A_37 : memref<1x!tpu.dma_semaphore, #tpu.memory_space<semaphore_mem>> -> memref<!tpu.dma_semaphore, #tpu.memory_space<semaphore_mem>>
    tpu.enqueue_indirect_dma source(%dma_start3A_36 : memref<10240x32xf32, #tpu.memory_space<vmem_shared>>) target(%dma_start3A_30 : memref<128x32xf32, #tpu.memory_space<vmem>>) offsets(%dma_start3A_33 : memref<128xi32, #tpu.memory_space<vmem>>) semaphore(%dma_start3A_38 : memref<!tpu.dma_semaphore, #tpu.memory_space<semaphore_mem>>)
    %dma_start3A_39 = arith.constant 2 : i32
    %dma_start3A_40 = arith.constant 2 : i32
    %dma_start3A_41 = arith.constant 2 : i32
    %dma_start3A_42 = arith.constant 0 : i32
    %dma_start3A_43 = arith.constant 0 : i32
    %dma_start3A_44 = tpu.memref_slice %arg21[%dma_start3A_40, %dma_start3A_42, %dma_start3A_43] : memref<8x128x32xf32, #tpu.memory_space<vmem>> -> memref<1x128x32xf32, #tpu.memory_space<vmem>>
    %dma_start3A_45 = tpu.memref_squeeze %dma_start3A_44 : memref<1x128x32xf32, #tpu.memory_space<vmem>> -> memref<128x32xf32, #tpu.memory_space<vmem>>
    %dma_start3A_46 = arith.constant 0 : i32
    %dma_start3A_47 = tpu.memref_slice %arg19[%dma_start3A_39, %dma_start3A_46] : memref<80x128xi32, #tpu.memory_space<vmem>> -> memref<1x128xi32, #tpu.memory_space<vmem>>
    %dma_start3A_48 = tpu.memref_squeeze %dma_start3A_47 : memref<1x128xi32, #tpu.memory_space<vmem>> -> memref<128xi32, #tpu.memory_space<vmem>>
    %dma_start3A_49 = arith.constant 0 : i32
    %dma_start3A_50 = arith.constant 0 : i32
    %dma_start3A_51 = tpu.memref_slice %arg11[%dma_start3A_49, %dma_start3A_50] : memref<10240x32xf32, #tpu.memory_space<vmem_shared>> -> memref<10240x32xf32, #tpu.memory_space<vmem_shared>>
    %dma_start3A_52 = tpu.memref_slice %arg22[%dma_start3A_41] : memref<8x!tpu.dma_semaphore, #tpu.memory_space<semaphore_mem>> -> memref<1x!tpu.dma_semaphore, #tpu.memory_space<semaphore_mem>>
    %dma_start3A_53 = tpu.memref_squeeze %dma_start3A_52 : memref<1x!tpu.dma_semaphore, #tpu.memory_space<semaphore_mem>> -> memref<!tpu.dma_semaphore, #tpu.memory_space<semaphore_mem>>
    tpu.enqueue_indirect_dma source(%dma_start3A_51 : memref<10240x32xf32, #tpu.memory_space<vmem_shared>>) target(%dma_start3A_45 : memref<128x32xf32, #tpu.memory_space<vmem>>) offsets(%dma_start3A_48 : memref<128xi32, #tpu.memory_space<vmem>>) semaphore(%dma_start3A_53 : memref<!tpu.dma_semaphore, #tpu.memory_space<semaphore_mem>>)
    %dma_start3A_54 = arith.constant 3 : i32
    %dma_start3A_55 = arith.constant 3 : i32
    %dma_start3A_56 = arith.constant 3 : i32
    %dma_start3A_57 = arith.constant 0 : i32
    %dma_start3A_58 = arith.constant 0 : i32
    %dma_start3A_59 = tpu.memref_slice %arg21[%dma_start3A_55, %dma_start3A_57, %dma_start3A_58] : memref<8x128x32xf32, #tpu.memory_space<vmem>> -> memref<1x128x32xf32, #tpu.memory_space<vmem>>
    %dma_start3A_60 = tpu.memref_squeeze %dma_start3A_59 : memref<1x128x32xf32, #tpu.memory_space<vmem>> -> memref<128x32xf32, #tpu.memory_space<vmem>>
    %dma_start3A_61 = arith.constant 0 : i32
    %dma_start3A_62 = tpu.memref_slice %arg19[%dma_start3A_54, %dma_start3A_61] : memref<80x128xi32, #tpu.memory_space<vmem>> -> memref<1x128xi32, #tpu.memory_space<vmem>>
    %dma_start3A_63 = tpu.memref_squeeze %dma_start3A_62 : memref<1x128xi32, #tpu.memory_space<vmem>> -> memref<128xi32, #tpu.memory_space<vmem>>
    %dma_start3A_64 = arith.constant 0 : i32
    %dma_start3A_65 = arith.constant 0 : i32
    %dma_start3A_66 = tpu.memref_slice %arg11[%dma_start3A_64, %dma_start3A_65] : memref<10240x32xf32, #tpu.memory_space<vmem_shared>> -> memref<10240x32xf32, #tpu.memory_space<vmem_shared>>
    %dma_start3A_67 = tpu.memref_slice %arg22[%dma_start3A_56] : memref<8x!tpu.dma_semaphore, #tpu.memory_space<semaphore_mem>> -> memref<1x!tpu.dma_semaphore, #tpu.memory_space<semaphore_mem>>
    %dma_start3A_68 = tpu.memref_squeeze %dma_start3A_67 : memref<1x!tpu.dma_semaphore, #tpu.memory_space<semaphore_mem>> -> memref<!tpu.dma_semaphore, #tpu.memory_space<semaphore_mem>>
    tpu.enqueue_indirect_dma source(%dma_start3A_66 : memref<10240x32xf32, #tpu.memory_space<vmem_shared>>) target(%dma_start3A_60 : memref<128x32xf32, #tpu.memory_space<vmem>>) offsets(%dma_start3A_63 : memref<128xi32, #tpu.memory_space<vmem>>) semaphore(%dma_start3A_68 : memref<!tpu.dma_semaphore, #tpu.memory_space<semaphore_mem>>)
    %scan3A_69 = arith.constant 0 : i32
    %scan3A_70 = arith.constant 0 : i32
    %scan3A_71 = arith.constant 10 : i32
    %scan3A_72 = arith.addi %scan3A_70, %scan3A_71 : i32
    %scan3A_73 = arith.constant 1 : i32
    scf.for %scan3A_82 = %scan3A_70 to %scan3A_72 step %scan3A_73  : i32 {
      %mul3A_83 = arith.constant 8 : i32
      %mul3A_84 = arith.muli %scan3A_82, %mul3A_83 : i32
      %add3A_85 = arith.constant 0 : i32
      %add3A_86 = arith.addi %mul3A_84, %add3A_85 : i32
      %add3A_87 = arith.constant 4 : i32
      %add3A_88 = arith.addi %add3A_86, %add3A_87 : i32
      %lt3A = arith.constant 80 : i32
      %lt3A_89 = arith.cmpi slt, %add3A_88, %lt3A : i32
      %convert_element_type3A_90 = arith.extui %lt3A_89 : i1 to i32
      %cond3A_91 = arith.constant 0 : i32
      %cond3A_92 = arith.cmpi ne, %convert_element_type3A_90, %cond3A_91 : i32
      scf.if %cond3A_92 {
        %add3A_320 = arith.constant 4 : i32
        %add3A_321 = arith.addi %add3A_86, %add3A_320 : i32
        %dma_start3A_322 = arith.constant 4 : i32
        %dma_start3A_323 = arith.constant 4 : i32
        %dma_start3A_324 = arith.constant 0 : i32
        %dma_start3A_325 = arith.constant 0 : i32
        %dma_start3A_326 = tpu.memref_slice %arg21[%dma_start3A_322, %dma_start3A_324, %dma_start3A_325] : memref<8x128x32xf32, #tpu.memory_space<vmem>> -> memref<1x128x32xf32, #tpu.memory_space<vmem>>
        %dma_start3A_327 = tpu.memref_squeeze %dma_start3A_326 : memref<1x128x32xf32, #tpu.memory_space<vmem>> -> memref<128x32xf32, #tpu.memory_space<vmem>>
        %dma_start3A_328 = arith.constant 0 : i32
        %dma_start3A_329 = tpu.memref_slice %arg19[%add3A_321, %dma_start3A_328] : memref<80x128xi32, #tpu.memory_space<vmem>> -> memref<1x128xi32, #tpu.memory_space<vmem>>
        %dma_start3A_330 = tpu.memref_squeeze %dma_start3A_329 : memref<1x128xi32, #tpu.memory_space<vmem>> -> memref<128xi32, #tpu.memory_space<vmem>>
        %dma_start3A_331 = arith.constant 0 : i32
        %dma_start3A_332 = arith.constant 0 : i32
        %dma_start3A_333 = tpu.memref_slice %arg11[%dma_start3A_331, %dma_start3A_332] : memref<10240x32xf32, #tpu.memory_space<vmem_shared>> -> memref<10240x32xf32, #tpu.memory_space<vmem_shared>>
        %dma_start3A_334 = tpu.memref_slice %arg22[%dma_start3A_323] : memref<8x!tpu.dma_semaphore, #tpu.memory_space<semaphore_mem>> -> memref<1x!tpu.dma_semaphore, #tpu.memory_space<semaphore_mem>>
        %dma_start3A_335 = tpu.memref_squeeze %dma_start3A_334 : memref<1x!tpu.dma_semaphore, #tpu.memory_space<semaphore_mem>> -> memref<!tpu.dma_semaphore, #tpu.memory_space<semaphore_mem>>
        tpu.enqueue_indirect_dma source(%dma_start3A_333 : memref<10240x32xf32, #tpu.memory_space<vmem_shared>>) target(%dma_start3A_327 : memref<128x32xf32, #tpu.memory_space<vmem>>) offsets(%dma_start3A_330 : memref<128xi32, #tpu.memory_space<vmem>>) semaphore(%dma_start3A_335 : memref<!tpu.dma_semaphore, #tpu.memory_space<semaphore_mem>>)
      } else {
      }
      %dma_wait3A = arith.constant 0 : i32
      %dma_wait3A_93 = arith.constant 0 : i32
      %dma_wait3A_94 = arith.constant 0 : i32
      %dma_wait3A_95 = arith.constant 0 : i32
      %dma_wait3A_96 = tpu.memref_slice %arg21[%dma_wait3A, %dma_wait3A_94, %dma_wait3A_95] : memref<8x128x32xf32, #tpu.memory_space<vmem>> -> memref<1x128x32xf32, #tpu.memory_space<vmem>>
      %dma_wait3A_97 = tpu.memref_squeeze %dma_wait3A_96 : memref<1x128x32xf32, #tpu.memory_space<vmem>> -> memref<128x32xf32, #tpu.memory_space<vmem>>
      %dma_wait3A_98 = arith.constant 0 : i32
      %dma_wait3A_99 = arith.constant 0 : i32
      %dma_wait3A_100 = tpu.memref_slice %arg3[%dma_wait3A_98, %dma_wait3A_99] : memref<10240x32xf32, #tpu.memory_space<hbm>> -> memref<128x32xf32, #tpu.memory_space<hbm>>
      %dma_wait3A_101 = tpu.memref_slice %arg22[%dma_wait3A_93] : memref<8x!tpu.dma_semaphore, #tpu.memory_space<semaphore_mem>> -> memref<1x!tpu.dma_semaphore, #tpu.memory_space<semaphore_mem>>
      %dma_wait3A_102 = tpu.memref_squeeze %dma_wait3A_101 : memref<1x!tpu.dma_semaphore, #tpu.memory_space<semaphore_mem>> -> memref<!tpu.dma_semaphore, #tpu.memory_space<semaphore_mem>>
      %dma_wait3A_103 = arith.constant 0 : i32
      %dma_wait3A_104 = arith.constant 0 : i32
      %dma_wait3A_105 = tpu.memref_slice %arg21[%dma_wait3A, %dma_wait3A_103, %dma_wait3A_104] : memref<8x128x32xf32, #tpu.memory_space<vmem>> -> memref<1x128x32xf32, #tpu.memory_space<vmem>>
      %dma_wait3A_106 = tpu.memref_squeeze %dma_wait3A_105 : memref<1x128x32xf32, #tpu.memory_space<vmem>> -> memref<128x32xf32, #tpu.memory_space<vmem>>
      %dma_wait3A_107 = arith.constant 0 : i32
      %dma_wait3A_108 = arith.constant 0 : i32
      %dma_wait3A_109 = tpu.memref_slice %arg3[%dma_wait3A_107, %dma_wait3A_108] : memref<10240x32xf32, #tpu.memory_space<hbm>> -> memref<128x32xf32, #tpu.memory_space<hbm>>
      tpu.wait_dma2 semaphore(%dma_wait3A_102 : memref<!tpu.dma_semaphore, #tpu.memory_space<semaphore_mem>>) src(%dma_wait3A_109 : memref<128x32xf32, #tpu.memory_space<hbm>>) dst(%dma_wait3A_106 : memref<128x32xf32, #tpu.memory_space<vmem>>)
      %run_scoped3A = arith.constant 0 : i32
      "tpu.region"() ({
        %run_scoped3A_320 = tpu.sem_alloc : memref<!tpu.dma_semaphore, #tpu.memory_space<semaphore_mem>>
        %dma_start3A_321 = arith.constant 0 : i32
        %dma_start3A_322 = arith.constant 0 : i32
        %dma_start3A_323 = tpu.memref_slice %arg21[%run_scoped3A, %dma_start3A_321, %dma_start3A_322] : memref<8x128x32xf32, #tpu.memory_space<vmem>> -> memref<1x128x32xf32, #tpu.memory_space<vmem>>
        %dma_start3A_324 = tpu.memref_squeeze %dma_start3A_323 : memref<1x128x32xf32, #tpu.memory_space<vmem>> -> memref<128x32xf32, #tpu.memory_space<vmem>>
        %dma_start3A_325 = arith.constant 0 : i32
        %dma_start3A_326 = tpu.memref_slice %arg20[%add3A_86, %dma_start3A_325] : memref<80x128xi32, #tpu.memory_space<vmem>> -> memref<1x128xi32, #tpu.memory_space<vmem>>
        %dma_start3A_327 = tpu.memref_squeeze %dma_start3A_326 : memref<1x128xi32, #tpu.memory_space<vmem>> -> memref<128xi32, #tpu.memory_space<vmem>>
        %dma_start3A_328 = arith.constant 0 : i32
        %dma_start3A_329 = arith.constant 0 : i32
        %dma_start3A_330 = tpu.memref_slice %arg12[%dma_start3A_328, %dma_start3A_329] : memref<10240x32xf32, #tpu.memory_space<vmem_shared>> -> memref<10240x32xf32, #tpu.memory_space<vmem_shared>>
        tpu.enqueue_indirect_dma source(%dma_start3A_324 : memref<128x32xf32, #tpu.memory_space<vmem>>) target(%dma_start3A_330 : memref<10240x32xf32, #tpu.memory_space<vmem_shared>>) offsets(%dma_start3A_327 : memref<128xi32, #tpu.memory_space<vmem>>) semaphore(%run_scoped3A_320 : memref<!tpu.dma_semaphore, #tpu.memory_space<semaphore_mem>>) {add = true}
        %dma_wait3A_331 = arith.constant 0 : i32
        %dma_wait3A_332 = arith.constant 0 : i32
        %dma_wait3A_333 = tpu.memref_slice %arg21[%run_scoped3A, %dma_wait3A_331, %dma_wait3A_332] : memref<8x128x32xf32, #tpu.memory_space<vmem>> -> memref<1x128x32xf32, #tpu.memory_space<vmem>>
        %dma_wait3A_334 = tpu.memref_squeeze %dma_wait3A_333 : memref<1x128x32xf32, #tpu.memory_space<vmem>> -> memref<128x32xf32, #tpu.memory_space<vmem>>
        %dma_wait3A_335 = arith.constant 0 : i32
        %dma_wait3A_336 = tpu.memref_slice %arg20[%add3A_86, %dma_wait3A_335] : memref<80x128xi32, #tpu.memory_space<vmem>> -> memref<1x128xi32, #tpu.memory_space<vmem>>
        %dma_wait3A_337 = tpu.memref_squeeze %dma_wait3A_336 : memref<1x128xi32, #tpu.memory_space<vmem>> -> memref<128xi32, #tpu.memory_space<vmem>>
        %dma_wait3A_338 = arith.constant 0 : i32
        %dma_wait3A_339 = arith.constant 0 : i32
        %dma_wait3A_340 = tpu.memref_slice %arg12[%dma_wait3A_338, %dma_wait3A_339] : memref<10240x32xf32, #tpu.memory_space<vmem_shared>> -> memref<10240x32xf32, #tpu.memory_space<vmem_shared>>
        tpu.wait_indirect_dma semaphore(%run_scoped3A_320 : memref<!tpu.dma_semaphore, #tpu.memory_space<semaphore_mem>>) src(%dma_wait3A_334 : memref<128x32xf32, #tpu.memory_space<vmem>>) dst(%dma_wait3A_340 : memref<10240x32xf32, #tpu.memory_space<vmem_shared>>)
        tpu.yield
      }) : () -> ()
      %mul3A_110 = arith.constant 8 : i32
      %mul3A_111 = arith.muli %scan3A_82, %mul3A_110 : i32
      %add3A_112 = arith.constant 1 : i32
      %add3A_113 = arith.addi %mul3A_111, %add3A_112 : i32
      %add3A_114 = arith.constant 4 : i32
      %add3A_115 = arith.addi %add3A_113, %add3A_114 : i32
      %lt3A_116 = arith.constant 80 : i32
      %lt3A_117 = arith.cmpi slt, %add3A_115, %lt3A_116 : i32
      %convert_element_type3A_118 = arith.extui %lt3A_117 : i1 to i32
      %cond3A_119 = arith.constant 0 : i32
      %cond3A_120 = arith.cmpi ne, %convert_element_type3A_118, %cond3A_119 : i32
      scf.if %cond3A_120 {
        %add3A_320 = arith.constant 4 : i32
        %add3A_321 = arith.addi %add3A_113, %add3A_320 : i32
        %dma_start3A_322 = arith.constant 5 : i32
        %dma_start3A_323 = arith.constant 5 : i32
        %dma_start3A_324 = arith.constant 0 : i32
        %dma_start3A_325 = arith.constant 0 : i32
        %dma_start3A_326 = tpu.memref_slice %arg21[%dma_start3A_322, %dma_start3A_324, %dma_start3A_325] : memref<8x128x32xf32, #tpu.memory_space<vmem>> -> memref<1x128x32xf32, #tpu.memory_space<vmem>>
        %dma_start3A_327 = tpu.memref_squeeze %dma_start3A_326 : memref<1x128x32xf32, #tpu.memory_space<vmem>> -> memref<128x32xf32, #tpu.memory_space<vmem>>
        %dma_start3A_328 = arith.constant 0 : i32
        %dma_start3A_329 = tpu.memref_slice %arg19[%add3A_321, %dma_start3A_328] : memref<80x128xi32, #tpu.memory_space<vmem>> -> memref<1x128xi32, #tpu.memory_space<vmem>>
        %dma_start3A_330 = tpu.memref_squeeze %dma_start3A_329 : memref<1x128xi32, #tpu.memory_space<vmem>> -> memref<128xi32, #tpu.memory_space<vmem>>
        %dma_start3A_331 = arith.constant 0 : i32
        %dma_start3A_332 = arith.constant 0 : i32
        %dma_start3A_333 = tpu.memref_slice %arg11[%dma_start3A_331, %dma_start3A_332] : memref<10240x32xf32, #tpu.memory_space<vmem_shared>> -> memref<10240x32xf32, #tpu.memory_space<vmem_shared>>
        %dma_start3A_334 = tpu.memref_slice %arg22[%dma_start3A_323] : memref<8x!tpu.dma_semaphore, #tpu.memory_space<semaphore_mem>> -> memref<1x!tpu.dma_semaphore, #tpu.memory_space<semaphore_mem>>
        %dma_start3A_335 = tpu.memref_squeeze %dma_start3A_334 : memref<1x!tpu.dma_semaphore, #tpu.memory_space<semaphore_mem>> -> memref<!tpu.dma_semaphore, #tpu.memory_space<semaphore_mem>>
        tpu.enqueue_indirect_dma source(%dma_start3A_333 : memref<10240x32xf32, #tpu.memory_space<vmem_shared>>) target(%dma_start3A_327 : memref<128x32xf32, #tpu.memory_space<vmem>>) offsets(%dma_start3A_330 : memref<128xi32, #tpu.memory_space<vmem>>) semaphore(%dma_start3A_335 : memref<!tpu.dma_semaphore, #tpu.memory_space<semaphore_mem>>)
      } else {
      }
      %dma_wait3A_121 = arith.constant 1 : i32
      %dma_wait3A_122 = arith.constant 1 : i32
      %dma_wait3A_123 = arith.constant 0 : i32
      %dma_wait3A_124 = arith.constant 0 : i32
      %dma_wait3A_125 = tpu.memref_slice %arg21[%dma_wait3A_121, %dma_wait3A_123, %dma_wait3A_124] : memref<8x128x32xf32, #tpu.memory_space<vmem>> -> memref<1x128x32xf32, #tpu.memory_space<vmem>>
      %dma_wait3A_126 = tpu.memref_squeeze %dma_wait3A_125 : memref<1x128x32xf32, #tpu.memory_space<vmem>> -> memref<128x32xf32, #tpu.memory_space<vmem>>
      %dma_wait3A_127 = arith.constant 0 : i32
      %dma_wait3A_128 = arith.constant 0 : i32
      %dma_wait3A_129 = tpu.memref_slice %arg3[%dma_wait3A_127, %dma_wait3A_128] : memref<10240x32xf32, #tpu.memory_space<hbm>> -> memref<128x32xf32, #tpu.memory_space<hbm>>
      %dma_wait3A_130 = tpu.memref_slice %arg22[%dma_wait3A_122] : memref<8x!tpu.dma_semaphore, #tpu.memory_space<semaphore_mem>> -> memref<1x!tpu.dma_semaphore, #tpu.memory_space<semaphore_mem>>
      %dma_wait3A_131 = tpu.memref_squeeze %dma_wait3A_130 : memref<1x!tpu.dma_semaphore, #tpu.memory_space<semaphore_mem>> -> memref<!tpu.dma_semaphore, #tpu.memory_space<semaphore_mem>>
      %dma_wait3A_132 = arith.constant 0 : i32
      %dma_wait3A_133 = arith.constant 0 : i32
      %dma_wait3A_134 = tpu.memref_slice %arg21[%dma_wait3A_121, %dma_wait3A_132, %dma_wait3A_133] : memref<8x128x32xf32, #tpu.memory_space<vmem>> -> memref<1x128x32xf32, #tpu.memory_space<vmem>>
      %dma_wait3A_135 = tpu.memref_squeeze %dma_wait3A_134 : memref<1x128x32xf32, #tpu.memory_space<vmem>> -> memref<128x32xf32, #tpu.memory_space<vmem>>
      %dma_wait3A_136 = arith.constant 0 : i32
      %dma_wait3A_137 = arith.constant 0 : i32
      %dma_wait3A_138 = tpu.memref_slice %arg3[%dma_wait3A_136, %dma_wait3A_137] : memref<10240x32xf32, #tpu.memory_space<hbm>> -> memref<128x32xf32, #tpu.memory_space<hbm>>
      tpu.wait_dma2 semaphore(%dma_wait3A_131 : memref<!tpu.dma_semaphore, #tpu.memory_space<semaphore_mem>>) src(%dma_wait3A_138 : memref<128x32xf32, #tpu.memory_space<hbm>>) dst(%dma_wait3A_135 : memref<128x32xf32, #tpu.memory_space<vmem>>)
      %run_scoped3A_139 = arith.constant 1 : i32
      "tpu.region"() ({
        %run_scoped3A_320 = tpu.sem_alloc : memref<!tpu.dma_semaphore, #tpu.memory_space<semaphore_mem>>
        %dma_start3A_321 = arith.constant 0 : i32
        %dma_start3A_322 = arith.constant 0 : i32
        %dma_start3A_323 = tpu.memref_slice %arg21[%run_scoped3A_139, %dma_start3A_321, %dma_start3A_322] : memref<8x128x32xf32, #tpu.memory_space<vmem>> -> memref<1x128x32xf32, #tpu.memory_space<vmem>>
        %dma_start3A_324 = tpu.memref_squeeze %dma_start3A_323 : memref<1x128x32xf32, #tpu.memory_space<vmem>> -> memref<128x32xf32, #tpu.memory_space<vmem>>
        %dma_start3A_325 = arith.constant 0 : i32
        %dma_start3A_326 = tpu.memref_slice %arg20[%add3A_113, %dma_start3A_325] : memref<80x128xi32, #tpu.memory_space<vmem>> -> memref<1x128xi32, #tpu.memory_space<vmem>>
        %dma_start3A_327 = tpu.memref_squeeze %dma_start3A_326 : memref<1x128xi32, #tpu.memory_space<vmem>> -> memref<128xi32, #tpu.memory_space<vmem>>
        %dma_start3A_328 = arith.constant 0 : i32
        %dma_start3A_329 = arith.constant 0 : i32
        %dma_start3A_330 = tpu.memref_slice %arg12[%dma_start3A_328, %dma_start3A_329] : memref<10240x32xf32, #tpu.memory_space<vmem_shared>> -> memref<10240x32xf32, #tpu.memory_space<vmem_shared>>
        tpu.enqueue_indirect_dma source(%dma_start3A_324 : memref<128x32xf32, #tpu.memory_space<vmem>>) target(%dma_start3A_330 : memref<10240x32xf32, #tpu.memory_space<vmem_shared>>) offsets(%dma_start3A_327 : memref<128xi32, #tpu.memory_space<vmem>>) semaphore(%run_scoped3A_320 : memref<!tpu.dma_semaphore, #tpu.memory_space<semaphore_mem>>) {add = true}
        %dma_wait3A_331 = arith.constant 0 : i32
        %dma_wait3A_332 = arith.constant 0 : i32
        %dma_wait3A_333 = tpu.memref_slice %arg21[%run_scoped3A_139, %dma_wait3A_331, %dma_wait3A_332] : memref<8x128x32xf32, #tpu.memory_space<vmem>> -> memref<1x128x32xf32, #tpu.memory_space<vmem>>
        %dma_wait3A_334 = tpu.memref_squeeze %dma_wait3A_333 : memref<1x128x32xf32, #tpu.memory_space<vmem>> -> memref<128x32xf32, #tpu.memory_space<vmem>>
        %dma_wait3A_335 = arith.constant 0 : i32
        %dma_wait3A_336 = tpu.memref_slice %arg20[%add3A_113, %dma_wait3A_335] : memref<80x128xi32, #tpu.memory_space<vmem>> -> memref<1x128xi32, #tpu.memory_space<vmem>>
        %dma_wait3A_337 = tpu.memref_squeeze %dma_wait3A_336 : memref<1x128xi32, #tpu.memory_space<vmem>> -> memref<128xi32, #tpu.memory_space<vmem>>
        %dma_wait3A_338 = arith.constant 0 : i32
        %dma_wait3A_339 = arith.constant 0 : i32
        %dma_wait3A_340 = tpu.memref_slice %arg12[%dma_wait3A_338, %dma_wait3A_339] : memref<10240x32xf32, #tpu.memory_space<vmem_shared>> -> memref<10240x32xf32, #tpu.memory_space<vmem_shared>>
        tpu.wait_indirect_dma semaphore(%run_scoped3A_320 : memref<!tpu.dma_semaphore, #tpu.memory_space<semaphore_mem>>) src(%dma_wait3A_334 : memref<128x32xf32, #tpu.memory_space<vmem>>) dst(%dma_wait3A_340 : memref<10240x32xf32, #tpu.memory_space<vmem_shared>>)
        tpu.yield
      }) : () -> ()
      %mul3A_140 = arith.constant 8 : i32
      %mul3A_141 = arith.muli %scan3A_82, %mul3A_140 : i32
      %add3A_142 = arith.constant 2 : i32
      %add3A_143 = arith.addi %mul3A_141, %add3A_142 : i32
      %add3A_144 = arith.constant 4 : i32
      %add3A_145 = arith.addi %add3A_143, %add3A_144 : i32
      %lt3A_146 = arith.constant 80 : i32
      %lt3A_147 = arith.cmpi slt, %add3A_145, %lt3A_146 : i32
      %convert_element_type3A_148 = arith.extui %lt3A_147 : i1 to i32
      %cond3A_149 = arith.constant 0 : i32
      %cond3A_150 = arith.cmpi ne, %convert_element_type3A_148, %cond3A_149 : i32
      scf.if %cond3A_150 {
        %add3A_320 = arith.constant 4 : i32
        %add3A_321 = arith.addi %add3A_143, %add3A_320 : i32
        %dma_start3A_322 = arith.constant 6 : i32
        %dma_start3A_323 = arith.constant 6 : i32
        %dma_start3A_324 = arith.constant 0 : i32
        %dma_start3A_325 = arith.constant 0 : i32
        %dma_start3A_326 = tpu.memref_slice %arg21[%dma_start3A_322, %dma_start3A_324, %dma_start3A_325] : memref<8x128x32xf32, #tpu.memory_space<vmem>> -> memref<1x128x32xf32, #tpu.memory_space<vmem>>
        %dma_start3A_327 = tpu.memref_squeeze %dma_start3A_326 : memref<1x128x32xf32, #tpu.memory_space<vmem>> -> memref<128x32xf32, #tpu.memory_space<vmem>>
        %dma_start3A_328 = arith.constant 0 : i32
        %dma_start3A_329 = tpu.memref_slice %arg19[%add3A_321, %dma_start3A_328] : memref<80x128xi32, #tpu.memory_space<vmem>> -> memref<1x128xi32, #tpu.memory_space<vmem>>
        %dma_start3A_330 = tpu.memref_squeeze %dma_start3A_329 : memref<1x128xi32, #tpu.memory_space<vmem>> -> memref<128xi32, #tpu.memory_space<vmem>>
        %dma_start3A_331 = arith.constant 0 : i32
        %dma_start3A_332 = arith.constant 0 : i32
        %dma_start3A_333 = tpu.memref_slice %arg11[%dma_start3A_331, %dma_start3A_332] : memref<10240x32xf32, #tpu.memory_space<vmem_shared>> -> memref<10240x32xf32, #tpu.memory_space<vmem_shared>>
        %dma_start3A_334 = tpu.memref_slice %arg22[%dma_start3A_323] : memref<8x!tpu.dma_semaphore, #tpu.memory_space<semaphore_mem>> -> memref<1x!tpu.dma_semaphore, #tpu.memory_space<semaphore_mem>>
        %dma_start3A_335 = tpu.memref_squeeze %dma_start3A_334 : memref<1x!tpu.dma_semaphore, #tpu.memory_space<semaphore_mem>> -> memref<!tpu.dma_semaphore, #tpu.memory_space<semaphore_mem>>
        tpu.enqueue_indirect_dma source(%dma_start3A_333 : memref<10240x32xf32, #tpu.memory_space<vmem_shared>>) target(%dma_start3A_327 : memref<128x32xf32, #tpu.memory_space<vmem>>) offsets(%dma_start3A_330 : memref<128xi32, #tpu.memory_space<vmem>>) semaphore(%dma_start3A_335 : memref<!tpu.dma_semaphore, #tpu.memory_space<semaphore_mem>>)
      } else {
      }
      %dma_wait3A_151 = arith.constant 2 : i32
      %dma_wait3A_152 = arith.constant 2 : i32
      %dma_wait3A_153 = arith.constant 0 : i32
      %dma_wait3A_154 = arith.constant 0 : i32
      %dma_wait3A_155 = tpu.memref_slice %arg21[%dma_wait3A_151, %dma_wait3A_153, %dma_wait3A_154] : memref<8x128x32xf32, #tpu.memory_space<vmem>> -> memref<1x128x32xf32, #tpu.memory_space<vmem>>
      %dma_wait3A_156 = tpu.memref_squeeze %dma_wait3A_155 : memref<1x128x32xf32, #tpu.memory_space<vmem>> -> memref<128x32xf32, #tpu.memory_space<vmem>>
      %dma_wait3A_157 = arith.constant 0 : i32
      %dma_wait3A_158 = arith.constant 0 : i32
      %dma_wait3A_159 = tpu.memref_slice %arg3[%dma_wait3A_157, %dma_wait3A_158] : memref<10240x32xf32, #tpu.memory_space<hbm>> -> memref<128x32xf32, #tpu.memory_space<hbm>>
      %dma_wait3A_160 = tpu.memref_slice %arg22[%dma_wait3A_152] : memref<8x!tpu.dma_semaphore, #tpu.memory_space<semaphore_mem>> -> memref<1x!tpu.dma_semaphore, #tpu.memory_space<semaphore_mem>>
      %dma_wait3A_161 = tpu.memref_squeeze %dma_wait3A_160 : memref<1x!tpu.dma_semaphore, #tpu.memory_space<semaphore_mem>> -> memref<!tpu.dma_semaphore, #tpu.memory_space<semaphore_mem>>
      %dma_wait3A_162 = arith.constant 0 : i32
      %dma_wait3A_163 = arith.constant 0 : i32
      %dma_wait3A_164 = tpu.memref_slice %arg21[%dma_wait3A_151, %dma_wait3A_162, %dma_wait3A_163] : memref<8x128x32xf32, #tpu.memory_space<vmem>> -> memref<1x128x32xf32, #tpu.memory_space<vmem>>
      %dma_wait3A_165 = tpu.memref_squeeze %dma_wait3A_164 : memref<1x128x32xf32, #tpu.memory_space<vmem>> -> memref<128x32xf32, #tpu.memory_space<vmem>>
      %dma_wait3A_166 = arith.constant 0 : i32
      %dma_wait3A_167 = arith.constant 0 : i32
      %dma_wait3A_168 = tpu.memref_slice %arg3[%dma_wait3A_166, %dma_wait3A_167] : memref<10240x32xf32, #tpu.memory_space<hbm>> -> memref<128x32xf32, #tpu.memory_space<hbm>>
      tpu.wait_dma2 semaphore(%dma_wait3A_161 : memref<!tpu.dma_semaphore, #tpu.memory_space<semaphore_mem>>) src(%dma_wait3A_168 : memref<128x32xf32, #tpu.memory_space<hbm>>) dst(%dma_wait3A_165 : memref<128x32xf32, #tpu.memory_space<vmem>>)
      %run_scoped3A_169 = arith.constant 2 : i32
      "tpu.region"() ({
        %run_scoped3A_320 = tpu.sem_alloc : memref<!tpu.dma_semaphore, #tpu.memory_space<semaphore_mem>>
        %dma_start3A_321 = arith.constant 0 : i32
        %dma_start3A_322 = arith.constant 0 : i32
        %dma_start3A_323 = tpu.memref_slice %arg21[%run_scoped3A_169, %dma_start3A_321, %dma_start3A_322] : memref<8x128x32xf32, #tpu.memory_space<vmem>> -> memref<1x128x32xf32, #tpu.memory_space<vmem>>
        %dma_start3A_324 = tpu.memref_squeeze %dma_start3A_323 : memref<1x128x32xf32, #tpu.memory_space<vmem>> -> memref<128x32xf32, #tpu.memory_space<vmem>>
        %dma_start3A_325 = arith.constant 0 : i32
        %dma_start3A_326 = tpu.memref_slice %arg20[%add3A_143, %dma_start3A_325] : memref<80x128xi32, #tpu.memory_space<vmem>> -> memref<1x128xi32, #tpu.memory_space<vmem>>
        %dma_start3A_327 = tpu.memref_squeeze %dma_start3A_326 : memref<1x128xi32, #tpu.memory_space<vmem>> -> memref<128xi32, #tpu.memory_space<vmem>>
        %dma_start3A_328 = arith.constant 0 : i32
        %dma_start3A_329 = arith.constant 0 : i32
        %dma_start3A_330 = tpu.memref_slice %arg12[%dma_start3A_328, %dma_start3A_329] : memref<10240x32xf32, #tpu.memory_space<vmem_shared>> -> memref<10240x32xf32, #tpu.memory_space<vmem_shared>>
        tpu.enqueue_indirect_dma source(%dma_start3A_324 : memref<128x32xf32, #tpu.memory_space<vmem>>) target(%dma_start3A_330 : memref<10240x32xf32, #tpu.memory_space<vmem_shared>>) offsets(%dma_start3A_327 : memref<128xi32, #tpu.memory_space<vmem>>) semaphore(%run_scoped3A_320 : memref<!tpu.dma_semaphore, #tpu.memory_space<semaphore_mem>>) {add = true}
        %dma_wait3A_331 = arith.constant 0 : i32
        %dma_wait3A_332 = arith.constant 0 : i32
        %dma_wait3A_333 = tpu.memref_slice %arg21[%run_scoped3A_169, %dma_wait3A_331, %dma_wait3A_332] : memref<8x128x32xf32, #tpu.memory_space<vmem>> -> memref<1x128x32xf32, #tpu.memory_space<vmem>>
        %dma_wait3A_334 = tpu.memref_squeeze %dma_wait3A_333 : memref<1x128x32xf32, #tpu.memory_space<vmem>> -> memref<128x32xf32, #tpu.memory_space<vmem>>
        %dma_wait3A_335 = arith.constant 0 : i32
        %dma_wait3A_336 = tpu.memref_slice %arg20[%add3A_143, %dma_wait3A_335] : memref<80x128xi32, #tpu.memory_space<vmem>> -> memref<1x128xi32, #tpu.memory_space<vmem>>
        %dma_wait3A_337 = tpu.memref_squeeze %dma_wait3A_336 : memref<1x128xi32, #tpu.memory_space<vmem>> -> memref<128xi32, #tpu.memory_space<vmem>>
        %dma_wait3A_338 = arith.constant 0 : i32
        %dma_wait3A_339 = arith.constant 0 : i32
        %dma_wait3A_340 = tpu.memref_slice %arg12[%dma_wait3A_338, %dma_wait3A_339] : memref<10240x32xf32, #tpu.memory_space<vmem_shared>> -> memref<10240x32xf32, #tpu.memory_space<vmem_shared>>
        tpu.wait_indirect_dma semaphore(%run_scoped3A_320 : memref<!tpu.dma_semaphore, #tpu.memory_space<semaphore_mem>>) src(%dma_wait3A_334 : memref<128x32xf32, #tpu.memory_space<vmem>>) dst(%dma_wait3A_340 : memref<10240x32xf32, #tpu.memory_space<vmem_shared>>)
        tpu.yield
      }) : () -> ()
      %mul3A_170 = arith.constant 8 : i32
      %mul3A_171 = arith.muli %scan3A_82, %mul3A_170 : i32
      %add3A_172 = arith.constant 3 : i32
      %add3A_173 = arith.addi %mul3A_171, %add3A_172 : i32
      %add3A_174 = arith.constant 4 : i32
      %add3A_175 = arith.addi %add3A_173, %add3A_174 : i32
      %lt3A_176 = arith.constant 80 : i32
      %lt3A_177 = arith.cmpi slt, %add3A_175, %lt3A_176 : i32
      %convert_element_type3A_178 = arith.extui %lt3A_177 : i1 to i32
      %cond3A_179 = arith.constant 0 : i32
      %cond3A_180 = arith.cmpi ne, %convert_element_type3A_178, %cond3A_179 : i32
      scf.if %cond3A_180 {
        %add3A_320 = arith.constant 4 : i32
        %add3A_321 = arith.addi %add3A_173, %add3A_320 : i32
        %dma_start3A_322 = arith.constant 7 : i32
        %dma_start3A_323 = arith.constant 7 : i32
        %dma_start3A_324 = arith.constant 0 : i32
        %dma_start3A_325 = arith.constant 0 : i32
        %dma_start3A_326 = tpu.memref_slice %arg21[%dma_start3A_322, %dma_start3A_324, %dma_start3A_325] : memref<8x128x32xf32, #tpu.memory_space<vmem>> -> memref<1x128x32xf32, #tpu.memory_space<vmem>>
        %dma_start3A_327 = tpu.memref_squeeze %dma_start3A_326 : memref<1x128x32xf32, #tpu.memory_space<vmem>> -> memref<128x32xf32, #tpu.memory_space<vmem>>
        %dma_start3A_328 = arith.constant 0 : i32
        %dma_start3A_329 = tpu.memref_slice %arg19[%add3A_321, %dma_start3A_328] : memref<80x128xi32, #tpu.memory_space<vmem>> -> memref<1x128xi32, #tpu.memory_space<vmem>>
        %dma_start3A_330 = tpu.memref_squeeze %dma_start3A_329 : memref<1x128xi32, #tpu.memory_space<vmem>> -> memref<128xi32, #tpu.memory_space<vmem>>
        %dma_start3A_331 = arith.constant 0 : i32
        %dma_start3A_332 = arith.constant 0 : i32
        %dma_start3A_333 = tpu.memref_slice %arg11[%dma_start3A_331, %dma_start3A_332] : memref<10240x32xf32, #tpu.memory_space<vmem_shared>> -> memref<10240x32xf32, #tpu.memory_space<vmem_shared>>
        %dma_start3A_334 = tpu.memref_slice %arg22[%dma_start3A_323] : memref<8x!tpu.dma_semaphore, #tpu.memory_space<semaphore_mem>> -> memref<1x!tpu.dma_semaphore, #tpu.memory_space<semaphore_mem>>
        %dma_start3A_335 = tpu.memref_squeeze %dma_start3A_334 : memref<1x!tpu.dma_semaphore, #tpu.memory_space<semaphore_mem>> -> memref<!tpu.dma_semaphore, #tpu.memory_space<semaphore_mem>>
        tpu.enqueue_indirect_dma source(%dma_start3A_333 : memref<10240x32xf32, #tpu.memory_space<vmem_shared>>) target(%dma_start3A_327 : memref<128x32xf32, #tpu.memory_space<vmem>>) offsets(%dma_start3A_330 : memref<128xi32, #tpu.memory_space<vmem>>) semaphore(%dma_start3A_335 : memref<!tpu.dma_semaphore, #tpu.memory_space<semaphore_mem>>)
      } else {
      }
      %dma_wait3A_181 = arith.constant 3 : i32
      %dma_wait3A_182 = arith.constant 3 : i32
      %dma_wait3A_183 = arith.constant 0 : i32
      %dma_wait3A_184 = arith.constant 0 : i32
      %dma_wait3A_185 = tpu.memref_slice %arg21[%dma_wait3A_181, %dma_wait3A_183, %dma_wait3A_184] : memref<8x128x32xf32, #tpu.memory_space<vmem>> -> memref<1x128x32xf32, #tpu.memory_space<vmem>>
      %dma_wait3A_186 = tpu.memref_squeeze %dma_wait3A_185 : memref<1x128x32xf32, #tpu.memory_space<vmem>> -> memref<128x32xf32, #tpu.memory_space<vmem>>
      %dma_wait3A_187 = arith.constant 0 : i32
      %dma_wait3A_188 = arith.constant 0 : i32
      %dma_wait3A_189 = tpu.memref_slice %arg3[%dma_wait3A_187, %dma_wait3A_188] : memref<10240x32xf32, #tpu.memory_space<hbm>> -> memref<128x32xf32, #tpu.memory_space<hbm>>
      %dma_wait3A_190 = tpu.memref_slice %arg22[%dma_wait3A_182] : memref<8x!tpu.dma_semaphore, #tpu.memory_space<semaphore_mem>> -> memref<1x!tpu.dma_semaphore, #tpu.memory_space<semaphore_mem>>
      %dma_wait3A_191 = tpu.memref_squeeze %dma_wait3A_190 : memref<1x!tpu.dma_semaphore, #tpu.memory_space<semaphore_mem>> -> memref<!tpu.dma_semaphore, #tpu.memory_space<semaphore_mem>>
      %dma_wait3A_192 = arith.constant 0 : i32
      %dma_wait3A_193 = arith.constant 0 : i32
      %dma_wait3A_194 = tpu.memref_slice %arg21[%dma_wait3A_181, %dma_wait3A_192, %dma_wait3A_193] : memref<8x128x32xf32, #tpu.memory_space<vmem>> -> memref<1x128x32xf32, #tpu.memory_space<vmem>>
      %dma_wait3A_195 = tpu.memref_squeeze %dma_wait3A_194 : memref<1x128x32xf32, #tpu.memory_space<vmem>> -> memref<128x32xf32, #tpu.memory_space<vmem>>
      %dma_wait3A_196 = arith.constant 0 : i32
      %dma_wait3A_197 = arith.constant 0 : i32
      %dma_wait3A_198 = tpu.memref_slice %arg3[%dma_wait3A_196, %dma_wait3A_197] : memref<10240x32xf32, #tpu.memory_space<hbm>> -> memref<128x32xf32, #tpu.memory_space<hbm>>
      tpu.wait_dma2 semaphore(%dma_wait3A_191 : memref<!tpu.dma_semaphore, #tpu.memory_space<semaphore_mem>>) src(%dma_wait3A_198 : memref<128x32xf32, #tpu.memory_space<hbm>>) dst(%dma_wait3A_195 : memref<128x32xf32, #tpu.memory_space<vmem>>)
      %run_scoped3A_199 = arith.constant 3 : i32
      "tpu.region"() ({
        %run_scoped3A_320 = tpu.sem_alloc : memref<!tpu.dma_semaphore, #tpu.memory_space<semaphore_mem>>
        %dma_start3A_321 = arith.constant 0 : i32
        %dma_start3A_322 = arith.constant 0 : i32
        %dma_start3A_323 = tpu.memref_slice %arg21[%run_scoped3A_199, %dma_start3A_321, %dma_start3A_322] : memref<8x128x32xf32, #tpu.memory_space<vmem>> -> memref<1x128x32xf32, #tpu.memory_space<vmem>>
        %dma_start3A_324 = tpu.memref_squeeze %dma_start3A_323 : memref<1x128x32xf32, #tpu.memory_space<vmem>> -> memref<128x32xf32, #tpu.memory_space<vmem>>
        %dma_start3A_325 = arith.constant 0 : i32
        %dma_start3A_326 = tpu.memref_slice %arg20[%add3A_173, %dma_start3A_325] : memref<80x128xi32, #tpu.memory_space<vmem>> -> memref<1x128xi32, #tpu.memory_space<vmem>>
        %dma_start3A_327 = tpu.memref_squeeze %dma_start3A_326 : memref<1x128xi32, #tpu.memory_space<vmem>> -> memref<128xi32, #tpu.memory_space<vmem>>
        %dma_start3A_328 = arith.constant 0 : i32
        %dma_start3A_329 = arith.constant 0 : i32
        %dma_start3A_330 = tpu.memref_slice %arg12[%dma_start3A_328, %dma_start3A_329] : memref<10240x32xf32, #tpu.memory_space<vmem_shared>> -> memref<10240x32xf32, #tpu.memory_space<vmem_shared>>
        tpu.enqueue_indirect_dma source(%dma_start3A_324 : memref<128x32xf32, #tpu.memory_space<vmem>>) target(%dma_start3A_330 : memref<10240x32xf32, #tpu.memory_space<vmem_shared>>) offsets(%dma_start3A_327 : memref<128xi32, #tpu.memory_space<vmem>>) semaphore(%run_scoped3A_320 : memref<!tpu.dma_semaphore, #tpu.memory_space<semaphore_mem>>) {add = true}
        %dma_wait3A_331 = arith.constant 0 : i32
        %dma_wait3A_332 = arith.constant 0 : i32
        %dma_wait3A_333 = tpu.memref_slice %arg21[%run_scoped3A_199, %dma_wait3A_331, %dma_wait3A_332] : memref<8x128x32xf32, #tpu.memory_space<vmem>> -> memref<1x128x32xf32, #tpu.memory_space<vmem>>
        %dma_wait3A_334 = tpu.memref_squeeze %dma_wait3A_333 : memref<1x128x32xf32, #tpu.memory_space<vmem>> -> memref<128x32xf32, #tpu.memory_space<vmem>>
        %dma_wait3A_335 = arith.constant 0 : i32
        %dma_wait3A_336 = tpu.memref_slice %arg20[%add3A_173, %dma_wait3A_335] : memref<80x128xi32, #tpu.memory_space<vmem>> -> memref<1x128xi32, #tpu.memory_space<vmem>>
        %dma_wait3A_337 = tpu.memref_squeeze %dma_wait3A_336 : memref<1x128xi32, #tpu.memory_space<vmem>> -> memref<128xi32, #tpu.memory_space<vmem>>
        %dma_wait3A_338 = arith.constant 0 : i32
        %dma_wait3A_339 = arith.constant 0 : i32
        %dma_wait3A_340 = tpu.memref_slice %arg12[%dma_wait3A_338, %dma_wait3A_339] : memref<10240x32xf32, #tpu.memory_space<vmem_shared>> -> memref<10240x32xf32, #tpu.memory_space<vmem_shared>>
        tpu.wait_indirect_dma semaphore(%run_scoped3A_320 : memref<!tpu.dma_semaphore, #tpu.memory_space<semaphore_mem>>) src(%dma_wait3A_334 : memref<128x32xf32, #tpu.memory_space<vmem>>) dst(%dma_wait3A_340 : memref<10240x32xf32, #tpu.memory_space<vmem_shared>>)
        tpu.yield
      }) : () -> ()
      %mul3A_200 = arith.constant 8 : i32
      %mul3A_201 = arith.muli %scan3A_82, %mul3A_200 : i32
      %add3A_202 = arith.constant 4 : i32
      %add3A_203 = arith.addi %mul3A_201, %add3A_202 : i32
      %add3A_204 = arith.constant 4 : i32
      %add3A_205 = arith.addi %add3A_203, %add3A_204 : i32
      %lt3A_206 = arith.constant 80 : i32
      %lt3A_207 = arith.cmpi slt, %add3A_205, %lt3A_206 : i32
      %convert_element_type3A_208 = arith.extui %lt3A_207 : i1 to i32
      %cond3A_209 = arith.constant 0 : i32
      %cond3A_210 = arith.cmpi ne, %convert_element_type3A_208, %cond3A_209 : i32
      scf.if %cond3A_210 {
        %add3A_320 = arith.constant 4 : i32
        %add3A_321 = arith.addi %add3A_203, %add3A_320 : i32
        %dma_start3A_322 = arith.constant 0 : i32
        %dma_start3A_323 = arith.constant 0 : i32
        %dma_start3A_324 = arith.constant 0 : i32
        %dma_start3A_325 = arith.constant 0 : i32
        %dma_start3A_326 = tpu.memref_slice %arg21[%dma_start3A_322, %dma_start3A_324, %dma_start3A_325] : memref<8x128x32xf32, #tpu.memory_space<vmem>> -> memref<1x128x32xf32, #tpu.memory_space<vmem>>
        %dma_start3A_327 = tpu.memref_squeeze %dma_start3A_326 : memref<1x128x32xf32, #tpu.memory_space<vmem>> -> memref<128x32xf32, #tpu.memory_space<vmem>>
        %dma_start3A_328 = arith.constant 0 : i32
        %dma_start3A_329 = tpu.memref_slice %arg19[%add3A_321, %dma_start3A_328] : memref<80x128xi32, #tpu.memory_space<vmem>> -> memref<1x128xi32, #tpu.memory_space<vmem>>
        %dma_start3A_330 = tpu.memref_squeeze %dma_start3A_329 : memref<1x128xi32, #tpu.memory_space<vmem>> -> memref<128xi32, #tpu.memory_space<vmem>>
        %dma_start3A_331 = arith.constant 0 : i32
        %dma_start3A_332 = arith.constant 0 : i32
        %dma_start3A_333 = tpu.memref_slice %arg11[%dma_start3A_331, %dma_start3A_332] : memref<10240x32xf32, #tpu.memory_space<vmem_shared>> -> memref<10240x32xf32, #tpu.memory_space<vmem_shared>>
        %dma_start3A_334 = tpu.memref_slice %arg22[%dma_start3A_323] : memref<8x!tpu.dma_semaphore, #tpu.memory_space<semaphore_mem>> -> memref<1x!tpu.dma_semaphore, #tpu.memory_space<semaphore_mem>>
        %dma_start3A_335 = tpu.memref_squeeze %dma_start3A_334 : memref<1x!tpu.dma_semaphore, #tpu.memory_space<semaphore_mem>> -> memref<!tpu.dma_semaphore, #tpu.memory_space<semaphore_mem>>
        tpu.enqueue_indirect_dma source(%dma_start3A_333 : memref<10240x32xf32, #tpu.memory_space<vmem_shared>>) target(%dma_start3A_327 : memref<128x32xf32, #tpu.memory_space<vmem>>) offsets(%dma_start3A_330 : memref<128xi32, #tpu.memory_space<vmem>>) semaphore(%dma_start3A_335 : memref<!tpu.dma_semaphore, #tpu.memory_space<semaphore_mem>>)
      } else {
      }
      %dma_wait3A_211 = arith.constant 4 : i32
      %dma_wait3A_212 = arith.constant 4 : i32
      %dma_wait3A_213 = arith.constant 0 : i32
      %dma_wait3A_214 = arith.constant 0 : i32
      %dma_wait3A_215 = tpu.memref_slice %arg21[%dma_wait3A_211, %dma_wait3A_213, %dma_wait3A_214] : memref<8x128x32xf32, #tpu.memory_space<vmem>> -> memref<1x128x32xf32, #tpu.memory_space<vmem>>
      %dma_wait3A_216 = tpu.memref_squeeze %dma_wait3A_215 : memref<1x128x32xf32, #tpu.memory_space<vmem>> -> memref<128x32xf32, #tpu.memory_space<vmem>>
      %dma_wait3A_217 = arith.constant 0 : i32
      %dma_wait3A_218 = arith.constant 0 : i32
      %dma_wait3A_219 = tpu.memref_slice %arg3[%dma_wait3A_217, %dma_wait3A_218] : memref<10240x32xf32, #tpu.memory_space<hbm>> -> memref<128x32xf32, #tpu.memory_space<hbm>>
      %dma_wait3A_220 = tpu.memref_slice %arg22[%dma_wait3A_212] : memref<8x!tpu.dma_semaphore, #tpu.memory_space<semaphore_mem>> -> memref<1x!tpu.dma_semaphore, #tpu.memory_space<semaphore_mem>>
      %dma_wait3A_221 = tpu.memref_squeeze %dma_wait3A_220 : memref<1x!tpu.dma_semaphore, #tpu.memory_space<semaphore_mem>> -> memref<!tpu.dma_semaphore, #tpu.memory_space<semaphore_mem>>
      %dma_wait3A_222 = arith.constant 0 : i32
      %dma_wait3A_223 = arith.constant 0 : i32
      %dma_wait3A_224 = tpu.memref_slice %arg21[%dma_wait3A_211, %dma_wait3A_222, %dma_wait3A_223] : memref<8x128x32xf32, #tpu.memory_space<vmem>> -> memref<1x128x32xf32, #tpu.memory_space<vmem>>
      %dma_wait3A_225 = tpu.memref_squeeze %dma_wait3A_224 : memref<1x128x32xf32, #tpu.memory_space<vmem>> -> memref<128x32xf32, #tpu.memory_space<vmem>>
      %dma_wait3A_226 = arith.constant 0 : i32
      %dma_wait3A_227 = arith.constant 0 : i32
      %dma_wait3A_228 = tpu.memref_slice %arg3[%dma_wait3A_226, %dma_wait3A_227] : memref<10240x32xf32, #tpu.memory_space<hbm>> -> memref<128x32xf32, #tpu.memory_space<hbm>>
      tpu.wait_dma2 semaphore(%dma_wait3A_221 : memref<!tpu.dma_semaphore, #tpu.memory_space<semaphore_mem>>) src(%dma_wait3A_228 : memref<128x32xf32, #tpu.memory_space<hbm>>) dst(%dma_wait3A_225 : memref<128x32xf32, #tpu.memory_space<vmem>>)
      %run_scoped3A_229 = arith.constant 4 : i32
      "tpu.region"() ({
        %run_scoped3A_320 = tpu.sem_alloc : memref<!tpu.dma_semaphore, #tpu.memory_space<semaphore_mem>>
        %dma_start3A_321 = arith.constant 0 : i32
        %dma_start3A_322 = arith.constant 0 : i32
        %dma_start3A_323 = tpu.memref_slice %arg21[%run_scoped3A_229, %dma_start3A_321, %dma_start3A_322] : memref<8x128x32xf32, #tpu.memory_space<vmem>> -> memref<1x128x32xf32, #tpu.memory_space<vmem>>
        %dma_start3A_324 = tpu.memref_squeeze %dma_start3A_323 : memref<1x128x32xf32, #tpu.memory_space<vmem>> -> memref<128x32xf32, #tpu.memory_space<vmem>>
        %dma_start3A_325 = arith.constant 0 : i32
        %dma_start3A_326 = tpu.memref_slice %arg20[%add3A_203, %dma_start3A_325] : memref<80x128xi32, #tpu.memory_space<vmem>> -> memref<1x128xi32, #tpu.memory_space<vmem>>
        %dma_start3A_327 = tpu.memref_squeeze %dma_start3A_326 : memref<1x128xi32, #tpu.memory_space<vmem>> -> memref<128xi32, #tpu.memory_space<vmem>>
        %dma_start3A_328 = arith.constant 0 : i32
        %dma_start3A_329 = arith.constant 0 : i32
        %dma_start3A_330 = tpu.memref_slice %arg12[%dma_start3A_328, %dma_start3A_329] : memref<10240x32xf32, #tpu.memory_space<vmem_shared>> -> memref<10240x32xf32, #tpu.memory_space<vmem_shared>>
        tpu.enqueue_indirect_dma source(%dma_start3A_324 : memref<128x32xf32, #tpu.memory_space<vmem>>) target(%dma_start3A_330 : memref<10240x32xf32, #tpu.memory_space<vmem_shared>>) offsets(%dma_start3A_327 : memref<128xi32, #tpu.memory_space<vmem>>) semaphore(%run_scoped3A_320 : memref<!tpu.dma_semaphore, #tpu.memory_space<semaphore_mem>>) {add = true}
        %dma_wait3A_331 = arith.constant 0 : i32
        %dma_wait3A_332 = arith.constant 0 : i32
        %dma_wait3A_333 = tpu.memref_slice %arg21[%run_scoped3A_229, %dma_wait3A_331, %dma_wait3A_332] : memref<8x128x32xf32, #tpu.memory_space<vmem>> -> memref<1x128x32xf32, #tpu.memory_space<vmem>>
        %dma_wait3A_334 = tpu.memref_squeeze %dma_wait3A_333 : memref<1x128x32xf32, #tpu.memory_space<vmem>> -> memref<128x32xf32, #tpu.memory_space<vmem>>
        %dma_wait3A_335 = arith.constant 0 : i32
        %dma_wait3A_336 = tpu.memref_slice %arg20[%add3A_203, %dma_wait3A_335] : memref<80x128xi32, #tpu.memory_space<vmem>> -> memref<1x128xi32, #tpu.memory_space<vmem>>
        %dma_wait3A_337 = tpu.memref_squeeze %dma_wait3A_336 : memref<1x128xi32, #tpu.memory_space<vmem>> -> memref<128xi32, #tpu.memory_space<vmem>>
        %dma_wait3A_338 = arith.constant 0 : i32
        %dma_wait3A_339 = arith.constant 0 : i32
        %dma_wait3A_340 = tpu.memref_slice %arg12[%dma_wait3A_338, %dma_wait3A_339] : memref<10240x32xf32, #tpu.memory_space<vmem_shared>> -> memref<10240x32xf32, #tpu.memory_space<vmem_shared>>
        tpu.wait_indirect_dma semaphore(%run_scoped3A_320 : memref<!tpu.dma_semaphore, #tpu.memory_space<semaphore_mem>>) src(%dma_wait3A_334 : memref<128x32xf32, #tpu.memory_space<vmem>>) dst(%dma_wait3A_340 : memref<10240x32xf32, #tpu.memory_space<vmem_shared>>)
        tpu.yield
      }) : () -> ()
      %mul3A_230 = arith.constant 8 : i32
      %mul3A_231 = arith.muli %scan3A_82, %mul3A_230 : i32
      %add3A_232 = arith.constant 5 : i32
      %add3A_233 = arith.addi %mul3A_231, %add3A_232 : i32
      %add3A_234 = arith.constant 4 : i32
      %add3A_235 = arith.addi %add3A_233, %add3A_234 : i32
      %lt3A_236 = arith.constant 80 : i32
      %lt3A_237 = arith.cmpi slt, %add3A_235, %lt3A_236 : i32
      %convert_element_type3A_238 = arith.extui %lt3A_237 : i1 to i32
      %cond3A_239 = arith.constant 0 : i32
      %cond3A_240 = arith.cmpi ne, %convert_element_type3A_238, %cond3A_239 : i32
      scf.if %cond3A_240 {
        %add3A_320 = arith.constant 4 : i32
        %add3A_321 = arith.addi %add3A_233, %add3A_320 : i32
        %dma_start3A_322 = arith.constant 1 : i32
        %dma_start3A_323 = arith.constant 1 : i32
        %dma_start3A_324 = arith.constant 0 : i32
        %dma_start3A_325 = arith.constant 0 : i32
        %dma_start3A_326 = tpu.memref_slice %arg21[%dma_start3A_322, %dma_start3A_324, %dma_start3A_325] : memref<8x128x32xf32, #tpu.memory_space<vmem>> -> memref<1x128x32xf32, #tpu.memory_space<vmem>>
        %dma_start3A_327 = tpu.memref_squeeze %dma_start3A_326 : memref<1x128x32xf32, #tpu.memory_space<vmem>> -> memref<128x32xf32, #tpu.memory_space<vmem>>
        %dma_start3A_328 = arith.constant 0 : i32
        %dma_start3A_329 = tpu.memref_slice %arg19[%add3A_321, %dma_start3A_328] : memref<80x128xi32, #tpu.memory_space<vmem>> -> memref<1x128xi32, #tpu.memory_space<vmem>>
        %dma_start3A_330 = tpu.memref_squeeze %dma_start3A_329 : memref<1x128xi32, #tpu.memory_space<vmem>> -> memref<128xi32, #tpu.memory_space<vmem>>
        %dma_start3A_331 = arith.constant 0 : i32
        %dma_start3A_332 = arith.constant 0 : i32
        %dma_start3A_333 = tpu.memref_slice %arg11[%dma_start3A_331, %dma_start3A_332] : memref<10240x32xf32, #tpu.memory_space<vmem_shared>> -> memref<10240x32xf32, #tpu.memory_space<vmem_shared>>
        %dma_start3A_334 = tpu.memref_slice %arg22[%dma_start3A_323] : memref<8x!tpu.dma_semaphore, #tpu.memory_space<semaphore_mem>> -> memref<1x!tpu.dma_semaphore, #tpu.memory_space<semaphore_mem>>
        %dma_start3A_335 = tpu.memref_squeeze %dma_start3A_334 : memref<1x!tpu.dma_semaphore, #tpu.memory_space<semaphore_mem>> -> memref<!tpu.dma_semaphore, #tpu.memory_space<semaphore_mem>>
        tpu.enqueue_indirect_dma source(%dma_start3A_333 : memref<10240x32xf32, #tpu.memory_space<vmem_shared>>) target(%dma_start3A_327 : memref<128x32xf32, #tpu.memory_space<vmem>>) offsets(%dma_start3A_330 : memref<128xi32, #tpu.memory_space<vmem>>) semaphore(%dma_start3A_335 : memref<!tpu.dma_semaphore, #tpu.memory_space<semaphore_mem>>)
      } else {
      }
      %dma_wait3A_241 = arith.constant 5 : i32
      %dma_wait3A_242 = arith.constant 5 : i32
      %dma_wait3A_243 = arith.constant 0 : i32
      %dma_wait3A_244 = arith.constant 0 : i32
      %dma_wait3A_245 = tpu.memref_slice %arg21[%dma_wait3A_241, %dma_wait3A_243, %dma_wait3A_244] : memref<8x128x32xf32, #tpu.memory_space<vmem>> -> memref<1x128x32xf32, #tpu.memory_space<vmem>>
      %dma_wait3A_246 = tpu.memref_squeeze %dma_wait3A_245 : memref<1x128x32xf32, #tpu.memory_space<vmem>> -> memref<128x32xf32, #tpu.memory_space<vmem>>
      %dma_wait3A_247 = arith.constant 0 : i32
      %dma_wait3A_248 = arith.constant 0 : i32
      %dma_wait3A_249 = tpu.memref_slice %arg3[%dma_wait3A_247, %dma_wait3A_248] : memref<10240x32xf32, #tpu.memory_space<hbm>> -> memref<128x32xf32, #tpu.memory_space<hbm>>
      %dma_wait3A_250 = tpu.memref_slice %arg22[%dma_wait3A_242] : memref<8x!tpu.dma_semaphore, #tpu.memory_space<semaphore_mem>> -> memref<1x!tpu.dma_semaphore, #tpu.memory_space<semaphore_mem>>
      %dma_wait3A_251 = tpu.memref_squeeze %dma_wait3A_250 : memref<1x!tpu.dma_semaphore, #tpu.memory_space<semaphore_mem>> -> memref<!tpu.dma_semaphore, #tpu.memory_space<semaphore_mem>>
      %dma_wait3A_252 = arith.constant 0 : i32
      %dma_wait3A_253 = arith.constant 0 : i32
      %dma_wait3A_254 = tpu.memref_slice %arg21[%dma_wait3A_241, %dma_wait3A_252, %dma_wait3A_253] : memref<8x128x32xf32, #tpu.memory_space<vmem>> -> memref<1x128x32xf32, #tpu.memory_space<vmem>>
      %dma_wait3A_255 = tpu.memref_squeeze %dma_wait3A_254 : memref<1x128x32xf32, #tpu.memory_space<vmem>> -> memref<128x32xf32, #tpu.memory_space<vmem>>
      %dma_wait3A_256 = arith.constant 0 : i32
      %dma_wait3A_257 = arith.constant 0 : i32
      %dma_wait3A_258 = tpu.memref_slice %arg3[%dma_wait3A_256, %dma_wait3A_257] : memref<10240x32xf32, #tpu.memory_space<hbm>> -> memref<128x32xf32, #tpu.memory_space<hbm>>
      tpu.wait_dma2 semaphore(%dma_wait3A_251 : memref<!tpu.dma_semaphore, #tpu.memory_space<semaphore_mem>>) src(%dma_wait3A_258 : memref<128x32xf32, #tpu.memory_space<hbm>>) dst(%dma_wait3A_255 : memref<128x32xf32, #tpu.memory_space<vmem>>)
      %run_scoped3A_259 = arith.constant 5 : i32
      "tpu.region"() ({
        %run_scoped3A_320 = tpu.sem_alloc : memref<!tpu.dma_semaphore, #tpu.memory_space<semaphore_mem>>
        %dma_start3A_321 = arith.constant 0 : i32
        %dma_start3A_322 = arith.constant 0 : i32
        %dma_start3A_323 = tpu.memref_slice %arg21[%run_scoped3A_259, %dma_start3A_321, %dma_start3A_322] : memref<8x128x32xf32, #tpu.memory_space<vmem>> -> memref<1x128x32xf32, #tpu.memory_space<vmem>>
        %dma_start3A_324 = tpu.memref_squeeze %dma_start3A_323 : memref<1x128x32xf32, #tpu.memory_space<vmem>> -> memref<128x32xf32, #tpu.memory_space<vmem>>
        %dma_start3A_325 = arith.constant 0 : i32
        %dma_start3A_326 = tpu.memref_slice %arg20[%add3A_233, %dma_start3A_325] : memref<80x128xi32, #tpu.memory_space<vmem>> -> memref<1x128xi32, #tpu.memory_space<vmem>>
        %dma_start3A_327 = tpu.memref_squeeze %dma_start3A_326 : memref<1x128xi32, #tpu.memory_space<vmem>> -> memref<128xi32, #tpu.memory_space<vmem>>
        %dma_start3A_328 = arith.constant 0 : i32
        %dma_start3A_329 = arith.constant 0 : i32
        %dma_start3A_330 = tpu.memref_slice %arg12[%dma_start3A_328, %dma_start3A_329] : memref<10240x32xf32, #tpu.memory_space<vmem_shared>> -> memref<10240x32xf32, #tpu.memory_space<vmem_shared>>
        tpu.enqueue_indirect_dma source(%dma_start3A_324 : memref<128x32xf32, #tpu.memory_space<vmem>>) target(%dma_start3A_330 : memref<10240x32xf32, #tpu.memory_space<vmem_shared>>) offsets(%dma_start3A_327 : memref<128xi32, #tpu.memory_space<vmem>>) semaphore(%run_scoped3A_320 : memref<!tpu.dma_semaphore, #tpu.memory_space<semaphore_mem>>) {add = true}
        %dma_wait3A_331 = arith.constant 0 : i32
        %dma_wait3A_332 = arith.constant 0 : i32
        %dma_wait3A_333 = tpu.memref_slice %arg21[%run_scoped3A_259, %dma_wait3A_331, %dma_wait3A_332] : memref<8x128x32xf32, #tpu.memory_space<vmem>> -> memref<1x128x32xf32, #tpu.memory_space<vmem>>
        %dma_wait3A_334 = tpu.memref_squeeze %dma_wait3A_333 : memref<1x128x32xf32, #tpu.memory_space<vmem>> -> memref<128x32xf32, #tpu.memory_space<vmem>>
        %dma_wait3A_335 = arith.constant 0 : i32
        %dma_wait3A_336 = tpu.memref_slice %arg20[%add3A_233, %dma_wait3A_335] : memref<80x128xi32, #tpu.memory_space<vmem>> -> memref<1x128xi32, #tpu.memory_space<vmem>>
        %dma_wait3A_337 = tpu.memref_squeeze %dma_wait3A_336 : memref<1x128xi32, #tpu.memory_space<vmem>> -> memref<128xi32, #tpu.memory_space<vmem>>
        %dma_wait3A_338 = arith.constant 0 : i32
        %dma_wait3A_339 = arith.constant 0 : i32
        %dma_wait3A_340 = tpu.memref_slice %arg12[%dma_wait3A_338, %dma_wait3A_339] : memref<10240x32xf32, #tpu.memory_space<vmem_shared>> -> memref<10240x32xf32, #tpu.memory_space<vmem_shared>>
        tpu.wait_indirect_dma semaphore(%run_scoped3A_320 : memref<!tpu.dma_semaphore, #tpu.memory_space<semaphore_mem>>) src(%dma_wait3A_334 : memref<128x32xf32, #tpu.memory_space<vmem>>) dst(%dma_wait3A_340 : memref<10240x32xf32, #tpu.memory_space<vmem_shared>>)
        tpu.yield
      }) : () -> ()
      %mul3A_260 = arith.constant 8 : i32
      %mul3A_261 = arith.muli %scan3A_82, %mul3A_260 : i32
      %add3A_262 = arith.constant 6 : i32
      %add3A_263 = arith.addi %mul3A_261, %add3A_262 : i32
      %add3A_264 = arith.constant 4 : i32
      %add3A_265 = arith.addi %add3A_263, %add3A_264 : i32
      %lt3A_266 = arith.constant 80 : i32
      %lt3A_267 = arith.cmpi slt, %add3A_265, %lt3A_266 : i32
      %convert_element_type3A_268 = arith.extui %lt3A_267 : i1 to i32
      %cond3A_269 = arith.constant 0 : i32
      %cond3A_270 = arith.cmpi ne, %convert_element_type3A_268, %cond3A_269 : i32
      scf.if %cond3A_270 {
        %add3A_320 = arith.constant 4 : i32
        %add3A_321 = arith.addi %add3A_263, %add3A_320 : i32
        %dma_start3A_322 = arith.constant 2 : i32
        %dma_start3A_323 = arith.constant 2 : i32
        %dma_start3A_324 = arith.constant 0 : i32
        %dma_start3A_325 = arith.constant 0 : i32
        %dma_start3A_326 = tpu.memref_slice %arg21[%dma_start3A_322, %dma_start3A_324, %dma_start3A_325] : memref<8x128x32xf32, #tpu.memory_space<vmem>> -> memref<1x128x32xf32, #tpu.memory_space<vmem>>
        %dma_start3A_327 = tpu.memref_squeeze %dma_start3A_326 : memref<1x128x32xf32, #tpu.memory_space<vmem>> -> memref<128x32xf32, #tpu.memory_space<vmem>>
        %dma_start3A_328 = arith.constant 0 : i32
        %dma_start3A_329 = tpu.memref_slice %arg19[%add3A_321, %dma_start3A_328] : memref<80x128xi32, #tpu.memory_space<vmem>> -> memref<1x128xi32, #tpu.memory_space<vmem>>
        %dma_start3A_330 = tpu.memref_squeeze %dma_start3A_329 : memref<1x128xi32, #tpu.memory_space<vmem>> -> memref<128xi32, #tpu.memory_space<vmem>>
        %dma_start3A_331 = arith.constant 0 : i32
        %dma_start3A_332 = arith.constant 0 : i32
        %dma_start3A_333 = tpu.memref_slice %arg11[%dma_start3A_331, %dma_start3A_332] : memref<10240x32xf32, #tpu.memory_space<vmem_shared>> -> memref<10240x32xf32, #tpu.memory_space<vmem_shared>>
        %dma_start3A_334 = tpu.memref_slice %arg22[%dma_start3A_323] : memref<8x!tpu.dma_semaphore, #tpu.memory_space<semaphore_mem>> -> memref<1x!tpu.dma_semaphore, #tpu.memory_space<semaphore_mem>>
        %dma_start3A_335 = tpu.memref_squeeze %dma_start3A_334 : memref<1x!tpu.dma_semaphore, #tpu.memory_space<semaphore_mem>> -> memref<!tpu.dma_semaphore, #tpu.memory_space<semaphore_mem>>
        tpu.enqueue_indirect_dma source(%dma_start3A_333 : memref<10240x32xf32, #tpu.memory_space<vmem_shared>>) target(%dma_start3A_327 : memref<128x32xf32, #tpu.memory_space<vmem>>) offsets(%dma_start3A_330 : memref<128xi32, #tpu.memory_space<vmem>>) semaphore(%dma_start3A_335 : memref<!tpu.dma_semaphore, #tpu.memory_space<semaphore_mem>>)
      } else {
      }
      %dma_wait3A_271 = arith.constant 6 : i32
      %dma_wait3A_272 = arith.constant 6 : i32
      %dma_wait3A_273 = arith.constant 0 : i32
      %dma_wait3A_274 = arith.constant 0 : i32
      %dma_wait3A_275 = tpu.memref_slice %arg21[%dma_wait3A_271, %dma_wait3A_273, %dma_wait3A_274] : memref<8x128x32xf32, #tpu.memory_space<vmem>> -> memref<1x128x32xf32, #tpu.memory_space<vmem>>
      %dma_wait3A_276 = tpu.memref_squeeze %dma_wait3A_275 : memref<1x128x32xf32, #tpu.memory_space<vmem>> -> memref<128x32xf32, #tpu.memory_space<vmem>>
      %dma_wait3A_277 = arith.constant 0 : i32
      %dma_wait3A_278 = arith.constant 0 : i32
      %dma_wait3A_279 = tpu.memref_slice %arg3[%dma_wait3A_277, %dma_wait3A_278] : memref<10240x32xf32, #tpu.memory_space<hbm>> -> memref<128x32xf32, #tpu.memory_space<hbm>>
      %dma_wait3A_280 = tpu.memref_slice %arg22[%dma_wait3A_272] : memref<8x!tpu.dma_semaphore, #tpu.memory_space<semaphore_mem>> -> memref<1x!tpu.dma_semaphore, #tpu.memory_space<semaphore_mem>>
      %dma_wait3A_281 = tpu.memref_squeeze %dma_wait3A_280 : memref<1x!tpu.dma_semaphore, #tpu.memory_space<semaphore_mem>> -> memref<!tpu.dma_semaphore, #tpu.memory_space<semaphore_mem>>
      %dma_wait3A_282 = arith.constant 0 : i32
      %dma_wait3A_283 = arith.constant 0 : i32
      %dma_wait3A_284 = tpu.memref_slice %arg21[%dma_wait3A_271, %dma_wait3A_282, %dma_wait3A_283] : memref<8x128x32xf32, #tpu.memory_space<vmem>> -> memref<1x128x32xf32, #tpu.memory_space<vmem>>
      %dma_wait3A_285 = tpu.memref_squeeze %dma_wait3A_284 : memref<1x128x32xf32, #tpu.memory_space<vmem>> -> memref<128x32xf32, #tpu.memory_space<vmem>>
      %dma_wait3A_286 = arith.constant 0 : i32
      %dma_wait3A_287 = arith.constant 0 : i32
      %dma_wait3A_288 = tpu.memref_slice %arg3[%dma_wait3A_286, %dma_wait3A_287] : memref<10240x32xf32, #tpu.memory_space<hbm>> -> memref<128x32xf32, #tpu.memory_space<hbm>>
      tpu.wait_dma2 semaphore(%dma_wait3A_281 : memref<!tpu.dma_semaphore, #tpu.memory_space<semaphore_mem>>) src(%dma_wait3A_288 : memref<128x32xf32, #tpu.memory_space<hbm>>) dst(%dma_wait3A_285 : memref<128x32xf32, #tpu.memory_space<vmem>>)
      %run_scoped3A_289 = arith.constant 6 : i32
      "tpu.region"() ({
        %run_scoped3A_320 = tpu.sem_alloc : memref<!tpu.dma_semaphore, #tpu.memory_space<semaphore_mem>>
        %dma_start3A_321 = arith.constant 0 : i32
        %dma_start3A_322 = arith.constant 0 : i32
        %dma_start3A_323 = tpu.memref_slice %arg21[%run_scoped3A_289, %dma_start3A_321, %dma_start3A_322] : memref<8x128x32xf32, #tpu.memory_space<vmem>> -> memref<1x128x32xf32, #tpu.memory_space<vmem>>
        %dma_start3A_324 = tpu.memref_squeeze %dma_start3A_323 : memref<1x128x32xf32, #tpu.memory_space<vmem>> -> memref<128x32xf32, #tpu.memory_space<vmem>>
        %dma_start3A_325 = arith.constant 0 : i32
        %dma_start3A_326 = tpu.memref_slice %arg20[%add3A_263, %dma_start3A_325] : memref<80x128xi32, #tpu.memory_space<vmem>> -> memref<1x128xi32, #tpu.memory_space<vmem>>
        %dma_start3A_327 = tpu.memref_squeeze %dma_start3A_326 : memref<1x128xi32, #tpu.memory_space<vmem>> -> memref<128xi32, #tpu.memory_space<vmem>>
        %dma_start3A_328 = arith.constant 0 : i32
        %dma_start3A_329 = arith.constant 0 : i32
        %dma_start3A_330 = tpu.memref_slice %arg12[%dma_start3A_328, %dma_start3A_329] : memref<10240x32xf32, #tpu.memory_space<vmem_shared>> -> memref<10240x32xf32, #tpu.memory_space<vmem_shared>>
        tpu.enqueue_indirect_dma source(%dma_start3A_324 : memref<128x32xf32, #tpu.memory_space<vmem>>) target(%dma_start3A_330 : memref<10240x32xf32, #tpu.memory_space<vmem_shared>>) offsets(%dma_start3A_327 : memref<128xi32, #tpu.memory_space<vmem>>) semaphore(%run_scoped3A_320 : memref<!tpu.dma_semaphore, #tpu.memory_space<semaphore_mem>>) {add = true}
        %dma_wait3A_331 = arith.constant 0 : i32
        %dma_wait3A_332 = arith.constant 0 : i32
        %dma_wait3A_333 = tpu.memref_slice %arg21[%run_scoped3A_289, %dma_wait3A_331, %dma_wait3A_332] : memref<8x128x32xf32, #tpu.memory_space<vmem>> -> memref<1x128x32xf32, #tpu.memory_space<vmem>>
        %dma_wait3A_334 = tpu.memref_squeeze %dma_wait3A_333 : memref<1x128x32xf32, #tpu.memory_space<vmem>> -> memref<128x32xf32, #tpu.memory_space<vmem>>
        %dma_wait3A_335 = arith.constant 0 : i32
        %dma_wait3A_336 = tpu.memref_slice %arg20[%add3A_263, %dma_wait3A_335] : memref<80x128xi32, #tpu.memory_space<vmem>> -> memref<1x128xi32, #tpu.memory_space<vmem>>
        %dma_wait3A_337 = tpu.memref_squeeze %dma_wait3A_336 : memref<1x128xi32, #tpu.memory_space<vmem>> -> memref<128xi32, #tpu.memory_space<vmem>>
        %dma_wait3A_338 = arith.constant 0 : i32
        %dma_wait3A_339 = arith.constant 0 : i32
        %dma_wait3A_340 = tpu.memref_slice %arg12[%dma_wait3A_338, %dma_wait3A_339] : memref<10240x32xf32, #tpu.memory_space<vmem_shared>> -> memref<10240x32xf32, #tpu.memory_space<vmem_shared>>
        tpu.wait_indirect_dma semaphore(%run_scoped3A_320 : memref<!tpu.dma_semaphore, #tpu.memory_space<semaphore_mem>>) src(%dma_wait3A_334 : memref<128x32xf32, #tpu.memory_space<vmem>>) dst(%dma_wait3A_340 : memref<10240x32xf32, #tpu.memory_space<vmem_shared>>)
        tpu.yield
      }) : () -> ()
      %mul3A_290 = arith.constant 8 : i32
      %mul3A_291 = arith.muli %scan3A_82, %mul3A_290 : i32
      %add3A_292 = arith.constant 7 : i32
      %add3A_293 = arith.addi %mul3A_291, %add3A_292 : i32
      %add3A_294 = arith.constant 4 : i32
      %add3A_295 = arith.addi %add3A_293, %add3A_294 : i32
      %lt3A_296 = arith.constant 80 : i32
      %lt3A_297 = arith.cmpi slt, %add3A_295, %lt3A_296 : i32
      %convert_element_type3A_298 = arith.extui %lt3A_297 : i1 to i32
      %cond3A_299 = arith.constant 0 : i32
      %cond3A_300 = arith.cmpi ne, %convert_element_type3A_298, %cond3A_299 : i32
      scf.if %cond3A_300 {
        %add3A_320 = arith.constant 4 : i32
        %add3A_321 = arith.addi %add3A_293, %add3A_320 : i32
        %dma_start3A_322 = arith.constant 3 : i32
        %dma_start3A_323 = arith.constant 3 : i32
        %dma_start3A_324 = arith.constant 0 : i32
        %dma_start3A_325 = arith.constant 0 : i32
        %dma_start3A_326 = tpu.memref_slice %arg21[%dma_start3A_322, %dma_start3A_324, %dma_start3A_325] : memref<8x128x32xf32, #tpu.memory_space<vmem>> -> memref<1x128x32xf32, #tpu.memory_space<vmem>>
        %dma_start3A_327 = tpu.memref_squeeze %dma_start3A_326 : memref<1x128x32xf32, #tpu.memory_space<vmem>> -> memref<128x32xf32, #tpu.memory_space<vmem>>
        %dma_start3A_328 = arith.constant 0 : i32
        %dma_start3A_329 = tpu.memref_slice %arg19[%add3A_321, %dma_start3A_328] : memref<80x128xi32, #tpu.memory_space<vmem>> -> memref<1x128xi32, #tpu.memory_space<vmem>>
        %dma_start3A_330 = tpu.memref_squeeze %dma_start3A_329 : memref<1x128xi32, #tpu.memory_space<vmem>> -> memref<128xi32, #tpu.memory_space<vmem>>
        %dma_start3A_331 = arith.constant 0 : i32
        %dma_start3A_332 = arith.constant 0 : i32
        %dma_start3A_333 = tpu.memref_slice %arg11[%dma_start3A_331, %dma_start3A_332] : memref<10240x32xf32, #tpu.memory_space<vmem_shared>> -> memref<10240x32xf32, #tpu.memory_space<vmem_shared>>
        %dma_start3A_334 = tpu.memref_slice %arg22[%dma_start3A_323] : memref<8x!tpu.dma_semaphore, #tpu.memory_space<semaphore_mem>> -> memref<1x!tpu.dma_semaphore, #tpu.memory_space<semaphore_mem>>
        %dma_start3A_335 = tpu.memref_squeeze %dma_start3A_334 : memref<1x!tpu.dma_semaphore, #tpu.memory_space<semaphore_mem>> -> memref<!tpu.dma_semaphore, #tpu.memory_space<semaphore_mem>>
        tpu.enqueue_indirect_dma source(%dma_start3A_333 : memref<10240x32xf32, #tpu.memory_space<vmem_shared>>) target(%dma_start3A_327 : memref<128x32xf32, #tpu.memory_space<vmem>>) offsets(%dma_start3A_330 : memref<128xi32, #tpu.memory_space<vmem>>) semaphore(%dma_start3A_335 : memref<!tpu.dma_semaphore, #tpu.memory_space<semaphore_mem>>)
      } else {
      }
      %dma_wait3A_301 = arith.constant 7 : i32
      %dma_wait3A_302 = arith.constant 7 : i32
      %dma_wait3A_303 = arith.constant 0 : i32
      %dma_wait3A_304 = arith.constant 0 : i32
      %dma_wait3A_305 = tpu.memref_slice %arg21[%dma_wait3A_301, %dma_wait3A_303, %dma_wait3A_304] : memref<8x128x32xf32, #tpu.memory_space<vmem>> -> memref<1x128x32xf32, #tpu.memory_space<vmem>>
      %dma_wait3A_306 = tpu.memref_squeeze %dma_wait3A_305 : memref<1x128x32xf32, #tpu.memory_space<vmem>> -> memref<128x32xf32, #tpu.memory_space<vmem>>
      %dma_wait3A_307 = arith.constant 0 : i32
      %dma_wait3A_308 = arith.constant 0 : i32
      %dma_wait3A_309 = tpu.memref_slice %arg3[%dma_wait3A_307, %dma_wait3A_308] : memref<10240x32xf32, #tpu.memory_space<hbm>> -> memref<128x32xf32, #tpu.memory_space<hbm>>
      %dma_wait3A_310 = tpu.memref_slice %arg22[%dma_wait3A_302] : memref<8x!tpu.dma_semaphore, #tpu.memory_space<semaphore_mem>> -> memref<1x!tpu.dma_semaphore, #tpu.memory_space<semaphore_mem>>
      %dma_wait3A_311 = tpu.memref_squeeze %dma_wait3A_310 : memref<1x!tpu.dma_semaphore, #tpu.memory_space<semaphore_mem>> -> memref<!tpu.dma_semaphore, #tpu.memory_space<semaphore_mem>>
      %dma_wait3A_312 = arith.constant 0 : i32
      %dma_wait3A_313 = arith.constant 0 : i32
      %dma_wait3A_314 = tpu.memref_slice %arg21[%dma_wait3A_301, %dma_wait3A_312, %dma_wait3A_313] : memref<8x128x32xf32, #tpu.memory_space<vmem>> -> memref<1x128x32xf32, #tpu.memory_space<vmem>>
      %dma_wait3A_315 = tpu.memref_squeeze %dma_wait3A_314 : memref<1x128x32xf32, #tpu.memory_space<vmem>> -> memref<128x32xf32, #tpu.memory_space<vmem>>
      %dma_wait3A_316 = arith.constant 0 : i32
      %dma_wait3A_317 = arith.constant 0 : i32
      %dma_wait3A_318 = tpu.memref_slice %arg3[%dma_wait3A_316, %dma_wait3A_317] : memref<10240x32xf32, #tpu.memory_space<hbm>> -> memref<128x32xf32, #tpu.memory_space<hbm>>
      tpu.wait_dma2 semaphore(%dma_wait3A_311 : memref<!tpu.dma_semaphore, #tpu.memory_space<semaphore_mem>>) src(%dma_wait3A_318 : memref<128x32xf32, #tpu.memory_space<hbm>>) dst(%dma_wait3A_315 : memref<128x32xf32, #tpu.memory_space<vmem>>)
      %run_scoped3A_319 = arith.constant 7 : i32
      "tpu.region"() ({
        %run_scoped3A_320 = tpu.sem_alloc : memref<!tpu.dma_semaphore, #tpu.memory_space<semaphore_mem>>
        %dma_start3A_321 = arith.constant 0 : i32
        %dma_start3A_322 = arith.constant 0 : i32
        %dma_start3A_323 = tpu.memref_slice %arg21[%run_scoped3A_319, %dma_start3A_321, %dma_start3A_322] : memref<8x128x32xf32, #tpu.memory_space<vmem>> -> memref<1x128x32xf32, #tpu.memory_space<vmem>>
        %dma_start3A_324 = tpu.memref_squeeze %dma_start3A_323 : memref<1x128x32xf32, #tpu.memory_space<vmem>> -> memref<128x32xf32, #tpu.memory_space<vmem>>
        %dma_start3A_325 = arith.constant 0 : i32
        %dma_start3A_326 = tpu.memref_slice %arg20[%add3A_293, %dma_start3A_325] : memref<80x128xi32, #tpu.memory_space<vmem>> -> memref<1x128xi32, #tpu.memory_space<vmem>>
        %dma_start3A_327 = tpu.memref_squeeze %dma_start3A_326 : memref<1x128xi32, #tpu.memory_space<vmem>> -> memref<128xi32, #tpu.memory_space<vmem>>
        %dma_start3A_328 = arith.constant 0 : i32
        %dma_start3A_329 = arith.constant 0 : i32
        %dma_start3A_330 = tpu.memref_slice %arg12[%dma_start3A_328, %dma_start3A_329] : memref<10240x32xf32, #tpu.memory_space<vmem_shared>> -> memref<10240x32xf32, #tpu.memory_space<vmem_shared>>
        tpu.enqueue_indirect_dma source(%dma_start3A_324 : memref<128x32xf32, #tpu.memory_space<vmem>>) target(%dma_start3A_330 : memref<10240x32xf32, #tpu.memory_space<vmem_shared>>) offsets(%dma_start3A_327 : memref<128xi32, #tpu.memory_space<vmem>>) semaphore(%run_scoped3A_320 : memref<!tpu.dma_semaphore, #tpu.memory_space<semaphore_mem>>) {add = true}
        %dma_wait3A_331 = arith.constant 0 : i32
        %dma_wait3A_332 = arith.constant 0 : i32
        %dma_wait3A_333 = tpu.memref_slice %arg21[%run_scoped3A_319, %dma_wait3A_331, %dma_wait3A_332] : memref<8x128x32xf32, #tpu.memory_space<vmem>> -> memref<1x128x32xf32, #tpu.memory_space<vmem>>
        %dma_wait3A_334 = tpu.memref_squeeze %dma_wait3A_333 : memref<1x128x32xf32, #tpu.memory_space<vmem>> -> memref<128x32xf32, #tpu.memory_space<vmem>>
        %dma_wait3A_335 = arith.constant 0 : i32
        %dma_wait3A_336 = tpu.memref_slice %arg20[%add3A_293, %dma_wait3A_335] : memref<80x128xi32, #tpu.memory_space<vmem>> -> memref<1x128xi32, #tpu.memory_space<vmem>>
        %dma_wait3A_337 = tpu.memref_squeeze %dma_wait3A_336 : memref<1x128xi32, #tpu.memory_space<vmem>> -> memref<128xi32, #tpu.memory_space<vmem>>
        %dma_wait3A_338 = arith.constant 0 : i32
        %dma_wait3A_339 = arith.constant 0 : i32
        %dma_wait3A_340 = tpu.memref_slice %arg12[%dma_wait3A_338, %dma_wait3A_339] : memref<10240x32xf32, #tpu.memory_space<vmem_shared>> -> memref<10240x32xf32, #tpu.memory_space<vmem_shared>>
        tpu.wait_indirect_dma semaphore(%run_scoped3A_320 : memref<!tpu.dma_semaphore, #tpu.memory_space<semaphore_mem>>) src(%dma_wait3A_334 : memref<128x32xf32, #tpu.memory_space<vmem>>) dst(%dma_wait3A_340 : memref<10240x32xf32, #tpu.memory_space<vmem_shared>>)
        tpu.yield
      }) : () -> ()
    }
    %scan3A_74 = arith.constant 10 : i32
    %barrier3A_75 = arith.constant 0 : index
    tpu.barrier barrier_id(%barrier3A_75)
    %mul3A_76 = arith.constant 640 : i32
    %mul3A_77 = arith.muli %arg1, %mul3A_76 : i32
    %mul3A_78 = arith.constant 640 : i32
    %mul3A_79 = arith.muli %arg1, %mul3A_78 : i32
    "tpu.region"() ({
      %run_scoped3A = tpu.sem_alloc : memref<!tpu.dma_semaphore, #tpu.memory_space<semaphore_mem>>
      %dma_start3A_82 = arith.constant 0 : i32
      %dma_start3A_83 = arith.constant 0 : i32
      %dma_start3A_84 = tpu.memref_slice %arg9[%arg0, %dma_start3A_82, %dma_start3A_83] : memref<2x10240x32xf32, #tpu.memory_space<hbm>> -> memref<1x10240x32xf32, #tpu.memory_space<hbm>>
      %dma_start3A_85 = tpu.memref_squeeze %dma_start3A_84 : memref<1x10240x32xf32, #tpu.memory_space<hbm>> -> memref<10240x32xf32, #tpu.memory_space<hbm>>
      %dma_start3A_86 = arith.constant 0 : i32
      %dma_start3A_87 = tpu.memref_slice %dma_start3A_85[%mul3A_79, %dma_start3A_86] : memref<10240x32xf32, #tpu.memory_space<hbm>> -> memref<640x32xf32, #tpu.memory_space<hbm>>
      %dma_start3A_88 = arith.constant 0 : i32
      %dma_start3A_89 = tpu.memref_slice %arg12[%mul3A_77, %dma_start3A_88] : memref<10240x32xf32, #tpu.memory_space<vmem_shared>> -> memref<640x32xf32, #tpu.memory_space<vmem_shared>>
      tpu.enqueue_dma source(%dma_start3A_89 : memref<640x32xf32, #tpu.memory_space<vmem_shared>>) target(%dma_start3A_87 : memref<640x32xf32, #tpu.memory_space<hbm>>) target_semaphore(%run_scoped3A : memref<!tpu.dma_semaphore, #tpu.memory_space<semaphore_mem>>)
      %dma_wait3A = arith.constant 0 : i32
      %dma_wait3A_90 = arith.constant 0 : i32
      %dma_wait3A_91 = tpu.memref_slice %arg9[%arg0, %dma_wait3A, %dma_wait3A_90] : memref<2x10240x32xf32, #tpu.memory_space<hbm>> -> memref<1x10240x32xf32, #tpu.memory_space<hbm>>
      %dma_wait3A_92 = tpu.memref_squeeze %dma_wait3A_91 : memref<1x10240x32xf32, #tpu.memory_space<hbm>> -> memref<10240x32xf32, #tpu.memory_space<hbm>>
      %dma_wait3A_93 = arith.constant 0 : i32
      %dma_wait3A_94 = tpu.memref_slice %dma_wait3A_92[%mul3A_79, %dma_wait3A_93] : memref<10240x32xf32, #tpu.memory_space<hbm>> -> memref<640x32xf32, #tpu.memory_space<hbm>>
      %dma_wait3A_95 = arith.constant 0 : i32
      %dma_wait3A_96 = tpu.memref_slice %arg12[%mul3A_77, %dma_wait3A_95] : memref<10240x32xf32, #tpu.memory_space<vmem_shared>> -> memref<640x32xf32, #tpu.memory_space<vmem_shared>>
      tpu.wait_dma2 semaphore(%run_scoped3A : memref<!tpu.dma_semaphore, #tpu.memory_space<semaphore_mem>>) src(%dma_wait3A_96 : memref<640x32xf32, #tpu.memory_space<vmem_shared>>) dst(%dma_wait3A_94 : memref<640x32xf32, #tpu.memory_space<hbm>>)
      tpu.yield
    }) : () -> ()
    %eq3A = arith.constant 0 : i32
    %eq3A_80 = arith.cmpi eq, %arg0, %eq3A : i32
    %convert_element_type3A = arith.extui %eq3A_80 : i1 to i32
    %cond3A = arith.constant 0 : i32
    %cond3A_81 = arith.cmpi ne, %convert_element_type3A, %cond3A : i32
    scf.if %cond3A_81 {
      %mul3A_82 = arith.constant 640 : i32
      %mul3A_83 = arith.muli %arg1, %mul3A_82 : i32
      %mul3A_84 = arith.constant 640 : i32
      %mul3A_85 = arith.muli %arg1, %mul3A_84 : i32
      "tpu.region"() ({
        %run_scoped3A = tpu.sem_alloc : memref<!tpu.dma_semaphore, #tpu.memory_space<semaphore_mem>>
        %dma_start3A_86 = arith.constant 0 : i32
        %dma_start3A_87 = tpu.memref_slice %arg10[%mul3A_85, %dma_start3A_86] : memref<10240x32xf32, #tpu.memory_space<hbm>> -> memref<640x32xf32, #tpu.memory_space<hbm>>
        %dma_start3A_88 = arith.constant 0 : i32
        %dma_start3A_89 = tpu.memref_slice %arg11[%mul3A_83, %dma_start3A_88] : memref<10240x32xf32, #tpu.memory_space<vmem_shared>> -> memref<640x32xf32, #tpu.memory_space<vmem_shared>>
        tpu.enqueue_dma source(%dma_start3A_89 : memref<640x32xf32, #tpu.memory_space<vmem_shared>>) target(%dma_start3A_87 : memref<640x32xf32, #tpu.memory_space<hbm>>) target_semaphore(%run_scoped3A : memref<!tpu.dma_semaphore, #tpu.memory_space<semaphore_mem>>)
        %dma_wait3A = arith.constant 0 : i32
        %dma_wait3A_90 = tpu.memref_slice %arg10[%mul3A_85, %dma_wait3A] : memref<10240x32xf32, #tpu.memory_space<hbm>> -> memref<640x32xf32, #tpu.memory_space<hbm>>
        %dma_wait3A_91 = arith.constant 0 : i32
        %dma_wait3A_92 = tpu.memref_slice %arg11[%mul3A_83, %dma_wait3A_91] : memref<10240x32xf32, #tpu.memory_space<vmem_shared>> -> memref<640x32xf32, #tpu.memory_space<vmem_shared>>
        tpu.wait_dma2 semaphore(%run_scoped3A : memref<!tpu.dma_semaphore, #tpu.memory_space<semaphore_mem>>) src(%dma_wait3A_92 : memref<640x32xf32, #tpu.memory_space<vmem_shared>>) dst(%dma_wait3A_90 : memref<640x32xf32, #tpu.memory_space<hbm>>)
        tpu.yield
      }) : () -> ()
    } else {
    }
    return
  }
}

#map = affine_map<(d0, d1) -> (0, 0)>
#map1 = affine_map<(d0, d1) -> (0, 0, 0)>
module attributes {stable_mosaic.version = 14 : i64} {
  func.func @_msg_kernel(%arg0: i32, %arg1: i32, %arg2: memref<10240x32xf32, #tpu.memory_space<hbm>>, %arg3: memref<32x80x128xi32, #tpu.memory_space<hbm>>, %arg4: memref<32x80x128xi32, #tpu.memory_space<hbm>>, %arg5: memref<10240x32xf32, #tpu.memory_space<hbm>>, %arg6: memref<2x10240x32xf32, #tpu.memory_space<hbm>>, %arg7: memref<10240x32xf32, #tpu.memory_space<vmem_shared>>, %arg8: memref<80x128xi32, #tpu.memory_space<vmem>>, %arg9: memref<80x128xi32, #tpu.memory_space<vmem>>, %arg10: memref<16x128x32xf32, #tpu.memory_space<vmem>>, %arg11: memref<16x!tpu.dma_semaphore, #tpu.memory_space<semaphore_mem>>) attributes {dimension_semantics = [#tpu.dimension_semantics<core_parallel>, #tpu.dimension_semantics<subcore_parallel>], iteration_bounds = array<i64: 2, 16>, scalar_prefetch = 0 : i64, scratch_operands = 5 : i64, tpu.core_type = #tpu.core_type<sc_vector_subcore>, window_params = [{transform_indices = #map}, {transform_indices = #map1}, {transform_indices = #map1}, {transform_indices = #map}, {transform_indices = #map1}]} {
    %mul3A = arith.constant 16 : i32
    %mul3A_0 = arith.muli %arg0, %mul3A : i32
    %add3A = arith.addi %mul3A_0, %arg1 : i32
    %mul3A_1 = arith.constant 640 : i32
    %mul3A_2 = arith.muli %arg1, %mul3A_1 : i32
    %mul3A_3 = arith.constant 640 : i32
    %mul3A_4 = arith.muli %arg1, %mul3A_3 : i32
    "tpu.region"() ({
      %run_scoped3A = tpu.sem_alloc : memref<!tpu.dma_semaphore, #tpu.memory_space<semaphore_mem>>
      %dma_start3A_134 = arith.constant 0 : i32
      %dma_start3A_135 = tpu.memref_slice %arg7[%mul3A_4, %dma_start3A_134] : memref<10240x32xf32, #tpu.memory_space<vmem_shared>> -> memref<640x32xf32, #tpu.memory_space<vmem_shared>>
      %dma_start3A_136 = arith.constant 0 : i32
      %dma_start3A_137 = tpu.memref_slice %arg5[%mul3A_2, %dma_start3A_136] : memref<10240x32xf32, #tpu.memory_space<hbm>> -> memref<640x32xf32, #tpu.memory_space<hbm>>
      tpu.enqueue_dma source(%dma_start3A_137 : memref<640x32xf32, #tpu.memory_space<hbm>>) target(%dma_start3A_135 : memref<640x32xf32, #tpu.memory_space<vmem_shared>>) target_semaphore(%run_scoped3A : memref<!tpu.dma_semaphore, #tpu.memory_space<semaphore_mem>>)
      %dma_wait3A = arith.constant 0 : i32
      %dma_wait3A_138 = tpu.memref_slice %arg7[%mul3A_4, %dma_wait3A] : memref<10240x32xf32, #tpu.memory_space<vmem_shared>> -> memref<640x32xf32, #tpu.memory_space<vmem_shared>>
      %dma_wait3A_139 = arith.constant 0 : i32
      %dma_wait3A_140 = tpu.memref_slice %arg5[%mul3A_2, %dma_wait3A_139] : memref<10240x32xf32, #tpu.memory_space<hbm>> -> memref<640x32xf32, #tpu.memory_space<hbm>>
      tpu.wait_dma2 semaphore(%run_scoped3A : memref<!tpu.dma_semaphore, #tpu.memory_space<semaphore_mem>>) src(%dma_wait3A_140 : memref<640x32xf32, #tpu.memory_space<hbm>>) dst(%dma_wait3A_138 : memref<640x32xf32, #tpu.memory_space<vmem_shared>>)
      tpu.yield
    }) : () -> ()
    "tpu.region"() ({
      %run_scoped3A = tpu.sem_alloc : memref<!tpu.dma_semaphore, #tpu.memory_space<semaphore_mem>>
      %dma_start3A_134 = arith.constant 0 : i32
      %dma_start3A_135 = arith.constant 0 : i32
      %dma_start3A_136 = tpu.memref_slice %arg3[%add3A, %dma_start3A_134, %dma_start3A_135] : memref<32x80x128xi32, #tpu.memory_space<hbm>> -> memref<1x80x128xi32, #tpu.memory_space<hbm>>
      %dma_start3A_137 = tpu.memref_squeeze %dma_start3A_136 : memref<1x80x128xi32, #tpu.memory_space<hbm>> -> memref<80x128xi32, #tpu.memory_space<hbm>>
      %dma_start3A_138 = arith.constant 0 : i32
      %dma_start3A_139 = arith.constant 0 : i32
      %dma_start3A_140 = tpu.memref_slice %arg3[%add3A, %dma_start3A_138, %dma_start3A_139] : memref<32x80x128xi32, #tpu.memory_space<hbm>> -> memref<1x80x128xi32, #tpu.memory_space<hbm>>
      %dma_start3A_141 = tpu.memref_squeeze %dma_start3A_140 : memref<1x80x128xi32, #tpu.memory_space<hbm>> -> memref<80x128xi32, #tpu.memory_space<hbm>>
      tpu.enqueue_dma source(%dma_start3A_141 : memref<80x128xi32, #tpu.memory_space<hbm>>) target(%arg8 : memref<80x128xi32, #tpu.memory_space<vmem>>) target_semaphore(%run_scoped3A : memref<!tpu.dma_semaphore, #tpu.memory_space<semaphore_mem>>)
      %dma_wait3A = arith.constant 0 : i32
      %dma_wait3A_142 = arith.constant 0 : i32
      %dma_wait3A_143 = tpu.memref_slice %arg3[%add3A, %dma_wait3A, %dma_wait3A_142] : memref<32x80x128xi32, #tpu.memory_space<hbm>> -> memref<1x80x128xi32, #tpu.memory_space<hbm>>
      %dma_wait3A_144 = tpu.memref_squeeze %dma_wait3A_143 : memref<1x80x128xi32, #tpu.memory_space<hbm>> -> memref<80x128xi32, #tpu.memory_space<hbm>>
      %dma_wait3A_145 = arith.constant 0 : i32
      %dma_wait3A_146 = arith.constant 0 : i32
      %dma_wait3A_147 = tpu.memref_slice %arg3[%add3A, %dma_wait3A_145, %dma_wait3A_146] : memref<32x80x128xi32, #tpu.memory_space<hbm>> -> memref<1x80x128xi32, #tpu.memory_space<hbm>>
      %dma_wait3A_148 = tpu.memref_squeeze %dma_wait3A_147 : memref<1x80x128xi32, #tpu.memory_space<hbm>> -> memref<80x128xi32, #tpu.memory_space<hbm>>
      tpu.wait_dma2 semaphore(%run_scoped3A : memref<!tpu.dma_semaphore, #tpu.memory_space<semaphore_mem>>) src(%dma_wait3A_148 : memref<80x128xi32, #tpu.memory_space<hbm>>) dst(%arg8 : memref<80x128xi32, #tpu.memory_space<vmem>>)
      tpu.yield
    }) : () -> ()
    "tpu.region"() ({
      %run_scoped3A = tpu.sem_alloc : memref<!tpu.dma_semaphore, #tpu.memory_space<semaphore_mem>>
      %dma_start3A_134 = arith.constant 0 : i32
      %dma_start3A_135 = arith.constant 0 : i32
      %dma_start3A_136 = tpu.memref_slice %arg4[%add3A, %dma_start3A_134, %dma_start3A_135] : memref<32x80x128xi32, #tpu.memory_space<hbm>> -> memref<1x80x128xi32, #tpu.memory_space<hbm>>
      %dma_start3A_137 = tpu.memref_squeeze %dma_start3A_136 : memref<1x80x128xi32, #tpu.memory_space<hbm>> -> memref<80x128xi32, #tpu.memory_space<hbm>>
      %dma_start3A_138 = arith.constant 0 : i32
      %dma_start3A_139 = arith.constant 0 : i32
      %dma_start3A_140 = tpu.memref_slice %arg4[%add3A, %dma_start3A_138, %dma_start3A_139] : memref<32x80x128xi32, #tpu.memory_space<hbm>> -> memref<1x80x128xi32, #tpu.memory_space<hbm>>
      %dma_start3A_141 = tpu.memref_squeeze %dma_start3A_140 : memref<1x80x128xi32, #tpu.memory_space<hbm>> -> memref<80x128xi32, #tpu.memory_space<hbm>>
      tpu.enqueue_dma source(%dma_start3A_141 : memref<80x128xi32, #tpu.memory_space<hbm>>) target(%arg9 : memref<80x128xi32, #tpu.memory_space<vmem>>) target_semaphore(%run_scoped3A : memref<!tpu.dma_semaphore, #tpu.memory_space<semaphore_mem>>)
      %dma_wait3A = arith.constant 0 : i32
      %dma_wait3A_142 = arith.constant 0 : i32
      %dma_wait3A_143 = tpu.memref_slice %arg4[%add3A, %dma_wait3A, %dma_wait3A_142] : memref<32x80x128xi32, #tpu.memory_space<hbm>> -> memref<1x80x128xi32, #tpu.memory_space<hbm>>
      %dma_wait3A_144 = tpu.memref_squeeze %dma_wait3A_143 : memref<1x80x128xi32, #tpu.memory_space<hbm>> -> memref<80x128xi32, #tpu.memory_space<hbm>>
      %dma_wait3A_145 = arith.constant 0 : i32
      %dma_wait3A_146 = arith.constant 0 : i32
      %dma_wait3A_147 = tpu.memref_slice %arg4[%add3A, %dma_wait3A_145, %dma_wait3A_146] : memref<32x80x128xi32, #tpu.memory_space<hbm>> -> memref<1x80x128xi32, #tpu.memory_space<hbm>>
      %dma_wait3A_148 = tpu.memref_squeeze %dma_wait3A_147 : memref<1x80x128xi32, #tpu.memory_space<hbm>> -> memref<80x128xi32, #tpu.memory_space<hbm>>
      tpu.wait_dma2 semaphore(%run_scoped3A : memref<!tpu.dma_semaphore, #tpu.memory_space<semaphore_mem>>) src(%dma_wait3A_148 : memref<80x128xi32, #tpu.memory_space<hbm>>) dst(%arg9 : memref<80x128xi32, #tpu.memory_space<vmem>>)
      tpu.yield
    }) : () -> ()
    %barrier3A = arith.constant 0 : index
    tpu.barrier barrier_id(%barrier3A)
    %dma_start3A = arith.constant 0 : i32
    %dma_start3A_5 = arith.constant 0 : i32
    %dma_start3A_6 = arith.constant 0 : i32
    %dma_start3A_7 = arith.constant 0 : i32
    %dma_start3A_8 = arith.constant 0 : i32
    %dma_start3A_9 = tpu.memref_slice %arg10[%dma_start3A_5, %dma_start3A_7, %dma_start3A_8] : memref<16x128x32xf32, #tpu.memory_space<vmem>> -> memref<1x128x32xf32, #tpu.memory_space<vmem>>
    %dma_start3A_10 = tpu.memref_squeeze %dma_start3A_9 : memref<1x128x32xf32, #tpu.memory_space<vmem>> -> memref<128x32xf32, #tpu.memory_space<vmem>>
    %dma_start3A_11 = arith.constant 0 : i32
    %dma_start3A_12 = tpu.memref_slice %arg8[%dma_start3A, %dma_start3A_11] : memref<80x128xi32, #tpu.memory_space<vmem>> -> memref<1x128xi32, #tpu.memory_space<vmem>>
    %dma_start3A_13 = tpu.memref_squeeze %dma_start3A_12 : memref<1x128xi32, #tpu.memory_space<vmem>> -> memref<128xi32, #tpu.memory_space<vmem>>
    %dma_start3A_14 = arith.constant 0 : i32
    %dma_start3A_15 = arith.constant 0 : i32
    %dma_start3A_16 = tpu.memref_slice %arg2[%dma_start3A_14, %dma_start3A_15] : memref<10240x32xf32, #tpu.memory_space<hbm>> -> memref<10240x32xf32, #tpu.memory_space<hbm>>
    %dma_start3A_17 = tpu.memref_slice %arg11[%dma_start3A_6] : memref<16x!tpu.dma_semaphore, #tpu.memory_space<semaphore_mem>> -> memref<1x!tpu.dma_semaphore, #tpu.memory_space<semaphore_mem>>
    %dma_start3A_18 = tpu.memref_squeeze %dma_start3A_17 : memref<1x!tpu.dma_semaphore, #tpu.memory_space<semaphore_mem>> -> memref<!tpu.dma_semaphore, #tpu.memory_space<semaphore_mem>>
    tpu.enqueue_indirect_dma source(%dma_start3A_16 : memref<10240x32xf32, #tpu.memory_space<hbm>>) target(%dma_start3A_10 : memref<128x32xf32, #tpu.memory_space<vmem>>) offsets(%dma_start3A_13 : memref<128xi32, #tpu.memory_space<vmem>>) semaphore(%dma_start3A_18 : memref<!tpu.dma_semaphore, #tpu.memory_space<semaphore_mem>>)
    %dma_start3A_19 = arith.constant 1 : i32
    %dma_start3A_20 = arith.constant 1 : i32
    %dma_start3A_21 = arith.constant 1 : i32
    %dma_start3A_22 = arith.constant 0 : i32
    %dma_start3A_23 = arith.constant 0 : i32
    %dma_start3A_24 = tpu.memref_slice %arg10[%dma_start3A_20, %dma_start3A_22, %dma_start3A_23] : memref<16x128x32xf32, #tpu.memory_space<vmem>> -> memref<1x128x32xf32, #tpu.memory_space<vmem>>
    %dma_start3A_25 = tpu.memref_squeeze %dma_start3A_24 : memref<1x128x32xf32, #tpu.memory_space<vmem>> -> memref<128x32xf32, #tpu.memory_space<vmem>>
    %dma_start3A_26 = arith.constant 0 : i32
    %dma_start3A_27 = tpu.memref_slice %arg8[%dma_start3A_19, %dma_start3A_26] : memref<80x128xi32, #tpu.memory_space<vmem>> -> memref<1x128xi32, #tpu.memory_space<vmem>>
    %dma_start3A_28 = tpu.memref_squeeze %dma_start3A_27 : memref<1x128xi32, #tpu.memory_space<vmem>> -> memref<128xi32, #tpu.memory_space<vmem>>
    %dma_start3A_29 = arith.constant 0 : i32
    %dma_start3A_30 = arith.constant 0 : i32
    %dma_start3A_31 = tpu.memref_slice %arg2[%dma_start3A_29, %dma_start3A_30] : memref<10240x32xf32, #tpu.memory_space<hbm>> -> memref<10240x32xf32, #tpu.memory_space<hbm>>
    %dma_start3A_32 = tpu.memref_slice %arg11[%dma_start3A_21] : memref<16x!tpu.dma_semaphore, #tpu.memory_space<semaphore_mem>> -> memref<1x!tpu.dma_semaphore, #tpu.memory_space<semaphore_mem>>
    %dma_start3A_33 = tpu.memref_squeeze %dma_start3A_32 : memref<1x!tpu.dma_semaphore, #tpu.memory_space<semaphore_mem>> -> memref<!tpu.dma_semaphore, #tpu.memory_space<semaphore_mem>>
    tpu.enqueue_indirect_dma source(%dma_start3A_31 : memref<10240x32xf32, #tpu.memory_space<hbm>>) target(%dma_start3A_25 : memref<128x32xf32, #tpu.memory_space<vmem>>) offsets(%dma_start3A_28 : memref<128xi32, #tpu.memory_space<vmem>>) semaphore(%dma_start3A_33 : memref<!tpu.dma_semaphore, #tpu.memory_space<semaphore_mem>>)
    %dma_start3A_34 = arith.constant 2 : i32
    %dma_start3A_35 = arith.constant 2 : i32
    %dma_start3A_36 = arith.constant 2 : i32
    %dma_start3A_37 = arith.constant 0 : i32
    %dma_start3A_38 = arith.constant 0 : i32
    %dma_start3A_39 = tpu.memref_slice %arg10[%dma_start3A_35, %dma_start3A_37, %dma_start3A_38] : memref<16x128x32xf32, #tpu.memory_space<vmem>> -> memref<1x128x32xf32, #tpu.memory_space<vmem>>
    %dma_start3A_40 = tpu.memref_squeeze %dma_start3A_39 : memref<1x128x32xf32, #tpu.memory_space<vmem>> -> memref<128x32xf32, #tpu.memory_space<vmem>>
    %dma_start3A_41 = arith.constant 0 : i32
    %dma_start3A_42 = tpu.memref_slice %arg8[%dma_start3A_34, %dma_start3A_41] : memref<80x128xi32, #tpu.memory_space<vmem>> -> memref<1x128xi32, #tpu.memory_space<vmem>>
    %dma_start3A_43 = tpu.memref_squeeze %dma_start3A_42 : memref<1x128xi32, #tpu.memory_space<vmem>> -> memref<128xi32, #tpu.memory_space<vmem>>
    %dma_start3A_44 = arith.constant 0 : i32
    %dma_start3A_45 = arith.constant 0 : i32
    %dma_start3A_46 = tpu.memref_slice %arg2[%dma_start3A_44, %dma_start3A_45] : memref<10240x32xf32, #tpu.memory_space<hbm>> -> memref<10240x32xf32, #tpu.memory_space<hbm>>
    %dma_start3A_47 = tpu.memref_slice %arg11[%dma_start3A_36] : memref<16x!tpu.dma_semaphore, #tpu.memory_space<semaphore_mem>> -> memref<1x!tpu.dma_semaphore, #tpu.memory_space<semaphore_mem>>
    %dma_start3A_48 = tpu.memref_squeeze %dma_start3A_47 : memref<1x!tpu.dma_semaphore, #tpu.memory_space<semaphore_mem>> -> memref<!tpu.dma_semaphore, #tpu.memory_space<semaphore_mem>>
    tpu.enqueue_indirect_dma source(%dma_start3A_46 : memref<10240x32xf32, #tpu.memory_space<hbm>>) target(%dma_start3A_40 : memref<128x32xf32, #tpu.memory_space<vmem>>) offsets(%dma_start3A_43 : memref<128xi32, #tpu.memory_space<vmem>>) semaphore(%dma_start3A_48 : memref<!tpu.dma_semaphore, #tpu.memory_space<semaphore_mem>>)
    %dma_start3A_49 = arith.constant 3 : i32
    %dma_start3A_50 = arith.constant 3 : i32
    %dma_start3A_51 = arith.constant 3 : i32
    %dma_start3A_52 = arith.constant 0 : i32
    %dma_start3A_53 = arith.constant 0 : i32
    %dma_start3A_54 = tpu.memref_slice %arg10[%dma_start3A_50, %dma_start3A_52, %dma_start3A_53] : memref<16x128x32xf32, #tpu.memory_space<vmem>> -> memref<1x128x32xf32, #tpu.memory_space<vmem>>
    %dma_start3A_55 = tpu.memref_squeeze %dma_start3A_54 : memref<1x128x32xf32, #tpu.memory_space<vmem>> -> memref<128x32xf32, #tpu.memory_space<vmem>>
    %dma_start3A_56 = arith.constant 0 : i32
    %dma_start3A_57 = tpu.memref_slice %arg8[%dma_start3A_49, %dma_start3A_56] : memref<80x128xi32, #tpu.memory_space<vmem>> -> memref<1x128xi32, #tpu.memory_space<vmem>>
    %dma_start3A_58 = tpu.memref_squeeze %dma_start3A_57 : memref<1x128xi32, #tpu.memory_space<vmem>> -> memref<128xi32, #tpu.memory_space<vmem>>
    %dma_start3A_59 = arith.constant 0 : i32
    %dma_start3A_60 = arith.constant 0 : i32
    %dma_start3A_61 = tpu.memref_slice %arg2[%dma_start3A_59, %dma_start3A_60] : memref<10240x32xf32, #tpu.memory_space<hbm>> -> memref<10240x32xf32, #tpu.memory_space<hbm>>
    %dma_start3A_62 = tpu.memref_slice %arg11[%dma_start3A_51] : memref<16x!tpu.dma_semaphore, #tpu.memory_space<semaphore_mem>> -> memref<1x!tpu.dma_semaphore, #tpu.memory_space<semaphore_mem>>
    %dma_start3A_63 = tpu.memref_squeeze %dma_start3A_62 : memref<1x!tpu.dma_semaphore, #tpu.memory_space<semaphore_mem>> -> memref<!tpu.dma_semaphore, #tpu.memory_space<semaphore_mem>>
    tpu.enqueue_indirect_dma source(%dma_start3A_61 : memref<10240x32xf32, #tpu.memory_space<hbm>>) target(%dma_start3A_55 : memref<128x32xf32, #tpu.memory_space<vmem>>) offsets(%dma_start3A_58 : memref<128xi32, #tpu.memory_space<vmem>>) semaphore(%dma_start3A_63 : memref<!tpu.dma_semaphore, #tpu.memory_space<semaphore_mem>>)
    %dma_start3A_64 = arith.constant 4 : i32
    %dma_start3A_65 = arith.constant 4 : i32
    %dma_start3A_66 = arith.constant 4 : i32
    %dma_start3A_67 = arith.constant 0 : i32
    %dma_start3A_68 = arith.constant 0 : i32
    %dma_start3A_69 = tpu.memref_slice %arg10[%dma_start3A_65, %dma_start3A_67, %dma_start3A_68] : memref<16x128x32xf32, #tpu.memory_space<vmem>> -> memref<1x128x32xf32, #tpu.memory_space<vmem>>
    %dma_start3A_70 = tpu.memref_squeeze %dma_start3A_69 : memref<1x128x32xf32, #tpu.memory_space<vmem>> -> memref<128x32xf32, #tpu.memory_space<vmem>>
    %dma_start3A_71 = arith.constant 0 : i32
    %dma_start3A_72 = tpu.memref_slice %arg8[%dma_start3A_64, %dma_start3A_71] : memref<80x128xi32, #tpu.memory_space<vmem>> -> memref<1x128xi32, #tpu.memory_space<vmem>>
    %dma_start3A_73 = tpu.memref_squeeze %dma_start3A_72 : memref<1x128xi32, #tpu.memory_space<vmem>> -> memref<128xi32, #tpu.memory_space<vmem>>
    %dma_start3A_74 = arith.constant 0 : i32
    %dma_start3A_75 = arith.constant 0 : i32
    %dma_start3A_76 = tpu.memref_slice %arg2[%dma_start3A_74, %dma_start3A_75] : memref<10240x32xf32, #tpu.memory_space<hbm>> -> memref<10240x32xf32, #tpu.memory_space<hbm>>
    %dma_start3A_77 = tpu.memref_slice %arg11[%dma_start3A_66] : memref<16x!tpu.dma_semaphore, #tpu.memory_space<semaphore_mem>> -> memref<1x!tpu.dma_semaphore, #tpu.memory_space<semaphore_mem>>
    %dma_start3A_78 = tpu.memref_squeeze %dma_start3A_77 : memref<1x!tpu.dma_semaphore, #tpu.memory_space<semaphore_mem>> -> memref<!tpu.dma_semaphore, #tpu.memory_space<semaphore_mem>>
    tpu.enqueue_indirect_dma source(%dma_start3A_76 : memref<10240x32xf32, #tpu.memory_space<hbm>>) target(%dma_start3A_70 : memref<128x32xf32, #tpu.memory_space<vmem>>) offsets(%dma_start3A_73 : memref<128xi32, #tpu.memory_space<vmem>>) semaphore(%dma_start3A_78 : memref<!tpu.dma_semaphore, #tpu.memory_space<semaphore_mem>>)
    %dma_start3A_79 = arith.constant 5 : i32
    %dma_start3A_80 = arith.constant 5 : i32
    %dma_start3A_81 = arith.constant 5 : i32
    %dma_start3A_82 = arith.constant 0 : i32
    %dma_start3A_83 = arith.constant 0 : i32
    %dma_start3A_84 = tpu.memref_slice %arg10[%dma_start3A_80, %dma_start3A_82, %dma_start3A_83] : memref<16x128x32xf32, #tpu.memory_space<vmem>> -> memref<1x128x32xf32, #tpu.memory_space<vmem>>
    %dma_start3A_85 = tpu.memref_squeeze %dma_start3A_84 : memref<1x128x32xf32, #tpu.memory_space<vmem>> -> memref<128x32xf32, #tpu.memory_space<vmem>>
    %dma_start3A_86 = arith.constant 0 : i32
    %dma_start3A_87 = tpu.memref_slice %arg8[%dma_start3A_79, %dma_start3A_86] : memref<80x128xi32, #tpu.memory_space<vmem>> -> memref<1x128xi32, #tpu.memory_space<vmem>>
    %dma_start3A_88 = tpu.memref_squeeze %dma_start3A_87 : memref<1x128xi32, #tpu.memory_space<vmem>> -> memref<128xi32, #tpu.memory_space<vmem>>
    %dma_start3A_89 = arith.constant 0 : i32
    %dma_start3A_90 = arith.constant 0 : i32
    %dma_start3A_91 = tpu.memref_slice %arg2[%dma_start3A_89, %dma_start3A_90] : memref<10240x32xf32, #tpu.memory_space<hbm>> -> memref<10240x32xf32, #tpu.memory_space<hbm>>
    %dma_start3A_92 = tpu.memref_slice %arg11[%dma_start3A_81] : memref<16x!tpu.dma_semaphore, #tpu.memory_space<semaphore_mem>> -> memref<1x!tpu.dma_semaphore, #tpu.memory_space<semaphore_mem>>
    %dma_start3A_93 = tpu.memref_squeeze %dma_start3A_92 : memref<1x!tpu.dma_semaphore, #tpu.memory_space<semaphore_mem>> -> memref<!tpu.dma_semaphore, #tpu.memory_space<semaphore_mem>>
    tpu.enqueue_indirect_dma source(%dma_start3A_91 : memref<10240x32xf32, #tpu.memory_space<hbm>>) target(%dma_start3A_85 : memref<128x32xf32, #tpu.memory_space<vmem>>) offsets(%dma_start3A_88 : memref<128xi32, #tpu.memory_space<vmem>>) semaphore(%dma_start3A_93 : memref<!tpu.dma_semaphore, #tpu.memory_space<semaphore_mem>>)
    %dma_start3A_94 = arith.constant 6 : i32
    %dma_start3A_95 = arith.constant 6 : i32
    %dma_start3A_96 = arith.constant 6 : i32
    %dma_start3A_97 = arith.constant 0 : i32
    %dma_start3A_98 = arith.constant 0 : i32
    %dma_start3A_99 = tpu.memref_slice %arg10[%dma_start3A_95, %dma_start3A_97, %dma_start3A_98] : memref<16x128x32xf32, #tpu.memory_space<vmem>> -> memref<1x128x32xf32, #tpu.memory_space<vmem>>
    %dma_start3A_100 = tpu.memref_squeeze %dma_start3A_99 : memref<1x128x32xf32, #tpu.memory_space<vmem>> -> memref<128x32xf32, #tpu.memory_space<vmem>>
    %dma_start3A_101 = arith.constant 0 : i32
    %dma_start3A_102 = tpu.memref_slice %arg8[%dma_start3A_94, %dma_start3A_101] : memref<80x128xi32, #tpu.memory_space<vmem>> -> memref<1x128xi32, #tpu.memory_space<vmem>>
    %dma_start3A_103 = tpu.memref_squeeze %dma_start3A_102 : memref<1x128xi32, #tpu.memory_space<vmem>> -> memref<128xi32, #tpu.memory_space<vmem>>
    %dma_start3A_104 = arith.constant 0 : i32
    %dma_start3A_105 = arith.constant 0 : i32
    %dma_start3A_106 = tpu.memref_slice %arg2[%dma_start3A_104, %dma_start3A_105] : memref<10240x32xf32, #tpu.memory_space<hbm>> -> memref<10240x32xf32, #tpu.memory_space<hbm>>
    %dma_start3A_107 = tpu.memref_slice %arg11[%dma_start3A_96] : memref<16x!tpu.dma_semaphore, #tpu.memory_space<semaphore_mem>> -> memref<1x!tpu.dma_semaphore, #tpu.memory_space<semaphore_mem>>
    %dma_start3A_108 = tpu.memref_squeeze %dma_start3A_107 : memref<1x!tpu.dma_semaphore, #tpu.memory_space<semaphore_mem>> -> memref<!tpu.dma_semaphore, #tpu.memory_space<semaphore_mem>>
    tpu.enqueue_indirect_dma source(%dma_start3A_106 : memref<10240x32xf32, #tpu.memory_space<hbm>>) target(%dma_start3A_100 : memref<128x32xf32, #tpu.memory_space<vmem>>) offsets(%dma_start3A_103 : memref<128xi32, #tpu.memory_space<vmem>>) semaphore(%dma_start3A_108 : memref<!tpu.dma_semaphore, #tpu.memory_space<semaphore_mem>>)
    %dma_start3A_109 = arith.constant 7 : i32
    %dma_start3A_110 = arith.constant 7 : i32
    %dma_start3A_111 = arith.constant 7 : i32
    %dma_start3A_112 = arith.constant 0 : i32
    %dma_start3A_113 = arith.constant 0 : i32
    %dma_start3A_114 = tpu.memref_slice %arg10[%dma_start3A_110, %dma_start3A_112, %dma_start3A_113] : memref<16x128x32xf32, #tpu.memory_space<vmem>> -> memref<1x128x32xf32, #tpu.memory_space<vmem>>
    %dma_start3A_115 = tpu.memref_squeeze %dma_start3A_114 : memref<1x128x32xf32, #tpu.memory_space<vmem>> -> memref<128x32xf32, #tpu.memory_space<vmem>>
    %dma_start3A_116 = arith.constant 0 : i32
    %dma_start3A_117 = tpu.memref_slice %arg8[%dma_start3A_109, %dma_start3A_116] : memref<80x128xi32, #tpu.memory_space<vmem>> -> memref<1x128xi32, #tpu.memory_space<vmem>>
    %dma_start3A_118 = tpu.memref_squeeze %dma_start3A_117 : memref<1x128xi32, #tpu.memory_space<vmem>> -> memref<128xi32, #tpu.memory_space<vmem>>
    %dma_start3A_119 = arith.constant 0 : i32
    %dma_start3A_120 = arith.constant 0 : i32
    %dma_start3A_121 = tpu.memref_slice %arg2[%dma_start3A_119, %dma_start3A_120] : memref<10240x32xf32, #tpu.memory_space<hbm>> -> memref<10240x32xf32, #tpu.memory_space<hbm>>
    %dma_start3A_122 = tpu.memref_slice %arg11[%dma_start3A_111] : memref<16x!tpu.dma_semaphore, #tpu.memory_space<semaphore_mem>> -> memref<1x!tpu.dma_semaphore, #tpu.memory_space<semaphore_mem>>
    %dma_start3A_123 = tpu.memref_squeeze %dma_start3A_122 : memref<1x!tpu.dma_semaphore, #tpu.memory_space<semaphore_mem>> -> memref<!tpu.dma_semaphore, #tpu.memory_space<semaphore_mem>>
    tpu.enqueue_indirect_dma source(%dma_start3A_121 : memref<10240x32xf32, #tpu.memory_space<hbm>>) target(%dma_start3A_115 : memref<128x32xf32, #tpu.memory_space<vmem>>) offsets(%dma_start3A_118 : memref<128xi32, #tpu.memory_space<vmem>>) semaphore(%dma_start3A_123 : memref<!tpu.dma_semaphore, #tpu.memory_space<semaphore_mem>>)
    %scan3A = arith.constant 0 : i32
    %scan3A_124 = arith.constant 0 : i32
    %scan3A_125 = arith.constant 5 : i32
    %scan3A_126 = arith.addi %scan3A_124, %scan3A_125 : i32
    %scan3A_127 = arith.constant 1 : i32
    scf.for %scan3A_134 = %scan3A_124 to %scan3A_126 step %scan3A_127  : i32 {
      %mul3A_135 = arith.constant 16 : i32
      %mul3A_136 = arith.muli %scan3A_134, %mul3A_135 : i32
      %add3A_137 = arith.constant 0 : i32
      %add3A_138 = arith.addi %mul3A_136, %add3A_137 : i32
      %add3A_139 = arith.constant 8 : i32
      %add3A_140 = arith.addi %add3A_138, %add3A_139 : i32
      %lt3A = arith.constant 80 : i32
      %lt3A_141 = arith.cmpi slt, %add3A_140, %lt3A : i32
      %convert_element_type3A = arith.extui %lt3A_141 : i1 to i32
      %cond3A = arith.constant 0 : i32
      %cond3A_142 = arith.cmpi ne, %convert_element_type3A, %cond3A : i32
      scf.if %cond3A_142 {
        %add3A_610 = arith.constant 8 : i32
        %add3A_611 = arith.addi %add3A_138, %add3A_610 : i32
        %dma_start3A_612 = arith.constant 8 : i32
        %dma_start3A_613 = arith.constant 8 : i32
        %dma_start3A_614 = arith.constant 0 : i32
        %dma_start3A_615 = arith.constant 0 : i32
        %dma_start3A_616 = tpu.memref_slice %arg10[%dma_start3A_612, %dma_start3A_614, %dma_start3A_615] : memref<16x128x32xf32, #tpu.memory_space<vmem>> -> memref<1x128x32xf32, #tpu.memory_space<vmem>>
        %dma_start3A_617 = tpu.memref_squeeze %dma_start3A_616 : memref<1x128x32xf32, #tpu.memory_space<vmem>> -> memref<128x32xf32, #tpu.memory_space<vmem>>
        %dma_start3A_618 = arith.constant 0 : i32
        %dma_start3A_619 = tpu.memref_slice %arg8[%add3A_611, %dma_start3A_618] : memref<80x128xi32, #tpu.memory_space<vmem>> -> memref<1x128xi32, #tpu.memory_space<vmem>>
        %dma_start3A_620 = tpu.memref_squeeze %dma_start3A_619 : memref<1x128xi32, #tpu.memory_space<vmem>> -> memref<128xi32, #tpu.memory_space<vmem>>
        %dma_start3A_621 = arith.constant 0 : i32
        %dma_start3A_622 = arith.constant 0 : i32
        %dma_start3A_623 = tpu.memref_slice %arg2[%dma_start3A_621, %dma_start3A_622] : memref<10240x32xf32, #tpu.memory_space<hbm>> -> memref<10240x32xf32, #tpu.memory_space<hbm>>
        %dma_start3A_624 = tpu.memref_slice %arg11[%dma_start3A_613] : memref<16x!tpu.dma_semaphore, #tpu.memory_space<semaphore_mem>> -> memref<1x!tpu.dma_semaphore, #tpu.memory_space<semaphore_mem>>
        %dma_start3A_625 = tpu.memref_squeeze %dma_start3A_624 : memref<1x!tpu.dma_semaphore, #tpu.memory_space<semaphore_mem>> -> memref<!tpu.dma_semaphore, #tpu.memory_space<semaphore_mem>>
        tpu.enqueue_indirect_dma source(%dma_start3A_623 : memref<10240x32xf32, #tpu.memory_space<hbm>>) target(%dma_start3A_617 : memref<128x32xf32, #tpu.memory_space<vmem>>) offsets(%dma_start3A_620 : memref<128xi32, #tpu.memory_space<vmem>>) semaphore(%dma_start3A_625 : memref<!tpu.dma_semaphore, #tpu.memory_space<semaphore_mem>>)
      } else {
      }
      %dma_wait3A = arith.constant 0 : i32
      %dma_wait3A_143 = arith.constant 0 : i32
      %dma_wait3A_144 = arith.constant 0 : i32
      %dma_wait3A_145 = arith.constant 0 : i32
      %dma_wait3A_146 = tpu.memref_slice %arg10[%dma_wait3A, %dma_wait3A_144, %dma_wait3A_145] : memref<16x128x32xf32, #tpu.memory_space<vmem>> -> memref<1x128x32xf32, #tpu.memory_space<vmem>>
      %dma_wait3A_147 = tpu.memref_squeeze %dma_wait3A_146 : memref<1x128x32xf32, #tpu.memory_space<vmem>> -> memref<128x32xf32, #tpu.memory_space<vmem>>
      %dma_wait3A_148 = arith.constant 0 : i32
      %dma_wait3A_149 = arith.constant 0 : i32
      %dma_wait3A_150 = tpu.memref_slice %arg2[%dma_wait3A_148, %dma_wait3A_149] : memref<10240x32xf32, #tpu.memory_space<hbm>> -> memref<128x32xf32, #tpu.memory_space<hbm>>
      %dma_wait3A_151 = tpu.memref_slice %arg11[%dma_wait3A_143] : memref<16x!tpu.dma_semaphore, #tpu.memory_space<semaphore_mem>> -> memref<1x!tpu.dma_semaphore, #tpu.memory_space<semaphore_mem>>
      %dma_wait3A_152 = tpu.memref_squeeze %dma_wait3A_151 : memref<1x!tpu.dma_semaphore, #tpu.memory_space<semaphore_mem>> -> memref<!tpu.dma_semaphore, #tpu.memory_space<semaphore_mem>>
      %dma_wait3A_153 = arith.constant 0 : i32
      %dma_wait3A_154 = arith.constant 0 : i32
      %dma_wait3A_155 = tpu.memref_slice %arg10[%dma_wait3A, %dma_wait3A_153, %dma_wait3A_154] : memref<16x128x32xf32, #tpu.memory_space<vmem>> -> memref<1x128x32xf32, #tpu.memory_space<vmem>>
      %dma_wait3A_156 = tpu.memref_squeeze %dma_wait3A_155 : memref<1x128x32xf32, #tpu.memory_space<vmem>> -> memref<128x32xf32, #tpu.memory_space<vmem>>
      %dma_wait3A_157 = arith.constant 0 : i32
      %dma_wait3A_158 = arith.constant 0 : i32
      %dma_wait3A_159 = tpu.memref_slice %arg2[%dma_wait3A_157, %dma_wait3A_158] : memref<10240x32xf32, #tpu.memory_space<hbm>> -> memref<128x32xf32, #tpu.memory_space<hbm>>
      tpu.wait_dma2 semaphore(%dma_wait3A_152 : memref<!tpu.dma_semaphore, #tpu.memory_space<semaphore_mem>>) src(%dma_wait3A_159 : memref<128x32xf32, #tpu.memory_space<hbm>>) dst(%dma_wait3A_156 : memref<128x32xf32, #tpu.memory_space<vmem>>)
      %run_scoped3A = arith.constant 0 : i32
      "tpu.region"() ({
        %run_scoped3A_610 = tpu.sem_alloc : memref<!tpu.dma_semaphore, #tpu.memory_space<semaphore_mem>>
        %dma_start3A_611 = arith.constant 0 : i32
        %dma_start3A_612 = arith.constant 0 : i32
        %dma_start3A_613 = tpu.memref_slice %arg10[%run_scoped3A, %dma_start3A_611, %dma_start3A_612] : memref<16x128x32xf32, #tpu.memory_space<vmem>> -> memref<1x128x32xf32, #tpu.memory_space<vmem>>
        %dma_start3A_614 = tpu.memref_squeeze %dma_start3A_613 : memref<1x128x32xf32, #tpu.memory_space<vmem>> -> memref<128x32xf32, #tpu.memory_space<vmem>>
        %dma_start3A_615 = arith.constant 0 : i32
        %dma_start3A_616 = tpu.memref_slice %arg9[%add3A_138, %dma_start3A_615] : memref<80x128xi32, #tpu.memory_space<vmem>> -> memref<1x128xi32, #tpu.memory_space<vmem>>
        %dma_start3A_617 = tpu.memref_squeeze %dma_start3A_616 : memref<1x128xi32, #tpu.memory_space<vmem>> -> memref<128xi32, #tpu.memory_space<vmem>>
        %dma_start3A_618 = arith.constant 0 : i32
        %dma_start3A_619 = arith.constant 0 : i32
        %dma_start3A_620 = tpu.memref_slice %arg7[%dma_start3A_618, %dma_start3A_619] : memref<10240x32xf32, #tpu.memory_space<vmem_shared>> -> memref<10240x32xf32, #tpu.memory_space<vmem_shared>>
        tpu.enqueue_indirect_dma source(%dma_start3A_614 : memref<128x32xf32, #tpu.memory_space<vmem>>) target(%dma_start3A_620 : memref<10240x32xf32, #tpu.memory_space<vmem_shared>>) offsets(%dma_start3A_617 : memref<128xi32, #tpu.memory_space<vmem>>) semaphore(%run_scoped3A_610 : memref<!tpu.dma_semaphore, #tpu.memory_space<semaphore_mem>>) {add = true}
        %dma_wait3A_621 = arith.constant 0 : i32
        %dma_wait3A_622 = arith.constant 0 : i32
        %dma_wait3A_623 = tpu.memref_slice %arg10[%run_scoped3A, %dma_wait3A_621, %dma_wait3A_622] : memref<16x128x32xf32, #tpu.memory_space<vmem>> -> memref<1x128x32xf32, #tpu.memory_space<vmem>>
        %dma_wait3A_624 = tpu.memref_squeeze %dma_wait3A_623 : memref<1x128x32xf32, #tpu.memory_space<vmem>> -> memref<128x32xf32, #tpu.memory_space<vmem>>
        %dma_wait3A_625 = arith.constant 0 : i32
        %dma_wait3A_626 = tpu.memref_slice %arg9[%add3A_138, %dma_wait3A_625] : memref<80x128xi32, #tpu.memory_space<vmem>> -> memref<1x128xi32, #tpu.memory_space<vmem>>
        %dma_wait3A_627 = tpu.memref_squeeze %dma_wait3A_626 : memref<1x128xi32, #tpu.memory_space<vmem>> -> memref<128xi32, #tpu.memory_space<vmem>>
        %dma_wait3A_628 = arith.constant 0 : i32
        %dma_wait3A_629 = arith.constant 0 : i32
        %dma_wait3A_630 = tpu.memref_slice %arg7[%dma_wait3A_628, %dma_wait3A_629] : memref<10240x32xf32, #tpu.memory_space<vmem_shared>> -> memref<10240x32xf32, #tpu.memory_space<vmem_shared>>
        tpu.wait_indirect_dma semaphore(%run_scoped3A_610 : memref<!tpu.dma_semaphore, #tpu.memory_space<semaphore_mem>>) src(%dma_wait3A_624 : memref<128x32xf32, #tpu.memory_space<vmem>>) dst(%dma_wait3A_630 : memref<10240x32xf32, #tpu.memory_space<vmem_shared>>)
        tpu.yield
      }) : () -> ()
      %mul3A_160 = arith.constant 16 : i32
      %mul3A_161 = arith.muli %scan3A_134, %mul3A_160 : i32
      %add3A_162 = arith.constant 1 : i32
      %add3A_163 = arith.addi %mul3A_161, %add3A_162 : i32
      %add3A_164 = arith.constant 8 : i32
      %add3A_165 = arith.addi %add3A_163, %add3A_164 : i32
      %lt3A_166 = arith.constant 80 : i32
      %lt3A_167 = arith.cmpi slt, %add3A_165, %lt3A_166 : i32
      %convert_element_type3A_168 = arith.extui %lt3A_167 : i1 to i32
      %cond3A_169 = arith.constant 0 : i32
      %cond3A_170 = arith.cmpi ne, %convert_element_type3A_168, %cond3A_169 : i32
      scf.if %cond3A_170 {
        %add3A_610 = arith.constant 8 : i32
        %add3A_611 = arith.addi %add3A_163, %add3A_610 : i32
        %dma_start3A_612 = arith.constant 9 : i32
        %dma_start3A_613 = arith.constant 9 : i32
        %dma_start3A_614 = arith.constant 0 : i32
        %dma_start3A_615 = arith.constant 0 : i32
        %dma_start3A_616 = tpu.memref_slice %arg10[%dma_start3A_612, %dma_start3A_614, %dma_start3A_615] : memref<16x128x32xf32, #tpu.memory_space<vmem>> -> memref<1x128x32xf32, #tpu.memory_space<vmem>>
        %dma_start3A_617 = tpu.memref_squeeze %dma_start3A_616 : memref<1x128x32xf32, #tpu.memory_space<vmem>> -> memref<128x32xf32, #tpu.memory_space<vmem>>
        %dma_start3A_618 = arith.constant 0 : i32
        %dma_start3A_619 = tpu.memref_slice %arg8[%add3A_611, %dma_start3A_618] : memref<80x128xi32, #tpu.memory_space<vmem>> -> memref<1x128xi32, #tpu.memory_space<vmem>>
        %dma_start3A_620 = tpu.memref_squeeze %dma_start3A_619 : memref<1x128xi32, #tpu.memory_space<vmem>> -> memref<128xi32, #tpu.memory_space<vmem>>
        %dma_start3A_621 = arith.constant 0 : i32
        %dma_start3A_622 = arith.constant 0 : i32
        %dma_start3A_623 = tpu.memref_slice %arg2[%dma_start3A_621, %dma_start3A_622] : memref<10240x32xf32, #tpu.memory_space<hbm>> -> memref<10240x32xf32, #tpu.memory_space<hbm>>
        %dma_start3A_624 = tpu.memref_slice %arg11[%dma_start3A_613] : memref<16x!tpu.dma_semaphore, #tpu.memory_space<semaphore_mem>> -> memref<1x!tpu.dma_semaphore, #tpu.memory_space<semaphore_mem>>
        %dma_start3A_625 = tpu.memref_squeeze %dma_start3A_624 : memref<1x!tpu.dma_semaphore, #tpu.memory_space<semaphore_mem>> -> memref<!tpu.dma_semaphore, #tpu.memory_space<semaphore_mem>>
        tpu.enqueue_indirect_dma source(%dma_start3A_623 : memref<10240x32xf32, #tpu.memory_space<hbm>>) target(%dma_start3A_617 : memref<128x32xf32, #tpu.memory_space<vmem>>) offsets(%dma_start3A_620 : memref<128xi32, #tpu.memory_space<vmem>>) semaphore(%dma_start3A_625 : memref<!tpu.dma_semaphore, #tpu.memory_space<semaphore_mem>>)
      } else {
      }
      %dma_wait3A_171 = arith.constant 1 : i32
      %dma_wait3A_172 = arith.constant 1 : i32
      %dma_wait3A_173 = arith.constant 0 : i32
      %dma_wait3A_174 = arith.constant 0 : i32
      %dma_wait3A_175 = tpu.memref_slice %arg10[%dma_wait3A_171, %dma_wait3A_173, %dma_wait3A_174] : memref<16x128x32xf32, #tpu.memory_space<vmem>> -> memref<1x128x32xf32, #tpu.memory_space<vmem>>
      %dma_wait3A_176 = tpu.memref_squeeze %dma_wait3A_175 : memref<1x128x32xf32, #tpu.memory_space<vmem>> -> memref<128x32xf32, #tpu.memory_space<vmem>>
      %dma_wait3A_177 = arith.constant 0 : i32
      %dma_wait3A_178 = arith.constant 0 : i32
      %dma_wait3A_179 = tpu.memref_slice %arg2[%dma_wait3A_177, %dma_wait3A_178] : memref<10240x32xf32, #tpu.memory_space<hbm>> -> memref<128x32xf32, #tpu.memory_space<hbm>>
      %dma_wait3A_180 = tpu.memref_slice %arg11[%dma_wait3A_172] : memref<16x!tpu.dma_semaphore, #tpu.memory_space<semaphore_mem>> -> memref<1x!tpu.dma_semaphore, #tpu.memory_space<semaphore_mem>>
      %dma_wait3A_181 = tpu.memref_squeeze %dma_wait3A_180 : memref<1x!tpu.dma_semaphore, #tpu.memory_space<semaphore_mem>> -> memref<!tpu.dma_semaphore, #tpu.memory_space<semaphore_mem>>
      %dma_wait3A_182 = arith.constant 0 : i32
      %dma_wait3A_183 = arith.constant 0 : i32
      %dma_wait3A_184 = tpu.memref_slice %arg10[%dma_wait3A_171, %dma_wait3A_182, %dma_wait3A_183] : memref<16x128x32xf32, #tpu.memory_space<vmem>> -> memref<1x128x32xf32, #tpu.memory_space<vmem>>
      %dma_wait3A_185 = tpu.memref_squeeze %dma_wait3A_184 : memref<1x128x32xf32, #tpu.memory_space<vmem>> -> memref<128x32xf32, #tpu.memory_space<vmem>>
      %dma_wait3A_186 = arith.constant 0 : i32
      %dma_wait3A_187 = arith.constant 0 : i32
      %dma_wait3A_188 = tpu.memref_slice %arg2[%dma_wait3A_186, %dma_wait3A_187] : memref<10240x32xf32, #tpu.memory_space<hbm>> -> memref<128x32xf32, #tpu.memory_space<hbm>>
      tpu.wait_dma2 semaphore(%dma_wait3A_181 : memref<!tpu.dma_semaphore, #tpu.memory_space<semaphore_mem>>) src(%dma_wait3A_188 : memref<128x32xf32, #tpu.memory_space<hbm>>) dst(%dma_wait3A_185 : memref<128x32xf32, #tpu.memory_space<vmem>>)
      %run_scoped3A_189 = arith.constant 1 : i32
      "tpu.region"() ({
        %run_scoped3A_610 = tpu.sem_alloc : memref<!tpu.dma_semaphore, #tpu.memory_space<semaphore_mem>>
        %dma_start3A_611 = arith.constant 0 : i32
        %dma_start3A_612 = arith.constant 0 : i32
        %dma_start3A_613 = tpu.memref_slice %arg10[%run_scoped3A_189, %dma_start3A_611, %dma_start3A_612] : memref<16x128x32xf32, #tpu.memory_space<vmem>> -> memref<1x128x32xf32, #tpu.memory_space<vmem>>
        %dma_start3A_614 = tpu.memref_squeeze %dma_start3A_613 : memref<1x128x32xf32, #tpu.memory_space<vmem>> -> memref<128x32xf32, #tpu.memory_space<vmem>>
        %dma_start3A_615 = arith.constant 0 : i32
        %dma_start3A_616 = tpu.memref_slice %arg9[%add3A_163, %dma_start3A_615] : memref<80x128xi32, #tpu.memory_space<vmem>> -> memref<1x128xi32, #tpu.memory_space<vmem>>
        %dma_start3A_617 = tpu.memref_squeeze %dma_start3A_616 : memref<1x128xi32, #tpu.memory_space<vmem>> -> memref<128xi32, #tpu.memory_space<vmem>>
        %dma_start3A_618 = arith.constant 0 : i32
        %dma_start3A_619 = arith.constant 0 : i32
        %dma_start3A_620 = tpu.memref_slice %arg7[%dma_start3A_618, %dma_start3A_619] : memref<10240x32xf32, #tpu.memory_space<vmem_shared>> -> memref<10240x32xf32, #tpu.memory_space<vmem_shared>>
        tpu.enqueue_indirect_dma source(%dma_start3A_614 : memref<128x32xf32, #tpu.memory_space<vmem>>) target(%dma_start3A_620 : memref<10240x32xf32, #tpu.memory_space<vmem_shared>>) offsets(%dma_start3A_617 : memref<128xi32, #tpu.memory_space<vmem>>) semaphore(%run_scoped3A_610 : memref<!tpu.dma_semaphore, #tpu.memory_space<semaphore_mem>>) {add = true}
        %dma_wait3A_621 = arith.constant 0 : i32
        %dma_wait3A_622 = arith.constant 0 : i32
        %dma_wait3A_623 = tpu.memref_slice %arg10[%run_scoped3A_189, %dma_wait3A_621, %dma_wait3A_622] : memref<16x128x32xf32, #tpu.memory_space<vmem>> -> memref<1x128x32xf32, #tpu.memory_space<vmem>>
        %dma_wait3A_624 = tpu.memref_squeeze %dma_wait3A_623 : memref<1x128x32xf32, #tpu.memory_space<vmem>> -> memref<128x32xf32, #tpu.memory_space<vmem>>
        %dma_wait3A_625 = arith.constant 0 : i32
        %dma_wait3A_626 = tpu.memref_slice %arg9[%add3A_163, %dma_wait3A_625] : memref<80x128xi32, #tpu.memory_space<vmem>> -> memref<1x128xi32, #tpu.memory_space<vmem>>
        %dma_wait3A_627 = tpu.memref_squeeze %dma_wait3A_626 : memref<1x128xi32, #tpu.memory_space<vmem>> -> memref<128xi32, #tpu.memory_space<vmem>>
        %dma_wait3A_628 = arith.constant 0 : i32
        %dma_wait3A_629 = arith.constant 0 : i32
        %dma_wait3A_630 = tpu.memref_slice %arg7[%dma_wait3A_628, %dma_wait3A_629] : memref<10240x32xf32, #tpu.memory_space<vmem_shared>> -> memref<10240x32xf32, #tpu.memory_space<vmem_shared>>
        tpu.wait_indirect_dma semaphore(%run_scoped3A_610 : memref<!tpu.dma_semaphore, #tpu.memory_space<semaphore_mem>>) src(%dma_wait3A_624 : memref<128x32xf32, #tpu.memory_space<vmem>>) dst(%dma_wait3A_630 : memref<10240x32xf32, #tpu.memory_space<vmem_shared>>)
        tpu.yield
      }) : () -> ()
      %mul3A_190 = arith.constant 16 : i32
      %mul3A_191 = arith.muli %scan3A_134, %mul3A_190 : i32
      %add3A_192 = arith.constant 2 : i32
      %add3A_193 = arith.addi %mul3A_191, %add3A_192 : i32
      %add3A_194 = arith.constant 8 : i32
      %add3A_195 = arith.addi %add3A_193, %add3A_194 : i32
      %lt3A_196 = arith.constant 80 : i32
      %lt3A_197 = arith.cmpi slt, %add3A_195, %lt3A_196 : i32
      %convert_element_type3A_198 = arith.extui %lt3A_197 : i1 to i32
      %cond3A_199 = arith.constant 0 : i32
      %cond3A_200 = arith.cmpi ne, %convert_element_type3A_198, %cond3A_199 : i32
      scf.if %cond3A_200 {
        %add3A_610 = arith.constant 8 : i32
        %add3A_611 = arith.addi %add3A_193, %add3A_610 : i32
        %dma_start3A_612 = arith.constant 10 : i32
        %dma_start3A_613 = arith.constant 10 : i32
        %dma_start3A_614 = arith.constant 0 : i32
        %dma_start3A_615 = arith.constant 0 : i32
        %dma_start3A_616 = tpu.memref_slice %arg10[%dma_start3A_612, %dma_start3A_614, %dma_start3A_615] : memref<16x128x32xf32, #tpu.memory_space<vmem>> -> memref<1x128x32xf32, #tpu.memory_space<vmem>>
        %dma_start3A_617 = tpu.memref_squeeze %dma_start3A_616 : memref<1x128x32xf32, #tpu.memory_space<vmem>> -> memref<128x32xf32, #tpu.memory_space<vmem>>
        %dma_start3A_618 = arith.constant 0 : i32
        %dma_start3A_619 = tpu.memref_slice %arg8[%add3A_611, %dma_start3A_618] : memref<80x128xi32, #tpu.memory_space<vmem>> -> memref<1x128xi32, #tpu.memory_space<vmem>>
        %dma_start3A_620 = tpu.memref_squeeze %dma_start3A_619 : memref<1x128xi32, #tpu.memory_space<vmem>> -> memref<128xi32, #tpu.memory_space<vmem>>
        %dma_start3A_621 = arith.constant 0 : i32
        %dma_start3A_622 = arith.constant 0 : i32
        %dma_start3A_623 = tpu.memref_slice %arg2[%dma_start3A_621, %dma_start3A_622] : memref<10240x32xf32, #tpu.memory_space<hbm>> -> memref<10240x32xf32, #tpu.memory_space<hbm>>
        %dma_start3A_624 = tpu.memref_slice %arg11[%dma_start3A_613] : memref<16x!tpu.dma_semaphore, #tpu.memory_space<semaphore_mem>> -> memref<1x!tpu.dma_semaphore, #tpu.memory_space<semaphore_mem>>
        %dma_start3A_625 = tpu.memref_squeeze %dma_start3A_624 : memref<1x!tpu.dma_semaphore, #tpu.memory_space<semaphore_mem>> -> memref<!tpu.dma_semaphore, #tpu.memory_space<semaphore_mem>>
        tpu.enqueue_indirect_dma source(%dma_start3A_623 : memref<10240x32xf32, #tpu.memory_space<hbm>>) target(%dma_start3A_617 : memref<128x32xf32, #tpu.memory_space<vmem>>) offsets(%dma_start3A_620 : memref<128xi32, #tpu.memory_space<vmem>>) semaphore(%dma_start3A_625 : memref<!tpu.dma_semaphore, #tpu.memory_space<semaphore_mem>>)
      } else {
      }
      %dma_wait3A_201 = arith.constant 2 : i32
      %dma_wait3A_202 = arith.constant 2 : i32
      %dma_wait3A_203 = arith.constant 0 : i32
      %dma_wait3A_204 = arith.constant 0 : i32
      %dma_wait3A_205 = tpu.memref_slice %arg10[%dma_wait3A_201, %dma_wait3A_203, %dma_wait3A_204] : memref<16x128x32xf32, #tpu.memory_space<vmem>> -> memref<1x128x32xf32, #tpu.memory_space<vmem>>
      %dma_wait3A_206 = tpu.memref_squeeze %dma_wait3A_205 : memref<1x128x32xf32, #tpu.memory_space<vmem>> -> memref<128x32xf32, #tpu.memory_space<vmem>>
      %dma_wait3A_207 = arith.constant 0 : i32
      %dma_wait3A_208 = arith.constant 0 : i32
      %dma_wait3A_209 = tpu.memref_slice %arg2[%dma_wait3A_207, %dma_wait3A_208] : memref<10240x32xf32, #tpu.memory_space<hbm>> -> memref<128x32xf32, #tpu.memory_space<hbm>>
      %dma_wait3A_210 = tpu.memref_slice %arg11[%dma_wait3A_202] : memref<16x!tpu.dma_semaphore, #tpu.memory_space<semaphore_mem>> -> memref<1x!tpu.dma_semaphore, #tpu.memory_space<semaphore_mem>>
      %dma_wait3A_211 = tpu.memref_squeeze %dma_wait3A_210 : memref<1x!tpu.dma_semaphore, #tpu.memory_space<semaphore_mem>> -> memref<!tpu.dma_semaphore, #tpu.memory_space<semaphore_mem>>
      %dma_wait3A_212 = arith.constant 0 : i32
      %dma_wait3A_213 = arith.constant 0 : i32
      %dma_wait3A_214 = tpu.memref_slice %arg10[%dma_wait3A_201, %dma_wait3A_212, %dma_wait3A_213] : memref<16x128x32xf32, #tpu.memory_space<vmem>> -> memref<1x128x32xf32, #tpu.memory_space<vmem>>
      %dma_wait3A_215 = tpu.memref_squeeze %dma_wait3A_214 : memref<1x128x32xf32, #tpu.memory_space<vmem>> -> memref<128x32xf32, #tpu.memory_space<vmem>>
      %dma_wait3A_216 = arith.constant 0 : i32
      %dma_wait3A_217 = arith.constant 0 : i32
      %dma_wait3A_218 = tpu.memref_slice %arg2[%dma_wait3A_216, %dma_wait3A_217] : memref<10240x32xf32, #tpu.memory_space<hbm>> -> memref<128x32xf32, #tpu.memory_space<hbm>>
      tpu.wait_dma2 semaphore(%dma_wait3A_211 : memref<!tpu.dma_semaphore, #tpu.memory_space<semaphore_mem>>) src(%dma_wait3A_218 : memref<128x32xf32, #tpu.memory_space<hbm>>) dst(%dma_wait3A_215 : memref<128x32xf32, #tpu.memory_space<vmem>>)
      %run_scoped3A_219 = arith.constant 2 : i32
      "tpu.region"() ({
        %run_scoped3A_610 = tpu.sem_alloc : memref<!tpu.dma_semaphore, #tpu.memory_space<semaphore_mem>>
        %dma_start3A_611 = arith.constant 0 : i32
        %dma_start3A_612 = arith.constant 0 : i32
        %dma_start3A_613 = tpu.memref_slice %arg10[%run_scoped3A_219, %dma_start3A_611, %dma_start3A_612] : memref<16x128x32xf32, #tpu.memory_space<vmem>> -> memref<1x128x32xf32, #tpu.memory_space<vmem>>
        %dma_start3A_614 = tpu.memref_squeeze %dma_start3A_613 : memref<1x128x32xf32, #tpu.memory_space<vmem>> -> memref<128x32xf32, #tpu.memory_space<vmem>>
        %dma_start3A_615 = arith.constant 0 : i32
        %dma_start3A_616 = tpu.memref_slice %arg9[%add3A_193, %dma_start3A_615] : memref<80x128xi32, #tpu.memory_space<vmem>> -> memref<1x128xi32, #tpu.memory_space<vmem>>
        %dma_start3A_617 = tpu.memref_squeeze %dma_start3A_616 : memref<1x128xi32, #tpu.memory_space<vmem>> -> memref<128xi32, #tpu.memory_space<vmem>>
        %dma_start3A_618 = arith.constant 0 : i32
        %dma_start3A_619 = arith.constant 0 : i32
        %dma_start3A_620 = tpu.memref_slice %arg7[%dma_start3A_618, %dma_start3A_619] : memref<10240x32xf32, #tpu.memory_space<vmem_shared>> -> memref<10240x32xf32, #tpu.memory_space<vmem_shared>>
        tpu.enqueue_indirect_dma source(%dma_start3A_614 : memref<128x32xf32, #tpu.memory_space<vmem>>) target(%dma_start3A_620 : memref<10240x32xf32, #tpu.memory_space<vmem_shared>>) offsets(%dma_start3A_617 : memref<128xi32, #tpu.memory_space<vmem>>) semaphore(%run_scoped3A_610 : memref<!tpu.dma_semaphore, #tpu.memory_space<semaphore_mem>>) {add = true}
        %dma_wait3A_621 = arith.constant 0 : i32
        %dma_wait3A_622 = arith.constant 0 : i32
        %dma_wait3A_623 = tpu.memref_slice %arg10[%run_scoped3A_219, %dma_wait3A_621, %dma_wait3A_622] : memref<16x128x32xf32, #tpu.memory_space<vmem>> -> memref<1x128x32xf32, #tpu.memory_space<vmem>>
        %dma_wait3A_624 = tpu.memref_squeeze %dma_wait3A_623 : memref<1x128x32xf32, #tpu.memory_space<vmem>> -> memref<128x32xf32, #tpu.memory_space<vmem>>
        %dma_wait3A_625 = arith.constant 0 : i32
        %dma_wait3A_626 = tpu.memref_slice %arg9[%add3A_193, %dma_wait3A_625] : memref<80x128xi32, #tpu.memory_space<vmem>> -> memref<1x128xi32, #tpu.memory_space<vmem>>
        %dma_wait3A_627 = tpu.memref_squeeze %dma_wait3A_626 : memref<1x128xi32, #tpu.memory_space<vmem>> -> memref<128xi32, #tpu.memory_space<vmem>>
        %dma_wait3A_628 = arith.constant 0 : i32
        %dma_wait3A_629 = arith.constant 0 : i32
        %dma_wait3A_630 = tpu.memref_slice %arg7[%dma_wait3A_628, %dma_wait3A_629] : memref<10240x32xf32, #tpu.memory_space<vmem_shared>> -> memref<10240x32xf32, #tpu.memory_space<vmem_shared>>
        tpu.wait_indirect_dma semaphore(%run_scoped3A_610 : memref<!tpu.dma_semaphore, #tpu.memory_space<semaphore_mem>>) src(%dma_wait3A_624 : memref<128x32xf32, #tpu.memory_space<vmem>>) dst(%dma_wait3A_630 : memref<10240x32xf32, #tpu.memory_space<vmem_shared>>)
        tpu.yield
      }) : () -> ()
      %mul3A_220 = arith.constant 16 : i32
      %mul3A_221 = arith.muli %scan3A_134, %mul3A_220 : i32
      %add3A_222 = arith.constant 3 : i32
      %add3A_223 = arith.addi %mul3A_221, %add3A_222 : i32
      %add3A_224 = arith.constant 8 : i32
      %add3A_225 = arith.addi %add3A_223, %add3A_224 : i32
      %lt3A_226 = arith.constant 80 : i32
      %lt3A_227 = arith.cmpi slt, %add3A_225, %lt3A_226 : i32
      %convert_element_type3A_228 = arith.extui %lt3A_227 : i1 to i32
      %cond3A_229 = arith.constant 0 : i32
      %cond3A_230 = arith.cmpi ne, %convert_element_type3A_228, %cond3A_229 : i32
      scf.if %cond3A_230 {
        %add3A_610 = arith.constant 8 : i32
        %add3A_611 = arith.addi %add3A_223, %add3A_610 : i32
        %dma_start3A_612 = arith.constant 11 : i32
        %dma_start3A_613 = arith.constant 11 : i32
        %dma_start3A_614 = arith.constant 0 : i32
        %dma_start3A_615 = arith.constant 0 : i32
        %dma_start3A_616 = tpu.memref_slice %arg10[%dma_start3A_612, %dma_start3A_614, %dma_start3A_615] : memref<16x128x32xf32, #tpu.memory_space<vmem>> -> memref<1x128x32xf32, #tpu.memory_space<vmem>>
        %dma_start3A_617 = tpu.memref_squeeze %dma_start3A_616 : memref<1x128x32xf32, #tpu.memory_space<vmem>> -> memref<128x32xf32, #tpu.memory_space<vmem>>
        %dma_start3A_618 = arith.constant 0 : i32
        %dma_start3A_619 = tpu.memref_slice %arg8[%add3A_611, %dma_start3A_618] : memref<80x128xi32, #tpu.memory_space<vmem>> -> memref<1x128xi32, #tpu.memory_space<vmem>>
        %dma_start3A_620 = tpu.memref_squeeze %dma_start3A_619 : memref<1x128xi32, #tpu.memory_space<vmem>> -> memref<128xi32, #tpu.memory_space<vmem>>
        %dma_start3A_621 = arith.constant 0 : i32
        %dma_start3A_622 = arith.constant 0 : i32
        %dma_start3A_623 = tpu.memref_slice %arg2[%dma_start3A_621, %dma_start3A_622] : memref<10240x32xf32, #tpu.memory_space<hbm>> -> memref<10240x32xf32, #tpu.memory_space<hbm>>
        %dma_start3A_624 = tpu.memref_slice %arg11[%dma_start3A_613] : memref<16x!tpu.dma_semaphore, #tpu.memory_space<semaphore_mem>> -> memref<1x!tpu.dma_semaphore, #tpu.memory_space<semaphore_mem>>
        %dma_start3A_625 = tpu.memref_squeeze %dma_start3A_624 : memref<1x!tpu.dma_semaphore, #tpu.memory_space<semaphore_mem>> -> memref<!tpu.dma_semaphore, #tpu.memory_space<semaphore_mem>>
        tpu.enqueue_indirect_dma source(%dma_start3A_623 : memref<10240x32xf32, #tpu.memory_space<hbm>>) target(%dma_start3A_617 : memref<128x32xf32, #tpu.memory_space<vmem>>) offsets(%dma_start3A_620 : memref<128xi32, #tpu.memory_space<vmem>>) semaphore(%dma_start3A_625 : memref<!tpu.dma_semaphore, #tpu.memory_space<semaphore_mem>>)
      } else {
      }
      %dma_wait3A_231 = arith.constant 3 : i32
      %dma_wait3A_232 = arith.constant 3 : i32
      %dma_wait3A_233 = arith.constant 0 : i32
      %dma_wait3A_234 = arith.constant 0 : i32
      %dma_wait3A_235 = tpu.memref_slice %arg10[%dma_wait3A_231, %dma_wait3A_233, %dma_wait3A_234] : memref<16x128x32xf32, #tpu.memory_space<vmem>> -> memref<1x128x32xf32, #tpu.memory_space<vmem>>
      %dma_wait3A_236 = tpu.memref_squeeze %dma_wait3A_235 : memref<1x128x32xf32, #tpu.memory_space<vmem>> -> memref<128x32xf32, #tpu.memory_space<vmem>>
      %dma_wait3A_237 = arith.constant 0 : i32
      %dma_wait3A_238 = arith.constant 0 : i32
      %dma_wait3A_239 = tpu.memref_slice %arg2[%dma_wait3A_237, %dma_wait3A_238] : memref<10240x32xf32, #tpu.memory_space<hbm>> -> memref<128x32xf32, #tpu.memory_space<hbm>>
      %dma_wait3A_240 = tpu.memref_slice %arg11[%dma_wait3A_232] : memref<16x!tpu.dma_semaphore, #tpu.memory_space<semaphore_mem>> -> memref<1x!tpu.dma_semaphore, #tpu.memory_space<semaphore_mem>>
      %dma_wait3A_241 = tpu.memref_squeeze %dma_wait3A_240 : memref<1x!tpu.dma_semaphore, #tpu.memory_space<semaphore_mem>> -> memref<!tpu.dma_semaphore, #tpu.memory_space<semaphore_mem>>
      %dma_wait3A_242 = arith.constant 0 : i32
      %dma_wait3A_243 = arith.constant 0 : i32
      %dma_wait3A_244 = tpu.memref_slice %arg10[%dma_wait3A_231, %dma_wait3A_242, %dma_wait3A_243] : memref<16x128x32xf32, #tpu.memory_space<vmem>> -> memref<1x128x32xf32, #tpu.memory_space<vmem>>
      %dma_wait3A_245 = tpu.memref_squeeze %dma_wait3A_244 : memref<1x128x32xf32, #tpu.memory_space<vmem>> -> memref<128x32xf32, #tpu.memory_space<vmem>>
      %dma_wait3A_246 = arith.constant 0 : i32
      %dma_wait3A_247 = arith.constant 0 : i32
      %dma_wait3A_248 = tpu.memref_slice %arg2[%dma_wait3A_246, %dma_wait3A_247] : memref<10240x32xf32, #tpu.memory_space<hbm>> -> memref<128x32xf32, #tpu.memory_space<hbm>>
      tpu.wait_dma2 semaphore(%dma_wait3A_241 : memref<!tpu.dma_semaphore, #tpu.memory_space<semaphore_mem>>) src(%dma_wait3A_248 : memref<128x32xf32, #tpu.memory_space<hbm>>) dst(%dma_wait3A_245 : memref<128x32xf32, #tpu.memory_space<vmem>>)
      %run_scoped3A_249 = arith.constant 3 : i32
      "tpu.region"() ({
        %run_scoped3A_610 = tpu.sem_alloc : memref<!tpu.dma_semaphore, #tpu.memory_space<semaphore_mem>>
        %dma_start3A_611 = arith.constant 0 : i32
        %dma_start3A_612 = arith.constant 0 : i32
        %dma_start3A_613 = tpu.memref_slice %arg10[%run_scoped3A_249, %dma_start3A_611, %dma_start3A_612] : memref<16x128x32xf32, #tpu.memory_space<vmem>> -> memref<1x128x32xf32, #tpu.memory_space<vmem>>
        %dma_start3A_614 = tpu.memref_squeeze %dma_start3A_613 : memref<1x128x32xf32, #tpu.memory_space<vmem>> -> memref<128x32xf32, #tpu.memory_space<vmem>>
        %dma_start3A_615 = arith.constant 0 : i32
        %dma_start3A_616 = tpu.memref_slice %arg9[%add3A_223, %dma_start3A_615] : memref<80x128xi32, #tpu.memory_space<vmem>> -> memref<1x128xi32, #tpu.memory_space<vmem>>
        %dma_start3A_617 = tpu.memref_squeeze %dma_start3A_616 : memref<1x128xi32, #tpu.memory_space<vmem>> -> memref<128xi32, #tpu.memory_space<vmem>>
        %dma_start3A_618 = arith.constant 0 : i32
        %dma_start3A_619 = arith.constant 0 : i32
        %dma_start3A_620 = tpu.memref_slice %arg7[%dma_start3A_618, %dma_start3A_619] : memref<10240x32xf32, #tpu.memory_space<vmem_shared>> -> memref<10240x32xf32, #tpu.memory_space<vmem_shared>>
        tpu.enqueue_indirect_dma source(%dma_start3A_614 : memref<128x32xf32, #tpu.memory_space<vmem>>) target(%dma_start3A_620 : memref<10240x32xf32, #tpu.memory_space<vmem_shared>>) offsets(%dma_start3A_617 : memref<128xi32, #tpu.memory_space<vmem>>) semaphore(%run_scoped3A_610 : memref<!tpu.dma_semaphore, #tpu.memory_space<semaphore_mem>>) {add = true}
        %dma_wait3A_621 = arith.constant 0 : i32
        %dma_wait3A_622 = arith.constant 0 : i32
        %dma_wait3A_623 = tpu.memref_slice %arg10[%run_scoped3A_249, %dma_wait3A_621, %dma_wait3A_622] : memref<16x128x32xf32, #tpu.memory_space<vmem>> -> memref<1x128x32xf32, #tpu.memory_space<vmem>>
        %dma_wait3A_624 = tpu.memref_squeeze %dma_wait3A_623 : memref<1x128x32xf32, #tpu.memory_space<vmem>> -> memref<128x32xf32, #tpu.memory_space<vmem>>
        %dma_wait3A_625 = arith.constant 0 : i32
        %dma_wait3A_626 = tpu.memref_slice %arg9[%add3A_223, %dma_wait3A_625] : memref<80x128xi32, #tpu.memory_space<vmem>> -> memref<1x128xi32, #tpu.memory_space<vmem>>
        %dma_wait3A_627 = tpu.memref_squeeze %dma_wait3A_626 : memref<1x128xi32, #tpu.memory_space<vmem>> -> memref<128xi32, #tpu.memory_space<vmem>>
        %dma_wait3A_628 = arith.constant 0 : i32
        %dma_wait3A_629 = arith.constant 0 : i32
        %dma_wait3A_630 = tpu.memref_slice %arg7[%dma_wait3A_628, %dma_wait3A_629] : memref<10240x32xf32, #tpu.memory_space<vmem_shared>> -> memref<10240x32xf32, #tpu.memory_space<vmem_shared>>
        tpu.wait_indirect_dma semaphore(%run_scoped3A_610 : memref<!tpu.dma_semaphore, #tpu.memory_space<semaphore_mem>>) src(%dma_wait3A_624 : memref<128x32xf32, #tpu.memory_space<vmem>>) dst(%dma_wait3A_630 : memref<10240x32xf32, #tpu.memory_space<vmem_shared>>)
        tpu.yield
      }) : () -> ()
      %mul3A_250 = arith.constant 16 : i32
      %mul3A_251 = arith.muli %scan3A_134, %mul3A_250 : i32
      %add3A_252 = arith.constant 4 : i32
      %add3A_253 = arith.addi %mul3A_251, %add3A_252 : i32
      %add3A_254 = arith.constant 8 : i32
      %add3A_255 = arith.addi %add3A_253, %add3A_254 : i32
      %lt3A_256 = arith.constant 80 : i32
      %lt3A_257 = arith.cmpi slt, %add3A_255, %lt3A_256 : i32
      %convert_element_type3A_258 = arith.extui %lt3A_257 : i1 to i32
      %cond3A_259 = arith.constant 0 : i32
      %cond3A_260 = arith.cmpi ne, %convert_element_type3A_258, %cond3A_259 : i32
      scf.if %cond3A_260 {
        %add3A_610 = arith.constant 8 : i32
        %add3A_611 = arith.addi %add3A_253, %add3A_610 : i32
        %dma_start3A_612 = arith.constant 12 : i32
        %dma_start3A_613 = arith.constant 12 : i32
        %dma_start3A_614 = arith.constant 0 : i32
        %dma_start3A_615 = arith.constant 0 : i32
        %dma_start3A_616 = tpu.memref_slice %arg10[%dma_start3A_612, %dma_start3A_614, %dma_start3A_615] : memref<16x128x32xf32, #tpu.memory_space<vmem>> -> memref<1x128x32xf32, #tpu.memory_space<vmem>>
        %dma_start3A_617 = tpu.memref_squeeze %dma_start3A_616 : memref<1x128x32xf32, #tpu.memory_space<vmem>> -> memref<128x32xf32, #tpu.memory_space<vmem>>
        %dma_start3A_618 = arith.constant 0 : i32
        %dma_start3A_619 = tpu.memref_slice %arg8[%add3A_611, %dma_start3A_618] : memref<80x128xi32, #tpu.memory_space<vmem>> -> memref<1x128xi32, #tpu.memory_space<vmem>>
        %dma_start3A_620 = tpu.memref_squeeze %dma_start3A_619 : memref<1x128xi32, #tpu.memory_space<vmem>> -> memref<128xi32, #tpu.memory_space<vmem>>
        %dma_start3A_621 = arith.constant 0 : i32
        %dma_start3A_622 = arith.constant 0 : i32
        %dma_start3A_623 = tpu.memref_slice %arg2[%dma_start3A_621, %dma_start3A_622] : memref<10240x32xf32, #tpu.memory_space<hbm>> -> memref<10240x32xf32, #tpu.memory_space<hbm>>
        %dma_start3A_624 = tpu.memref_slice %arg11[%dma_start3A_613] : memref<16x!tpu.dma_semaphore, #tpu.memory_space<semaphore_mem>> -> memref<1x!tpu.dma_semaphore, #tpu.memory_space<semaphore_mem>>
        %dma_start3A_625 = tpu.memref_squeeze %dma_start3A_624 : memref<1x!tpu.dma_semaphore, #tpu.memory_space<semaphore_mem>> -> memref<!tpu.dma_semaphore, #tpu.memory_space<semaphore_mem>>
        tpu.enqueue_indirect_dma source(%dma_start3A_623 : memref<10240x32xf32, #tpu.memory_space<hbm>>) target(%dma_start3A_617 : memref<128x32xf32, #tpu.memory_space<vmem>>) offsets(%dma_start3A_620 : memref<128xi32, #tpu.memory_space<vmem>>) semaphore(%dma_start3A_625 : memref<!tpu.dma_semaphore, #tpu.memory_space<semaphore_mem>>)
      } else {
      }
      %dma_wait3A_261 = arith.constant 4 : i32
      %dma_wait3A_262 = arith.constant 4 : i32
      %dma_wait3A_263 = arith.constant 0 : i32
      %dma_wait3A_264 = arith.constant 0 : i32
      %dma_wait3A_265 = tpu.memref_slice %arg10[%dma_wait3A_261, %dma_wait3A_263, %dma_wait3A_264] : memref<16x128x32xf32, #tpu.memory_space<vmem>> -> memref<1x128x32xf32, #tpu.memory_space<vmem>>
      %dma_wait3A_266 = tpu.memref_squeeze %dma_wait3A_265 : memref<1x128x32xf32, #tpu.memory_space<vmem>> -> memref<128x32xf32, #tpu.memory_space<vmem>>
      %dma_wait3A_267 = arith.constant 0 : i32
      %dma_wait3A_268 = arith.constant 0 : i32
      %dma_wait3A_269 = tpu.memref_slice %arg2[%dma_wait3A_267, %dma_wait3A_268] : memref<10240x32xf32, #tpu.memory_space<hbm>> -> memref<128x32xf32, #tpu.memory_space<hbm>>
      %dma_wait3A_270 = tpu.memref_slice %arg11[%dma_wait3A_262] : memref<16x!tpu.dma_semaphore, #tpu.memory_space<semaphore_mem>> -> memref<1x!tpu.dma_semaphore, #tpu.memory_space<semaphore_mem>>
      %dma_wait3A_271 = tpu.memref_squeeze %dma_wait3A_270 : memref<1x!tpu.dma_semaphore, #tpu.memory_space<semaphore_mem>> -> memref<!tpu.dma_semaphore, #tpu.memory_space<semaphore_mem>>
      %dma_wait3A_272 = arith.constant 0 : i32
      %dma_wait3A_273 = arith.constant 0 : i32
      %dma_wait3A_274 = tpu.memref_slice %arg10[%dma_wait3A_261, %dma_wait3A_272, %dma_wait3A_273] : memref<16x128x32xf32, #tpu.memory_space<vmem>> -> memref<1x128x32xf32, #tpu.memory_space<vmem>>
      %dma_wait3A_275 = tpu.memref_squeeze %dma_wait3A_274 : memref<1x128x32xf32, #tpu.memory_space<vmem>> -> memref<128x32xf32, #tpu.memory_space<vmem>>
      %dma_wait3A_276 = arith.constant 0 : i32
      %dma_wait3A_277 = arith.constant 0 : i32
      %dma_wait3A_278 = tpu.memref_slice %arg2[%dma_wait3A_276, %dma_wait3A_277] : memref<10240x32xf32, #tpu.memory_space<hbm>> -> memref<128x32xf32, #tpu.memory_space<hbm>>
      tpu.wait_dma2 semaphore(%dma_wait3A_271 : memref<!tpu.dma_semaphore, #tpu.memory_space<semaphore_mem>>) src(%dma_wait3A_278 : memref<128x32xf32, #tpu.memory_space<hbm>>) dst(%dma_wait3A_275 : memref<128x32xf32, #tpu.memory_space<vmem>>)
      %run_scoped3A_279 = arith.constant 4 : i32
      "tpu.region"() ({
        %run_scoped3A_610 = tpu.sem_alloc : memref<!tpu.dma_semaphore, #tpu.memory_space<semaphore_mem>>
        %dma_start3A_611 = arith.constant 0 : i32
        %dma_start3A_612 = arith.constant 0 : i32
        %dma_start3A_613 = tpu.memref_slice %arg10[%run_scoped3A_279, %dma_start3A_611, %dma_start3A_612] : memref<16x128x32xf32, #tpu.memory_space<vmem>> -> memref<1x128x32xf32, #tpu.memory_space<vmem>>
        %dma_start3A_614 = tpu.memref_squeeze %dma_start3A_613 : memref<1x128x32xf32, #tpu.memory_space<vmem>> -> memref<128x32xf32, #tpu.memory_space<vmem>>
        %dma_start3A_615 = arith.constant 0 : i32
        %dma_start3A_616 = tpu.memref_slice %arg9[%add3A_253, %dma_start3A_615] : memref<80x128xi32, #tpu.memory_space<vmem>> -> memref<1x128xi32, #tpu.memory_space<vmem>>
        %dma_start3A_617 = tpu.memref_squeeze %dma_start3A_616 : memref<1x128xi32, #tpu.memory_space<vmem>> -> memref<128xi32, #tpu.memory_space<vmem>>
        %dma_start3A_618 = arith.constant 0 : i32
        %dma_start3A_619 = arith.constant 0 : i32
        %dma_start3A_620 = tpu.memref_slice %arg7[%dma_start3A_618, %dma_start3A_619] : memref<10240x32xf32, #tpu.memory_space<vmem_shared>> -> memref<10240x32xf32, #tpu.memory_space<vmem_shared>>
        tpu.enqueue_indirect_dma source(%dma_start3A_614 : memref<128x32xf32, #tpu.memory_space<vmem>>) target(%dma_start3A_620 : memref<10240x32xf32, #tpu.memory_space<vmem_shared>>) offsets(%dma_start3A_617 : memref<128xi32, #tpu.memory_space<vmem>>) semaphore(%run_scoped3A_610 : memref<!tpu.dma_semaphore, #tpu.memory_space<semaphore_mem>>) {add = true}
        %dma_wait3A_621 = arith.constant 0 : i32
        %dma_wait3A_622 = arith.constant 0 : i32
        %dma_wait3A_623 = tpu.memref_slice %arg10[%run_scoped3A_279, %dma_wait3A_621, %dma_wait3A_622] : memref<16x128x32xf32, #tpu.memory_space<vmem>> -> memref<1x128x32xf32, #tpu.memory_space<vmem>>
        %dma_wait3A_624 = tpu.memref_squeeze %dma_wait3A_623 : memref<1x128x32xf32, #tpu.memory_space<vmem>> -> memref<128x32xf32, #tpu.memory_space<vmem>>
        %dma_wait3A_625 = arith.constant 0 : i32
        %dma_wait3A_626 = tpu.memref_slice %arg9[%add3A_253, %dma_wait3A_625] : memref<80x128xi32, #tpu.memory_space<vmem>> -> memref<1x128xi32, #tpu.memory_space<vmem>>
        %dma_wait3A_627 = tpu.memref_squeeze %dma_wait3A_626 : memref<1x128xi32, #tpu.memory_space<vmem>> -> memref<128xi32, #tpu.memory_space<vmem>>
        %dma_wait3A_628 = arith.constant 0 : i32
        %dma_wait3A_629 = arith.constant 0 : i32
        %dma_wait3A_630 = tpu.memref_slice %arg7[%dma_wait3A_628, %dma_wait3A_629] : memref<10240x32xf32, #tpu.memory_space<vmem_shared>> -> memref<10240x32xf32, #tpu.memory_space<vmem_shared>>
        tpu.wait_indirect_dma semaphore(%run_scoped3A_610 : memref<!tpu.dma_semaphore, #tpu.memory_space<semaphore_mem>>) src(%dma_wait3A_624 : memref<128x32xf32, #tpu.memory_space<vmem>>) dst(%dma_wait3A_630 : memref<10240x32xf32, #tpu.memory_space<vmem_shared>>)
        tpu.yield
      }) : () -> ()
      %mul3A_280 = arith.constant 16 : i32
      %mul3A_281 = arith.muli %scan3A_134, %mul3A_280 : i32
      %add3A_282 = arith.constant 5 : i32
      %add3A_283 = arith.addi %mul3A_281, %add3A_282 : i32
      %add3A_284 = arith.constant 8 : i32
      %add3A_285 = arith.addi %add3A_283, %add3A_284 : i32
      %lt3A_286 = arith.constant 80 : i32
      %lt3A_287 = arith.cmpi slt, %add3A_285, %lt3A_286 : i32
      %convert_element_type3A_288 = arith.extui %lt3A_287 : i1 to i32
      %cond3A_289 = arith.constant 0 : i32
      %cond3A_290 = arith.cmpi ne, %convert_element_type3A_288, %cond3A_289 : i32
      scf.if %cond3A_290 {
        %add3A_610 = arith.constant 8 : i32
        %add3A_611 = arith.addi %add3A_283, %add3A_610 : i32
        %dma_start3A_612 = arith.constant 13 : i32
        %dma_start3A_613 = arith.constant 13 : i32
        %dma_start3A_614 = arith.constant 0 : i32
        %dma_start3A_615 = arith.constant 0 : i32
        %dma_start3A_616 = tpu.memref_slice %arg10[%dma_start3A_612, %dma_start3A_614, %dma_start3A_615] : memref<16x128x32xf32, #tpu.memory_space<vmem>> -> memref<1x128x32xf32, #tpu.memory_space<vmem>>
        %dma_start3A_617 = tpu.memref_squeeze %dma_start3A_616 : memref<1x128x32xf32, #tpu.memory_space<vmem>> -> memref<128x32xf32, #tpu.memory_space<vmem>>
        %dma_start3A_618 = arith.constant 0 : i32
        %dma_start3A_619 = tpu.memref_slice %arg8[%add3A_611, %dma_start3A_618] : memref<80x128xi32, #tpu.memory_space<vmem>> -> memref<1x128xi32, #tpu.memory_space<vmem>>
        %dma_start3A_620 = tpu.memref_squeeze %dma_start3A_619 : memref<1x128xi32, #tpu.memory_space<vmem>> -> memref<128xi32, #tpu.memory_space<vmem>>
        %dma_start3A_621 = arith.constant 0 : i32
        %dma_start3A_622 = arith.constant 0 : i32
        %dma_start3A_623 = tpu.memref_slice %arg2[%dma_start3A_621, %dma_start3A_622] : memref<10240x32xf32, #tpu.memory_space<hbm>> -> memref<10240x32xf32, #tpu.memory_space<hbm>>
        %dma_start3A_624 = tpu.memref_slice %arg11[%dma_start3A_613] : memref<16x!tpu.dma_semaphore, #tpu.memory_space<semaphore_mem>> -> memref<1x!tpu.dma_semaphore, #tpu.memory_space<semaphore_mem>>
        %dma_start3A_625 = tpu.memref_squeeze %dma_start3A_624 : memref<1x!tpu.dma_semaphore, #tpu.memory_space<semaphore_mem>> -> memref<!tpu.dma_semaphore, #tpu.memory_space<semaphore_mem>>
        tpu.enqueue_indirect_dma source(%dma_start3A_623 : memref<10240x32xf32, #tpu.memory_space<hbm>>) target(%dma_start3A_617 : memref<128x32xf32, #tpu.memory_space<vmem>>) offsets(%dma_start3A_620 : memref<128xi32, #tpu.memory_space<vmem>>) semaphore(%dma_start3A_625 : memref<!tpu.dma_semaphore, #tpu.memory_space<semaphore_mem>>)
      } else {
      }
      %dma_wait3A_291 = arith.constant 5 : i32
      %dma_wait3A_292 = arith.constant 5 : i32
      %dma_wait3A_293 = arith.constant 0 : i32
      %dma_wait3A_294 = arith.constant 0 : i32
      %dma_wait3A_295 = tpu.memref_slice %arg10[%dma_wait3A_291, %dma_wait3A_293, %dma_wait3A_294] : memref<16x128x32xf32, #tpu.memory_space<vmem>> -> memref<1x128x32xf32, #tpu.memory_space<vmem>>
      %dma_wait3A_296 = tpu.memref_squeeze %dma_wait3A_295 : memref<1x128x32xf32, #tpu.memory_space<vmem>> -> memref<128x32xf32, #tpu.memory_space<vmem>>
      %dma_wait3A_297 = arith.constant 0 : i32
      %dma_wait3A_298 = arith.constant 0 : i32
      %dma_wait3A_299 = tpu.memref_slice %arg2[%dma_wait3A_297, %dma_wait3A_298] : memref<10240x32xf32, #tpu.memory_space<hbm>> -> memref<128x32xf32, #tpu.memory_space<hbm>>
      %dma_wait3A_300 = tpu.memref_slice %arg11[%dma_wait3A_292] : memref<16x!tpu.dma_semaphore, #tpu.memory_space<semaphore_mem>> -> memref<1x!tpu.dma_semaphore, #tpu.memory_space<semaphore_mem>>
      %dma_wait3A_301 = tpu.memref_squeeze %dma_wait3A_300 : memref<1x!tpu.dma_semaphore, #tpu.memory_space<semaphore_mem>> -> memref<!tpu.dma_semaphore, #tpu.memory_space<semaphore_mem>>
      %dma_wait3A_302 = arith.constant 0 : i32
      %dma_wait3A_303 = arith.constant 0 : i32
      %dma_wait3A_304 = tpu.memref_slice %arg10[%dma_wait3A_291, %dma_wait3A_302, %dma_wait3A_303] : memref<16x128x32xf32, #tpu.memory_space<vmem>> -> memref<1x128x32xf32, #tpu.memory_space<vmem>>
      %dma_wait3A_305 = tpu.memref_squeeze %dma_wait3A_304 : memref<1x128x32xf32, #tpu.memory_space<vmem>> -> memref<128x32xf32, #tpu.memory_space<vmem>>
      %dma_wait3A_306 = arith.constant 0 : i32
      %dma_wait3A_307 = arith.constant 0 : i32
      %dma_wait3A_308 = tpu.memref_slice %arg2[%dma_wait3A_306, %dma_wait3A_307] : memref<10240x32xf32, #tpu.memory_space<hbm>> -> memref<128x32xf32, #tpu.memory_space<hbm>>
      tpu.wait_dma2 semaphore(%dma_wait3A_301 : memref<!tpu.dma_semaphore, #tpu.memory_space<semaphore_mem>>) src(%dma_wait3A_308 : memref<128x32xf32, #tpu.memory_space<hbm>>) dst(%dma_wait3A_305 : memref<128x32xf32, #tpu.memory_space<vmem>>)
      %run_scoped3A_309 = arith.constant 5 : i32
      "tpu.region"() ({
        %run_scoped3A_610 = tpu.sem_alloc : memref<!tpu.dma_semaphore, #tpu.memory_space<semaphore_mem>>
        %dma_start3A_611 = arith.constant 0 : i32
        %dma_start3A_612 = arith.constant 0 : i32
        %dma_start3A_613 = tpu.memref_slice %arg10[%run_scoped3A_309, %dma_start3A_611, %dma_start3A_612] : memref<16x128x32xf32, #tpu.memory_space<vmem>> -> memref<1x128x32xf32, #tpu.memory_space<vmem>>
        %dma_start3A_614 = tpu.memref_squeeze %dma_start3A_613 : memref<1x128x32xf32, #tpu.memory_space<vmem>> -> memref<128x32xf32, #tpu.memory_space<vmem>>
        %dma_start3A_615 = arith.constant 0 : i32
        %dma_start3A_616 = tpu.memref_slice %arg9[%add3A_283, %dma_start3A_615] : memref<80x128xi32, #tpu.memory_space<vmem>> -> memref<1x128xi32, #tpu.memory_space<vmem>>
        %dma_start3A_617 = tpu.memref_squeeze %dma_start3A_616 : memref<1x128xi32, #tpu.memory_space<vmem>> -> memref<128xi32, #tpu.memory_space<vmem>>
        %dma_start3A_618 = arith.constant 0 : i32
        %dma_start3A_619 = arith.constant 0 : i32
        %dma_start3A_620 = tpu.memref_slice %arg7[%dma_start3A_618, %dma_start3A_619] : memref<10240x32xf32, #tpu.memory_space<vmem_shared>> -> memref<10240x32xf32, #tpu.memory_space<vmem_shared>>
        tpu.enqueue_indirect_dma source(%dma_start3A_614 : memref<128x32xf32, #tpu.memory_space<vmem>>) target(%dma_start3A_620 : memref<10240x32xf32, #tpu.memory_space<vmem_shared>>) offsets(%dma_start3A_617 : memref<128xi32, #tpu.memory_space<vmem>>) semaphore(%run_scoped3A_610 : memref<!tpu.dma_semaphore, #tpu.memory_space<semaphore_mem>>) {add = true}
        %dma_wait3A_621 = arith.constant 0 : i32
        %dma_wait3A_622 = arith.constant 0 : i32
        %dma_wait3A_623 = tpu.memref_slice %arg10[%run_scoped3A_309, %dma_wait3A_621, %dma_wait3A_622] : memref<16x128x32xf32, #tpu.memory_space<vmem>> -> memref<1x128x32xf32, #tpu.memory_space<vmem>>
        %dma_wait3A_624 = tpu.memref_squeeze %dma_wait3A_623 : memref<1x128x32xf32, #tpu.memory_space<vmem>> -> memref<128x32xf32, #tpu.memory_space<vmem>>
        %dma_wait3A_625 = arith.constant 0 : i32
        %dma_wait3A_626 = tpu.memref_slice %arg9[%add3A_283, %dma_wait3A_625] : memref<80x128xi32, #tpu.memory_space<vmem>> -> memref<1x128xi32, #tpu.memory_space<vmem>>
        %dma_wait3A_627 = tpu.memref_squeeze %dma_wait3A_626 : memref<1x128xi32, #tpu.memory_space<vmem>> -> memref<128xi32, #tpu.memory_space<vmem>>
        %dma_wait3A_628 = arith.constant 0 : i32
        %dma_wait3A_629 = arith.constant 0 : i32
        %dma_wait3A_630 = tpu.memref_slice %arg7[%dma_wait3A_628, %dma_wait3A_629] : memref<10240x32xf32, #tpu.memory_space<vmem_shared>> -> memref<10240x32xf32, #tpu.memory_space<vmem_shared>>
        tpu.wait_indirect_dma semaphore(%run_scoped3A_610 : memref<!tpu.dma_semaphore, #tpu.memory_space<semaphore_mem>>) src(%dma_wait3A_624 : memref<128x32xf32, #tpu.memory_space<vmem>>) dst(%dma_wait3A_630 : memref<10240x32xf32, #tpu.memory_space<vmem_shared>>)
        tpu.yield
      }) : () -> ()
      %mul3A_310 = arith.constant 16 : i32
      %mul3A_311 = arith.muli %scan3A_134, %mul3A_310 : i32
      %add3A_312 = arith.constant 6 : i32
      %add3A_313 = arith.addi %mul3A_311, %add3A_312 : i32
      %add3A_314 = arith.constant 8 : i32
      %add3A_315 = arith.addi %add3A_313, %add3A_314 : i32
      %lt3A_316 = arith.constant 80 : i32
      %lt3A_317 = arith.cmpi slt, %add3A_315, %lt3A_316 : i32
      %convert_element_type3A_318 = arith.extui %lt3A_317 : i1 to i32
      %cond3A_319 = arith.constant 0 : i32
      %cond3A_320 = arith.cmpi ne, %convert_element_type3A_318, %cond3A_319 : i32
      scf.if %cond3A_320 {
        %add3A_610 = arith.constant 8 : i32
        %add3A_611 = arith.addi %add3A_313, %add3A_610 : i32
        %dma_start3A_612 = arith.constant 14 : i32
        %dma_start3A_613 = arith.constant 14 : i32
        %dma_start3A_614 = arith.constant 0 : i32
        %dma_start3A_615 = arith.constant 0 : i32
        %dma_start3A_616 = tpu.memref_slice %arg10[%dma_start3A_612, %dma_start3A_614, %dma_start3A_615] : memref<16x128x32xf32, #tpu.memory_space<vmem>> -> memref<1x128x32xf32, #tpu.memory_space<vmem>>
        %dma_start3A_617 = tpu.memref_squeeze %dma_start3A_616 : memref<1x128x32xf32, #tpu.memory_space<vmem>> -> memref<128x32xf32, #tpu.memory_space<vmem>>
        %dma_start3A_618 = arith.constant 0 : i32
        %dma_start3A_619 = tpu.memref_slice %arg8[%add3A_611, %dma_start3A_618] : memref<80x128xi32, #tpu.memory_space<vmem>> -> memref<1x128xi32, #tpu.memory_space<vmem>>
        %dma_start3A_620 = tpu.memref_squeeze %dma_start3A_619 : memref<1x128xi32, #tpu.memory_space<vmem>> -> memref<128xi32, #tpu.memory_space<vmem>>
        %dma_start3A_621 = arith.constant 0 : i32
        %dma_start3A_622 = arith.constant 0 : i32
        %dma_start3A_623 = tpu.memref_slice %arg2[%dma_start3A_621, %dma_start3A_622] : memref<10240x32xf32, #tpu.memory_space<hbm>> -> memref<10240x32xf32, #tpu.memory_space<hbm>>
        %dma_start3A_624 = tpu.memref_slice %arg11[%dma_start3A_613] : memref<16x!tpu.dma_semaphore, #tpu.memory_space<semaphore_mem>> -> memref<1x!tpu.dma_semaphore, #tpu.memory_space<semaphore_mem>>
        %dma_start3A_625 = tpu.memref_squeeze %dma_start3A_624 : memref<1x!tpu.dma_semaphore, #tpu.memory_space<semaphore_mem>> -> memref<!tpu.dma_semaphore, #tpu.memory_space<semaphore_mem>>
        tpu.enqueue_indirect_dma source(%dma_start3A_623 : memref<10240x32xf32, #tpu.memory_space<hbm>>) target(%dma_start3A_617 : memref<128x32xf32, #tpu.memory_space<vmem>>) offsets(%dma_start3A_620 : memref<128xi32, #tpu.memory_space<vmem>>) semaphore(%dma_start3A_625 : memref<!tpu.dma_semaphore, #tpu.memory_space<semaphore_mem>>)
      } else {
      }
      %dma_wait3A_321 = arith.constant 6 : i32
      %dma_wait3A_322 = arith.constant 6 : i32
      %dma_wait3A_323 = arith.constant 0 : i32
      %dma_wait3A_324 = arith.constant 0 : i32
      %dma_wait3A_325 = tpu.memref_slice %arg10[%dma_wait3A_321, %dma_wait3A_323, %dma_wait3A_324] : memref<16x128x32xf32, #tpu.memory_space<vmem>> -> memref<1x128x32xf32, #tpu.memory_space<vmem>>
      %dma_wait3A_326 = tpu.memref_squeeze %dma_wait3A_325 : memref<1x128x32xf32, #tpu.memory_space<vmem>> -> memref<128x32xf32, #tpu.memory_space<vmem>>
      %dma_wait3A_327 = arith.constant 0 : i32
      %dma_wait3A_328 = arith.constant 0 : i32
      %dma_wait3A_329 = tpu.memref_slice %arg2[%dma_wait3A_327, %dma_wait3A_328] : memref<10240x32xf32, #tpu.memory_space<hbm>> -> memref<128x32xf32, #tpu.memory_space<hbm>>
      %dma_wait3A_330 = tpu.memref_slice %arg11[%dma_wait3A_322] : memref<16x!tpu.dma_semaphore, #tpu.memory_space<semaphore_mem>> -> memref<1x!tpu.dma_semaphore, #tpu.memory_space<semaphore_mem>>
      %dma_wait3A_331 = tpu.memref_squeeze %dma_wait3A_330 : memref<1x!tpu.dma_semaphore, #tpu.memory_space<semaphore_mem>> -> memref<!tpu.dma_semaphore, #tpu.memory_space<semaphore_mem>>
      %dma_wait3A_332 = arith.constant 0 : i32
      %dma_wait3A_333 = arith.constant 0 : i32
      %dma_wait3A_334 = tpu.memref_slice %arg10[%dma_wait3A_321, %dma_wait3A_332, %dma_wait3A_333] : memref<16x128x32xf32, #tpu.memory_space<vmem>> -> memref<1x128x32xf32, #tpu.memory_space<vmem>>
      %dma_wait3A_335 = tpu.memref_squeeze %dma_wait3A_334 : memref<1x128x32xf32, #tpu.memory_space<vmem>> -> memref<128x32xf32, #tpu.memory_space<vmem>>
      %dma_wait3A_336 = arith.constant 0 : i32
      %dma_wait3A_337 = arith.constant 0 : i32
      %dma_wait3A_338 = tpu.memref_slice %arg2[%dma_wait3A_336, %dma_wait3A_337] : memref<10240x32xf32, #tpu.memory_space<hbm>> -> memref<128x32xf32, #tpu.memory_space<hbm>>
      tpu.wait_dma2 semaphore(%dma_wait3A_331 : memref<!tpu.dma_semaphore, #tpu.memory_space<semaphore_mem>>) src(%dma_wait3A_338 : memref<128x32xf32, #tpu.memory_space<hbm>>) dst(%dma_wait3A_335 : memref<128x32xf32, #tpu.memory_space<vmem>>)
      %run_scoped3A_339 = arith.constant 6 : i32
      "tpu.region"() ({
        %run_scoped3A_610 = tpu.sem_alloc : memref<!tpu.dma_semaphore, #tpu.memory_space<semaphore_mem>>
        %dma_start3A_611 = arith.constant 0 : i32
        %dma_start3A_612 = arith.constant 0 : i32
        %dma_start3A_613 = tpu.memref_slice %arg10[%run_scoped3A_339, %dma_start3A_611, %dma_start3A_612] : memref<16x128x32xf32, #tpu.memory_space<vmem>> -> memref<1x128x32xf32, #tpu.memory_space<vmem>>
        %dma_start3A_614 = tpu.memref_squeeze %dma_start3A_613 : memref<1x128x32xf32, #tpu.memory_space<vmem>> -> memref<128x32xf32, #tpu.memory_space<vmem>>
        %dma_start3A_615 = arith.constant 0 : i32
        %dma_start3A_616 = tpu.memref_slice %arg9[%add3A_313, %dma_start3A_615] : memref<80x128xi32, #tpu.memory_space<vmem>> -> memref<1x128xi32, #tpu.memory_space<vmem>>
        %dma_start3A_617 = tpu.memref_squeeze %dma_start3A_616 : memref<1x128xi32, #tpu.memory_space<vmem>> -> memref<128xi32, #tpu.memory_space<vmem>>
        %dma_start3A_618 = arith.constant 0 : i32
        %dma_start3A_619 = arith.constant 0 : i32
        %dma_start3A_620 = tpu.memref_slice %arg7[%dma_start3A_618, %dma_start3A_619] : memref<10240x32xf32, #tpu.memory_space<vmem_shared>> -> memref<10240x32xf32, #tpu.memory_space<vmem_shared>>
        tpu.enqueue_indirect_dma source(%dma_start3A_614 : memref<128x32xf32, #tpu.memory_space<vmem>>) target(%dma_start3A_620 : memref<10240x32xf32, #tpu.memory_space<vmem_shared>>) offsets(%dma_start3A_617 : memref<128xi32, #tpu.memory_space<vmem>>) semaphore(%run_scoped3A_610 : memref<!tpu.dma_semaphore, #tpu.memory_space<semaphore_mem>>) {add = true}
        %dma_wait3A_621 = arith.constant 0 : i32
        %dma_wait3A_622 = arith.constant 0 : i32
        %dma_wait3A_623 = tpu.memref_slice %arg10[%run_scoped3A_339, %dma_wait3A_621, %dma_wait3A_622] : memref<16x128x32xf32, #tpu.memory_space<vmem>> -> memref<1x128x32xf32, #tpu.memory_space<vmem>>
        %dma_wait3A_624 = tpu.memref_squeeze %dma_wait3A_623 : memref<1x128x32xf32, #tpu.memory_space<vmem>> -> memref<128x32xf32, #tpu.memory_space<vmem>>
        %dma_wait3A_625 = arith.constant 0 : i32
        %dma_wait3A_626 = tpu.memref_slice %arg9[%add3A_313, %dma_wait3A_625] : memref<80x128xi32, #tpu.memory_space<vmem>> -> memref<1x128xi32, #tpu.memory_space<vmem>>
        %dma_wait3A_627 = tpu.memref_squeeze %dma_wait3A_626 : memref<1x128xi32, #tpu.memory_space<vmem>> -> memref<128xi32, #tpu.memory_space<vmem>>
        %dma_wait3A_628 = arith.constant 0 : i32
        %dma_wait3A_629 = arith.constant 0 : i32
        %dma_wait3A_630 = tpu.memref_slice %arg7[%dma_wait3A_628, %dma_wait3A_629] : memref<10240x32xf32, #tpu.memory_space<vmem_shared>> -> memref<10240x32xf32, #tpu.memory_space<vmem_shared>>
        tpu.wait_indirect_dma semaphore(%run_scoped3A_610 : memref<!tpu.dma_semaphore, #tpu.memory_space<semaphore_mem>>) src(%dma_wait3A_624 : memref<128x32xf32, #tpu.memory_space<vmem>>) dst(%dma_wait3A_630 : memref<10240x32xf32, #tpu.memory_space<vmem_shared>>)
        tpu.yield
      }) : () -> ()
      %mul3A_340 = arith.constant 16 : i32
      %mul3A_341 = arith.muli %scan3A_134, %mul3A_340 : i32
      %add3A_342 = arith.constant 7 : i32
      %add3A_343 = arith.addi %mul3A_341, %add3A_342 : i32
      %add3A_344 = arith.constant 8 : i32
      %add3A_345 = arith.addi %add3A_343, %add3A_344 : i32
      %lt3A_346 = arith.constant 80 : i32
      %lt3A_347 = arith.cmpi slt, %add3A_345, %lt3A_346 : i32
      %convert_element_type3A_348 = arith.extui %lt3A_347 : i1 to i32
      %cond3A_349 = arith.constant 0 : i32
      %cond3A_350 = arith.cmpi ne, %convert_element_type3A_348, %cond3A_349 : i32
      scf.if %cond3A_350 {
        %add3A_610 = arith.constant 8 : i32
        %add3A_611 = arith.addi %add3A_343, %add3A_610 : i32
        %dma_start3A_612 = arith.constant 15 : i32
        %dma_start3A_613 = arith.constant 15 : i32
        %dma_start3A_614 = arith.constant 0 : i32
        %dma_start3A_615 = arith.constant 0 : i32
        %dma_start3A_616 = tpu.memref_slice %arg10[%dma_start3A_612, %dma_start3A_614, %dma_start3A_615] : memref<16x128x32xf32, #tpu.memory_space<vmem>> -> memref<1x128x32xf32, #tpu.memory_space<vmem>>
        %dma_start3A_617 = tpu.memref_squeeze %dma_start3A_616 : memref<1x128x32xf32, #tpu.memory_space<vmem>> -> memref<128x32xf32, #tpu.memory_space<vmem>>
        %dma_start3A_618 = arith.constant 0 : i32
        %dma_start3A_619 = tpu.memref_slice %arg8[%add3A_611, %dma_start3A_618] : memref<80x128xi32, #tpu.memory_space<vmem>> -> memref<1x128xi32, #tpu.memory_space<vmem>>
        %dma_start3A_620 = tpu.memref_squeeze %dma_start3A_619 : memref<1x128xi32, #tpu.memory_space<vmem>> -> memref<128xi32, #tpu.memory_space<vmem>>
        %dma_start3A_621 = arith.constant 0 : i32
        %dma_start3A_622 = arith.constant 0 : i32
        %dma_start3A_623 = tpu.memref_slice %arg2[%dma_start3A_621, %dma_start3A_622] : memref<10240x32xf32, #tpu.memory_space<hbm>> -> memref<10240x32xf32, #tpu.memory_space<hbm>>
        %dma_start3A_624 = tpu.memref_slice %arg11[%dma_start3A_613] : memref<16x!tpu.dma_semaphore, #tpu.memory_space<semaphore_mem>> -> memref<1x!tpu.dma_semaphore, #tpu.memory_space<semaphore_mem>>
        %dma_start3A_625 = tpu.memref_squeeze %dma_start3A_624 : memref<1x!tpu.dma_semaphore, #tpu.memory_space<semaphore_mem>> -> memref<!tpu.dma_semaphore, #tpu.memory_space<semaphore_mem>>
        tpu.enqueue_indirect_dma source(%dma_start3A_623 : memref<10240x32xf32, #tpu.memory_space<hbm>>) target(%dma_start3A_617 : memref<128x32xf32, #tpu.memory_space<vmem>>) offsets(%dma_start3A_620 : memref<128xi32, #tpu.memory_space<vmem>>) semaphore(%dma_start3A_625 : memref<!tpu.dma_semaphore, #tpu.memory_space<semaphore_mem>>)
      } else {
      }
      %dma_wait3A_351 = arith.constant 7 : i32
      %dma_wait3A_352 = arith.constant 7 : i32
      %dma_wait3A_353 = arith.constant 0 : i32
      %dma_wait3A_354 = arith.constant 0 : i32
      %dma_wait3A_355 = tpu.memref_slice %arg10[%dma_wait3A_351, %dma_wait3A_353, %dma_wait3A_354] : memref<16x128x32xf32, #tpu.memory_space<vmem>> -> memref<1x128x32xf32, #tpu.memory_space<vmem>>
      %dma_wait3A_356 = tpu.memref_squeeze %dma_wait3A_355 : memref<1x128x32xf32, #tpu.memory_space<vmem>> -> memref<128x32xf32, #tpu.memory_space<vmem>>
      %dma_wait3A_357 = arith.constant 0 : i32
      %dma_wait3A_358 = arith.constant 0 : i32
      %dma_wait3A_359 = tpu.memref_slice %arg2[%dma_wait3A_357, %dma_wait3A_358] : memref<10240x32xf32, #tpu.memory_space<hbm>> -> memref<128x32xf32, #tpu.memory_space<hbm>>
      %dma_wait3A_360 = tpu.memref_slice %arg11[%dma_wait3A_352] : memref<16x!tpu.dma_semaphore, #tpu.memory_space<semaphore_mem>> -> memref<1x!tpu.dma_semaphore, #tpu.memory_space<semaphore_mem>>
      %dma_wait3A_361 = tpu.memref_squeeze %dma_wait3A_360 : memref<1x!tpu.dma_semaphore, #tpu.memory_space<semaphore_mem>> -> memref<!tpu.dma_semaphore, #tpu.memory_space<semaphore_mem>>
      %dma_wait3A_362 = arith.constant 0 : i32
      %dma_wait3A_363 = arith.constant 0 : i32
      %dma_wait3A_364 = tpu.memref_slice %arg10[%dma_wait3A_351, %dma_wait3A_362, %dma_wait3A_363] : memref<16x128x32xf32, #tpu.memory_space<vmem>> -> memref<1x128x32xf32, #tpu.memory_space<vmem>>
      %dma_wait3A_365 = tpu.memref_squeeze %dma_wait3A_364 : memref<1x128x32xf32, #tpu.memory_space<vmem>> -> memref<128x32xf32, #tpu.memory_space<vmem>>
      %dma_wait3A_366 = arith.constant 0 : i32
      %dma_wait3A_367 = arith.constant 0 : i32
      %dma_wait3A_368 = tpu.memref_slice %arg2[%dma_wait3A_366, %dma_wait3A_367] : memref<10240x32xf32, #tpu.memory_space<hbm>> -> memref<128x32xf32, #tpu.memory_space<hbm>>
      tpu.wait_dma2 semaphore(%dma_wait3A_361 : memref<!tpu.dma_semaphore, #tpu.memory_space<semaphore_mem>>) src(%dma_wait3A_368 : memref<128x32xf32, #tpu.memory_space<hbm>>) dst(%dma_wait3A_365 : memref<128x32xf32, #tpu.memory_space<vmem>>)
      %run_scoped3A_369 = arith.constant 7 : i32
      "tpu.region"() ({
        %run_scoped3A_610 = tpu.sem_alloc : memref<!tpu.dma_semaphore, #tpu.memory_space<semaphore_mem>>
        %dma_start3A_611 = arith.constant 0 : i32
        %dma_start3A_612 = arith.constant 0 : i32
        %dma_start3A_613 = tpu.memref_slice %arg10[%run_scoped3A_369, %dma_start3A_611, %dma_start3A_612] : memref<16x128x32xf32, #tpu.memory_space<vmem>> -> memref<1x128x32xf32, #tpu.memory_space<vmem>>
        %dma_start3A_614 = tpu.memref_squeeze %dma_start3A_613 : memref<1x128x32xf32, #tpu.memory_space<vmem>> -> memref<128x32xf32, #tpu.memory_space<vmem>>
        %dma_start3A_615 = arith.constant 0 : i32
        %dma_start3A_616 = tpu.memref_slice %arg9[%add3A_343, %dma_start3A_615] : memref<80x128xi32, #tpu.memory_space<vmem>> -> memref<1x128xi32, #tpu.memory_space<vmem>>
        %dma_start3A_617 = tpu.memref_squeeze %dma_start3A_616 : memref<1x128xi32, #tpu.memory_space<vmem>> -> memref<128xi32, #tpu.memory_space<vmem>>
        %dma_start3A_618 = arith.constant 0 : i32
        %dma_start3A_619 = arith.constant 0 : i32
        %dma_start3A_620 = tpu.memref_slice %arg7[%dma_start3A_618, %dma_start3A_619] : memref<10240x32xf32, #tpu.memory_space<vmem_shared>> -> memref<10240x32xf32, #tpu.memory_space<vmem_shared>>
        tpu.enqueue_indirect_dma source(%dma_start3A_614 : memref<128x32xf32, #tpu.memory_space<vmem>>) target(%dma_start3A_620 : memref<10240x32xf32, #tpu.memory_space<vmem_shared>>) offsets(%dma_start3A_617 : memref<128xi32, #tpu.memory_space<vmem>>) semaphore(%run_scoped3A_610 : memref<!tpu.dma_semaphore, #tpu.memory_space<semaphore_mem>>) {add = true}
        %dma_wait3A_621 = arith.constant 0 : i32
        %dma_wait3A_622 = arith.constant 0 : i32
        %dma_wait3A_623 = tpu.memref_slice %arg10[%run_scoped3A_369, %dma_wait3A_621, %dma_wait3A_622] : memref<16x128x32xf32, #tpu.memory_space<vmem>> -> memref<1x128x32xf32, #tpu.memory_space<vmem>>
        %dma_wait3A_624 = tpu.memref_squeeze %dma_wait3A_623 : memref<1x128x32xf32, #tpu.memory_space<vmem>> -> memref<128x32xf32, #tpu.memory_space<vmem>>
        %dma_wait3A_625 = arith.constant 0 : i32
        %dma_wait3A_626 = tpu.memref_slice %arg9[%add3A_343, %dma_wait3A_625] : memref<80x128xi32, #tpu.memory_space<vmem>> -> memref<1x128xi32, #tpu.memory_space<vmem>>
        %dma_wait3A_627 = tpu.memref_squeeze %dma_wait3A_626 : memref<1x128xi32, #tpu.memory_space<vmem>> -> memref<128xi32, #tpu.memory_space<vmem>>
        %dma_wait3A_628 = arith.constant 0 : i32
        %dma_wait3A_629 = arith.constant 0 : i32
        %dma_wait3A_630 = tpu.memref_slice %arg7[%dma_wait3A_628, %dma_wait3A_629] : memref<10240x32xf32, #tpu.memory_space<vmem_shared>> -> memref<10240x32xf32, #tpu.memory_space<vmem_shared>>
        tpu.wait_indirect_dma semaphore(%run_scoped3A_610 : memref<!tpu.dma_semaphore, #tpu.memory_space<semaphore_mem>>) src(%dma_wait3A_624 : memref<128x32xf32, #tpu.memory_space<vmem>>) dst(%dma_wait3A_630 : memref<10240x32xf32, #tpu.memory_space<vmem_shared>>)
        tpu.yield
      }) : () -> ()
      %mul3A_370 = arith.constant 16 : i32
      %mul3A_371 = arith.muli %scan3A_134, %mul3A_370 : i32
      %add3A_372 = arith.constant 8 : i32
      %add3A_373 = arith.addi %mul3A_371, %add3A_372 : i32
      %add3A_374 = arith.constant 8 : i32
      %add3A_375 = arith.addi %add3A_373, %add3A_374 : i32
      %lt3A_376 = arith.constant 80 : i32
      %lt3A_377 = arith.cmpi slt, %add3A_375, %lt3A_376 : i32
      %convert_element_type3A_378 = arith.extui %lt3A_377 : i1 to i32
      %cond3A_379 = arith.constant 0 : i32
      %cond3A_380 = arith.cmpi ne, %convert_element_type3A_378, %cond3A_379 : i32
      scf.if %cond3A_380 {
        %add3A_610 = arith.constant 8 : i32
        %add3A_611 = arith.addi %add3A_373, %add3A_610 : i32
        %dma_start3A_612 = arith.constant 0 : i32
        %dma_start3A_613 = arith.constant 0 : i32
        %dma_start3A_614 = arith.constant 0 : i32
        %dma_start3A_615 = arith.constant 0 : i32
        %dma_start3A_616 = tpu.memref_slice %arg10[%dma_start3A_612, %dma_start3A_614, %dma_start3A_615] : memref<16x128x32xf32, #tpu.memory_space<vmem>> -> memref<1x128x32xf32, #tpu.memory_space<vmem>>
        %dma_start3A_617 = tpu.memref_squeeze %dma_start3A_616 : memref<1x128x32xf32, #tpu.memory_space<vmem>> -> memref<128x32xf32, #tpu.memory_space<vmem>>
        %dma_start3A_618 = arith.constant 0 : i32
        %dma_start3A_619 = tpu.memref_slice %arg8[%add3A_611, %dma_start3A_618] : memref<80x128xi32, #tpu.memory_space<vmem>> -> memref<1x128xi32, #tpu.memory_space<vmem>>
        %dma_start3A_620 = tpu.memref_squeeze %dma_start3A_619 : memref<1x128xi32, #tpu.memory_space<vmem>> -> memref<128xi32, #tpu.memory_space<vmem>>
        %dma_start3A_621 = arith.constant 0 : i32
        %dma_start3A_622 = arith.constant 0 : i32
        %dma_start3A_623 = tpu.memref_slice %arg2[%dma_start3A_621, %dma_start3A_622] : memref<10240x32xf32, #tpu.memory_space<hbm>> -> memref<10240x32xf32, #tpu.memory_space<hbm>>
        %dma_start3A_624 = tpu.memref_slice %arg11[%dma_start3A_613] : memref<16x!tpu.dma_semaphore, #tpu.memory_space<semaphore_mem>> -> memref<1x!tpu.dma_semaphore, #tpu.memory_space<semaphore_mem>>
        %dma_start3A_625 = tpu.memref_squeeze %dma_start3A_624 : memref<1x!tpu.dma_semaphore, #tpu.memory_space<semaphore_mem>> -> memref<!tpu.dma_semaphore, #tpu.memory_space<semaphore_mem>>
        tpu.enqueue_indirect_dma source(%dma_start3A_623 : memref<10240x32xf32, #tpu.memory_space<hbm>>) target(%dma_start3A_617 : memref<128x32xf32, #tpu.memory_space<vmem>>) offsets(%dma_start3A_620 : memref<128xi32, #tpu.memory_space<vmem>>) semaphore(%dma_start3A_625 : memref<!tpu.dma_semaphore, #tpu.memory_space<semaphore_mem>>)
      } else {
      }
      %dma_wait3A_381 = arith.constant 8 : i32
      %dma_wait3A_382 = arith.constant 8 : i32
      %dma_wait3A_383 = arith.constant 0 : i32
      %dma_wait3A_384 = arith.constant 0 : i32
      %dma_wait3A_385 = tpu.memref_slice %arg10[%dma_wait3A_381, %dma_wait3A_383, %dma_wait3A_384] : memref<16x128x32xf32, #tpu.memory_space<vmem>> -> memref<1x128x32xf32, #tpu.memory_space<vmem>>
      %dma_wait3A_386 = tpu.memref_squeeze %dma_wait3A_385 : memref<1x128x32xf32, #tpu.memory_space<vmem>> -> memref<128x32xf32, #tpu.memory_space<vmem>>
      %dma_wait3A_387 = arith.constant 0 : i32
      %dma_wait3A_388 = arith.constant 0 : i32
      %dma_wait3A_389 = tpu.memref_slice %arg2[%dma_wait3A_387, %dma_wait3A_388] : memref<10240x32xf32, #tpu.memory_space<hbm>> -> memref<128x32xf32, #tpu.memory_space<hbm>>
      %dma_wait3A_390 = tpu.memref_slice %arg11[%dma_wait3A_382] : memref<16x!tpu.dma_semaphore, #tpu.memory_space<semaphore_mem>> -> memref<1x!tpu.dma_semaphore, #tpu.memory_space<semaphore_mem>>
      %dma_wait3A_391 = tpu.memref_squeeze %dma_wait3A_390 : memref<1x!tpu.dma_semaphore, #tpu.memory_space<semaphore_mem>> -> memref<!tpu.dma_semaphore, #tpu.memory_space<semaphore_mem>>
      %dma_wait3A_392 = arith.constant 0 : i32
      %dma_wait3A_393 = arith.constant 0 : i32
      %dma_wait3A_394 = tpu.memref_slice %arg10[%dma_wait3A_381, %dma_wait3A_392, %dma_wait3A_393] : memref<16x128x32xf32, #tpu.memory_space<vmem>> -> memref<1x128x32xf32, #tpu.memory_space<vmem>>
      %dma_wait3A_395 = tpu.memref_squeeze %dma_wait3A_394 : memref<1x128x32xf32, #tpu.memory_space<vmem>> -> memref<128x32xf32, #tpu.memory_space<vmem>>
      %dma_wait3A_396 = arith.constant 0 : i32
      %dma_wait3A_397 = arith.constant 0 : i32
      %dma_wait3A_398 = tpu.memref_slice %arg2[%dma_wait3A_396, %dma_wait3A_397] : memref<10240x32xf32, #tpu.memory_space<hbm>> -> memref<128x32xf32, #tpu.memory_space<hbm>>
      tpu.wait_dma2 semaphore(%dma_wait3A_391 : memref<!tpu.dma_semaphore, #tpu.memory_space<semaphore_mem>>) src(%dma_wait3A_398 : memref<128x32xf32, #tpu.memory_space<hbm>>) dst(%dma_wait3A_395 : memref<128x32xf32, #tpu.memory_space<vmem>>)
      %run_scoped3A_399 = arith.constant 8 : i32
      "tpu.region"() ({
        %run_scoped3A_610 = tpu.sem_alloc : memref<!tpu.dma_semaphore, #tpu.memory_space<semaphore_mem>>
        %dma_start3A_611 = arith.constant 0 : i32
        %dma_start3A_612 = arith.constant 0 : i32
        %dma_start3A_613 = tpu.memref_slice %arg10[%run_scoped3A_399, %dma_start3A_611, %dma_start3A_612] : memref<16x128x32xf32, #tpu.memory_space<vmem>> -> memref<1x128x32xf32, #tpu.memory_space<vmem>>
        %dma_start3A_614 = tpu.memref_squeeze %dma_start3A_613 : memref<1x128x32xf32, #tpu.memory_space<vmem>> -> memref<128x32xf32, #tpu.memory_space<vmem>>
        %dma_start3A_615 = arith.constant 0 : i32
        %dma_start3A_616 = tpu.memref_slice %arg9[%add3A_373, %dma_start3A_615] : memref<80x128xi32, #tpu.memory_space<vmem>> -> memref<1x128xi32, #tpu.memory_space<vmem>>
        %dma_start3A_617 = tpu.memref_squeeze %dma_start3A_616 : memref<1x128xi32, #tpu.memory_space<vmem>> -> memref<128xi32, #tpu.memory_space<vmem>>
        %dma_start3A_618 = arith.constant 0 : i32
        %dma_start3A_619 = arith.constant 0 : i32
        %dma_start3A_620 = tpu.memref_slice %arg7[%dma_start3A_618, %dma_start3A_619] : memref<10240x32xf32, #tpu.memory_space<vmem_shared>> -> memref<10240x32xf32, #tpu.memory_space<vmem_shared>>
        tpu.enqueue_indirect_dma source(%dma_start3A_614 : memref<128x32xf32, #tpu.memory_space<vmem>>) target(%dma_start3A_620 : memref<10240x32xf32, #tpu.memory_space<vmem_shared>>) offsets(%dma_start3A_617 : memref<128xi32, #tpu.memory_space<vmem>>) semaphore(%run_scoped3A_610 : memref<!tpu.dma_semaphore, #tpu.memory_space<semaphore_mem>>) {add = true}
        %dma_wait3A_621 = arith.constant 0 : i32
        %dma_wait3A_622 = arith.constant 0 : i32
        %dma_wait3A_623 = tpu.memref_slice %arg10[%run_scoped3A_399, %dma_wait3A_621, %dma_wait3A_622] : memref<16x128x32xf32, #tpu.memory_space<vmem>> -> memref<1x128x32xf32, #tpu.memory_space<vmem>>
        %dma_wait3A_624 = tpu.memref_squeeze %dma_wait3A_623 : memref<1x128x32xf32, #tpu.memory_space<vmem>> -> memref<128x32xf32, #tpu.memory_space<vmem>>
        %dma_wait3A_625 = arith.constant 0 : i32
        %dma_wait3A_626 = tpu.memref_slice %arg9[%add3A_373, %dma_wait3A_625] : memref<80x128xi32, #tpu.memory_space<vmem>> -> memref<1x128xi32, #tpu.memory_space<vmem>>
        %dma_wait3A_627 = tpu.memref_squeeze %dma_wait3A_626 : memref<1x128xi32, #tpu.memory_space<vmem>> -> memref<128xi32, #tpu.memory_space<vmem>>
        %dma_wait3A_628 = arith.constant 0 : i32
        %dma_wait3A_629 = arith.constant 0 : i32
        %dma_wait3A_630 = tpu.memref_slice %arg7[%dma_wait3A_628, %dma_wait3A_629] : memref<10240x32xf32, #tpu.memory_space<vmem_shared>> -> memref<10240x32xf32, #tpu.memory_space<vmem_shared>>
        tpu.wait_indirect_dma semaphore(%run_scoped3A_610 : memref<!tpu.dma_semaphore, #tpu.memory_space<semaphore_mem>>) src(%dma_wait3A_624 : memref<128x32xf32, #tpu.memory_space<vmem>>) dst(%dma_wait3A_630 : memref<10240x32xf32, #tpu.memory_space<vmem_shared>>)
        tpu.yield
      }) : () -> ()
      %mul3A_400 = arith.constant 16 : i32
      %mul3A_401 = arith.muli %scan3A_134, %mul3A_400 : i32
      %add3A_402 = arith.constant 9 : i32
      %add3A_403 = arith.addi %mul3A_401, %add3A_402 : i32
      %add3A_404 = arith.constant 8 : i32
      %add3A_405 = arith.addi %add3A_403, %add3A_404 : i32
      %lt3A_406 = arith.constant 80 : i32
      %lt3A_407 = arith.cmpi slt, %add3A_405, %lt3A_406 : i32
      %convert_element_type3A_408 = arith.extui %lt3A_407 : i1 to i32
      %cond3A_409 = arith.constant 0 : i32
      %cond3A_410 = arith.cmpi ne, %convert_element_type3A_408, %cond3A_409 : i32
      scf.if %cond3A_410 {
        %add3A_610 = arith.constant 8 : i32
        %add3A_611 = arith.addi %add3A_403, %add3A_610 : i32
        %dma_start3A_612 = arith.constant 1 : i32
        %dma_start3A_613 = arith.constant 1 : i32
        %dma_start3A_614 = arith.constant 0 : i32
        %dma_start3A_615 = arith.constant 0 : i32
        %dma_start3A_616 = tpu.memref_slice %arg10[%dma_start3A_612, %dma_start3A_614, %dma_start3A_615] : memref<16x128x32xf32, #tpu.memory_space<vmem>> -> memref<1x128x32xf32, #tpu.memory_space<vmem>>
        %dma_start3A_617 = tpu.memref_squeeze %dma_start3A_616 : memref<1x128x32xf32, #tpu.memory_space<vmem>> -> memref<128x32xf32, #tpu.memory_space<vmem>>
        %dma_start3A_618 = arith.constant 0 : i32
        %dma_start3A_619 = tpu.memref_slice %arg8[%add3A_611, %dma_start3A_618] : memref<80x128xi32, #tpu.memory_space<vmem>> -> memref<1x128xi32, #tpu.memory_space<vmem>>
        %dma_start3A_620 = tpu.memref_squeeze %dma_start3A_619 : memref<1x128xi32, #tpu.memory_space<vmem>> -> memref<128xi32, #tpu.memory_space<vmem>>
        %dma_start3A_621 = arith.constant 0 : i32
        %dma_start3A_622 = arith.constant 0 : i32
        %dma_start3A_623 = tpu.memref_slice %arg2[%dma_start3A_621, %dma_start3A_622] : memref<10240x32xf32, #tpu.memory_space<hbm>> -> memref<10240x32xf32, #tpu.memory_space<hbm>>
        %dma_start3A_624 = tpu.memref_slice %arg11[%dma_start3A_613] : memref<16x!tpu.dma_semaphore, #tpu.memory_space<semaphore_mem>> -> memref<1x!tpu.dma_semaphore, #tpu.memory_space<semaphore_mem>>
        %dma_start3A_625 = tpu.memref_squeeze %dma_start3A_624 : memref<1x!tpu.dma_semaphore, #tpu.memory_space<semaphore_mem>> -> memref<!tpu.dma_semaphore, #tpu.memory_space<semaphore_mem>>
        tpu.enqueue_indirect_dma source(%dma_start3A_623 : memref<10240x32xf32, #tpu.memory_space<hbm>>) target(%dma_start3A_617 : memref<128x32xf32, #tpu.memory_space<vmem>>) offsets(%dma_start3A_620 : memref<128xi32, #tpu.memory_space<vmem>>) semaphore(%dma_start3A_625 : memref<!tpu.dma_semaphore, #tpu.memory_space<semaphore_mem>>)
      } else {
      }
      %dma_wait3A_411 = arith.constant 9 : i32
      %dma_wait3A_412 = arith.constant 9 : i32
      %dma_wait3A_413 = arith.constant 0 : i32
      %dma_wait3A_414 = arith.constant 0 : i32
      %dma_wait3A_415 = tpu.memref_slice %arg10[%dma_wait3A_411, %dma_wait3A_413, %dma_wait3A_414] : memref<16x128x32xf32, #tpu.memory_space<vmem>> -> memref<1x128x32xf32, #tpu.memory_space<vmem>>
      %dma_wait3A_416 = tpu.memref_squeeze %dma_wait3A_415 : memref<1x128x32xf32, #tpu.memory_space<vmem>> -> memref<128x32xf32, #tpu.memory_space<vmem>>
      %dma_wait3A_417 = arith.constant 0 : i32
      %dma_wait3A_418 = arith.constant 0 : i32
      %dma_wait3A_419 = tpu.memref_slice %arg2[%dma_wait3A_417, %dma_wait3A_418] : memref<10240x32xf32, #tpu.memory_space<hbm>> -> memref<128x32xf32, #tpu.memory_space<hbm>>
      %dma_wait3A_420 = tpu.memref_slice %arg11[%dma_wait3A_412] : memref<16x!tpu.dma_semaphore, #tpu.memory_space<semaphore_mem>> -> memref<1x!tpu.dma_semaphore, #tpu.memory_space<semaphore_mem>>
      %dma_wait3A_421 = tpu.memref_squeeze %dma_wait3A_420 : memref<1x!tpu.dma_semaphore, #tpu.memory_space<semaphore_mem>> -> memref<!tpu.dma_semaphore, #tpu.memory_space<semaphore_mem>>
      %dma_wait3A_422 = arith.constant 0 : i32
      %dma_wait3A_423 = arith.constant 0 : i32
      %dma_wait3A_424 = tpu.memref_slice %arg10[%dma_wait3A_411, %dma_wait3A_422, %dma_wait3A_423] : memref<16x128x32xf32, #tpu.memory_space<vmem>> -> memref<1x128x32xf32, #tpu.memory_space<vmem>>
      %dma_wait3A_425 = tpu.memref_squeeze %dma_wait3A_424 : memref<1x128x32xf32, #tpu.memory_space<vmem>> -> memref<128x32xf32, #tpu.memory_space<vmem>>
      %dma_wait3A_426 = arith.constant 0 : i32
      %dma_wait3A_427 = arith.constant 0 : i32
      %dma_wait3A_428 = tpu.memref_slice %arg2[%dma_wait3A_426, %dma_wait3A_427] : memref<10240x32xf32, #tpu.memory_space<hbm>> -> memref<128x32xf32, #tpu.memory_space<hbm>>
      tpu.wait_dma2 semaphore(%dma_wait3A_421 : memref<!tpu.dma_semaphore, #tpu.memory_space<semaphore_mem>>) src(%dma_wait3A_428 : memref<128x32xf32, #tpu.memory_space<hbm>>) dst(%dma_wait3A_425 : memref<128x32xf32, #tpu.memory_space<vmem>>)
      %run_scoped3A_429 = arith.constant 9 : i32
      "tpu.region"() ({
        %run_scoped3A_610 = tpu.sem_alloc : memref<!tpu.dma_semaphore, #tpu.memory_space<semaphore_mem>>
        %dma_start3A_611 = arith.constant 0 : i32
        %dma_start3A_612 = arith.constant 0 : i32
        %dma_start3A_613 = tpu.memref_slice %arg10[%run_scoped3A_429, %dma_start3A_611, %dma_start3A_612] : memref<16x128x32xf32, #tpu.memory_space<vmem>> -> memref<1x128x32xf32, #tpu.memory_space<vmem>>
        %dma_start3A_614 = tpu.memref_squeeze %dma_start3A_613 : memref<1x128x32xf32, #tpu.memory_space<vmem>> -> memref<128x32xf32, #tpu.memory_space<vmem>>
        %dma_start3A_615 = arith.constant 0 : i32
        %dma_start3A_616 = tpu.memref_slice %arg9[%add3A_403, %dma_start3A_615] : memref<80x128xi32, #tpu.memory_space<vmem>> -> memref<1x128xi32, #tpu.memory_space<vmem>>
        %dma_start3A_617 = tpu.memref_squeeze %dma_start3A_616 : memref<1x128xi32, #tpu.memory_space<vmem>> -> memref<128xi32, #tpu.memory_space<vmem>>
        %dma_start3A_618 = arith.constant 0 : i32
        %dma_start3A_619 = arith.constant 0 : i32
        %dma_start3A_620 = tpu.memref_slice %arg7[%dma_start3A_618, %dma_start3A_619] : memref<10240x32xf32, #tpu.memory_space<vmem_shared>> -> memref<10240x32xf32, #tpu.memory_space<vmem_shared>>
        tpu.enqueue_indirect_dma source(%dma_start3A_614 : memref<128x32xf32, #tpu.memory_space<vmem>>) target(%dma_start3A_620 : memref<10240x32xf32, #tpu.memory_space<vmem_shared>>) offsets(%dma_start3A_617 : memref<128xi32, #tpu.memory_space<vmem>>) semaphore(%run_scoped3A_610 : memref<!tpu.dma_semaphore, #tpu.memory_space<semaphore_mem>>) {add = true}
        %dma_wait3A_621 = arith.constant 0 : i32
        %dma_wait3A_622 = arith.constant 0 : i32
        %dma_wait3A_623 = tpu.memref_slice %arg10[%run_scoped3A_429, %dma_wait3A_621, %dma_wait3A_622] : memref<16x128x32xf32, #tpu.memory_space<vmem>> -> memref<1x128x32xf32, #tpu.memory_space<vmem>>
        %dma_wait3A_624 = tpu.memref_squeeze %dma_wait3A_623 : memref<1x128x32xf32, #tpu.memory_space<vmem>> -> memref<128x32xf32, #tpu.memory_space<vmem>>
        %dma_wait3A_625 = arith.constant 0 : i32
        %dma_wait3A_626 = tpu.memref_slice %arg9[%add3A_403, %dma_wait3A_625] : memref<80x128xi32, #tpu.memory_space<vmem>> -> memref<1x128xi32, #tpu.memory_space<vmem>>
        %dma_wait3A_627 = tpu.memref_squeeze %dma_wait3A_626 : memref<1x128xi32, #tpu.memory_space<vmem>> -> memref<128xi32, #tpu.memory_space<vmem>>
        %dma_wait3A_628 = arith.constant 0 : i32
        %dma_wait3A_629 = arith.constant 0 : i32
        %dma_wait3A_630 = tpu.memref_slice %arg7[%dma_wait3A_628, %dma_wait3A_629] : memref<10240x32xf32, #tpu.memory_space<vmem_shared>> -> memref<10240x32xf32, #tpu.memory_space<vmem_shared>>
        tpu.wait_indirect_dma semaphore(%run_scoped3A_610 : memref<!tpu.dma_semaphore, #tpu.memory_space<semaphore_mem>>) src(%dma_wait3A_624 : memref<128x32xf32, #tpu.memory_space<vmem>>) dst(%dma_wait3A_630 : memref<10240x32xf32, #tpu.memory_space<vmem_shared>>)
        tpu.yield
      }) : () -> ()
      %mul3A_430 = arith.constant 16 : i32
      %mul3A_431 = arith.muli %scan3A_134, %mul3A_430 : i32
      %add3A_432 = arith.constant 10 : i32
      %add3A_433 = arith.addi %mul3A_431, %add3A_432 : i32
      %add3A_434 = arith.constant 8 : i32
      %add3A_435 = arith.addi %add3A_433, %add3A_434 : i32
      %lt3A_436 = arith.constant 80 : i32
      %lt3A_437 = arith.cmpi slt, %add3A_435, %lt3A_436 : i32
      %convert_element_type3A_438 = arith.extui %lt3A_437 : i1 to i32
      %cond3A_439 = arith.constant 0 : i32
      %cond3A_440 = arith.cmpi ne, %convert_element_type3A_438, %cond3A_439 : i32
      scf.if %cond3A_440 {
        %add3A_610 = arith.constant 8 : i32
        %add3A_611 = arith.addi %add3A_433, %add3A_610 : i32
        %dma_start3A_612 = arith.constant 2 : i32
        %dma_start3A_613 = arith.constant 2 : i32
        %dma_start3A_614 = arith.constant 0 : i32
        %dma_start3A_615 = arith.constant 0 : i32
        %dma_start3A_616 = tpu.memref_slice %arg10[%dma_start3A_612, %dma_start3A_614, %dma_start3A_615] : memref<16x128x32xf32, #tpu.memory_space<vmem>> -> memref<1x128x32xf32, #tpu.memory_space<vmem>>
        %dma_start3A_617 = tpu.memref_squeeze %dma_start3A_616 : memref<1x128x32xf32, #tpu.memory_space<vmem>> -> memref<128x32xf32, #tpu.memory_space<vmem>>
        %dma_start3A_618 = arith.constant 0 : i32
        %dma_start3A_619 = tpu.memref_slice %arg8[%add3A_611, %dma_start3A_618] : memref<80x128xi32, #tpu.memory_space<vmem>> -> memref<1x128xi32, #tpu.memory_space<vmem>>
        %dma_start3A_620 = tpu.memref_squeeze %dma_start3A_619 : memref<1x128xi32, #tpu.memory_space<vmem>> -> memref<128xi32, #tpu.memory_space<vmem>>
        %dma_start3A_621 = arith.constant 0 : i32
        %dma_start3A_622 = arith.constant 0 : i32
        %dma_start3A_623 = tpu.memref_slice %arg2[%dma_start3A_621, %dma_start3A_622] : memref<10240x32xf32, #tpu.memory_space<hbm>> -> memref<10240x32xf32, #tpu.memory_space<hbm>>
        %dma_start3A_624 = tpu.memref_slice %arg11[%dma_start3A_613] : memref<16x!tpu.dma_semaphore, #tpu.memory_space<semaphore_mem>> -> memref<1x!tpu.dma_semaphore, #tpu.memory_space<semaphore_mem>>
        %dma_start3A_625 = tpu.memref_squeeze %dma_start3A_624 : memref<1x!tpu.dma_semaphore, #tpu.memory_space<semaphore_mem>> -> memref<!tpu.dma_semaphore, #tpu.memory_space<semaphore_mem>>
        tpu.enqueue_indirect_dma source(%dma_start3A_623 : memref<10240x32xf32, #tpu.memory_space<hbm>>) target(%dma_start3A_617 : memref<128x32xf32, #tpu.memory_space<vmem>>) offsets(%dma_start3A_620 : memref<128xi32, #tpu.memory_space<vmem>>) semaphore(%dma_start3A_625 : memref<!tpu.dma_semaphore, #tpu.memory_space<semaphore_mem>>)
      } else {
      }
      %dma_wait3A_441 = arith.constant 10 : i32
      %dma_wait3A_442 = arith.constant 10 : i32
      %dma_wait3A_443 = arith.constant 0 : i32
      %dma_wait3A_444 = arith.constant 0 : i32
      %dma_wait3A_445 = tpu.memref_slice %arg10[%dma_wait3A_441, %dma_wait3A_443, %dma_wait3A_444] : memref<16x128x32xf32, #tpu.memory_space<vmem>> -> memref<1x128x32xf32, #tpu.memory_space<vmem>>
      %dma_wait3A_446 = tpu.memref_squeeze %dma_wait3A_445 : memref<1x128x32xf32, #tpu.memory_space<vmem>> -> memref<128x32xf32, #tpu.memory_space<vmem>>
      %dma_wait3A_447 = arith.constant 0 : i32
      %dma_wait3A_448 = arith.constant 0 : i32
      %dma_wait3A_449 = tpu.memref_slice %arg2[%dma_wait3A_447, %dma_wait3A_448] : memref<10240x32xf32, #tpu.memory_space<hbm>> -> memref<128x32xf32, #tpu.memory_space<hbm>>
      %dma_wait3A_450 = tpu.memref_slice %arg11[%dma_wait3A_442] : memref<16x!tpu.dma_semaphore, #tpu.memory_space<semaphore_mem>> -> memref<1x!tpu.dma_semaphore, #tpu.memory_space<semaphore_mem>>
      %dma_wait3A_451 = tpu.memref_squeeze %dma_wait3A_450 : memref<1x!tpu.dma_semaphore, #tpu.memory_space<semaphore_mem>> -> memref<!tpu.dma_semaphore, #tpu.memory_space<semaphore_mem>>
      %dma_wait3A_452 = arith.constant 0 : i32
      %dma_wait3A_453 = arith.constant 0 : i32
      %dma_wait3A_454 = tpu.memref_slice %arg10[%dma_wait3A_441, %dma_wait3A_452, %dma_wait3A_453] : memref<16x128x32xf32, #tpu.memory_space<vmem>> -> memref<1x128x32xf32, #tpu.memory_space<vmem>>
      %dma_wait3A_455 = tpu.memref_squeeze %dma_wait3A_454 : memref<1x128x32xf32, #tpu.memory_space<vmem>> -> memref<128x32xf32, #tpu.memory_space<vmem>>
      %dma_wait3A_456 = arith.constant 0 : i32
      %dma_wait3A_457 = arith.constant 0 : i32
      %dma_wait3A_458 = tpu.memref_slice %arg2[%dma_wait3A_456, %dma_wait3A_457] : memref<10240x32xf32, #tpu.memory_space<hbm>> -> memref<128x32xf32, #tpu.memory_space<hbm>>
      tpu.wait_dma2 semaphore(%dma_wait3A_451 : memref<!tpu.dma_semaphore, #tpu.memory_space<semaphore_mem>>) src(%dma_wait3A_458 : memref<128x32xf32, #tpu.memory_space<hbm>>) dst(%dma_wait3A_455 : memref<128x32xf32, #tpu.memory_space<vmem>>)
      %run_scoped3A_459 = arith.constant 10 : i32
      "tpu.region"() ({
        %run_scoped3A_610 = tpu.sem_alloc : memref<!tpu.dma_semaphore, #tpu.memory_space<semaphore_mem>>
        %dma_start3A_611 = arith.constant 0 : i32
        %dma_start3A_612 = arith.constant 0 : i32
        %dma_start3A_613 = tpu.memref_slice %arg10[%run_scoped3A_459, %dma_start3A_611, %dma_start3A_612] : memref<16x128x32xf32, #tpu.memory_space<vmem>> -> memref<1x128x32xf32, #tpu.memory_space<vmem>>
        %dma_start3A_614 = tpu.memref_squeeze %dma_start3A_613 : memref<1x128x32xf32, #tpu.memory_space<vmem>> -> memref<128x32xf32, #tpu.memory_space<vmem>>
        %dma_start3A_615 = arith.constant 0 : i32
        %dma_start3A_616 = tpu.memref_slice %arg9[%add3A_433, %dma_start3A_615] : memref<80x128xi32, #tpu.memory_space<vmem>> -> memref<1x128xi32, #tpu.memory_space<vmem>>
        %dma_start3A_617 = tpu.memref_squeeze %dma_start3A_616 : memref<1x128xi32, #tpu.memory_space<vmem>> -> memref<128xi32, #tpu.memory_space<vmem>>
        %dma_start3A_618 = arith.constant 0 : i32
        %dma_start3A_619 = arith.constant 0 : i32
        %dma_start3A_620 = tpu.memref_slice %arg7[%dma_start3A_618, %dma_start3A_619] : memref<10240x32xf32, #tpu.memory_space<vmem_shared>> -> memref<10240x32xf32, #tpu.memory_space<vmem_shared>>
        tpu.enqueue_indirect_dma source(%dma_start3A_614 : memref<128x32xf32, #tpu.memory_space<vmem>>) target(%dma_start3A_620 : memref<10240x32xf32, #tpu.memory_space<vmem_shared>>) offsets(%dma_start3A_617 : memref<128xi32, #tpu.memory_space<vmem>>) semaphore(%run_scoped3A_610 : memref<!tpu.dma_semaphore, #tpu.memory_space<semaphore_mem>>) {add = true}
        %dma_wait3A_621 = arith.constant 0 : i32
        %dma_wait3A_622 = arith.constant 0 : i32
        %dma_wait3A_623 = tpu.memref_slice %arg10[%run_scoped3A_459, %dma_wait3A_621, %dma_wait3A_622] : memref<16x128x32xf32, #tpu.memory_space<vmem>> -> memref<1x128x32xf32, #tpu.memory_space<vmem>>
        %dma_wait3A_624 = tpu.memref_squeeze %dma_wait3A_623 : memref<1x128x32xf32, #tpu.memory_space<vmem>> -> memref<128x32xf32, #tpu.memory_space<vmem>>
        %dma_wait3A_625 = arith.constant 0 : i32
        %dma_wait3A_626 = tpu.memref_slice %arg9[%add3A_433, %dma_wait3A_625] : memref<80x128xi32, #tpu.memory_space<vmem>> -> memref<1x128xi32, #tpu.memory_space<vmem>>
        %dma_wait3A_627 = tpu.memref_squeeze %dma_wait3A_626 : memref<1x128xi32, #tpu.memory_space<vmem>> -> memref<128xi32, #tpu.memory_space<vmem>>
        %dma_wait3A_628 = arith.constant 0 : i32
        %dma_wait3A_629 = arith.constant 0 : i32
        %dma_wait3A_630 = tpu.memref_slice %arg7[%dma_wait3A_628, %dma_wait3A_629] : memref<10240x32xf32, #tpu.memory_space<vmem_shared>> -> memref<10240x32xf32, #tpu.memory_space<vmem_shared>>
        tpu.wait_indirect_dma semaphore(%run_scoped3A_610 : memref<!tpu.dma_semaphore, #tpu.memory_space<semaphore_mem>>) src(%dma_wait3A_624 : memref<128x32xf32, #tpu.memory_space<vmem>>) dst(%dma_wait3A_630 : memref<10240x32xf32, #tpu.memory_space<vmem_shared>>)
        tpu.yield
      }) : () -> ()
      %mul3A_460 = arith.constant 16 : i32
      %mul3A_461 = arith.muli %scan3A_134, %mul3A_460 : i32
      %add3A_462 = arith.constant 11 : i32
      %add3A_463 = arith.addi %mul3A_461, %add3A_462 : i32
      %add3A_464 = arith.constant 8 : i32
      %add3A_465 = arith.addi %add3A_463, %add3A_464 : i32
      %lt3A_466 = arith.constant 80 : i32
      %lt3A_467 = arith.cmpi slt, %add3A_465, %lt3A_466 : i32
      %convert_element_type3A_468 = arith.extui %lt3A_467 : i1 to i32
      %cond3A_469 = arith.constant 0 : i32
      %cond3A_470 = arith.cmpi ne, %convert_element_type3A_468, %cond3A_469 : i32
      scf.if %cond3A_470 {
        %add3A_610 = arith.constant 8 : i32
        %add3A_611 = arith.addi %add3A_463, %add3A_610 : i32
        %dma_start3A_612 = arith.constant 3 : i32
        %dma_start3A_613 = arith.constant 3 : i32
        %dma_start3A_614 = arith.constant 0 : i32
        %dma_start3A_615 = arith.constant 0 : i32
        %dma_start3A_616 = tpu.memref_slice %arg10[%dma_start3A_612, %dma_start3A_614, %dma_start3A_615] : memref<16x128x32xf32, #tpu.memory_space<vmem>> -> memref<1x128x32xf32, #tpu.memory_space<vmem>>
        %dma_start3A_617 = tpu.memref_squeeze %dma_start3A_616 : memref<1x128x32xf32, #tpu.memory_space<vmem>> -> memref<128x32xf32, #tpu.memory_space<vmem>>
        %dma_start3A_618 = arith.constant 0 : i32
        %dma_start3A_619 = tpu.memref_slice %arg8[%add3A_611, %dma_start3A_618] : memref<80x128xi32, #tpu.memory_space<vmem>> -> memref<1x128xi32, #tpu.memory_space<vmem>>
        %dma_start3A_620 = tpu.memref_squeeze %dma_start3A_619 : memref<1x128xi32, #tpu.memory_space<vmem>> -> memref<128xi32, #tpu.memory_space<vmem>>
        %dma_start3A_621 = arith.constant 0 : i32
        %dma_start3A_622 = arith.constant 0 : i32
        %dma_start3A_623 = tpu.memref_slice %arg2[%dma_start3A_621, %dma_start3A_622] : memref<10240x32xf32, #tpu.memory_space<hbm>> -> memref<10240x32xf32, #tpu.memory_space<hbm>>
        %dma_start3A_624 = tpu.memref_slice %arg11[%dma_start3A_613] : memref<16x!tpu.dma_semaphore, #tpu.memory_space<semaphore_mem>> -> memref<1x!tpu.dma_semaphore, #tpu.memory_space<semaphore_mem>>
        %dma_start3A_625 = tpu.memref_squeeze %dma_start3A_624 : memref<1x!tpu.dma_semaphore, #tpu.memory_space<semaphore_mem>> -> memref<!tpu.dma_semaphore, #tpu.memory_space<semaphore_mem>>
        tpu.enqueue_indirect_dma source(%dma_start3A_623 : memref<10240x32xf32, #tpu.memory_space<hbm>>) target(%dma_start3A_617 : memref<128x32xf32, #tpu.memory_space<vmem>>) offsets(%dma_start3A_620 : memref<128xi32, #tpu.memory_space<vmem>>) semaphore(%dma_start3A_625 : memref<!tpu.dma_semaphore, #tpu.memory_space<semaphore_mem>>)
      } else {
      }
      %dma_wait3A_471 = arith.constant 11 : i32
      %dma_wait3A_472 = arith.constant 11 : i32
      %dma_wait3A_473 = arith.constant 0 : i32
      %dma_wait3A_474 = arith.constant 0 : i32
      %dma_wait3A_475 = tpu.memref_slice %arg10[%dma_wait3A_471, %dma_wait3A_473, %dma_wait3A_474] : memref<16x128x32xf32, #tpu.memory_space<vmem>> -> memref<1x128x32xf32, #tpu.memory_space<vmem>>
      %dma_wait3A_476 = tpu.memref_squeeze %dma_wait3A_475 : memref<1x128x32xf32, #tpu.memory_space<vmem>> -> memref<128x32xf32, #tpu.memory_space<vmem>>
      %dma_wait3A_477 = arith.constant 0 : i32
      %dma_wait3A_478 = arith.constant 0 : i32
      %dma_wait3A_479 = tpu.memref_slice %arg2[%dma_wait3A_477, %dma_wait3A_478] : memref<10240x32xf32, #tpu.memory_space<hbm>> -> memref<128x32xf32, #tpu.memory_space<hbm>>
      %dma_wait3A_480 = tpu.memref_slice %arg11[%dma_wait3A_472] : memref<16x!tpu.dma_semaphore, #tpu.memory_space<semaphore_mem>> -> memref<1x!tpu.dma_semaphore, #tpu.memory_space<semaphore_mem>>
      %dma_wait3A_481 = tpu.memref_squeeze %dma_wait3A_480 : memref<1x!tpu.dma_semaphore, #tpu.memory_space<semaphore_mem>> -> memref<!tpu.dma_semaphore, #tpu.memory_space<semaphore_mem>>
      %dma_wait3A_482 = arith.constant 0 : i32
      %dma_wait3A_483 = arith.constant 0 : i32
      %dma_wait3A_484 = tpu.memref_slice %arg10[%dma_wait3A_471, %dma_wait3A_482, %dma_wait3A_483] : memref<16x128x32xf32, #tpu.memory_space<vmem>> -> memref<1x128x32xf32, #tpu.memory_space<vmem>>
      %dma_wait3A_485 = tpu.memref_squeeze %dma_wait3A_484 : memref<1x128x32xf32, #tpu.memory_space<vmem>> -> memref<128x32xf32, #tpu.memory_space<vmem>>
      %dma_wait3A_486 = arith.constant 0 : i32
      %dma_wait3A_487 = arith.constant 0 : i32
      %dma_wait3A_488 = tpu.memref_slice %arg2[%dma_wait3A_486, %dma_wait3A_487] : memref<10240x32xf32, #tpu.memory_space<hbm>> -> memref<128x32xf32, #tpu.memory_space<hbm>>
      tpu.wait_dma2 semaphore(%dma_wait3A_481 : memref<!tpu.dma_semaphore, #tpu.memory_space<semaphore_mem>>) src(%dma_wait3A_488 : memref<128x32xf32, #tpu.memory_space<hbm>>) dst(%dma_wait3A_485 : memref<128x32xf32, #tpu.memory_space<vmem>>)
      %run_scoped3A_489 = arith.constant 11 : i32
      "tpu.region"() ({
        %run_scoped3A_610 = tpu.sem_alloc : memref<!tpu.dma_semaphore, #tpu.memory_space<semaphore_mem>>
        %dma_start3A_611 = arith.constant 0 : i32
        %dma_start3A_612 = arith.constant 0 : i32
        %dma_start3A_613 = tpu.memref_slice %arg10[%run_scoped3A_489, %dma_start3A_611, %dma_start3A_612] : memref<16x128x32xf32, #tpu.memory_space<vmem>> -> memref<1x128x32xf32, #tpu.memory_space<vmem>>
        %dma_start3A_614 = tpu.memref_squeeze %dma_start3A_613 : memref<1x128x32xf32, #tpu.memory_space<vmem>> -> memref<128x32xf32, #tpu.memory_space<vmem>>
        %dma_start3A_615 = arith.constant 0 : i32
        %dma_start3A_616 = tpu.memref_slice %arg9[%add3A_463, %dma_start3A_615] : memref<80x128xi32, #tpu.memory_space<vmem>> -> memref<1x128xi32, #tpu.memory_space<vmem>>
        %dma_start3A_617 = tpu.memref_squeeze %dma_start3A_616 : memref<1x128xi32, #tpu.memory_space<vmem>> -> memref<128xi32, #tpu.memory_space<vmem>>
        %dma_start3A_618 = arith.constant 0 : i32
        %dma_start3A_619 = arith.constant 0 : i32
        %dma_start3A_620 = tpu.memref_slice %arg7[%dma_start3A_618, %dma_start3A_619] : memref<10240x32xf32, #tpu.memory_space<vmem_shared>> -> memref<10240x32xf32, #tpu.memory_space<vmem_shared>>
        tpu.enqueue_indirect_dma source(%dma_start3A_614 : memref<128x32xf32, #tpu.memory_space<vmem>>) target(%dma_start3A_620 : memref<10240x32xf32, #tpu.memory_space<vmem_shared>>) offsets(%dma_start3A_617 : memref<128xi32, #tpu.memory_space<vmem>>) semaphore(%run_scoped3A_610 : memref<!tpu.dma_semaphore, #tpu.memory_space<semaphore_mem>>) {add = true}
        %dma_wait3A_621 = arith.constant 0 : i32
        %dma_wait3A_622 = arith.constant 0 : i32
        %dma_wait3A_623 = tpu.memref_slice %arg10[%run_scoped3A_489, %dma_wait3A_621, %dma_wait3A_622] : memref<16x128x32xf32, #tpu.memory_space<vmem>> -> memref<1x128x32xf32, #tpu.memory_space<vmem>>
        %dma_wait3A_624 = tpu.memref_squeeze %dma_wait3A_623 : memref<1x128x32xf32, #tpu.memory_space<vmem>> -> memref<128x32xf32, #tpu.memory_space<vmem>>
        %dma_wait3A_625 = arith.constant 0 : i32
        %dma_wait3A_626 = tpu.memref_slice %arg9[%add3A_463, %dma_wait3A_625] : memref<80x128xi32, #tpu.memory_space<vmem>> -> memref<1x128xi32, #tpu.memory_space<vmem>>
        %dma_wait3A_627 = tpu.memref_squeeze %dma_wait3A_626 : memref<1x128xi32, #tpu.memory_space<vmem>> -> memref<128xi32, #tpu.memory_space<vmem>>
        %dma_wait3A_628 = arith.constant 0 : i32
        %dma_wait3A_629 = arith.constant 0 : i32
        %dma_wait3A_630 = tpu.memref_slice %arg7[%dma_wait3A_628, %dma_wait3A_629] : memref<10240x32xf32, #tpu.memory_space<vmem_shared>> -> memref<10240x32xf32, #tpu.memory_space<vmem_shared>>
        tpu.wait_indirect_dma semaphore(%run_scoped3A_610 : memref<!tpu.dma_semaphore, #tpu.memory_space<semaphore_mem>>) src(%dma_wait3A_624 : memref<128x32xf32, #tpu.memory_space<vmem>>) dst(%dma_wait3A_630 : memref<10240x32xf32, #tpu.memory_space<vmem_shared>>)
        tpu.yield
      }) : () -> ()
      %mul3A_490 = arith.constant 16 : i32
      %mul3A_491 = arith.muli %scan3A_134, %mul3A_490 : i32
      %add3A_492 = arith.constant 12 : i32
      %add3A_493 = arith.addi %mul3A_491, %add3A_492 : i32
      %add3A_494 = arith.constant 8 : i32
      %add3A_495 = arith.addi %add3A_493, %add3A_494 : i32
      %lt3A_496 = arith.constant 80 : i32
      %lt3A_497 = arith.cmpi slt, %add3A_495, %lt3A_496 : i32
      %convert_element_type3A_498 = arith.extui %lt3A_497 : i1 to i32
      %cond3A_499 = arith.constant 0 : i32
      %cond3A_500 = arith.cmpi ne, %convert_element_type3A_498, %cond3A_499 : i32
      scf.if %cond3A_500 {
        %add3A_610 = arith.constant 8 : i32
        %add3A_611 = arith.addi %add3A_493, %add3A_610 : i32
        %dma_start3A_612 = arith.constant 4 : i32
        %dma_start3A_613 = arith.constant 4 : i32
        %dma_start3A_614 = arith.constant 0 : i32
        %dma_start3A_615 = arith.constant 0 : i32
        %dma_start3A_616 = tpu.memref_slice %arg10[%dma_start3A_612, %dma_start3A_614, %dma_start3A_615] : memref<16x128x32xf32, #tpu.memory_space<vmem>> -> memref<1x128x32xf32, #tpu.memory_space<vmem>>
        %dma_start3A_617 = tpu.memref_squeeze %dma_start3A_616 : memref<1x128x32xf32, #tpu.memory_space<vmem>> -> memref<128x32xf32, #tpu.memory_space<vmem>>
        %dma_start3A_618 = arith.constant 0 : i32
        %dma_start3A_619 = tpu.memref_slice %arg8[%add3A_611, %dma_start3A_618] : memref<80x128xi32, #tpu.memory_space<vmem>> -> memref<1x128xi32, #tpu.memory_space<vmem>>
        %dma_start3A_620 = tpu.memref_squeeze %dma_start3A_619 : memref<1x128xi32, #tpu.memory_space<vmem>> -> memref<128xi32, #tpu.memory_space<vmem>>
        %dma_start3A_621 = arith.constant 0 : i32
        %dma_start3A_622 = arith.constant 0 : i32
        %dma_start3A_623 = tpu.memref_slice %arg2[%dma_start3A_621, %dma_start3A_622] : memref<10240x32xf32, #tpu.memory_space<hbm>> -> memref<10240x32xf32, #tpu.memory_space<hbm>>
        %dma_start3A_624 = tpu.memref_slice %arg11[%dma_start3A_613] : memref<16x!tpu.dma_semaphore, #tpu.memory_space<semaphore_mem>> -> memref<1x!tpu.dma_semaphore, #tpu.memory_space<semaphore_mem>>
        %dma_start3A_625 = tpu.memref_squeeze %dma_start3A_624 : memref<1x!tpu.dma_semaphore, #tpu.memory_space<semaphore_mem>> -> memref<!tpu.dma_semaphore, #tpu.memory_space<semaphore_mem>>
        tpu.enqueue_indirect_dma source(%dma_start3A_623 : memref<10240x32xf32, #tpu.memory_space<hbm>>) target(%dma_start3A_617 : memref<128x32xf32, #tpu.memory_space<vmem>>) offsets(%dma_start3A_620 : memref<128xi32, #tpu.memory_space<vmem>>) semaphore(%dma_start3A_625 : memref<!tpu.dma_semaphore, #tpu.memory_space<semaphore_mem>>)
      } else {
      }
      %dma_wait3A_501 = arith.constant 12 : i32
      %dma_wait3A_502 = arith.constant 12 : i32
      %dma_wait3A_503 = arith.constant 0 : i32
      %dma_wait3A_504 = arith.constant 0 : i32
      %dma_wait3A_505 = tpu.memref_slice %arg10[%dma_wait3A_501, %dma_wait3A_503, %dma_wait3A_504] : memref<16x128x32xf32, #tpu.memory_space<vmem>> -> memref<1x128x32xf32, #tpu.memory_space<vmem>>
      %dma_wait3A_506 = tpu.memref_squeeze %dma_wait3A_505 : memref<1x128x32xf32, #tpu.memory_space<vmem>> -> memref<128x32xf32, #tpu.memory_space<vmem>>
      %dma_wait3A_507 = arith.constant 0 : i32
      %dma_wait3A_508 = arith.constant 0 : i32
      %dma_wait3A_509 = tpu.memref_slice %arg2[%dma_wait3A_507, %dma_wait3A_508] : memref<10240x32xf32, #tpu.memory_space<hbm>> -> memref<128x32xf32, #tpu.memory_space<hbm>>
      %dma_wait3A_510 = tpu.memref_slice %arg11[%dma_wait3A_502] : memref<16x!tpu.dma_semaphore, #tpu.memory_space<semaphore_mem>> -> memref<1x!tpu.dma_semaphore, #tpu.memory_space<semaphore_mem>>
      %dma_wait3A_511 = tpu.memref_squeeze %dma_wait3A_510 : memref<1x!tpu.dma_semaphore, #tpu.memory_space<semaphore_mem>> -> memref<!tpu.dma_semaphore, #tpu.memory_space<semaphore_mem>>
      %dma_wait3A_512 = arith.constant 0 : i32
      %dma_wait3A_513 = arith.constant 0 : i32
      %dma_wait3A_514 = tpu.memref_slice %arg10[%dma_wait3A_501, %dma_wait3A_512, %dma_wait3A_513] : memref<16x128x32xf32, #tpu.memory_space<vmem>> -> memref<1x128x32xf32, #tpu.memory_space<vmem>>
      %dma_wait3A_515 = tpu.memref_squeeze %dma_wait3A_514 : memref<1x128x32xf32, #tpu.memory_space<vmem>> -> memref<128x32xf32, #tpu.memory_space<vmem>>
      %dma_wait3A_516 = arith.constant 0 : i32
      %dma_wait3A_517 = arith.constant 0 : i32
      %dma_wait3A_518 = tpu.memref_slice %arg2[%dma_wait3A_516, %dma_wait3A_517] : memref<10240x32xf32, #tpu.memory_space<hbm>> -> memref<128x32xf32, #tpu.memory_space<hbm>>
      tpu.wait_dma2 semaphore(%dma_wait3A_511 : memref<!tpu.dma_semaphore, #tpu.memory_space<semaphore_mem>>) src(%dma_wait3A_518 : memref<128x32xf32, #tpu.memory_space<hbm>>) dst(%dma_wait3A_515 : memref<128x32xf32, #tpu.memory_space<vmem>>)
      %run_scoped3A_519 = arith.constant 12 : i32
      "tpu.region"() ({
        %run_scoped3A_610 = tpu.sem_alloc : memref<!tpu.dma_semaphore, #tpu.memory_space<semaphore_mem>>
        %dma_start3A_611 = arith.constant 0 : i32
        %dma_start3A_612 = arith.constant 0 : i32
        %dma_start3A_613 = tpu.memref_slice %arg10[%run_scoped3A_519, %dma_start3A_611, %dma_start3A_612] : memref<16x128x32xf32, #tpu.memory_space<vmem>> -> memref<1x128x32xf32, #tpu.memory_space<vmem>>
        %dma_start3A_614 = tpu.memref_squeeze %dma_start3A_613 : memref<1x128x32xf32, #tpu.memory_space<vmem>> -> memref<128x32xf32, #tpu.memory_space<vmem>>
        %dma_start3A_615 = arith.constant 0 : i32
        %dma_start3A_616 = tpu.memref_slice %arg9[%add3A_493, %dma_start3A_615] : memref<80x128xi32, #tpu.memory_space<vmem>> -> memref<1x128xi32, #tpu.memory_space<vmem>>
        %dma_start3A_617 = tpu.memref_squeeze %dma_start3A_616 : memref<1x128xi32, #tpu.memory_space<vmem>> -> memref<128xi32, #tpu.memory_space<vmem>>
        %dma_start3A_618 = arith.constant 0 : i32
        %dma_start3A_619 = arith.constant 0 : i32
        %dma_start3A_620 = tpu.memref_slice %arg7[%dma_start3A_618, %dma_start3A_619] : memref<10240x32xf32, #tpu.memory_space<vmem_shared>> -> memref<10240x32xf32, #tpu.memory_space<vmem_shared>>
        tpu.enqueue_indirect_dma source(%dma_start3A_614 : memref<128x32xf32, #tpu.memory_space<vmem>>) target(%dma_start3A_620 : memref<10240x32xf32, #tpu.memory_space<vmem_shared>>) offsets(%dma_start3A_617 : memref<128xi32, #tpu.memory_space<vmem>>) semaphore(%run_scoped3A_610 : memref<!tpu.dma_semaphore, #tpu.memory_space<semaphore_mem>>) {add = true}
        %dma_wait3A_621 = arith.constant 0 : i32
        %dma_wait3A_622 = arith.constant 0 : i32
        %dma_wait3A_623 = tpu.memref_slice %arg10[%run_scoped3A_519, %dma_wait3A_621, %dma_wait3A_622] : memref<16x128x32xf32, #tpu.memory_space<vmem>> -> memref<1x128x32xf32, #tpu.memory_space<vmem>>
        %dma_wait3A_624 = tpu.memref_squeeze %dma_wait3A_623 : memref<1x128x32xf32, #tpu.memory_space<vmem>> -> memref<128x32xf32, #tpu.memory_space<vmem>>
        %dma_wait3A_625 = arith.constant 0 : i32
        %dma_wait3A_626 = tpu.memref_slice %arg9[%add3A_493, %dma_wait3A_625] : memref<80x128xi32, #tpu.memory_space<vmem>> -> memref<1x128xi32, #tpu.memory_space<vmem>>
        %dma_wait3A_627 = tpu.memref_squeeze %dma_wait3A_626 : memref<1x128xi32, #tpu.memory_space<vmem>> -> memref<128xi32, #tpu.memory_space<vmem>>
        %dma_wait3A_628 = arith.constant 0 : i32
        %dma_wait3A_629 = arith.constant 0 : i32
        %dma_wait3A_630 = tpu.memref_slice %arg7[%dma_wait3A_628, %dma_wait3A_629] : memref<10240x32xf32, #tpu.memory_space<vmem_shared>> -> memref<10240x32xf32, #tpu.memory_space<vmem_shared>>
        tpu.wait_indirect_dma semaphore(%run_scoped3A_610 : memref<!tpu.dma_semaphore, #tpu.memory_space<semaphore_mem>>) src(%dma_wait3A_624 : memref<128x32xf32, #tpu.memory_space<vmem>>) dst(%dma_wait3A_630 : memref<10240x32xf32, #tpu.memory_space<vmem_shared>>)
        tpu.yield
      }) : () -> ()
      %mul3A_520 = arith.constant 16 : i32
      %mul3A_521 = arith.muli %scan3A_134, %mul3A_520 : i32
      %add3A_522 = arith.constant 13 : i32
      %add3A_523 = arith.addi %mul3A_521, %add3A_522 : i32
      %add3A_524 = arith.constant 8 : i32
      %add3A_525 = arith.addi %add3A_523, %add3A_524 : i32
      %lt3A_526 = arith.constant 80 : i32
      %lt3A_527 = arith.cmpi slt, %add3A_525, %lt3A_526 : i32
      %convert_element_type3A_528 = arith.extui %lt3A_527 : i1 to i32
      %cond3A_529 = arith.constant 0 : i32
      %cond3A_530 = arith.cmpi ne, %convert_element_type3A_528, %cond3A_529 : i32
      scf.if %cond3A_530 {
        %add3A_610 = arith.constant 8 : i32
        %add3A_611 = arith.addi %add3A_523, %add3A_610 : i32
        %dma_start3A_612 = arith.constant 5 : i32
        %dma_start3A_613 = arith.constant 5 : i32
        %dma_start3A_614 = arith.constant 0 : i32
        %dma_start3A_615 = arith.constant 0 : i32
        %dma_start3A_616 = tpu.memref_slice %arg10[%dma_start3A_612, %dma_start3A_614, %dma_start3A_615] : memref<16x128x32xf32, #tpu.memory_space<vmem>> -> memref<1x128x32xf32, #tpu.memory_space<vmem>>
        %dma_start3A_617 = tpu.memref_squeeze %dma_start3A_616 : memref<1x128x32xf32, #tpu.memory_space<vmem>> -> memref<128x32xf32, #tpu.memory_space<vmem>>
        %dma_start3A_618 = arith.constant 0 : i32
        %dma_start3A_619 = tpu.memref_slice %arg8[%add3A_611, %dma_start3A_618] : memref<80x128xi32, #tpu.memory_space<vmem>> -> memref<1x128xi32, #tpu.memory_space<vmem>>
        %dma_start3A_620 = tpu.memref_squeeze %dma_start3A_619 : memref<1x128xi32, #tpu.memory_space<vmem>> -> memref<128xi32, #tpu.memory_space<vmem>>
        %dma_start3A_621 = arith.constant 0 : i32
        %dma_start3A_622 = arith.constant 0 : i32
        %dma_start3A_623 = tpu.memref_slice %arg2[%dma_start3A_621, %dma_start3A_622] : memref<10240x32xf32, #tpu.memory_space<hbm>> -> memref<10240x32xf32, #tpu.memory_space<hbm>>
        %dma_start3A_624 = tpu.memref_slice %arg11[%dma_start3A_613] : memref<16x!tpu.dma_semaphore, #tpu.memory_space<semaphore_mem>> -> memref<1x!tpu.dma_semaphore, #tpu.memory_space<semaphore_mem>>
        %dma_start3A_625 = tpu.memref_squeeze %dma_start3A_624 : memref<1x!tpu.dma_semaphore, #tpu.memory_space<semaphore_mem>> -> memref<!tpu.dma_semaphore, #tpu.memory_space<semaphore_mem>>
        tpu.enqueue_indirect_dma source(%dma_start3A_623 : memref<10240x32xf32, #tpu.memory_space<hbm>>) target(%dma_start3A_617 : memref<128x32xf32, #tpu.memory_space<vmem>>) offsets(%dma_start3A_620 : memref<128xi32, #tpu.memory_space<vmem>>) semaphore(%dma_start3A_625 : memref<!tpu.dma_semaphore, #tpu.memory_space<semaphore_mem>>)
      } else {
      }
      %dma_wait3A_531 = arith.constant 13 : i32
      %dma_wait3A_532 = arith.constant 13 : i32
      %dma_wait3A_533 = arith.constant 0 : i32
      %dma_wait3A_534 = arith.constant 0 : i32
      %dma_wait3A_535 = tpu.memref_slice %arg10[%dma_wait3A_531, %dma_wait3A_533, %dma_wait3A_534] : memref<16x128x32xf32, #tpu.memory_space<vmem>> -> memref<1x128x32xf32, #tpu.memory_space<vmem>>
      %dma_wait3A_536 = tpu.memref_squeeze %dma_wait3A_535 : memref<1x128x32xf32, #tpu.memory_space<vmem>> -> memref<128x32xf32, #tpu.memory_space<vmem>>
      %dma_wait3A_537 = arith.constant 0 : i32
      %dma_wait3A_538 = arith.constant 0 : i32
      %dma_wait3A_539 = tpu.memref_slice %arg2[%dma_wait3A_537, %dma_wait3A_538] : memref<10240x32xf32, #tpu.memory_space<hbm>> -> memref<128x32xf32, #tpu.memory_space<hbm>>
      %dma_wait3A_540 = tpu.memref_slice %arg11[%dma_wait3A_532] : memref<16x!tpu.dma_semaphore, #tpu.memory_space<semaphore_mem>> -> memref<1x!tpu.dma_semaphore, #tpu.memory_space<semaphore_mem>>
      %dma_wait3A_541 = tpu.memref_squeeze %dma_wait3A_540 : memref<1x!tpu.dma_semaphore, #tpu.memory_space<semaphore_mem>> -> memref<!tpu.dma_semaphore, #tpu.memory_space<semaphore_mem>>
      %dma_wait3A_542 = arith.constant 0 : i32
      %dma_wait3A_543 = arith.constant 0 : i32
      %dma_wait3A_544 = tpu.memref_slice %arg10[%dma_wait3A_531, %dma_wait3A_542, %dma_wait3A_543] : memref<16x128x32xf32, #tpu.memory_space<vmem>> -> memref<1x128x32xf32, #tpu.memory_space<vmem>>
      %dma_wait3A_545 = tpu.memref_squeeze %dma_wait3A_544 : memref<1x128x32xf32, #tpu.memory_space<vmem>> -> memref<128x32xf32, #tpu.memory_space<vmem>>
      %dma_wait3A_546 = arith.constant 0 : i32
      %dma_wait3A_547 = arith.constant 0 : i32
      %dma_wait3A_548 = tpu.memref_slice %arg2[%dma_wait3A_546, %dma_wait3A_547] : memref<10240x32xf32, #tpu.memory_space<hbm>> -> memref<128x32xf32, #tpu.memory_space<hbm>>
      tpu.wait_dma2 semaphore(%dma_wait3A_541 : memref<!tpu.dma_semaphore, #tpu.memory_space<semaphore_mem>>) src(%dma_wait3A_548 : memref<128x32xf32, #tpu.memory_space<hbm>>) dst(%dma_wait3A_545 : memref<128x32xf32, #tpu.memory_space<vmem>>)
      %run_scoped3A_549 = arith.constant 13 : i32
      "tpu.region"() ({
        %run_scoped3A_610 = tpu.sem_alloc : memref<!tpu.dma_semaphore, #tpu.memory_space<semaphore_mem>>
        %dma_start3A_611 = arith.constant 0 : i32
        %dma_start3A_612 = arith.constant 0 : i32
        %dma_start3A_613 = tpu.memref_slice %arg10[%run_scoped3A_549, %dma_start3A_611, %dma_start3A_612] : memref<16x128x32xf32, #tpu.memory_space<vmem>> -> memref<1x128x32xf32, #tpu.memory_space<vmem>>
        %dma_start3A_614 = tpu.memref_squeeze %dma_start3A_613 : memref<1x128x32xf32, #tpu.memory_space<vmem>> -> memref<128x32xf32, #tpu.memory_space<vmem>>
        %dma_start3A_615 = arith.constant 0 : i32
        %dma_start3A_616 = tpu.memref_slice %arg9[%add3A_523, %dma_start3A_615] : memref<80x128xi32, #tpu.memory_space<vmem>> -> memref<1x128xi32, #tpu.memory_space<vmem>>
        %dma_start3A_617 = tpu.memref_squeeze %dma_start3A_616 : memref<1x128xi32, #tpu.memory_space<vmem>> -> memref<128xi32, #tpu.memory_space<vmem>>
        %dma_start3A_618 = arith.constant 0 : i32
        %dma_start3A_619 = arith.constant 0 : i32
        %dma_start3A_620 = tpu.memref_slice %arg7[%dma_start3A_618, %dma_start3A_619] : memref<10240x32xf32, #tpu.memory_space<vmem_shared>> -> memref<10240x32xf32, #tpu.memory_space<vmem_shared>>
        tpu.enqueue_indirect_dma source(%dma_start3A_614 : memref<128x32xf32, #tpu.memory_space<vmem>>) target(%dma_start3A_620 : memref<10240x32xf32, #tpu.memory_space<vmem_shared>>) offsets(%dma_start3A_617 : memref<128xi32, #tpu.memory_space<vmem>>) semaphore(%run_scoped3A_610 : memref<!tpu.dma_semaphore, #tpu.memory_space<semaphore_mem>>) {add = true}
        %dma_wait3A_621 = arith.constant 0 : i32
        %dma_wait3A_622 = arith.constant 0 : i32
        %dma_wait3A_623 = tpu.memref_slice %arg10[%run_scoped3A_549, %dma_wait3A_621, %dma_wait3A_622] : memref<16x128x32xf32, #tpu.memory_space<vmem>> -> memref<1x128x32xf32, #tpu.memory_space<vmem>>
        %dma_wait3A_624 = tpu.memref_squeeze %dma_wait3A_623 : memref<1x128x32xf32, #tpu.memory_space<vmem>> -> memref<128x32xf32, #tpu.memory_space<vmem>>
        %dma_wait3A_625 = arith.constant 0 : i32
        %dma_wait3A_626 = tpu.memref_slice %arg9[%add3A_523, %dma_wait3A_625] : memref<80x128xi32, #tpu.memory_space<vmem>> -> memref<1x128xi32, #tpu.memory_space<vmem>>
        %dma_wait3A_627 = tpu.memref_squeeze %dma_wait3A_626 : memref<1x128xi32, #tpu.memory_space<vmem>> -> memref<128xi32, #tpu.memory_space<vmem>>
        %dma_wait3A_628 = arith.constant 0 : i32
        %dma_wait3A_629 = arith.constant 0 : i32
        %dma_wait3A_630 = tpu.memref_slice %arg7[%dma_wait3A_628, %dma_wait3A_629] : memref<10240x32xf32, #tpu.memory_space<vmem_shared>> -> memref<10240x32xf32, #tpu.memory_space<vmem_shared>>
        tpu.wait_indirect_dma semaphore(%run_scoped3A_610 : memref<!tpu.dma_semaphore, #tpu.memory_space<semaphore_mem>>) src(%dma_wait3A_624 : memref<128x32xf32, #tpu.memory_space<vmem>>) dst(%dma_wait3A_630 : memref<10240x32xf32, #tpu.memory_space<vmem_shared>>)
        tpu.yield
      }) : () -> ()
      %mul3A_550 = arith.constant 16 : i32
      %mul3A_551 = arith.muli %scan3A_134, %mul3A_550 : i32
      %add3A_552 = arith.constant 14 : i32
      %add3A_553 = arith.addi %mul3A_551, %add3A_552 : i32
      %add3A_554 = arith.constant 8 : i32
      %add3A_555 = arith.addi %add3A_553, %add3A_554 : i32
      %lt3A_556 = arith.constant 80 : i32
      %lt3A_557 = arith.cmpi slt, %add3A_555, %lt3A_556 : i32
      %convert_element_type3A_558 = arith.extui %lt3A_557 : i1 to i32
      %cond3A_559 = arith.constant 0 : i32
      %cond3A_560 = arith.cmpi ne, %convert_element_type3A_558, %cond3A_559 : i32
      scf.if %cond3A_560 {
        %add3A_610 = arith.constant 8 : i32
        %add3A_611 = arith.addi %add3A_553, %add3A_610 : i32
        %dma_start3A_612 = arith.constant 6 : i32
        %dma_start3A_613 = arith.constant 6 : i32
        %dma_start3A_614 = arith.constant 0 : i32
        %dma_start3A_615 = arith.constant 0 : i32
        %dma_start3A_616 = tpu.memref_slice %arg10[%dma_start3A_612, %dma_start3A_614, %dma_start3A_615] : memref<16x128x32xf32, #tpu.memory_space<vmem>> -> memref<1x128x32xf32, #tpu.memory_space<vmem>>
        %dma_start3A_617 = tpu.memref_squeeze %dma_start3A_616 : memref<1x128x32xf32, #tpu.memory_space<vmem>> -> memref<128x32xf32, #tpu.memory_space<vmem>>
        %dma_start3A_618 = arith.constant 0 : i32
        %dma_start3A_619 = tpu.memref_slice %arg8[%add3A_611, %dma_start3A_618] : memref<80x128xi32, #tpu.memory_space<vmem>> -> memref<1x128xi32, #tpu.memory_space<vmem>>
        %dma_start3A_620 = tpu.memref_squeeze %dma_start3A_619 : memref<1x128xi32, #tpu.memory_space<vmem>> -> memref<128xi32, #tpu.memory_space<vmem>>
        %dma_start3A_621 = arith.constant 0 : i32
        %dma_start3A_622 = arith.constant 0 : i32
        %dma_start3A_623 = tpu.memref_slice %arg2[%dma_start3A_621, %dma_start3A_622] : memref<10240x32xf32, #tpu.memory_space<hbm>> -> memref<10240x32xf32, #tpu.memory_space<hbm>>
        %dma_start3A_624 = tpu.memref_slice %arg11[%dma_start3A_613] : memref<16x!tpu.dma_semaphore, #tpu.memory_space<semaphore_mem>> -> memref<1x!tpu.dma_semaphore, #tpu.memory_space<semaphore_mem>>
        %dma_start3A_625 = tpu.memref_squeeze %dma_start3A_624 : memref<1x!tpu.dma_semaphore, #tpu.memory_space<semaphore_mem>> -> memref<!tpu.dma_semaphore, #tpu.memory_space<semaphore_mem>>
        tpu.enqueue_indirect_dma source(%dma_start3A_623 : memref<10240x32xf32, #tpu.memory_space<hbm>>) target(%dma_start3A_617 : memref<128x32xf32, #tpu.memory_space<vmem>>) offsets(%dma_start3A_620 : memref<128xi32, #tpu.memory_space<vmem>>) semaphore(%dma_start3A_625 : memref<!tpu.dma_semaphore, #tpu.memory_space<semaphore_mem>>)
      } else {
      }
      %dma_wait3A_561 = arith.constant 14 : i32
      %dma_wait3A_562 = arith.constant 14 : i32
      %dma_wait3A_563 = arith.constant 0 : i32
      %dma_wait3A_564 = arith.constant 0 : i32
      %dma_wait3A_565 = tpu.memref_slice %arg10[%dma_wait3A_561, %dma_wait3A_563, %dma_wait3A_564] : memref<16x128x32xf32, #tpu.memory_space<vmem>> -> memref<1x128x32xf32, #tpu.memory_space<vmem>>
      %dma_wait3A_566 = tpu.memref_squeeze %dma_wait3A_565 : memref<1x128x32xf32, #tpu.memory_space<vmem>> -> memref<128x32xf32, #tpu.memory_space<vmem>>
      %dma_wait3A_567 = arith.constant 0 : i32
      %dma_wait3A_568 = arith.constant 0 : i32
      %dma_wait3A_569 = tpu.memref_slice %arg2[%dma_wait3A_567, %dma_wait3A_568] : memref<10240x32xf32, #tpu.memory_space<hbm>> -> memref<128x32xf32, #tpu.memory_space<hbm>>
      %dma_wait3A_570 = tpu.memref_slice %arg11[%dma_wait3A_562] : memref<16x!tpu.dma_semaphore, #tpu.memory_space<semaphore_mem>> -> memref<1x!tpu.dma_semaphore, #tpu.memory_space<semaphore_mem>>
      %dma_wait3A_571 = tpu.memref_squeeze %dma_wait3A_570 : memref<1x!tpu.dma_semaphore, #tpu.memory_space<semaphore_mem>> -> memref<!tpu.dma_semaphore, #tpu.memory_space<semaphore_mem>>
      %dma_wait3A_572 = arith.constant 0 : i32
      %dma_wait3A_573 = arith.constant 0 : i32
      %dma_wait3A_574 = tpu.memref_slice %arg10[%dma_wait3A_561, %dma_wait3A_572, %dma_wait3A_573] : memref<16x128x32xf32, #tpu.memory_space<vmem>> -> memref<1x128x32xf32, #tpu.memory_space<vmem>>
      %dma_wait3A_575 = tpu.memref_squeeze %dma_wait3A_574 : memref<1x128x32xf32, #tpu.memory_space<vmem>> -> memref<128x32xf32, #tpu.memory_space<vmem>>
      %dma_wait3A_576 = arith.constant 0 : i32
      %dma_wait3A_577 = arith.constant 0 : i32
      %dma_wait3A_578 = tpu.memref_slice %arg2[%dma_wait3A_576, %dma_wait3A_577] : memref<10240x32xf32, #tpu.memory_space<hbm>> -> memref<128x32xf32, #tpu.memory_space<hbm>>
      tpu.wait_dma2 semaphore(%dma_wait3A_571 : memref<!tpu.dma_semaphore, #tpu.memory_space<semaphore_mem>>) src(%dma_wait3A_578 : memref<128x32xf32, #tpu.memory_space<hbm>>) dst(%dma_wait3A_575 : memref<128x32xf32, #tpu.memory_space<vmem>>)
      %run_scoped3A_579 = arith.constant 14 : i32
      "tpu.region"() ({
        %run_scoped3A_610 = tpu.sem_alloc : memref<!tpu.dma_semaphore, #tpu.memory_space<semaphore_mem>>
        %dma_start3A_611 = arith.constant 0 : i32
        %dma_start3A_612 = arith.constant 0 : i32
        %dma_start3A_613 = tpu.memref_slice %arg10[%run_scoped3A_579, %dma_start3A_611, %dma_start3A_612] : memref<16x128x32xf32, #tpu.memory_space<vmem>> -> memref<1x128x32xf32, #tpu.memory_space<vmem>>
        %dma_start3A_614 = tpu.memref_squeeze %dma_start3A_613 : memref<1x128x32xf32, #tpu.memory_space<vmem>> -> memref<128x32xf32, #tpu.memory_space<vmem>>
        %dma_start3A_615 = arith.constant 0 : i32
        %dma_start3A_616 = tpu.memref_slice %arg9[%add3A_553, %dma_start3A_615] : memref<80x128xi32, #tpu.memory_space<vmem>> -> memref<1x128xi32, #tpu.memory_space<vmem>>
        %dma_start3A_617 = tpu.memref_squeeze %dma_start3A_616 : memref<1x128xi32, #tpu.memory_space<vmem>> -> memref<128xi32, #tpu.memory_space<vmem>>
        %dma_start3A_618 = arith.constant 0 : i32
        %dma_start3A_619 = arith.constant 0 : i32
        %dma_start3A_620 = tpu.memref_slice %arg7[%dma_start3A_618, %dma_start3A_619] : memref<10240x32xf32, #tpu.memory_space<vmem_shared>> -> memref<10240x32xf32, #tpu.memory_space<vmem_shared>>
        tpu.enqueue_indirect_dma source(%dma_start3A_614 : memref<128x32xf32, #tpu.memory_space<vmem>>) target(%dma_start3A_620 : memref<10240x32xf32, #tpu.memory_space<vmem_shared>>) offsets(%dma_start3A_617 : memref<128xi32, #tpu.memory_space<vmem>>) semaphore(%run_scoped3A_610 : memref<!tpu.dma_semaphore, #tpu.memory_space<semaphore_mem>>) {add = true}
        %dma_wait3A_621 = arith.constant 0 : i32
        %dma_wait3A_622 = arith.constant 0 : i32
        %dma_wait3A_623 = tpu.memref_slice %arg10[%run_scoped3A_579, %dma_wait3A_621, %dma_wait3A_622] : memref<16x128x32xf32, #tpu.memory_space<vmem>> -> memref<1x128x32xf32, #tpu.memory_space<vmem>>
        %dma_wait3A_624 = tpu.memref_squeeze %dma_wait3A_623 : memref<1x128x32xf32, #tpu.memory_space<vmem>> -> memref<128x32xf32, #tpu.memory_space<vmem>>
        %dma_wait3A_625 = arith.constant 0 : i32
        %dma_wait3A_626 = tpu.memref_slice %arg9[%add3A_553, %dma_wait3A_625] : memref<80x128xi32, #tpu.memory_space<vmem>> -> memref<1x128xi32, #tpu.memory_space<vmem>>
        %dma_wait3A_627 = tpu.memref_squeeze %dma_wait3A_626 : memref<1x128xi32, #tpu.memory_space<vmem>> -> memref<128xi32, #tpu.memory_space<vmem>>
        %dma_wait3A_628 = arith.constant 0 : i32
        %dma_wait3A_629 = arith.constant 0 : i32
        %dma_wait3A_630 = tpu.memref_slice %arg7[%dma_wait3A_628, %dma_wait3A_629] : memref<10240x32xf32, #tpu.memory_space<vmem_shared>> -> memref<10240x32xf32, #tpu.memory_space<vmem_shared>>
        tpu.wait_indirect_dma semaphore(%run_scoped3A_610 : memref<!tpu.dma_semaphore, #tpu.memory_space<semaphore_mem>>) src(%dma_wait3A_624 : memref<128x32xf32, #tpu.memory_space<vmem>>) dst(%dma_wait3A_630 : memref<10240x32xf32, #tpu.memory_space<vmem_shared>>)
        tpu.yield
      }) : () -> ()
      %mul3A_580 = arith.constant 16 : i32
      %mul3A_581 = arith.muli %scan3A_134, %mul3A_580 : i32
      %add3A_582 = arith.constant 15 : i32
      %add3A_583 = arith.addi %mul3A_581, %add3A_582 : i32
      %add3A_584 = arith.constant 8 : i32
      %add3A_585 = arith.addi %add3A_583, %add3A_584 : i32
      %lt3A_586 = arith.constant 80 : i32
      %lt3A_587 = arith.cmpi slt, %add3A_585, %lt3A_586 : i32
      %convert_element_type3A_588 = arith.extui %lt3A_587 : i1 to i32
      %cond3A_589 = arith.constant 0 : i32
      %cond3A_590 = arith.cmpi ne, %convert_element_type3A_588, %cond3A_589 : i32
      scf.if %cond3A_590 {
        %add3A_610 = arith.constant 8 : i32
        %add3A_611 = arith.addi %add3A_583, %add3A_610 : i32
        %dma_start3A_612 = arith.constant 7 : i32
        %dma_start3A_613 = arith.constant 7 : i32
        %dma_start3A_614 = arith.constant 0 : i32
        %dma_start3A_615 = arith.constant 0 : i32
        %dma_start3A_616 = tpu.memref_slice %arg10[%dma_start3A_612, %dma_start3A_614, %dma_start3A_615] : memref<16x128x32xf32, #tpu.memory_space<vmem>> -> memref<1x128x32xf32, #tpu.memory_space<vmem>>
        %dma_start3A_617 = tpu.memref_squeeze %dma_start3A_616 : memref<1x128x32xf32, #tpu.memory_space<vmem>> -> memref<128x32xf32, #tpu.memory_space<vmem>>
        %dma_start3A_618 = arith.constant 0 : i32
        %dma_start3A_619 = tpu.memref_slice %arg8[%add3A_611, %dma_start3A_618] : memref<80x128xi32, #tpu.memory_space<vmem>> -> memref<1x128xi32, #tpu.memory_space<vmem>>
        %dma_start3A_620 = tpu.memref_squeeze %dma_start3A_619 : memref<1x128xi32, #tpu.memory_space<vmem>> -> memref<128xi32, #tpu.memory_space<vmem>>
        %dma_start3A_621 = arith.constant 0 : i32
        %dma_start3A_622 = arith.constant 0 : i32
        %dma_start3A_623 = tpu.memref_slice %arg2[%dma_start3A_621, %dma_start3A_622] : memref<10240x32xf32, #tpu.memory_space<hbm>> -> memref<10240x32xf32, #tpu.memory_space<hbm>>
        %dma_start3A_624 = tpu.memref_slice %arg11[%dma_start3A_613] : memref<16x!tpu.dma_semaphore, #tpu.memory_space<semaphore_mem>> -> memref<1x!tpu.dma_semaphore, #tpu.memory_space<semaphore_mem>>
        %dma_start3A_625 = tpu.memref_squeeze %dma_start3A_624 : memref<1x!tpu.dma_semaphore, #tpu.memory_space<semaphore_mem>> -> memref<!tpu.dma_semaphore, #tpu.memory_space<semaphore_mem>>
        tpu.enqueue_indirect_dma source(%dma_start3A_623 : memref<10240x32xf32, #tpu.memory_space<hbm>>) target(%dma_start3A_617 : memref<128x32xf32, #tpu.memory_space<vmem>>) offsets(%dma_start3A_620 : memref<128xi32, #tpu.memory_space<vmem>>) semaphore(%dma_start3A_625 : memref<!tpu.dma_semaphore, #tpu.memory_space<semaphore_mem>>)
      } else {
      }
      %dma_wait3A_591 = arith.constant 15 : i32
      %dma_wait3A_592 = arith.constant 15 : i32
      %dma_wait3A_593 = arith.constant 0 : i32
      %dma_wait3A_594 = arith.constant 0 : i32
      %dma_wait3A_595 = tpu.memref_slice %arg10[%dma_wait3A_591, %dma_wait3A_593, %dma_wait3A_594] : memref<16x128x32xf32, #tpu.memory_space<vmem>> -> memref<1x128x32xf32, #tpu.memory_space<vmem>>
      %dma_wait3A_596 = tpu.memref_squeeze %dma_wait3A_595 : memref<1x128x32xf32, #tpu.memory_space<vmem>> -> memref<128x32xf32, #tpu.memory_space<vmem>>
      %dma_wait3A_597 = arith.constant 0 : i32
      %dma_wait3A_598 = arith.constant 0 : i32
      %dma_wait3A_599 = tpu.memref_slice %arg2[%dma_wait3A_597, %dma_wait3A_598] : memref<10240x32xf32, #tpu.memory_space<hbm>> -> memref<128x32xf32, #tpu.memory_space<hbm>>
      %dma_wait3A_600 = tpu.memref_slice %arg11[%dma_wait3A_592] : memref<16x!tpu.dma_semaphore, #tpu.memory_space<semaphore_mem>> -> memref<1x!tpu.dma_semaphore, #tpu.memory_space<semaphore_mem>>
      %dma_wait3A_601 = tpu.memref_squeeze %dma_wait3A_600 : memref<1x!tpu.dma_semaphore, #tpu.memory_space<semaphore_mem>> -> memref<!tpu.dma_semaphore, #tpu.memory_space<semaphore_mem>>
      %dma_wait3A_602 = arith.constant 0 : i32
      %dma_wait3A_603 = arith.constant 0 : i32
      %dma_wait3A_604 = tpu.memref_slice %arg10[%dma_wait3A_591, %dma_wait3A_602, %dma_wait3A_603] : memref<16x128x32xf32, #tpu.memory_space<vmem>> -> memref<1x128x32xf32, #tpu.memory_space<vmem>>
      %dma_wait3A_605 = tpu.memref_squeeze %dma_wait3A_604 : memref<1x128x32xf32, #tpu.memory_space<vmem>> -> memref<128x32xf32, #tpu.memory_space<vmem>>
      %dma_wait3A_606 = arith.constant 0 : i32
      %dma_wait3A_607 = arith.constant 0 : i32
      %dma_wait3A_608 = tpu.memref_slice %arg2[%dma_wait3A_606, %dma_wait3A_607] : memref<10240x32xf32, #tpu.memory_space<hbm>> -> memref<128x32xf32, #tpu.memory_space<hbm>>
      tpu.wait_dma2 semaphore(%dma_wait3A_601 : memref<!tpu.dma_semaphore, #tpu.memory_space<semaphore_mem>>) src(%dma_wait3A_608 : memref<128x32xf32, #tpu.memory_space<hbm>>) dst(%dma_wait3A_605 : memref<128x32xf32, #tpu.memory_space<vmem>>)
      %run_scoped3A_609 = arith.constant 15 : i32
      "tpu.region"() ({
        %run_scoped3A_610 = tpu.sem_alloc : memref<!tpu.dma_semaphore, #tpu.memory_space<semaphore_mem>>
        %dma_start3A_611 = arith.constant 0 : i32
        %dma_start3A_612 = arith.constant 0 : i32
        %dma_start3A_613 = tpu.memref_slice %arg10[%run_scoped3A_609, %dma_start3A_611, %dma_start3A_612] : memref<16x128x32xf32, #tpu.memory_space<vmem>> -> memref<1x128x32xf32, #tpu.memory_space<vmem>>
        %dma_start3A_614 = tpu.memref_squeeze %dma_start3A_613 : memref<1x128x32xf32, #tpu.memory_space<vmem>> -> memref<128x32xf32, #tpu.memory_space<vmem>>
        %dma_start3A_615 = arith.constant 0 : i32
        %dma_start3A_616 = tpu.memref_slice %arg9[%add3A_583, %dma_start3A_615] : memref<80x128xi32, #tpu.memory_space<vmem>> -> memref<1x128xi32, #tpu.memory_space<vmem>>
        %dma_start3A_617 = tpu.memref_squeeze %dma_start3A_616 : memref<1x128xi32, #tpu.memory_space<vmem>> -> memref<128xi32, #tpu.memory_space<vmem>>
        %dma_start3A_618 = arith.constant 0 : i32
        %dma_start3A_619 = arith.constant 0 : i32
        %dma_start3A_620 = tpu.memref_slice %arg7[%dma_start3A_618, %dma_start3A_619] : memref<10240x32xf32, #tpu.memory_space<vmem_shared>> -> memref<10240x32xf32, #tpu.memory_space<vmem_shared>>
        tpu.enqueue_indirect_dma source(%dma_start3A_614 : memref<128x32xf32, #tpu.memory_space<vmem>>) target(%dma_start3A_620 : memref<10240x32xf32, #tpu.memory_space<vmem_shared>>) offsets(%dma_start3A_617 : memref<128xi32, #tpu.memory_space<vmem>>) semaphore(%run_scoped3A_610 : memref<!tpu.dma_semaphore, #tpu.memory_space<semaphore_mem>>) {add = true}
        %dma_wait3A_621 = arith.constant 0 : i32
        %dma_wait3A_622 = arith.constant 0 : i32
        %dma_wait3A_623 = tpu.memref_slice %arg10[%run_scoped3A_609, %dma_wait3A_621, %dma_wait3A_622] : memref<16x128x32xf32, #tpu.memory_space<vmem>> -> memref<1x128x32xf32, #tpu.memory_space<vmem>>
        %dma_wait3A_624 = tpu.memref_squeeze %dma_wait3A_623 : memref<1x128x32xf32, #tpu.memory_space<vmem>> -> memref<128x32xf32, #tpu.memory_space<vmem>>
        %dma_wait3A_625 = arith.constant 0 : i32
        %dma_wait3A_626 = tpu.memref_slice %arg9[%add3A_583, %dma_wait3A_625] : memref<80x128xi32, #tpu.memory_space<vmem>> -> memref<1x128xi32, #tpu.memory_space<vmem>>
        %dma_wait3A_627 = tpu.memref_squeeze %dma_wait3A_626 : memref<1x128xi32, #tpu.memory_space<vmem>> -> memref<128xi32, #tpu.memory_space<vmem>>
        %dma_wait3A_628 = arith.constant 0 : i32
        %dma_wait3A_629 = arith.constant 0 : i32
        %dma_wait3A_630 = tpu.memref_slice %arg7[%dma_wait3A_628, %dma_wait3A_629] : memref<10240x32xf32, #tpu.memory_space<vmem_shared>> -> memref<10240x32xf32, #tpu.memory_space<vmem_shared>>
        tpu.wait_indirect_dma semaphore(%run_scoped3A_610 : memref<!tpu.dma_semaphore, #tpu.memory_space<semaphore_mem>>) src(%dma_wait3A_624 : memref<128x32xf32, #tpu.memory_space<vmem>>) dst(%dma_wait3A_630 : memref<10240x32xf32, #tpu.memory_space<vmem_shared>>)
        tpu.yield
      }) : () -> ()
    }
    %scan3A_128 = arith.constant 5 : i32
    %barrier3A_129 = arith.constant 0 : index
    tpu.barrier barrier_id(%barrier3A_129)
    %mul3A_130 = arith.constant 640 : i32
    %mul3A_131 = arith.muli %arg1, %mul3A_130 : i32
    %mul3A_132 = arith.constant 640 : i32
    %mul3A_133 = arith.muli %arg1, %mul3A_132 : i32
    "tpu.region"() ({
      %run_scoped3A = tpu.sem_alloc : memref<!tpu.dma_semaphore, #tpu.memory_space<semaphore_mem>>
      %dma_start3A_134 = arith.constant 0 : i32
      %dma_start3A_135 = arith.constant 0 : i32
      %dma_start3A_136 = tpu.memref_slice %arg6[%arg0, %dma_start3A_134, %dma_start3A_135] : memref<2x10240x32xf32, #tpu.memory_space<hbm>> -> memref<1x10240x32xf32, #tpu.memory_space<hbm>>
      %dma_start3A_137 = tpu.memref_squeeze %dma_start3A_136 : memref<1x10240x32xf32, #tpu.memory_space<hbm>> -> memref<10240x32xf32, #tpu.memory_space<hbm>>
      %dma_start3A_138 = arith.constant 0 : i32
      %dma_start3A_139 = tpu.memref_slice %dma_start3A_137[%mul3A_133, %dma_start3A_138] : memref<10240x32xf32, #tpu.memory_space<hbm>> -> memref<640x32xf32, #tpu.memory_space<hbm>>
      %dma_start3A_140 = arith.constant 0 : i32
      %dma_start3A_141 = tpu.memref_slice %arg7[%mul3A_131, %dma_start3A_140] : memref<10240x32xf32, #tpu.memory_space<vmem_shared>> -> memref<640x32xf32, #tpu.memory_space<vmem_shared>>
      tpu.enqueue_dma source(%dma_start3A_141 : memref<640x32xf32, #tpu.memory_space<vmem_shared>>) target(%dma_start3A_139 : memref<640x32xf32, #tpu.memory_space<hbm>>) target_semaphore(%run_scoped3A : memref<!tpu.dma_semaphore, #tpu.memory_space<semaphore_mem>>)
      %dma_wait3A = arith.constant 0 : i32
      %dma_wait3A_142 = arith.constant 0 : i32
      %dma_wait3A_143 = tpu.memref_slice %arg6[%arg0, %dma_wait3A, %dma_wait3A_142] : memref<2x10240x32xf32, #tpu.memory_space<hbm>> -> memref<1x10240x32xf32, #tpu.memory_space<hbm>>
      %dma_wait3A_144 = tpu.memref_squeeze %dma_wait3A_143 : memref<1x10240x32xf32, #tpu.memory_space<hbm>> -> memref<10240x32xf32, #tpu.memory_space<hbm>>
      %dma_wait3A_145 = arith.constant 0 : i32
      %dma_wait3A_146 = tpu.memref_slice %dma_wait3A_144[%mul3A_133, %dma_wait3A_145] : memref<10240x32xf32, #tpu.memory_space<hbm>> -> memref<640x32xf32, #tpu.memory_space<hbm>>
      %dma_wait3A_147 = arith.constant 0 : i32
      %dma_wait3A_148 = tpu.memref_slice %arg7[%mul3A_131, %dma_wait3A_147] : memref<10240x32xf32, #tpu.memory_space<vmem_shared>> -> memref<640x32xf32, #tpu.memory_space<vmem_shared>>
      tpu.wait_dma2 semaphore(%run_scoped3A : memref<!tpu.dma_semaphore, #tpu.memory_space<semaphore_mem>>) src(%dma_wait3A_148 : memref<640x32xf32, #tpu.memory_space<vmem_shared>>) dst(%dma_wait3A_146 : memref<640x32xf32, #tpu.memory_space<hbm>>)
      tpu.yield
    }) : () -> ()
    return
  }
}

module attributes {stable_mosaic.version = 14 : i64} {
  func.func @_layer1_body(%arg0: i32, %arg1: memref<1280x128xf32, #tpu.memory_space<vmem>>, %arg2: memref<128x32xf32, #tpu.memory_space<vmem>>, %arg3: memref<1280x1xf32, #tpu.memory_space<vmem>>, %arg4: memref<1280x32xf32, #tpu.memory_space<vmem>>, %arg5: memref<1280x32xf32, #tpu.memory_space<vmem>>) attributes {dimension_semantics = [#tpu.dimension_semantics<arbitrary>], iteration_bounds = array<i64: 8>, scalar_prefetch = 0 : i64, scratch_operands = 0 : i64, tpu.core_type = #tpu.core_type<tc>, window_params = [{transform_indices = @transform_0, window_bounds = array<i64: 1280, 128>}, {pipeline_mode = #tpu.pipeline_mode<synchronous>, transform_indices = @transform_1, window_bounds = array<i64: 128, 32>}, {transform_indices = @transform_2, window_bounds = array<i64: 1280, 1>}, {transform_indices = @transform_3, window_bounds = array<i64: 1280, 32>}, {transform_indices = @transform_4, window_bounds = array<i64: 1280, 32>}]} {
    %get3A = arith.constant 0 : index
    %get3A_0 = arith.constant 0 : index
    %get3A_1 = vector.load %arg3[%get3A, %get3A_0] : memref<1280x1xf32, #tpu.memory_space<vmem>>, vector<1280x1xf32>
    %rsqrt3A = math.rsqrt %get3A_1 : vector<1280x1xf32>
    %get3A_2 = arith.constant 0 : index
    %get3A_3 = arith.constant 0 : index
    %get3A_4 = vector.load %arg1[%get3A_2, %get3A_3] : memref<1280x128xf32, #tpu.memory_space<vmem>>, vector<1280x128xf32>
    %get3A_5 = arith.constant 0 : index
    %get3A_6 = arith.constant 0 : index
    %get3A_7 = vector.load %arg2[%get3A_5, %get3A_6] : memref<128x32xf32, #tpu.memory_space<vmem>>, vector<128x32xf32>
    %dot_general3A = arith.constant dense<0.000000e+00> : vector<1280x32xf32>
    %dot_general3A_8 = tpu.matmul %get3A_4, %get3A_7, %dot_general3A {dimension_numbers = #tpu.dot_dimension_numbers<[1], [0], [0], [1], [0, 0, 1, 1], [], []>, transpose_lhs_hint = false} : vector<1280x128xf32>, vector<128x32xf32>, vector<1280x32xf32> -> vector<1280x32xf32>
    %mul3A = vector.broadcast %rsqrt3A : vector<1280x1xf32> to vector<1280x32xf32>
    %mul3A_9 = arith.mulf %dot_general3A_8, %mul3A : vector<1280x32xf32>
    %swap3A = arith.constant 0 : index
    %swap3A_10 = arith.constant 0 : index
    %swap3A_11 = vector.load %arg4[%swap3A, %swap3A_10] : memref<1280x32xf32, #tpu.memory_space<vmem>>, vector<1280x32xf32>
    tpu.vector_store %arg4[%swap3A, %swap3A_10], %mul3A_9 {strides = array<i32>} : memref<1280x32xf32, #tpu.memory_space<vmem>>, vector<1280x32xf32>,
    %broadcast_in_dim3A = arith.constant 1.000000e+00 : f32
    %broadcast_in_dim3A_12 = vector.broadcast %broadcast_in_dim3A : f32 to vector<1x32xf32>
    %mul3A_13 = vector.broadcast %rsqrt3A : vector<1280x1xf32> to vector<1280x32xf32>
    %mul3A_14 = vector.broadcast %broadcast_in_dim3A_12 : vector<1x32xf32> to vector<1280x32xf32>
    %mul3A_15 = arith.mulf %mul3A_13, %mul3A_14 : vector<1280x32xf32>
    %swap3A_16 = arith.constant 0 : index
    %swap3A_17 = arith.constant 0 : index
    %swap3A_18 = vector.load %arg5[%swap3A_16, %swap3A_17] : memref<1280x32xf32, #tpu.memory_space<vmem>>, vector<1280x32xf32>
    tpu.vector_store %arg5[%swap3A_16, %swap3A_17], %mul3A_15 {strides = array<i32>} : memref<1280x32xf32, #tpu.memory_space<vmem>>, vector<1280x32xf32>,
    return
  }
  func.func @transform_0(%arg0: i32) -> (i32, i32) {
    %c0_i32 = arith.constant 0 : i32
    %c0_i32_0 = arith.constant 0 : i32
    return %arg0, %c0_i32 : i32, i32
  }
  func.func @transform_1(%arg0: i32) -> (i32, i32) {
    %c0_i32 = arith.constant 0 : i32
    %c0_i32_0 = arith.constant 0 : i32
    %c0_i32_1 = arith.constant 0 : i32
    return %c0_i32, %c0_i32_0 : i32, i32
  }
  func.func @transform_2(%arg0: i32) -> (i32, i32) {
    %c0_i32 = arith.constant 0 : i32
    %c0_i32_0 = arith.constant 0 : i32
    return %arg0, %c0_i32 : i32, i32
  }
  func.func @transform_3(%arg0: i32) -> (i32, i32) {
    %c0_i32 = arith.constant 0 : i32
    %c0_i32_0 = arith.constant 0 : i32
    return %arg0, %c0_i32 : i32, i32
  }
  func.func @transform_4(%arg0: i32) -> (i32, i32) {
    %c0_i32 = arith.constant 0 : i32
    %c0_i32_0 = arith.constant 0 : i32
    return %arg0, %c0_i32 : i32, i32
  }
}

module attributes {stable_mosaic.version = 14 : i64} {
  func.func @_final_body(%arg0: i32, %arg1: memref<2x1280x32xf32, #tpu.memory_space<vmem>>, %arg2: memref<1280x32xf32, #tpu.memory_space<vmem>>, %arg3: memref<1280x32xf32, #tpu.memory_space<vmem>>, %arg4: memref<32x2xf32, #tpu.memory_space<vmem>>, %arg5: memref<1x2xf32, #tpu.memory_space<vmem>>, %arg6: memref<1280x2xf32, #tpu.memory_space<vmem>>) attributes {dimension_semantics = [#tpu.dimension_semantics<arbitrary>], iteration_bounds = array<i64: 8>, scalar_prefetch = 0 : i64, scratch_operands = 0 : i64, tpu.core_type = #tpu.core_type<tc>, window_params = [{transform_indices = @transform_0, window_bounds = array<i64: 2, 1280, 32>}, {transform_indices = @transform_1, window_bounds = array<i64: 1280, 32>}, {transform_indices = @transform_2, window_bounds = array<i64: 1280, 32>}, {pipeline_mode = #tpu.pipeline_mode<synchronous>, transform_indices = @transform_3, window_bounds = array<i64: 32, 2>}, {pipeline_mode = #tpu.pipeline_mode<synchronous>, transform_indices = @transform_4, window_bounds = array<i64: 1, 2>}, {transform_indices = @transform_5, window_bounds = array<i64: 1280, 2>}]} {
    %get3A = arith.constant 0 : index
    %get3A_0 = arith.constant 0 : index
    %get3A_1 = arith.constant 0 : index
    %get3A_2 = vector.load %arg1[%get3A, %get3A_0, %get3A_1] : memref<2x1280x32xf32, #tpu.memory_space<vmem>>, vector<1x1280x32xf32>
    %get3A_3 = vector.shape_cast %get3A_2 : vector<1x1280x32xf32> to vector<1280x32xf32>
    %get3A_4 = arith.constant 1 : index
    %get3A_5 = arith.constant 0 : index
    %get3A_6 = arith.constant 0 : index
    %get3A_7 = vector.load %arg1[%get3A_4, %get3A_5, %get3A_6] : memref<2x1280x32xf32, #tpu.memory_space<vmem>>, vector<1x1280x32xf32>
    %get3A_8 = vector.shape_cast %get3A_7 : vector<1x1280x32xf32> to vector<1280x32xf32>
    %add3A = arith.addf %get3A_3, %get3A_8 : vector<1280x32xf32>
    %get3A_9 = arith.constant 0 : index
    %get3A_10 = arith.constant 0 : index
    %get3A_11 = vector.load %arg2[%get3A_9, %get3A_10] : memref<1280x32xf32, #tpu.memory_space<vmem>>, vector<1280x32xf32>
    %add3A_12 = arith.addf %add3A, %get3A_11 : vector<1280x32xf32>
    %get3A_13 = arith.constant 0 : index
    %get3A_14 = arith.constant 0 : index
    %get3A_15 = vector.load %arg3[%get3A_13, %get3A_14] : memref<1280x32xf32, #tpu.memory_space<vmem>>, vector<1280x32xf32>
    %mul3A = arith.mulf %add3A_12, %get3A_15 : vector<1280x32xf32>
    %get3A_16 = arith.constant 0 : index
    %get3A_17 = arith.constant 0 : index
    %get3A_18 = vector.load %arg4[%get3A_16, %get3A_17] : memref<32x2xf32, #tpu.memory_space<vmem>>, vector<32x2xf32>
    %dot_general3A = arith.constant dense<0.000000e+00> : vector<1280x2xf32>
    %dot_general3A_19 = tpu.matmul %mul3A, %get3A_18, %dot_general3A {dimension_numbers = #tpu.dot_dimension_numbers<[1], [0], [0], [1], [0, 0, 1, 1], [], []>, transpose_lhs_hint = false} : vector<1280x32xf32>, vector<32x2xf32>, vector<1280x2xf32> -> vector<1280x2xf32>
    %get3A_20 = arith.constant 0 : index
    %get3A_21 = arith.constant 0 : index
    %get3A_22 = vector.load %arg5[%get3A_20, %get3A_21] : memref<1x2xf32, #tpu.memory_space<vmem>>, vector<1x2xf32>
    %add3A_23 = vector.broadcast %get3A_22 : vector<1x2xf32> to vector<1280x2xf32>
    %add3A_24 = arith.addf %dot_general3A_19, %add3A_23 : vector<1280x2xf32>
    %slice3A = vector.extract_strided_slice %add3A_24 {offsets = [0, 0], sizes = [1280, 1], strides = [1, 1]} : vector<1280x2xf32> to vector<1280x1xf32>
    %slice3A_25 = vector.extract_strided_slice %add3A_24 {offsets = [0, 1], sizes = [1280, 1], strides = [1, 1]} : vector<1280x2xf32> to vector<1280x1xf32>
    %max3A = arith.maximumf %slice3A, %slice3A_25 : vector<1280x1xf32>
    %sub3A = arith.subf %slice3A, %max3A : vector<1280x1xf32>
    %exp3A = math.exp %sub3A : vector<1280x1xf32>
    %sub3A_26 = arith.subf %slice3A_25, %max3A : vector<1280x1xf32>
    %exp3A_27 = math.exp %sub3A_26 : vector<1280x1xf32>
    %add3A_28 = arith.addf %exp3A, %exp3A_27 : vector<1280x1xf32>
    %log3A = math.log %add3A_28 : vector<1280x1xf32>
    %add3A_29 = arith.addf %max3A, %log3A : vector<1280x1xf32>
    %sub3A_30 = vector.broadcast %add3A_29 : vector<1280x1xf32> to vector<1280x2xf32>
    %sub3A_31 = arith.subf %add3A_24, %sub3A_30 : vector<1280x2xf32>
    %swap3A = arith.constant 0 : index
    %swap3A_32 = arith.constant 0 : index
    %swap3A_33 = vector.load %arg6[%swap3A, %swap3A_32] : memref<1280x2xf32, #tpu.memory_space<vmem>>, vector<1280x2xf32>
    tpu.vector_store %arg6[%swap3A, %swap3A_32], %sub3A_31 {strides = array<i32>} : memref<1280x2xf32, #tpu.memory_space<vmem>>, vector<1280x2xf32>,
    return
  }
  func.func @transform_0(%arg0: i32) -> (i32, i32, i32) {
    %c0_i32 = arith.constant 0 : i32
    %c0_i32_0 = arith.constant 0 : i32
    %c0_i32_1 = arith.constant 0 : i32
    return %c0_i32, %arg0, %c0_i32_0 : i32, i32, i32
  }
  func.func @transform_1(%arg0: i32) -> (i32, i32) {
    %c0_i32 = arith.constant 0 : i32
    %c0_i32_0 = arith.constant 0 : i32
    return %arg0, %c0_i32 : i32, i32
  }
  func.func @transform_2(%arg0: i32) -> (i32, i32) {
    %c0_i32 = arith.constant 0 : i32
    %c0_i32_0 = arith.constant 0 : i32
    return %arg0, %c0_i32 : i32, i32
  }
  func.func @transform_3(%arg0: i32) -> (i32, i32) {
    %c0_i32 = arith.constant 0 : i32
    %c0_i32_0 = arith.constant 0 : i32
    %c0_i32_1 = arith.constant 0 : i32
    return %c0_i32, %c0_i32_0 : i32, i32
  }
  func.func @transform_4(%arg0: i32) -> (i32, i32) {
    %c0_i32 = arith.constant 0 : i32
    %c0_i32_0 = arith.constant 0 : i32
    %c0_i32_1 = arith.constant 0 : i32
    return %c0_i32, %c0_i32_0 : i32, i32
  }
  func.func @transform_5(%arg0: i32) -> (i32, i32) {
    %c0_i32 = arith.constant 0 : i32
    %c0_i32_0 = arith.constant 0 : i32
    return %arg0, %c0_i32 : i32, i32
  }
}

</mosaic_0001>

<sc_bundles>
// kernel: kernel.10.cloned.1.call-start
scs
__scs_entry_jumppad:
0x0: {  	(pc) =	sbr.rel $0x88, $3  }
0x1: {  	(tag) =	ssettag $0x0;
	lr =	simm.s32 $0x1  }
0x2: {  	[smem:$0x3F9B] =	sst lr;
	_ =	strace $0xD0000000  }
0x3: {  	_ = 	snop  }
0x4: {  	_ = 	snop  }
0x5: {  	_ = 	snop  }
0x6: {  	_ = 	snop  }
0x7: {  	_ = 	snop  }
__scs_overlays_trampoline_lowered:
0x8: {  	[smem:$0x3FAA] =	sst s0  }
0x9: {  	[smem:$0x3FAB] =	sst s1  }
0xa: {  	[smem:$0x3FAC] =	sst s2  }
0xb: {  	[smem:$0x3FAD] =	sst s3  }
0xc: {  	[smem:$0x3FAE] =	sst s4  }
0xd: {  	[smem:$0x3FAF] =	sst s5  }
0xe: {  	[smem:$0x3FB0] =	sst s6  }
0xf: {  	[smem:$0x3FB1] =	sst s7  }
0x10: {  	[smem:$0x3FB2] =	sst s8  }
0x11: {  	[smem:$0x3FB3] =	sst s9;
	s0 =	simm.s32 @!p0 $0x0  }
0x12: {  	s1 =	sld [smem:$0x3F99];
	s0 =	simm.s32 @p0 $0x1  }
0x13: {  	[smem:$0x3FB4] =	sst s0;
	s0 =	simm.s32 @!p1 $0x0  }
0x14: {  	s2 =	sld [smem:$0x3F98];
	s0 =	simm.s32 @p1 $0x1  }
0x15: {  	[smem:$0x3FB5] =	sst s0;
	s0 =	simm.s32 @!p2 $0x0  }
0x16: {  	s3 =	sld [smem:$0x3FDB];
	s0 =	simm.s32 @p2 $0x1  }
0x17: {  	s4 =	simm.s32 $0x1BF5;
	[smem:$0x3FB7] =	sst s0  }
0x18: {  	s0 =	sld [smem:$0x3F9A];
	_ =	swait.ge [sflag:s4], $0x0  }
0x19: {  	s7 =	sld [smem:$0x3F9B]  }
0x1a: {  	s8 =	sadd.s32 $0xFFFFE003, lr  }
0x1b: {  	s9 =	sadd.s32 $0xFFFFFEF7, lr;
	s5 =	simm.s32 $0xFFFFFFFF;
	p2 =	slt.u32 s8, $0xFFFFF086  }
0x1c: {  	p1 =	slt.u32 s9, $0xF7A;
	s5 =	simm.s32 @!p2 $0x0  }
0x1d: {  	s5 =	simm.s32 @p1 $0x1;
	p0 =	seq.s32 s7, s2  }
0x1e: {  	s7 =	smul.u32 @!p0 $0xF7A, s2;
	p2 =	seq.s32 @!p0 s5, $0x0  }
0x1f: {  	s9 =	smul.u32 $0xF7A, s1;
	s8 =	simm.s32 @!p0 $0x1BF5;
	p2 =	por !p2, p0  }
0x20: {  	[sflag:s8] =	ssyncset.s32 @!p0 $0xFFFFF086;
	s6 =	sadd.s32 @!p0 s3, s7;
	s7 =	simm.s32 @!p0 $0x108  }
0x21: {  	s3 =	sadd.s32 s3, s9;
	s6 =	sadd.s32 @!p0 $0x88, s6;
	s7 =	simm.s32 @p2 $0x1082  }
0x22: {  	[simem:s7], [sflag:s8] =	dma.local @!p0 [hbm:s6], $0xF7A  }
0x23: {  	s9 =	sor.u32 $0xD0000000, s2;
	s6 =	simm.s32 $0x108;
	_ =	swait.ge @!p0 [sflag:s8], $0x0  }
0x24: {  	s3 =	sadd.s32 $0x88, s3;
	s6 =	simm.s32 @!p1 $0x1082;
	[sflag:s4] =	ssyncset.s32 $0xFFFFF086  }
0x25: {  	[simem:s6], [sflag:s4] =	dma.local [hbm:s3], $0xF7A  }
0x26: {  	[smem:$0x3F9B] =	sst s1;
	(tag) =	ssettag s2;
	_ =	strace s9  }
0x27: {  	s1 =	sld [smem:$0x3FAB]  }
0x28: {  	s2 =	sld [smem:$0x3FAC]  }
0x29: {  	s4 =	sld [smem:$0x3FAE]  }
0x2a: {  	p0 =	seq.s32 s5, $0x0;
	s5 =	sld [smem:$0x3FAF]  }
0x2b: {  	s6 =	sld [smem:$0x3FB0]  }
0x2c: {  	s7 =	sld [smem:$0x3FB1]  }
0x2d: {  	s3 =	simm.s32 $0x108;
	s8 =	sld [smem:$0x3FB2]  }
0x2e: {  	s3 =	simm.s32 @!p0 $0x1082;
	s9 =	sld [smem:$0x3FB3]  }
0x2f: {  	lr =	sadd.s32 s0, s3;
	s0 =	sld [smem:$0x3FAA]  }
0x30: {  	s3 =	sld [smem:$0x3FAD]  }
0x31: {  	[smem:$0x3FB6] =	sst s10  }
0x32: {  	s10 =	sld [smem:$0x3FB4];
	_ =	sdelay $0x3  }
0x33: {  	p0 =	seq.s32 s10, $0x1;
	s10 =	sld [smem:$0x3FB6];
	_ =	sdelay $0x3  }
0x34: {  	[smem:$0x3FB6] =	sst s10  }
0x35: {  	s10 =	sld [smem:$0x3FB5];
	_ =	sdelay $0x3  }
0x36: {  	p1 =	seq.s32 s10, $0x1;
	s10 =	sld [smem:$0x3FB6];
	_ =	sdelay $0x3  }
0x37: {  	[smem:$0x3FB6] =	sst s10  }
0x38: {  	s10 =	sld [smem:$0x3FB7]  }
0x39: {  	_ = 	snop;
	(pc) =	sbr.ind lr, $3  }
0x3a: {  	_ = 	snop  }
0x3b: {  	_ = 	snop  }
0x3c: {  	p2 =	seq.s32 s10, $0x1;
	s10 =	sld [smem:$0x3FB6]  }
0x3d: {  	_ =	shalt  }
0x3e: {  	_ =	shalt  }
0x3f: {  	_ =	shalt  }
0x40: {  	_ =	shalt  }
0x41: {  	_ =	shalt  }
0x42: {  	_ =	shalt  }
0x43: {  	_ =	shalt  }
0x44: {  	_ =	shalt  }
0x45: {  	_ =	shalt  }
0x46: {  	_ =	shalt  }
0x47: {  	_ =	shalt  }
0x48: {  	_ =	shalt  }
0x49: {  	_ =	shalt  }
0x4a: {  	_ =	shalt  }
0x4b: {  	_ =	shalt  }
0x4c: {  	_ =	shalt  }
0x4d: {  	_ =	shalt  }
0x4e: {  	_ =	shalt  }
0x4f: {  	_ =	shalt  }
0x50: {  	_ =	shalt  }
0x51: {  	_ =	shalt  }
0x52: {  	_ =	shalt  }
0x53: {  	_ =	shalt  }
0x54: {  	_ =	shalt  }
0x55: {  	_ =	shalt  }
0x56: {  	_ =	shalt  }
0x57: {  	_ =	shalt  }
0x58: {  	_ =	shalt  }
0x59: {  	_ =	shalt  }
0x5a: {  	_ =	shalt  }
0x5b: {  	_ =	shalt  }
0x5c: {  	_ =	shalt  }
0x5d: {  	_ =	shalt  }
0x5e: {  	_ =	shalt  }
0x5f: {  	_ =	shalt  }
0x60: {  	_ =	shalt  }
0x61: {  	_ =	shalt  }
0x62: {  	_ =	shalt  }
0x63: {  	_ =	shalt  }
0x64: {  	_ =	shalt  }
0x65: {  	_ =	shalt  }
0x66: {  	_ =	shalt  }
0x67: {  	_ =	shalt  }
0x68: {  	_ =	shalt  }
0x69: {  	_ =	shalt  }
0x6a: {  	_ =	shalt  }
0x6b: {  	_ =	shalt  }
0x6c: {  	_ =	shalt  }
0x6d: {  	_ =	shalt  }
0x6e: {  	_ =	shalt  }
0x6f: {  	_ =	shalt  }
0x70: {  	_ =	shalt  }
0x71: {  	_ =	shalt  }
0x72: {  	_ =	shalt  }
0x73: {  	_ =	shalt  }
0x74: {  	_ =	shalt  }
0x75: {  	_ =	shalt  }
0x76: {  	_ =	shalt  }
0x77: {  	_ =	shalt  }
0x78: {  	_ =	shalt  }
0x79: {  	_ =	shalt  }
0x7a: {  	_ =	shalt  }
0x7b: {  	_ =	shalt  }
0x7c: {  	_ =	shalt  }
0x7d: {  	_ =	shalt  }
0x7e: {  	_ =	shalt  }
0x7f: {  	_ =	shalt  }
0x80: {  	_ =	shalt  }
0x81: {  	_ =	shalt  }
0x82: {  	_ =	shalt  }
0x83: {  	_ =	shalt  }
0x84: {  	_ =	shalt  }
0x85: {  	_ =	shalt  }
0x86: {  	_ =	shalt  }
0x87: {  	_ =	shalt  }
.Lfunc_end0:
.L_simem_size_0:
called_computation.1_lowered:
.L_overlay_start_0:
0x88: {  	s2 =	sld [smem:$0x3FD9]  }
0x89: {  	s3 =	sld [smem:$0x3FFE];
	_ =	sdelay $0x1  }
0x8a: {  	s1 =	srdreg.scid  }
0x8b: {  	s0 =	sand.u32 $0x1, s1  }
0x8c: {  	s16 =	sshll.u32 s0, $0xA;
	s2 =	sadd.s32 s3, s2  }
0x8d: {  	s2 =	sadd.s32 s2, s16  }
0x8e: {  	[smem:$0x3FC2] =	sst s2  }
0x8f: {  	_ = 	snop  }
0x90: {  	(tm) =	ssettm $0x1  }
0x91: {  	s17 =	sld [smem:$0x3FFB];
	_ =	sdelay $0x3  }
0x92: {  	_ =	strace s17  }
0x93: {  	s2 =	sld [smem:$0x3FFC];
	_ =	sdelay $0x3  }
0x94: {  	_ =	strace s2  }
0x95: {  	s2 =	sld [smem:$0x3FFD];
	_ =	sdelay $0x3  }
0x96: {  	_ =	strace s2  }
0x97: {  	_ =	strace $0x8FFFFFFF  }
0x98: {  	s18 =	sld [smem:$0x3FDB];
	_ =	sdelay $0x1  }
0x99: {  	s19 =	simm.s32 $_scs_section_size  }
0x9a: {  	s4 =	simm.s32 $_size__tile_overlayer_lowered;
	s5 =	simm.s32 $_tile_overlayer_lowered  }
0x9b: {  	s22 =	simm.s32 $0x1BFF;
	s21 =	sshll.u32 s5, $0x1;
	s2 =	sadd.s32 s19, s18  }
0x9c: {  	s6 =	simm.s32 $0x0;
	s20 =	sshll.u32 s4, $0x1;
	s4 =	sadd.s32 s21, s2  }
0x9d: {  	[timem:s6], [sflag:s22] =	dma.local [hbm:s4], s20  }
0x9e: {  	_ =	swait.ge [sflag:s22], s20  }
0x9f: {  	s3 =	ssub.s32 $0x0, s20;
	[sflag:s22] =	ssyncset.done $0x0  }
0xa0: {  	[sflag:s22] =	ssyncadd.s32 s3;
	_ =	sdelay $0x1  }
0xa1: {  	s23 =	simm.s32 $0x1B8B  }
0xa2: {  	_ =	swait.ge [sflag:s23], $0x1  }
0xa3: {  	[sflag:s23] =	ssyncset.done $0x0  }
0xa4: {  	s25 =	simm.s32 $0x1B8E;
	s24 =	sld [smem:$0x3FFE];
	[sflag:s23] =	ssyncadd.s32 $0xFFFFFFFF  }
0xa5: {  	s26 =	simm.s32 $execute0_lowered;
	[smem:$0x3FD2] =	sst s25  }
0xa6: {  	s4 =	sshll.u32 s26, $0x1;
	_ =	strace $0x80000049;
	[dreg:$0x1] =	wrdreg $0xFFFFFFFF  }
0xa7: {  	s28 =	simm.s32 $_size_execute0_lowered;
	s2 =	sadd.s32 s2, s4;
	[dreg:$0x0] =	wrdreg $0x0  }
0xa8: {  	s4 =	sshll.u32 s28, $0x1;
	[dreg:$0x2] =	wrdreg s2  }
0xa9: {  	[dreg:$0x3] =	wrdreg s4  }
0xaa: {  	[dreg:$0x4] =	wrdreg $0xC0  }
0xab: {  	_ =	task [dreg:s6], $0x5FFFF  }
0xac: {  	[dreg:$0x1] =	wrdreg $0xFFFFFFFF  }
0xad: {  	[dreg:$0x0] =	wrdreg $0x60  }
0xae: {  	[dreg:$0x2] =	wrdreg s24  }
0xaf: {  	[dreg:$0x3] =	wrdreg $0x0  }
0xb0: {  	[dreg:$0x4] =	wrdreg $0x9  }
0xb1: {  	_ =	task.clear_ibuf [dreg:s6], $0x5FFFF;
	_ =	strace $0x90000049  }
0xb2: {  	s29 =	simm.s32 $0x9;
	_ =	strace $0x8000004B  }
0xb3: {  	_ =	swait.ge [sflag:s29], $0x1  }
0xb4: {  	[sflag:s29] =	ssyncadd.s32 $0xFFFFFFFF  }
0xb5: {  	_ =	strace $0x9000004B  }
0xb6: {  	_ =	sfence  }
0xb7: {  	s30 =	sld [smem:$0x0];
	_ =	sdelay $0x2  }
0xb8: {  	s31 =	sshll.u32 s1, $0xD;
	s1 =	sshrl.u32 s1, $0x2  }
0xb9: {  	s3 =	sand.u32 $0x4000, s31;
	s1 =	sadd.s32 s1, s30  }
0xba: {  	s0 =	sor.u32 s3, s0;
	s1 =	sshll.u32 s1, $0x11  }
0xbb: {  	s0 =	sor.u32 s1, s0  }
0xbc: {  	s0 =	sadd.s32 $0x8F2B, s0  }
0xbd: {  	[sflag:s0] =	ssyncadd.remote.s32 $0x1  }
0xbe: {  	_ =	sfence.sel $0xFFFF  }
0xbf: {  	[dreg:$0x0] =	wrdreg $0xFFFFFFFF;
	(pc) =	sbr.abs _section_cstart, $3  }
0xc0: {  	[dreg:$0x1] =	wrdreg $0xFFFFFFFF  }
0xc1: {  	_ =	task.clear_ibuf [dreg:s6], $0x2FFFF;
	_ =	strace $0x9FFFFFFF  }
0xc2: {  	(tm) =	ssettm $0x7FFFFFFF  }
0xc3: {  	_ =	shalt  }
tec
execute0_lowered:
.L_overlay_start_1:
0x0: {  	(tag) =	ssettag $0x1  }
0x1: {  	s0 =	srdreg.scid;
	s1 =	rddreg [dreg:$0x0]  }
0x2: {  	s2 =	rddreg [dreg:$0x1];
	s10 =	stileid.u32;
	s4 =	simm.s32 $0x0  }
0x3: {  	s11 =	simm.s32 $0x11;
	s14 =	simm.s32 $0x80;
	s13 =	simm.s32 $0xA000  }
0x4: {  	s16 =	simm.s32 $0xB000;
	s22 =	simm.s32 $0x12000;
	s17 =	simm.s32 $0xC000  }
0x5: {  	s23 =	simm.s32 $0x14000;
	s24 =	simm.s32 $0x16000;
	s18 =	simm.s32 $0xD000  }
0x6: {  	s25 =	simm.s32 $0x18000;
	s15 =	simm.s32 $0x15000;
	s29 =	simm.s32 $0x4  }
0x7: {  	s31 =	simm.s32 $0x17000;
	s28 =	simm.s32 $0x6;
	s12 =	simm.s32 $0x7  }
0x8: {  	s30 =	simm.s32 $0x6;
	s0 =	sand.u32 $0x1, s0;
	[smem:$0x7FF] =	sst s4  }
0x9: {  	s5 =	smul.u32 $0x5000, s10;
	_ =	strace $0x8000004A;
	[dreg:$0x3] =	wrdreg s22  }
0xa: {  	s4 =	sadd.s32 $0x15C00, s1;
	s20 =	sshll.u32 s10, $0x6;
	[dreg:$0x4] =	wrdreg s23  }
0xb: {  	s3 =	sshll.u32 s0, $0x4;
	s6 =	smul.u32 $0xA000, s0;
	[dreg:$0x5] =	wrdreg s24  }
0xc: {  	s0 =	ssub.s32 $0x2, s0;
	[dreg:$0x6] =	wrdreg s25;
	s23 =	simm.s32 $0x11000  }
0xd: {  	s24 =	simm.s32 $0x1;
	s25 =	simm.s32 $0x2;
	s22 =	simm.s32 $0x5  }
0xe: {  	s3 =	sor.u32 s10, s3;
	s7 =	sshrl.u32 s5, $0x3;
	s8 =	sshrl.u32 s0, $0x1  }
0xf: {  	s5 =	sadd.s32 s5, s2;
	s3 =	smul.u32 $0x500, s3;
	s9 =	sadd.s32 s7, s1  }
0x10: {  	s10 =	simm.s32 $0x13000;
	s0 =	ssub.s32 s0, s8;
	s19 =	sadd.s32 $0x1FC00, s9  }
0x11: {  	s0 =	smax.u32 s0, $0x1;
	s3 =	sadd.s32 s3, s1;
	[dreg:$0x7] =	wrdreg s19  }
0x12: {  	s1 =	sadd.s32 s6, s1;
	s6 =	sor.u32 $0x1C11, s20;
	[dreg:$0xb] =	wrdreg s0  }
0x13: {  	s8 =	simm.s32 $0xC;
	s21 =	sadd.s32 $0xBC00, s3;
	[dreg:$0x8] =	wrdreg s6  }
0x14: {  	s19 =	simm.s32 $0xE000;
	s3 =	sadd.s32 $0x1C00, s3;
	[dreg:$0x9] =	wrdreg s21  }
0x15: {  	s20 =	simm.s32 $0xF000;
	s1 =	sadd.s32 $0x29C00, s1;
	[dreg:$0xa] =	wrdreg s3  }
0x16: {  	s3 =	sshrl.u32 s5, $0x3;
	s26 =	sadd.s32 s7, s1;
	s21 =	simm.s32 $0x10000  }
0x17: {  	s5 =	simm.s32 $0x8;
	s1 =	simm.s32 $0x0;
	[dreg:$0xd] =	wrdreg s26  }
0x18: {  	s7 =	simm.s32 $0xA;
	s26 =	simm.s32 $0x3;
	[dreg:$0xc] =	wrdreg s3  }
.LBB2_1:
0x19: {  	[dreg:$0xe] =	wrdreg s1  }
0x1a: {  	s0 =	rddreg [dreg:$0x7]  }
0x1b: {  	[spmem:s3], [sflag:s6] =	dma.local [hbm:s0], $0xA00  }
0x1c: {  	_ =	swait.ge [sflag:s11], $0xA00  }
0x1d: {  	s0 =	simm.s32 $0x0;
	[sflag:s11] =	ssyncset.done $0x0  }
0x1e: {  	s3 =	simm.s32 $0x5000;
	s9 =	rddreg [dreg:$0x9];
	[sflag:s11] =	ssyncadd.s32 $0xFFFFF600  }
0x1f: {  	[tilespmem:s3], [sflag:$0x11] =	stream.linear.gather [hbm4b:s9+s0], $0x2800, $0x38;
	[tilespmem:$0x1A000] =	vst v63  }
0x20: {  	_ =	swait.ge [sflag:s11], $0x2800  }
0x21: {  	[sflag:s11] =	ssyncset.done $0x0  }
0x22: {  	s9 =	simm.s32 $0x7800;
	s6 =	rddreg [dreg:$0xa];
	[sflag:s11] =	ssyncadd.s32 $0xFFFFD800  }
0x23: {  	[tilespmem:s9], [sflag:$0x11] =	stream.linear.gather [hbm4b:s6+s0], $0x2800, $0x38;
	[tilespmem:$0x1A000] =	vst v63  }
0x24: {  	_ =	swait.ge [sflag:s11], $0x2800  }
0x25: {  	[sflag:s11] =	ssyncset.done $0x0  }
0x26: {  	[sflag:s11] =	ssyncadd.s32 $0xFFFFD800  }
0x27: {  	[bflag:$0x0] =	sbarrier.arrive $0xFFFF  }
0x28: {  	[tilespmem:s13], [sflag:$0x1] =	stream.indirect.gather [hbm4b:s4+s14], $0x20, s3, s14, $0xb8;
	[tilespmem:$0x1A000] =	vst v63  }
0x29: {  	s9 =	simm.s32 $0x5080  }
0x2a: {  	[tilespmem:s16], [sflag:$0x2] =	stream.indirect.gather [hbm4b:s4+s14], $0x20, s9, s14, $0xb8;
	[tilespmem:$0x1A000] =	vst v63  }
0x2b: {  	s1 =	simm.s32 $0x5100  }
0x2c: {  	[tilespmem:s17], [sflag:$0x3] =	stream.indirect.gather [hbm4b:s4+s14], $0x20, s1, s14, $0xb8;
	[tilespmem:$0x1A000] =	vst v63  }
0x2d: {  	s3 =	simm.s32 $0x5180  }
0x2e: {  	[tilespmem:s18], [sflag:$0x4] =	stream.indirect.gather [hbm4b:s4+s14], $0x20, s3, s14, $0xb8;
	[tilespmem:$0x1A000] =	vst v63  }
0x2f: {  	s6 =	simm.s32 $0x5200  }
0x30: {  	[tilespmem:s19], [sflag:$0x5] =	stream.indirect.gather [hbm4b:s4+s14], $0x20, s6, s14, $0xb8;
	[tilespmem:$0x1A000] =	vst v63  }
0x31: {  	s9 =	simm.s32 $0x5280  }
0x32: {  	[tilespmem:s20], [sflag:$0x6] =	stream.indirect.gather [hbm4b:s4+s14], $0x20, s9, s14, $0xb8;
	[tilespmem:$0x1A000] =	vst v63  }
0x33: {  	s1 =	simm.s32 $0x5300  }
0x34: {  	[tilespmem:s21], [sflag:$0x7] =	stream.indirect.gather [hbm4b:s4+s14], $0x20, s1, s14, $0xb8;
	[tilespmem:$0x1A000] =	vst v63  }
0x35: {  	s6 =	simm.s32 $0x5380  }
0x36: {  	[tilespmem:s23], [sflag:$0x8] =	stream.indirect.gather [hbm4b:s4+s14], $0x20, s6, s14, $0xb8;
	[tilespmem:$0x1A000] =	vst v63  }
0x37: {  	s3 =	rddreg [dreg:$0x3];
	s9 =	simm.s32 $0x5400  }
0x38: {  	[tilespmem:s3], [sflag:$0x9] =	stream.indirect.gather [hbm4b:s4+s14], $0x20, s9, s14, $0xb8;
	[tilespmem:$0x1A000] =	vst v63  }
0x39: {  	_ =	swait.ge [sflag:s24], $0x1000  }
0x3a: {  	[sflag:s24] =	ssyncset.done $0x0  }
0x3b: {  	s1 =	simm.s32 $0x7800;
	[sflag:s24] =	ssyncadd.s32 $0xFFFFF000  }
0x3c: {  	[spmem:s2] =	stream.indirect.scatter.add.f32 [tilespmem:s13], [sflag:$0x11], $0x20, s1, s14, $0xb8;
	[tilespmem:$0x1A000] =	vst v63  }
0x3d: {  	_ =	swait.ge [sflag:s11], $0x1000  }
0x3e: {  	[sflag:s11] =	ssyncset.done $0x0  }
0x3f: {  	s3 =	simm.s32 $0x5480;
	[sflag:s11] =	ssyncadd.s32 $0xFFFFF000  }
0x40: {  	[tilespmem:s10], [sflag:$0xA] =	stream.indirect.gather [hbm4b:s4+s14], $0x20, s3, s14, $0xb8;
	[tilespmem:$0x1A000] =	vst v63  }
0x41: {  	_ =	swait.ge [sflag:s25], $0x1000  }
0x42: {  	[sflag:s25] =	ssyncset.done $0x0  }
0x43: {  	s6 =	simm.s32 $0x7880;
	[sflag:s25] =	ssyncadd.s32 $0xFFFFF000  }
0x44: {  	[spmem:s2] =	stream.indirect.scatter.add.f32 [tilespmem:s16], [sflag:$0x11], $0x20, s6, s14, $0xb8;
	[tilespmem:$0x1A000] =	vst v63  }
0x45: {  	_ =	swait.ge [sflag:s11], $0x1000  }
0x46: {  	[sflag:s11] =	ssyncset.done $0x0  }
0x47: {  	s10 =	simm.s32 $0x5500;
	s9 =	rddreg [dreg:$0x4];
	[sflag:s11] =	ssyncadd.s32 $0xFFFFF000  }
0x48: {  	[tilespmem:s9], [sflag:$0xB] =	stream.indirect.gather [hbm4b:s4+s14], $0x20, s10, s14, $0xb8;
	[tilespmem:$0x1A000] =	vst v63  }
0x49: {  	_ =	swait.ge [sflag:s26], $0x1000  }
0x4a: {  	[sflag:s26] =	ssyncset.done $0x0  }
0x4b: {  	s3 =	simm.s32 $0x7900;
	[sflag:s26] =	ssyncadd.s32 $0xFFFFF000  }
0x4c: {  	[spmem:s2] =	stream.indirect.scatter.add.f32 [tilespmem:s17], [sflag:$0x11], $0x20, s3, s14, $0xb8;
	[tilespmem:$0x1A000] =	vst v63  }
0x4d: {  	_ =	swait.ge [sflag:s11], $0x1000  }
0x4e: {  	[sflag:s11] =	ssyncset.done $0x0  }
0x4f: {  	s6 =	simm.s32 $0x5580;
	[sflag:s11] =	ssyncadd.s32 $0xFFFFF000  }
0x50: {  	[tilespmem:s15], [sflag:$0xC] =	stream.indirect.gather [hbm4b:s4+s14], $0x20, s6, s14, $0xb8;
	[tilespmem:$0x1A000] =	vst v63  }
0x51: {  	_ =	swait.ge [sflag:s29], $0x1000  }
0x52: {  	[sflag:s29] =	ssyncset.done $0x0  }
0x53: {  	s9 =	simm.s32 $0x7980;
	[sflag:s29] =	ssyncadd.s32 $0xFFFFF000  }
0x54: {  	[spmem:s2] =	stream.indirect.scatter.add.f32 [tilespmem:s18], [sflag:$0x11], $0x20, s9, s14, $0xb8;
	[tilespmem:$0x1A000] =	vst v63  }
0x55: {  	_ =	swait.ge [sflag:s11], $0x1000  }
0x56: {  	[sflag:s11] =	ssyncset.done $0x0  }
0x57: {  	s15 =	simm.s32 $0x5600;
	s10 =	rddreg [dreg:$0x5];
	[sflag:s11] =	ssyncadd.s32 $0xFFFFF000  }
0x58: {  	[tilespmem:s10], [sflag:$0xD] =	stream.indirect.gather [hbm4b:s4+s14], $0x20, s15, s14, $0xb8;
	[tilespmem:$0x1A000] =	vst v63  }
0x59: {  	_ =	swait.ge [sflag:s22], $0x1000  }
0x5a: {  	[sflag:s22] =	ssyncset.done $0x0  }
0x5b: {  	[sflag:s22] =	ssyncadd.s32 $0xFFFFF000;
	s22 =	simm.s32 $0x7A00  }
0x5c: {  	[spmem:s2] =	stream.indirect.scatter.add.f32 [tilespmem:s19], [sflag:$0x11], $0x20, s22, s14, $0xb8;
	[tilespmem:$0x1A000] =	vst v63  }
0x5d: {  	_ =	swait.ge [sflag:s11], $0x1000  }
0x5e: {  	[sflag:s11] =	ssyncset.done $0x0  }
0x5f: {  	s1 =	simm.s32 $0x5680;
	[sflag:s11] =	ssyncadd.s32 $0xFFFFF000  }
0x60: {  	[tilespmem:s31], [sflag:$0xE] =	stream.indirect.gather [hbm4b:s4+s14], $0x20, s1, s14, $0xb8;
	[tilespmem:$0x1A000] =	vst v63  }
0x61: {  	_ =	swait.ge [sflag:s28], $0x1000  }
0x62: {  	[sflag:s28] =	ssyncset.done $0x0  }
0x63: {  	s3 =	simm.s32 $0x7A80;
	[sflag:s28] =	ssyncadd.s32 $0xFFFFF000  }
0x64: {  	[spmem:s2] =	stream.indirect.scatter.add.f32 [tilespmem:s20], [sflag:$0x11], $0x20, s3, s14, $0xb8;
	[tilespmem:$0x1A000] =	vst v63  }
0x65: {  	_ =	swait.ge [sflag:s11], $0x1000  }
0x66: {  	[sflag:s11] =	ssyncset.done $0x0  }
0x67: {  	s9 =	simm.s32 $0x5700;
	s6 =	rddreg [dreg:$0x6];
	[sflag:s11] =	ssyncadd.s32 $0xFFFFF000  }
0x68: {  	[tilespmem:s6], [sflag:$0xF] =	stream.indirect.gather [hbm4b:s4+s14], $0x20, s9, s14, $0xb8;
	[tilespmem:$0x1A000] =	vst v63  }
0x69: {  	_ =	swait.ge [sflag:s12], $0x1000  }
0x6a: {  	[sflag:s12] =	ssyncset.done $0x0  }
0x6b: {  	s10 =	simm.s32 $0x7B00;
	[sflag:s12] =	ssyncadd.s32 $0xFFFFF000  }
0x6c: {  	[spmem:s2] =	stream.indirect.scatter.add.f32 [tilespmem:s21], [sflag:$0x11], $0x20, s10, s14, $0xb8;
	[tilespmem:$0x1A000] =	vst v63  }
0x6d: {  	_ =	swait.ge [sflag:s11], $0x1000  }
0x6e: {  	[sflag:s11] =	ssyncset.done $0x0  }
0x6f: {  	s15 =	simm.s32 $0x19000;
	s12 =	simm.s32 $0x5780;
	[sflag:s11] =	ssyncadd.s32 $0xFFFFF000  }
0x70: {  	[tilespmem:s15], [sflag:$0x10] =	stream.indirect.gather [hbm4b:s4+s14], $0x20, s12, s14, $0xb8;
	[tilespmem:$0x1A000] =	vst v63  }
0x71: {  	_ =	swait.ge [sflag:s5], $0x1000  }
0x72: {  	[sflag:s5] =	ssyncset.done $0x0  }
0x73: {  	s22 =	simm.s32 $0x7B80;
	[sflag:s5] =	ssyncadd.s32 $0xFFFFF000  }
0x74: {  	[spmem:s2] =	stream.indirect.scatter.add.f32 [tilespmem:s23], [sflag:$0x11], $0x20, s22, s14, $0xb8;
	[tilespmem:$0x1A000] =	vst v63  }
0x75: {  	_ =	swait.ge [sflag:s11], $0x1000  }
0x76: {  	p0 =	por $0x0, $0x0;
	[sflag:s11] =	ssyncset.done $0x0  }
0x77: {  	s0 =	simm.s32 @p0 $0x9;
	[sflag:s11] =	ssyncadd.s32 $0xFFFFF000  }
0x78: {  	_ =	swait.ge @p0 [sflag:s0], $0x1000  }
0x79: {  	s1 =	simm.s32 @p0 $0x7C00;
	s10 =	simm.s32 @p0 $0x11;
	[sflag:s0] =	ssyncset.done @p0 $0x0  }
0x7a: {  	s15 =	simm.s32 @p0 $0x80;
	[sflag:s0] =	ssyncadd.s32 @p0 $0xFFFFF000;
	s0 =	simm.s32 @p0 $0x12000  }
0x7b: {  	[spmem:s2] =	stream.indirect.scatter.add.f32 @p0 [tilespmem:s0], [sflag:$0x11], $0x20, s1, s15, $0xb8;
	[tilespmem:$0x1A000] =	vst v63  }
0x7c: {  	_ =	swait.ge @p0 [sflag:s10], $0x1000  }
0x7d: {  	s3 =	simm.s32 @!p0 $0xA000;
	s6 =	simm.s32 @!p0 $0x80;
	[sflag:s10] =	ssyncset.done @p0 $0x0  }
0x7e: {  	s0 =	simm.s32 @!p0 $0x5800;
	s1 =	simm.s32 @!p0 $0x9;
	[sflag:s10] =	ssyncadd.s32 @p0 $0xFFFFF000  }
0x7f: {  	[tilespmem:s3], [sflag:$0x1] =	stream.indirect.gather @!p0 [hbm4b:s4+s6], $0x20, s0, s6, $0xb8;
	[tilespmem:$0x1A000] =	vst v63  }
0x80: {  	_ =	swait.ge @!p0 [sflag:s1], $0x1000  }
0x81: {  	s0 =	simm.s32 @!p0 $0x7C00;
	[sflag:s1] =	ssyncset.done @!p0 $0x0  }
0x82: {  	s3 =	simm.s32 @!p0 $0x12000;
	[sflag:s1] =	ssyncadd.s32 @!p0 $0xFFFFF000;
	s1 =	simm.s32 @!p0 $0x11  }
0x83: {  	[spmem:s2] =	stream.indirect.scatter.add.f32 @!p0 [tilespmem:s3], [sflag:$0x11], $0x20, s0, s6, $0xb8;
	[tilespmem:$0x1A000] =	vst v63  }
0x84: {  	_ =	swait.ge @!p0 [sflag:s1], $0x1000  }
0x85: {  	[sflag:s1] =	ssyncset.done @!p0 $0x0  }
0x86: {  	s0 =	simm.s32 @!p0 $0x5880;
	s3 =	simm.s32 @!p0 $0xB000;
	[sflag:s1] =	ssyncadd.s32 @!p0 $0xFFFFF000  }
0x87: {  	[tilespmem:s3], [sflag:$0x2] =	stream.indirect.gather @!p0 [hbm4b:s4+s6], $0x20, s0, s6, $0xb8;
	[tilespmem:$0x1A000] =	vst v63  }
0x88: {  	_ =	swait.ge [sflag:s7], $0x1000  }
0x89: {  	[sflag:s7] =	ssyncset.done $0x0  }
0x8a: {  	s28 =	simm.s32 $0x13000;
	s3 =	simm.s32 $0x7C80;
	[sflag:s7] =	ssyncadd.s32 $0xFFFFF000  }
0x8b: {  	[spmem:s2] =	stream.indirect.scatter.add.f32 [tilespmem:s28], [sflag:$0x11], $0x20, s3, s14, $0xb8;
	[tilespmem:$0x1A000] =	vst v63  }
0x8c: {  	_ =	swait.ge [sflag:s11], $0x1000  }
0x8d: {  	[sflag:s11] =	ssyncset.done $0x0  }
0x8e: {  	s0 =	simm.s32 @p0 $0xB;
	[sflag:s11] =	ssyncadd.s32 $0xFFFFF000  }
0x8f: {  	_ =	swait.ge @p0 [sflag:s0], $0x1000  }
0x90: {  	[sflag:s0] =	ssyncset.done @p0 $0x0  }
0x91: {  	s3 =	simm.s32 @p0 $0x7D00;
	[sflag:s0] =	ssyncadd.s32 @p0 $0xFFFFF000;
	s0 =	simm.s32 @p0 $0x14000  }
0x92: {  	[spmem:s2] =	stream.indirect.scatter.add.f32 @p0 [tilespmem:s0], [sflag:$0x11], $0x20, s3, s15, $0xb8;
	[tilespmem:$0x1A000] =	vst v63  }
0x93: {  	_ =	swait.ge @p0 [sflag:s10], $0x1000  }
0x94: {  	[sflag:s10] =	ssyncset.done @p0 $0x0  }
0x95: {  	s0 =	simm.s32 @!p0 $0x5900;
	s3 =	simm.s32 @!p0 $0xC000;
	[sflag:s10] =	ssyncadd.s32 @p0 $0xFFFFF000  }
0x96: {  	[tilespmem:s3], [sflag:$0x3] =	stream.indirect.gather @!p0 [hbm4b:s4+s6], $0x20, s0, s6, $0xb8;
	[tilespmem:$0x1A000] =	vst v63  }
0x97: {  	s0 =	simm.s32 @!p0 $0xB  }
0x98: {  	_ =	swait.ge @!p0 [sflag:s0], $0x1000  }
0x99: {  	[sflag:s0] =	ssyncset.done @!p0 $0x0  }
0x9a: {  	s3 =	simm.s32 @!p0 $0x7D00;
	[sflag:s0] =	ssyncadd.s32 @!p0 $0xFFFFF000;
	s0 =	simm.s32 @!p0 $0x14000  }
0x9b: {  	[spmem:s2] =	stream.indirect.scatter.add.f32 @!p0 [tilespmem:s0], [sflag:$0x11], $0x20, s3, s6, $0xb8;
	[tilespmem:$0x1A000] =	vst v63  }
0x9c: {  	_ =	swait.ge @!p0 [sflag:s1], $0x1000  }
0x9d: {  	[sflag:s1] =	ssyncset.done @!p0 $0x0  }
0x9e: {  	s0 =	simm.s32 @!p0 $0x5980;
	s3 =	simm.s32 @!p0 $0xD000;
	[sflag:s1] =	ssyncadd.s32 @!p0 $0xFFFFF000  }
0x9f: {  	[tilespmem:s3], [sflag:$0x4] =	stream.indirect.gather @!p0 [hbm4b:s4+s6], $0x20, s0, s6, $0xb8;
	[tilespmem:$0x1A000] =	vst v63  }
0xa0: {  	_ =	swait.ge [sflag:s8], $0x1000  }
0xa1: {  	[sflag:s8] =	ssyncset.done $0x0  }
0xa2: {  	s9 =	simm.s32 $0x15000;
	s12 =	simm.s32 $0x7D80;
	[sflag:s8] =	ssyncadd.s32 $0xFFFFF000  }
0xa3: {  	[spmem:s2] =	stream.indirect.scatter.add.f32 [tilespmem:s9], [sflag:$0x11], $0x20, s12, s14, $0xb8;
	[tilespmem:$0x1A000] =	vst v63  }
0xa4: {  	_ =	swait.ge [sflag:s11], $0x1000  }
0xa5: {  	[sflag:s11] =	ssyncset.done $0x0  }
0xa6: {  	s0 =	simm.s32 @p0 $0xD;
	[sflag:s11] =	ssyncadd.s32 $0xFFFFF000  }
0xa7: {  	_ =	swait.ge @p0 [sflag:s0], $0x1000  }
0xa8: {  	[sflag:s0] =	ssyncset.done @p0 $0x0  }
0xa9: {  	s3 =	simm.s32 @p0 $0x7E00;
	[sflag:s0] =	ssyncadd.s32 @p0 $0xFFFFF000;
	s0 =	simm.s32 @p0 $0x16000  }
0xaa: {  	[spmem:s2] =	stream.indirect.scatter.add.f32 @p0 [tilespmem:s0], [sflag:$0x11], $0x20, s3, s15, $0xb8;
	[tilespmem:$0x1A000] =	vst v63  }
0xab: {  	_ =	swait.ge @p0 [sflag:s10], $0x1000  }
0xac: {  	[sflag:s10] =	ssyncset.done @p0 $0x0  }
0xad: {  	s0 =	simm.s32 @!p0 $0x5A00;
	s3 =	simm.s32 @!p0 $0xE000;
	[sflag:s10] =	ssyncadd.s32 @p0 $0xFFFFF000  }
0xae: {  	[tilespmem:s3], [sflag:$0x5] =	stream.indirect.gather @!p0 [hbm4b:s4+s6], $0x20, s0, s6, $0xb8;
	[tilespmem:$0x1A000] =	vst v63  }
0xaf: {  	s0 =	simm.s32 @!p0 $0xD  }
0xb0: {  	_ =	swait.ge @!p0 [sflag:s0], $0x1000  }
0xb1: {  	[sflag:s0] =	ssyncset.done @!p0 $0x0  }
0xb2: {  	s3 =	simm.s32 @!p0 $0x7E00;
	[sflag:s0] =	ssyncadd.s32 @!p0 $0xFFFFF000;
	s0 =	simm.s32 @!p0 $0x16000  }
0xb3: {  	[spmem:s2] =	stream.indirect.scatter.add.f32 @!p0 [tilespmem:s0], [sflag:$0x11], $0x20, s3, s6, $0xb8;
	[tilespmem:$0x1A000] =	vst v63  }
0xb4: {  	_ =	swait.ge @!p0 [sflag:s1], $0x1000  }
0xb5: {  	s9 =	simm.s32 $0xE;
	[sflag:s1] =	ssyncset.done @!p0 $0x0  }
0xb6: {  	s0 =	simm.s32 @!p0 $0x5A80;
	s3 =	simm.s32 @!p0 $0xF000;
	[sflag:s1] =	ssyncadd.s32 @!p0 $0xFFFFF000  }
0xb7: {  	[tilespmem:s3], [sflag:$0x6] =	stream.indirect.gather @!p0 [hbm4b:s4+s6], $0x20, s0, s6, $0xb8;
	[tilespmem:$0x1A000] =	vst v63  }
0xb8: {  	_ =	swait.ge [sflag:s9], $0x1000  }
0xb9: {  	[sflag:s9] =	ssyncset.done $0x0  }
0xba: {  	s22 =	simm.s32 $0x7E80;
	[sflag:s9] =	ssyncadd.s32 $0xFFFFF000  }
0xbb: {  	[spmem:s2] =	stream.indirect.scatter.add.f32 [tilespmem:s31], [sflag:$0x11], $0x20, s22, s14, $0xb8;
	[tilespmem:$0x1A000] =	vst v63  }
0xbc: {  	_ =	swait.ge [sflag:s11], $0x1000  }
0xbd: {  	[sflag:s11] =	ssyncset.done $0x0  }
0xbe: {  	s0 =	simm.s32 @p0 $0xF;
	[sflag:s11] =	ssyncadd.s32 $0xFFFFF000  }
0xbf: {  	_ =	swait.ge @p0 [sflag:s0], $0x1000  }
0xc0: {  	[sflag:s0] =	ssyncset.done @p0 $0x0  }
0xc1: {  	s3 =	simm.s32 @p0 $0x7F00;
	[sflag:s0] =	ssyncadd.s32 @p0 $0xFFFFF000;
	s0 =	simm.s32 @p0 $0x18000  }
0xc2: {  	[spmem:s2] =	stream.indirect.scatter.add.f32 @p0 [tilespmem:s0], [sflag:$0x11], $0x20, s3, s15, $0xb8;
	[tilespmem:$0x1A000] =	vst v63  }
0xc3: {  	_ =	swait.ge @p0 [sflag:s10], $0x1000  }
0xc4: {  	[sflag:s10] =	ssyncset.done @p0 $0x0  }
0xc5: {  	s0 =	simm.s32 @!p0 $0x5B00;
	s3 =	simm.s32 @!p0 $0x10000;
	[sflag:s10] =	ssyncadd.s32 @p0 $0xFFFFF000  }
0xc6: {  	[tilespmem:s3], [sflag:$0x7] =	stream.indirect.gather @!p0 [hbm4b:s4+s6], $0x20, s0, s6, $0xb8;
	[tilespmem:$0x1A000] =	vst v63  }
0xc7: {  	s0 =	simm.s32 @!p0 $0xF  }
0xc8: {  	_ =	swait.ge @!p0 [sflag:s0], $0x1000  }
0xc9: {  	[sflag:s0] =	ssyncset.done @!p0 $0x0  }
0xca: {  	s3 =	simm.s32 @!p0 $0x7F00;
	[sflag:s0] =	ssyncadd.s32 @!p0 $0xFFFFF000;
	s0 =	simm.s32 @!p0 $0x18000  }
0xcb: {  	[spmem:s2] =	stream.indirect.scatter.add.f32 @!p0 [tilespmem:s0], [sflag:$0x11], $0x20, s3, s6, $0xb8;
	[tilespmem:$0x1A000] =	vst v63  }
0xcc: {  	_ =	swait.ge @!p0 [sflag:s1], $0x1000  }
0xcd: {  	s12 =	simm.s32 $0x10;
	[sflag:s1] =	ssyncset.done @!p0 $0x0  }
0xce: {  	s0 =	simm.s32 @!p0 $0x5B80;
	[sflag:s1] =	ssyncadd.s32 @!p0 $0xFFFFF000;
	s1 =	simm.s32 @!p0 $0x11000  }
0xcf: {  	[tilespmem:s1], [sflag:$0x8] =	stream.indirect.gather @!p0 [hbm4b:s4+s6], $0x20, s0, s6, $0xb8;
	[tilespmem:$0x1A000] =	vst v63  }
0xd0: {  	_ =	swait.ge [sflag:s12], $0x1000  }
0xd1: {  	[sflag:s12] =	ssyncset.done $0x0  }
0xd2: {  	s28 =	simm.s32 $0x7F80;
	s3 =	simm.s32 $0x19000;
	[sflag:s12] =	ssyncadd.s32 $0xFFFFF000  }
0xd3: {  	[spmem:s2] =	stream.indirect.scatter.add.f32 [tilespmem:s3], [sflag:$0x11], $0x20, s28, s14, $0xb8;
	[tilespmem:$0x1A000] =	vst v63  }
0xd4: {  	s5 =	simm.s32 $0x8;
	s6 =	simm.s32 $0x2000;
	_ =	swait.ge [sflag:s11], $0x1000  }
.LBB2_2:
0xd5: {  	s15 =	smov.u32 s6  }
0xd6: {  	[sflag:s11] =	ssyncset.done $0x0;
	s10 =	sshra.s32 s15, $0x2  }
0xd7: {  	s0 =	rddreg [dreg:$0x3];
	[sflag:s11] =	ssyncadd.s32 $0xFFFFF000;
	s1 =	sadd.s32 $0x5400, s10  }
0xd8: {  	[tilespmem:s0], [sflag:$0x9] =	stream.indirect.gather [hbm4b:s4+s14], $0x20, s1, s14, $0xb8;
	[tilespmem:$0x1A000] =	vst v63  }
0xd9: {  	_ =	swait.ge [sflag:s24], $0x1000  }
0xda: {  	[sflag:s24] =	ssyncset.done $0x0  }
0xdb: {  	s22 =	sadd.s32 $0x7800, s10;
	[sflag:s24] =	ssyncadd.s32 $0xFFFFF000  }
0xdc: {  	[spmem:s2] =	stream.indirect.scatter.add.f32 [tilespmem:s13], [sflag:$0x11], $0x20, s22, s14, $0xb8;
	[tilespmem:$0x1A000] =	vst v63  }
0xdd: {  	_ =	swait.ge [sflag:s11], $0x1000  }
0xde: {  	[sflag:s11] =	ssyncset.done $0x0  }
0xdf: {  	s24 =	sadd.s32 $0x5480, s10;
	s22 =	simm.s32 $0x13000;
	[sflag:s11] =	ssyncadd.s32 $0xFFFFF000  }
0xe0: {  	[tilespmem:s22], [sflag:$0xA] =	stream.indirect.gather [hbm4b:s4+s14], $0x20, s24, s14, $0xb8;
	[tilespmem:$0x1A000] =	vst v63  }
0xe1: {  	_ =	swait.ge [sflag:s25], $0x1000  }
0xe2: {  	[sflag:s25] =	ssyncset.done $0x0  }
0xe3: {  	s28 =	sadd.s32 $0x7880, s10;
	[sflag:s25] =	ssyncadd.s32 $0xFFFFF000  }
0xe4: {  	[spmem:s2] =	stream.indirect.scatter.add.f32 [tilespmem:s16], [sflag:$0x11], $0x20, s28, s14, $0xb8;
	[tilespmem:$0x1A000] =	vst v63  }
0xe5: {  	_ =	swait.ge [sflag:s11], $0x1000  }
0xe6: {  	[sflag:s11] =	ssyncset.done $0x0  }
0xe7: {  	s13 =	sadd.s32 $0x5500, s10;
	s1 =	rddreg [dreg:$0x4];
	[sflag:s11] =	ssyncadd.s32 $0xFFFFF000  }
0xe8: {  	[tilespmem:s1], [sflag:$0xB] =	stream.indirect.gather [hbm4b:s4+s14], $0x20, s13, s14, $0xb8;
	[tilespmem:$0x1A000] =	vst v63  }
0xe9: {  	_ =	swait.ge [sflag:s26], $0x1000  }
0xea: {  	[sflag:s26] =	ssyncset.done $0x0  }
0xeb: {  	s16 =	sadd.s32 $0x7900, s10;
	[sflag:s26] =	ssyncadd.s32 $0xFFFFF000  }
0xec: {  	[spmem:s2] =	stream.indirect.scatter.add.f32 [tilespmem:s17], [sflag:$0x11], $0x20, s16, s14, $0xb8;
	[tilespmem:$0x1A000] =	vst v63  }
0xed: {  	_ =	swait.ge [sflag:s11], $0x1000  }
0xee: {  	[sflag:s11] =	ssyncset.done $0x0  }
0xef: {  	s28 =	simm.s32 $0x15000;
	s17 =	sadd.s32 $0x5580, s10;
	[sflag:s11] =	ssyncadd.s32 $0xFFFFF000  }
0xf0: {  	[tilespmem:s28], [sflag:$0xC] =	stream.indirect.gather [hbm4b:s4+s14], $0x20, s17, s14, $0xb8;
	[tilespmem:$0x1A000] =	vst v63  }
0xf1: {  	_ =	swait.ge [sflag:s29], $0x1000  }
0xf2: {  	[sflag:s29] =	ssyncset.done $0x0  }
0xf3: {  	s24 =	sadd.s32 $0x7980, s10;
	[sflag:s29] =	ssyncadd.s32 $0xFFFFF000  }
0xf4: {  	[spmem:s2] =	stream.indirect.scatter.add.f32 [tilespmem:s18], [sflag:$0x11], $0x20, s24, s14, $0xb8;
	[tilespmem:$0x1A000] =	vst v63  }
0xf5: {  	_ =	swait.ge [sflag:s11], $0x1000  }
0xf6: {  	s13 =	simm.s32 $0x5;
	[sflag:s11] =	ssyncset.done $0x0  }
0xf7: {  	s26 =	sadd.s32 $0x5600, s10;
	s25 =	rddreg [dreg:$0x5];
	[sflag:s11] =	ssyncadd.s32 $0xFFFFF000  }
0xf8: {  	[tilespmem:s25], [sflag:$0xD] =	stream.indirect.gather [hbm4b:s4+s14], $0x20, s26, s14, $0xb8;
	[tilespmem:$0x1A000] =	vst v63  }
0xf9: {  	_ =	swait.ge [sflag:s13], $0x1000  }
0xfa: {  	[sflag:s13] =	ssyncset.done $0x0  }
0xfb: {  	s16 =	sadd.s32 $0x7A00, s10;
	[sflag:s13] =	ssyncadd.s32 $0xFFFFF000  }
0xfc: {  	[spmem:s2] =	stream.indirect.scatter.add.f32 [tilespmem:s19], [sflag:$0x11], $0x20, s16, s14, $0xb8;
	[tilespmem:$0x1A000] =	vst v63  }
0xfd: {  	_ =	swait.ge [sflag:s11], $0x1000  }
0xfe: {  	[sflag:s11] =	ssyncset.done $0x0  }
0xff: {  	s17 =	sadd.s32 $0x5680, s10;
	[sflag:s11] =	ssyncadd.s32 $0xFFFFF000  }
0x100: {  	[tilespmem:s31], [sflag:$0xE] =	stream.indirect.gather [hbm4b:s4+s14], $0x20, s17, s14, $0xb8;
	[tilespmem:$0x1A000] =	vst v63  }
0x101: {  	_ =	swait.ge [sflag:s30], $0x1000  }
0x102: {  	[sflag:s30] =	ssyncset.done $0x0  }
0x103: {  	s18 =	sadd.s32 $0x7A80, s10;
	[sflag:s30] =	ssyncadd.s32 $0xFFFFF000  }
0x104: {  	[spmem:s2] =	stream.indirect.scatter.add.f32 [tilespmem:s20], [sflag:$0x11], $0x20, s18, s14, $0xb8;
	[tilespmem:$0x1A000] =	vst v63  }
0x105: {  	_ =	swait.ge [sflag:s11], $0x1000  }
0x106: {  	s24 =	simm.s32 $0x7;
	[sflag:s11] =	ssyncset.done $0x0  }
0x107: {  	s20 =	sadd.s32 $0x5700, s10;
	s19 =	rddreg [dreg:$0x6];
	[sflag:s11] =	ssyncadd.s32 $0xFFFFF000  }
0x108: {  	[tilespmem:s19], [sflag:$0xF] =	stream.indirect.gather [hbm4b:s4+s14], $0x20, s20, s14, $0xb8;
	[tilespmem:$0x1A000] =	vst v63  }
0x109: {  	_ =	swait.ge [sflag:s24], $0x1000  }
0x10a: {  	[sflag:s24] =	ssyncset.done $0x0  }
0x10b: {  	s25 =	sadd.s32 $0x7B00, s10;
	[sflag:s24] =	ssyncadd.s32 $0xFFFFF000  }
0x10c: {  	[spmem:s2] =	stream.indirect.scatter.add.f32 [tilespmem:s21], [sflag:$0x11], $0x20, s25, s14, $0xb8;
	[tilespmem:$0x1A000] =	vst v63  }
0x10d: {  	_ =	swait.ge [sflag:s11], $0x1000  }
0x10e: {  	[sflag:s11] =	ssyncset.done $0x0  }
0x10f: {  	s26 =	sadd.s32 $0x5780, s10;
	[sflag:s11] =	ssyncadd.s32 $0xFFFFF000  }
0x110: {  	[tilespmem:s3], [sflag:$0x10] =	stream.indirect.gather [hbm4b:s4+s14], $0x20, s26, s14, $0xb8;
	[tilespmem:$0x1A000] =	vst v63  }
0x111: {  	_ =	swait.ge [sflag:s5], $0x1000  }
0x112: {  	[sflag:s5] =	ssyncset.done $0x0  }
0x113: {  	s1 =	sadd.s32 $0x7B80, s10;
	[sflag:s5] =	ssyncadd.s32 $0xFFFFF000  }
0x114: {  	[spmem:s2] =	stream.indirect.scatter.add.f32 [tilespmem:s23], [sflag:$0x11], $0x20, s1, s14, $0xb8;
	[tilespmem:$0x1A000] =	vst v63  }
0x115: {  	_ =	swait.ge [sflag:s11], $0x1000  }
0x116: {  	p1 =	seq.s32 s15, $0x8000;
	[sflag:s11] =	ssyncset.done $0x0  }
0x117: {  	s0 =	simm.s32 @p1 $0x9;
	[sflag:s11] =	ssyncadd.s32 $0xFFFFF000  }
0x118: {  	s13 =	sshra.s32 @!p1 s15, $0x2;
	s17 =	simm.s32 @p1 $0x80;
	_ =	swait.ge @p1 [sflag:s0], $0x1000  }
0x119: {  	s21 =	sshra.s32 @p1 s15, $0x2;
	s15 =	simm.s32 @p1 $0x11;
	[sflag:s0] =	ssyncset.done @p1 $0x0  }
0x11a: {  	s1 =	sadd.s32 @p1 $0x7C00, s21;
	[sflag:s0] =	ssyncadd.s32 @p1 $0xFFFFF000;
	s0 =	simm.s32 @p1 $0x12000  }
0x11b: {  	[spmem:s2] =	stream.indirect.scatter.add.f32 @p1 [tilespmem:s0], [sflag:$0x11], $0x20, s1, s17, $0xb8;
	[tilespmem:$0x1A000] =	vst v63  }
0x11c: {  	_ =	swait.ge @p1 [sflag:s15], $0x1000  }
0x11d: {  	s18 =	simm.s32 @!p1 $0x9;
	s24 =	simm.s32 @!p1 $0x80;
	[sflag:s15] =	ssyncset.done @p1 $0x0  }
0x11e: {  	s3 =	sadd.s32 @!p1 $0x5800, s13;
	s0 =	simm.s32 @!p1 $0xA000;
	[sflag:s15] =	ssyncadd.s32 @p1 $0xFFFFF000  }
0x11f: {  	[tilespmem:s0], [sflag:$0x1] =	stream.indirect.gather @!p1 [hbm4b:s4+s24], $0x20, s3, s24, $0xb8;
	[tilespmem:$0x1A000] =	vst v63  }
0x120: {  	s31 =	sadd.s32 @!p1 $0x5A80, s13;
	s20 =	sadd.s32 @!p1 $0x5900, s13;
	_ =	swait.ge @!p1 [sflag:s18], $0x1000  }
0x121: {  	s19 =	simm.s32 @!p1 $0x11;
	s16 =	sadd.s32 @p1 $0x7D00, s21;
	[sflag:s18] =	ssyncset.done @!p1 $0x0  }
0x122: {  	s1 =	sadd.s32 @!p1 $0x7C00, s13;
	[sflag:s18] =	ssyncadd.s32 @!p1 $0xFFFFF000;
	s18 =	simm.s32 @!p1 $0x12000  }
0x123: {  	[spmem:s2] =	stream.indirect.scatter.add.f32 @!p1 [tilespmem:s18], [sflag:$0x11], $0x20, s1, s24, $0xb8;
	[tilespmem:$0x1A000] =	vst v63  }
0x124: {  	s25 =	sadd.s32 @p1 $0x7E00, s21;
	s29 =	sadd.s32 @p1 $0x7F00, s21;
	_ =	swait.ge @!p1 [sflag:s19], $0x1000  }
0x125: {  	s26 =	sadd.s32 @!p1 $0x5B00, s13;
	s23 =	sadd.s32 @!p1 $0x5880, s13;
	[sflag:s19] =	ssyncset.done @!p1 $0x0  }
0x126: {  	s21 =	simm.s32 @!p1 $0xB000;
	s0 =	sadd.s32 @!p1 $0x7D00, s13;
	[sflag:s19] =	ssyncadd.s32 @!p1 $0xFFFFF000  }
0x127: {  	[tilespmem:s21], [sflag:$0x2] =	stream.indirect.gather @!p1 [hbm4b:s4+s24], $0x20, s23, s24, $0xb8;
	[tilespmem:$0x1A000] =	vst v63  }
0x128: {  	s3 =	sadd.s32 @!p1 $0x5980, s13;
	s18 =	sadd.s32 @!p1 $0x5A00, s13;
	_ =	swait.ge [sflag:s7], $0x1000  }
0x129: {  	s1 =	sadd.s32 @!p1 $0x7E00, s13;
	s23 =	sadd.s32 @!p1 $0x7F00, s13;
	[sflag:s7] =	ssyncset.done $0x0  }
0x12a: {  	s21 =	sadd.s32 @!p1 $0x5B80, s13;
	s13 =	sadd.s32 $0x7C80, s10;
	[sflag:s7] =	ssyncadd.s32 $0xFFFFF000  }
0x12b: {  	[spmem:s2] =	stream.indirect.scatter.add.f32 [tilespmem:s22], [sflag:$0x11], $0x20, s13, s14, $0xb8;
	[tilespmem:$0x1A000] =	vst v63  }
0x12c: {  	_ =	swait.ge [sflag:s11], $0x1000  }
0x12d: {  	[sflag:s11] =	ssyncset.done $0x0  }
0x12e: {  	s13 =	simm.s32 @p1 $0xB;
	[sflag:s11] =	ssyncadd.s32 $0xFFFFF000  }
0x12f: {  	_ =	swait.ge @p1 [sflag:s13], $0x1000  }
0x130: {  	[sflag:s13] =	ssyncset.done @p1 $0x0  }
0x131: {  	[sflag:s13] =	ssyncadd.s32 @p1 $0xFFFFF000;
	s13 =	simm.s32 @p1 $0x14000  }
0x132: {  	[spmem:s2] =	stream.indirect.scatter.add.f32 @p1 [tilespmem:s13], [sflag:$0x11], $0x20, s16, s17, $0xb8;
	[tilespmem:$0x1A000] =	vst v63  }
0x133: {  	_ =	swait.ge @p1 [sflag:s15], $0x1000  }
0x134: {  	[sflag:s15] =	ssyncset.done @p1 $0x0  }
0x135: {  	s13 =	simm.s32 @!p1 $0xC000;
	s16 =	simm.s32 @!p1 $0xB;
	[sflag:s15] =	ssyncadd.s32 @p1 $0xFFFFF000  }
0x136: {  	[tilespmem:s13], [sflag:$0x3] =	stream.indirect.gather @!p1 [hbm4b:s4+s24], $0x20, s20, s24, $0xb8;
	[tilespmem:$0x1A000] =	vst v63  }
0x137: {  	_ =	swait.ge @!p1 [sflag:s16], $0x1000  }
0x138: {  	[sflag:s16] =	ssyncset.done @!p1 $0x0  }
0x139: {  	s13 =	simm.s32 @!p1 $0x14000;
	[sflag:s16] =	ssyncadd.s32 @!p1 $0xFFFFF000  }
0x13a: {  	[spmem:s2] =	stream.indirect.scatter.add.f32 @!p1 [tilespmem:s13], [sflag:$0x11], $0x20, s0, s24, $0xb8;
	[tilespmem:$0x1A000] =	vst v63  }
0x13b: {  	_ =	swait.ge @!p1 [sflag:s19], $0x1000  }
0x13c: {  	[sflag:s19] =	ssyncset.done @!p1 $0x0  }
0x13d: {  	s0 =	simm.s32 @!p1 $0xD000;
	[sflag:s19] =	ssyncadd.s32 @!p1 $0xFFFFF000  }
0x13e: {  	[tilespmem:s0], [sflag:$0x4] =	stream.indirect.gather @!p1 [hbm4b:s4+s24], $0x20, s3, s24, $0xb8;
	[tilespmem:$0x1A000] =	vst v63  }
0x13f: {  	_ =	swait.ge [sflag:s8], $0x1000  }
0x140: {  	[sflag:s8] =	ssyncset.done $0x0  }
0x141: {  	s3 =	sadd.s32 $0x7D80, s10;
	[sflag:s8] =	ssyncadd.s32 $0xFFFFF000  }
0x142: {  	[spmem:s2] =	stream.indirect.scatter.add.f32 [tilespmem:s28], [sflag:$0x11], $0x20, s3, s14, $0xb8;
	[tilespmem:$0x1A000] =	vst v63  }
0x143: {  	_ =	swait.ge [sflag:s11], $0x1000  }
0x144: {  	[sflag:s11] =	ssyncset.done $0x0  }
0x145: {  	s0 =	simm.s32 @p1 $0xD;
	[sflag:s11] =	ssyncadd.s32 $0xFFFFF000  }
0x146: {  	_ =	swait.ge @p1 [sflag:s0], $0x1000  }
0x147: {  	[sflag:s0] =	ssyncset.done @p1 $0x0  }
0x148: {  	[sflag:s0] =	ssyncadd.s32 @p1 $0xFFFFF000;
	s0 =	simm.s32 @p1 $0x16000  }
0x149: {  	[spmem:s2] =	stream.indirect.scatter.add.f32 @p1 [tilespmem:s0], [sflag:$0x11], $0x20, s25, s17, $0xb8;
	[tilespmem:$0x1A000] =	vst v63  }
0x14a: {  	_ =	swait.ge @p1 [sflag:s15], $0x1000  }
0x14b: {  	[sflag:s15] =	ssyncset.done @p1 $0x0  }
0x14c: {  	s3 =	simm.s32 @!p1 $0xD;
	s0 =	simm.s32 @!p1 $0xE000;
	[sflag:s15] =	ssyncadd.s32 @p1 $0xFFFFF000  }
0x14d: {  	[tilespmem:s0], [sflag:$0x5] =	stream.indirect.gather @!p1 [hbm4b:s4+s24], $0x20, s18, s24, $0xb8;
	[tilespmem:$0x1A000] =	vst v63  }
0x14e: {  	_ =	swait.ge @!p1 [sflag:s3], $0x1000  }
0x14f: {  	[sflag:s3] =	ssyncset.done @!p1 $0x0  }
0x150: {  	s0 =	simm.s32 @!p1 $0x16000;
	[sflag:s3] =	ssyncadd.s32 @!p1 $0xFFFFF000  }
0x151: {  	[spmem:s2] =	stream.indirect.scatter.add.f32 @!p1 [tilespmem:s0], [sflag:$0x11], $0x20, s1, s24, $0xb8;
	[tilespmem:$0x1A000] =	vst v63  }
0x152: {  	_ =	swait.ge @!p1 [sflag:s19], $0x1000  }
0x153: {  	[sflag:s19] =	ssyncset.done @!p1 $0x0  }
0x154: {  	s0 =	simm.s32 @!p1 $0xF000;
	[sflag:s19] =	ssyncadd.s32 @!p1 $0xFFFFF000  }
0x155: {  	[tilespmem:s0], [sflag:$0x6] =	stream.indirect.gather @!p1 [hbm4b:s4+s24], $0x20, s31, s24, $0xb8;
	[tilespmem:$0x1A000] =	vst v63  }
0x156: {  	_ =	swait.ge [sflag:s9], $0x1000  }
0x157: {  	[sflag:s9] =	ssyncset.done $0x0  }
0x158: {  	s22 =	sadd.s32 $0x7E80, s10;
	s31 =	simm.s32 $0x17000;
	[sflag:s9] =	ssyncadd.s32 $0xFFFFF000  }
0x159: {  	[spmem:s2] =	stream.indirect.scatter.add.f32 [tilespmem:s31], [sflag:$0x11], $0x20, s22, s14, $0xb8;
	[tilespmem:$0x1A000] =	vst v63  }
0x15a: {  	_ =	swait.ge [sflag:s11], $0x1000  }
0x15b: {  	[sflag:s11] =	ssyncset.done $0x0  }
0x15c: {  	s0 =	simm.s32 @p1 $0xF;
	[sflag:s11] =	ssyncadd.s32 $0xFFFFF000  }
0x15d: {  	_ =	swait.ge @p1 [sflag:s0], $0x1000  }
0x15e: {  	[sflag:s0] =	ssyncset.done @p1 $0x0  }
0x15f: {  	[sflag:s0] =	ssyncadd.s32 @p1 $0xFFFFF000;
	s0 =	simm.s32 @p1 $0x18000  }
0x160: {  	[spmem:s2] =	stream.indirect.scatter.add.f32 @p1 [tilespmem:s0], [sflag:$0x11], $0x20, s29, s17, $0xb8;
	[tilespmem:$0x1A000] =	vst v63  }
0x161: {  	_ =	swait.ge @p1 [sflag:s15], $0x1000  }
0x162: {  	[sflag:s15] =	ssyncset.done @p1 $0x0  }
0x163: {  	s1 =	simm.s32 @!p1 $0xF;
	s0 =	simm.s32 @!p1 $0x10000;
	[sflag:s15] =	ssyncadd.s32 @p1 $0xFFFFF000  }
0x164: {  	[tilespmem:s0], [sflag:$0x7] =	stream.indirect.gather @!p1 [hbm4b:s4+s24], $0x20, s26, s24, $0xb8;
	[tilespmem:$0x1A000] =	vst v63  }
0x165: {  	s6 =	sadd.s32 $0x2000, s6;
	_ =	swait.ge @!p1 [sflag:s1], $0x1000  }
0x166: {  	p0 =	sne.s32 s6, $0xA000;
	s20 =	simm.s32 $0xF000;
	[sflag:s1] =	ssyncset.done @!p1 $0x0  }
0x167: {  	s16 =	simm.s32 $0xB000;
	s0 =	simm.s32 @!p1 $0x18000;
	[sflag:s1] =	ssyncadd.s32 @!p1 $0xFFFFF000  }
0x168: {  	[spmem:s2] =	stream.indirect.scatter.add.f32 @!p1 [tilespmem:s0], [sflag:$0x11], $0x20, s23, s24, $0xb8;
	[tilespmem:$0x1A000] =	vst v63  }
0x169: {  	s13 =	simm.s32 $0xA000;
	s28 =	sadd.s32 $0x7F80, s10;
	_ =	swait.ge @!p1 [sflag:s19], $0x1000  }
0x16a: {  	s25 =	simm.s32 $0x2;
	s18 =	simm.s32 $0xD000;
	[sflag:s19] =	ssyncset.done @!p1 $0x0  }
0x16b: {  	s3 =	simm.s32 $0x19000;
	s0 =	simm.s32 @!p1 $0x11000;
	[sflag:s19] =	ssyncadd.s32 @!p1 $0xFFFFF000  }
0x16c: {  	[tilespmem:s0], [sflag:$0x8] =	stream.indirect.gather @!p1 [hbm4b:s4+s24], $0x20, s21, s24, $0xb8;
	[tilespmem:$0x1A000] =	vst v63  }
.Ltmp0:
0x16d: {  	s29 =	simm.s32 $0x4;
	_ =	swait.ge [sflag:s12], $0x1000;
	(pc) =	sbr.rel @p0 .LBB2_2-.Ltmp0, $4  }
0x16e: {  	s17 =	simm.s32 $0xC000;
	s26 =	simm.s32 $0x3;
	[sflag:s12] =	ssyncset.done $0x0  }
0x16f: {  	s23 =	simm.s32 $0x11000;
	s19 =	simm.s32 $0xE000;
	[sflag:s12] =	ssyncadd.s32 $0xFFFFF000  }
0x170: {  	[spmem:s2] =	stream.indirect.scatter.add.f32 [tilespmem:s3], [sflag:$0x11], $0x20, s28, s14, $0xb8;
	[tilespmem:$0x1A000] =	vst v63  }
0x171: {  	s24 =	simm.s32 $0x1;
	s21 =	simm.s32 $0x10000;
	_ =	swait.ge [sflag:s11], $0x1000  }
0x172: {  	[sflag:s11] =	ssyncset.done $0x0  }
0x173: {  	[sflag:s11] =	ssyncadd.s32 $0xFFFFF000  }
0x174: {  	[bflag:$0x0] =	sbarrier.arrive $0xFFFF  }
0x175: {  	s6 =	rddreg [dreg:$0x8]  }
0x176: {  	s3 =	rddreg [dreg:$0xc]  }
0x177: {  	s0 =	rddreg [dreg:$0xd]  }
0x178: {  	[hbm:s0], [sflag:s6] =	dma.local [spmem:s3], $0xA00  }
0x179: {  	_ =	swait.ge [sflag:s11], $0xA00  }
0x17a: {  	s1 =	rddreg [dreg:$0xe]  }
0x17b: {  	s22 =	rddreg [dreg:$0xb];
	s1 =	sadd.s32 $0x1, s1  }
0x17c: {  	p0 =	sne.s32 s1, s22  }
.Ltmp1:
0x17d: {  	_ = 	snop;
	(pc) =	sbr.rel @p0 .LBB2_1-.Ltmp1, $4  }
0x17e: {  	_ = 	snop  }
0x17f: {  	s10 =	simm.s32 $0x13000;
	s15 =	simm.s32 $0x15000  }
0x180: {  	s28 =	simm.s32 $0x6;
	s12 =	simm.s32 $0x7;
	[sflag:s11] =	ssyncset.done $0x0  }
0x181: {  	s5 =	simm.s32 $0x8;
	[sflag:s11] =	ssyncadd.s32 $0xFFFFF600;
	s22 =	simm.s32 $0x5  }
0x182: {  	_ =	sfence.sel $0x180000  }
0x183: {  	[bflag:$0x0] =	sbarrier.arrive $0xFFFF  }
0x184: {  	_ =	strace $0x9000004A  }
0x185: {  	s0 =	stileid.u32;
	[bflag:$0x2] =	sbarrier.arrive $0xFFFF  }
0x186: {  	p0 =	sne.s32 s0, $0x0;
	s0 =	rddreg [dreg:$0x2]  }
0x187: {  	s0 =	sadd.s32 @!p0 $0x100000, s0  }
0x188: {  	[sflag:s0] =	ssyncadd.tile.s32 @!p0 $0x1;
	_ =	shalt  }
.Lfunc_end2:
_tile_overlayer_lowered:
.L_overlay_start_2:
0x189: {  	(tag) =	ssettag $0x2  }
0x18a: {  	s0 =	rddreg [dreg:$0x0];
	s2 =	stileid.u32  }
0x18b: {  	s1 =	rddreg [dreg:$0x1];
	p0 =	sne.s32 s2, $0x0  }
0x18c: {  	s3 =	rddreg [dreg:$0x2];
	[bflag:$0x3] =	sbarrier.arrive $0xFFFF;
	s2 =	simm.s32 @!p0 $0x1C11  }
0x18d: {  	[timem:s3], [sflag:s2] =	dma.local @!p0 [hbm:s0], s1  }
0x18e: {  	s0 =	simm.s32 @!p0 $0x11  }
0x18f: {  	_ =	swait.ge @!p0 [sflag:s0], s1  }
0x190: {  	s1 =	ssub.s32 @!p0 $0x0, s1;
	[sflag:s0] =	ssyncset.done @!p0 $0x0  }
0x191: {  	[sflag:s0] =	ssyncadd.s32 @!p0 s1  }
0x192: {  	[bflag:$0x3] =	sbarrier.arrive $0xFFFF  }
0x193: {  	_ =	shalt  }

// kernel: kernel.13.cloned.1.call-start
scs
__scs_entry_jumppad:
0x0: {  	(pc) =	sbr.rel $0x88, $3  }
0x1: {  	(tag) =	ssettag $0x0;
	lr =	simm.s32 $0x1  }
0x2: {  	[smem:$0x3F9B] =	sst lr;
	_ =	strace $0xD0000000  }
0x3: {  	_ = 	snop  }
0x4: {  	_ = 	snop  }
0x5: {  	_ = 	snop  }
0x6: {  	_ = 	snop  }
0x7: {  	_ = 	snop  }
__scs_overlays_trampoline_lowered:
0x8: {  	[smem:$0x3FAA] =	sst s0  }
0x9: {  	[smem:$0x3FAB] =	sst s1  }
0xa: {  	[smem:$0x3FAC] =	sst s2  }
0xb: {  	[smem:$0x3FAD] =	sst s3  }
0xc: {  	[smem:$0x3FAE] =	sst s4  }
0xd: {  	[smem:$0x3FAF] =	sst s5  }
0xe: {  	[smem:$0x3FB0] =	sst s6  }
0xf: {  	[smem:$0x3FB1] =	sst s7  }
0x10: {  	[smem:$0x3FB2] =	sst s8  }
0x11: {  	[smem:$0x3FB3] =	sst s9;
	s0 =	simm.s32 @!p0 $0x0  }
0x12: {  	s1 =	sld [smem:$0x3F99];
	s0 =	simm.s32 @p0 $0x1  }
0x13: {  	[smem:$0x3FB4] =	sst s0;
	s0 =	simm.s32 @!p1 $0x0  }
0x14: {  	s2 =	sld [smem:$0x3F98];
	s0 =	simm.s32 @p1 $0x1  }
0x15: {  	[smem:$0x3FB5] =	sst s0;
	s0 =	simm.s32 @!p2 $0x0  }
0x16: {  	s3 =	sld [smem:$0x3FDB];
	s0 =	simm.s32 @p2 $0x1  }
0x17: {  	s4 =	simm.s32 $0x1BF5;
	[smem:$0x3FB7] =	sst s0  }
0x18: {  	s0 =	sld [smem:$0x3F9A];
	_ =	swait.ge [sflag:s4], $0x0  }
0x19: {  	s7 =	sld [smem:$0x3F9B]  }
0x1a: {  	s8 =	sadd.s32 $0xFFFFE003, lr  }
0x1b: {  	s9 =	sadd.s32 $0xFFFFFEF7, lr;
	s5 =	simm.s32 $0xFFFFFFFF;
	p2 =	slt.u32 s8, $0xFFFFF086  }
0x1c: {  	p1 =	slt.u32 s9, $0xF7A;
	s5 =	simm.s32 @!p2 $0x0  }
0x1d: {  	s5 =	simm.s32 @p1 $0x1;
	p0 =	seq.s32 s7, s2  }
0x1e: {  	s7 =	smul.u32 @!p0 $0xF7A, s2;
	p2 =	seq.s32 @!p0 s5, $0x0  }
0x1f: {  	s9 =	smul.u32 $0xF7A, s1;
	s8 =	simm.s32 @!p0 $0x1BF5;
	p2 =	por !p2, p0  }
0x20: {  	[sflag:s8] =	ssyncset.s32 @!p0 $0xFFFFF086;
	s6 =	sadd.s32 @!p0 s3, s7;
	s7 =	simm.s32 @!p0 $0x108  }
0x21: {  	s3 =	sadd.s32 s3, s9;
	s6 =	sadd.s32 @!p0 $0x88, s6;
	s7 =	simm.s32 @p2 $0x1082  }
0x22: {  	[simem:s7], [sflag:s8] =	dma.local @!p0 [hbm:s6], $0xF7A  }
0x23: {  	s9 =	sor.u32 $0xD0000000, s2;
	s6 =	simm.s32 $0x108;
	_ =	swait.ge @!p0 [sflag:s8], $0x0  }
0x24: {  	s3 =	sadd.s32 $0x88, s3;
	s6 =	simm.s32 @!p1 $0x1082;
	[sflag:s4] =	ssyncset.s32 $0xFFFFF086  }
0x25: {  	[simem:s6], [sflag:s4] =	dma.local [hbm:s3], $0xF7A  }
0x26: {  	[smem:$0x3F9B] =	sst s1;
	(tag) =	ssettag s2;
	_ =	strace s9  }
0x27: {  	s1 =	sld [smem:$0x3FAB]  }
0x28: {  	s2 =	sld [smem:$0x3FAC]  }
0x29: {  	s4 =	sld [smem:$0x3FAE]  }
0x2a: {  	p0 =	seq.s32 s5, $0x0;
	s5 =	sld [smem:$0x3FAF]  }
0x2b: {  	s6 =	sld [smem:$0x3FB0]  }
0x2c: {  	s7 =	sld [smem:$0x3FB1]  }
0x2d: {  	s3 =	simm.s32 $0x108;
	s8 =	sld [smem:$0x3FB2]  }
0x2e: {  	s3 =	simm.s32 @!p0 $0x1082;
	s9 =	sld [smem:$0x3FB3]  }
0x2f: {  	lr =	sadd.s32 s0, s3;
	s0 =	sld [smem:$0x3FAA]  }
0x30: {  	s3 =	sld [smem:$0x3FAD]  }
0x31: {  	[smem:$0x3FB6] =	sst s10  }
0x32: {  	s10 =	sld [smem:$0x3FB4];
	_ =	sdelay $0x3  }
0x33: {  	p0 =	seq.s32 s10, $0x1;
	s10 =	sld [smem:$0x3FB6];
	_ =	sdelay $0x3  }
0x34: {  	[smem:$0x3FB6] =	sst s10  }
0x35: {  	s10 =	sld [smem:$0x3FB5];
	_ =	sdelay $0x3  }
0x36: {  	p1 =	seq.s32 s10, $0x1;
	s10 =	sld [smem:$0x3FB6];
	_ =	sdelay $0x3  }
0x37: {  	[smem:$0x3FB6] =	sst s10  }
0x38: {  	s10 =	sld [smem:$0x3FB7]  }
0x39: {  	_ = 	snop;
	(pc) =	sbr.ind lr, $3  }
0x3a: {  	_ = 	snop  }
0x3b: {  	_ = 	snop  }
0x3c: {  	p2 =	seq.s32 s10, $0x1;
	s10 =	sld [smem:$0x3FB6]  }
0x3d: {  	_ =	shalt  }
0x3e: {  	_ =	shalt  }
0x3f: {  	_ =	shalt  }
0x40: {  	_ =	shalt  }
0x41: {  	_ =	shalt  }
0x42: {  	_ =	shalt  }
0x43: {  	_ =	shalt  }
0x44: {  	_ =	shalt  }
0x45: {  	_ =	shalt  }
0x46: {  	_ =	shalt  }
0x47: {  	_ =	shalt  }
0x48: {  	_ =	shalt  }
0x49: {  	_ =	shalt  }
0x4a: {  	_ =	shalt  }
0x4b: {  	_ =	shalt  }
0x4c: {  	_ =	shalt  }
0x4d: {  	_ =	shalt  }
0x4e: {  	_ =	shalt  }
0x4f: {  	_ =	shalt  }
0x50: {  	_ =	shalt  }
0x51: {  	_ =	shalt  }
0x52: {  	_ =	shalt  }
0x53: {  	_ =	shalt  }
0x54: {  	_ =	shalt  }
0x55: {  	_ =	shalt  }
0x56: {  	_ =	shalt  }
0x57: {  	_ =	shalt  }
0x58: {  	_ =	shalt  }
0x59: {  	_ =	shalt  }
0x5a: {  	_ =	shalt  }
0x5b: {  	_ =	shalt  }
0x5c: {  	_ =	shalt  }
0x5d: {  	_ =	shalt  }
0x5e: {  	_ =	shalt  }
0x5f: {  	_ =	shalt  }
0x60: {  	_ =	shalt  }
0x61: {  	_ =	shalt  }
0x62: {  	_ =	shalt  }
0x63: {  	_ =	shalt  }
0x64: {  	_ =	shalt  }
0x65: {  	_ =	shalt  }
0x66: {  	_ =	shalt  }
0x67: {  	_ =	shalt  }
0x68: {  	_ =	shalt  }
0x69: {  	_ =	shalt  }
0x6a: {  	_ =	shalt  }
0x6b: {  	_ =	shalt  }
0x6c: {  	_ =	shalt  }
0x6d: {  	_ =	shalt  }
0x6e: {  	_ =	shalt  }
0x6f: {  	_ =	shalt  }
0x70: {  	_ =	shalt  }
0x71: {  	_ =	shalt  }
0x72: {  	_ =	shalt  }
0x73: {  	_ =	shalt  }
0x74: {  	_ =	shalt  }
0x75: {  	_ =	shalt  }
0x76: {  	_ =	shalt  }
0x77: {  	_ =	shalt  }
0x78: {  	_ =	shalt  }
0x79: {  	_ =	shalt  }
0x7a: {  	_ =	shalt  }
0x7b: {  	_ =	shalt  }
0x7c: {  	_ =	shalt  }
0x7d: {  	_ =	shalt  }
0x7e: {  	_ =	shalt  }
0x7f: {  	_ =	shalt  }
0x80: {  	_ =	shalt  }
0x81: {  	_ =	shalt  }
0x82: {  	_ =	shalt  }
0x83: {  	_ =	shalt  }
0x84: {  	_ =	shalt  }
0x85: {  	_ =	shalt  }
0x86: {  	_ =	shalt  }
0x87: {  	_ =	shalt  }
.Lfunc_end0:
.L_simem_size_0:
called_computation.2_lowered:
.L_overlay_start_0:
0x88: {  	s2 =	sld [smem:$0x3FD9]  }
0x89: {  	s3 =	sld [smem:$0x3FFE];
	_ =	sdelay $0x1  }
0x8a: {  	s1 =	srdreg.scid  }
0x8b: {  	s0 =	sand.u32 $0x1, s1  }
0x8c: {  	s17 =	sshll.u32 s0, $0xA;
	s2 =	sadd.s32 s3, s2  }
0x8d: {  	s2 =	sadd.s32 s2, s17  }
0x8e: {  	[smem:$0x3FC2] =	sst s2  }
0x8f: {  	_ = 	snop  }
0x90: {  	s2 =	sld [smem:$0x3FC6];
	(tm) =	ssettm $0x1  }
0x91: {  	s18 =	sld [smem:$0x3FFB];
	_ =	sdelay $0x3  }
0x92: {  	_ =	strace s18  }
0x93: {  	s3 =	sld [smem:$0x3FFC];
	_ =	sdelay $0x3  }
0x94: {  	_ =	strace s3  }
0x95: {  	s3 =	sld [smem:$0x3FFD];
	_ =	sdelay $0x3  }
0x96: {  	_ =	strace s3  }
0x97: {  	_ =	strace $0x8FFFFFFF  }
0x98: {  	s19 =	sld [smem:$0x3FDB];
	_ =	sdelay $0x1  }
0x99: {  	s4 =	simm.s32 $_scs_section_size  }
0x9a: {  	s5 =	simm.s32 $_size__tile_overlayer_lowered;
	s6 =	simm.s32 $_tile_overlayer_lowered  }
0x9b: {  	s22 =	simm.s32 $0x1BFF;
	s21 =	sshll.u32 s6, $0x1;
	s3 =	sadd.s32 s4, s19  }
0x9c: {  	s7 =	simm.s32 $0x0;
	s20 =	sshll.u32 s5, $0x1;
	s5 =	sadd.s32 s21, s3  }
0x9d: {  	[timem:s7], [sflag:s22] =	dma.local [hbm:s5], s20  }
0x9e: {  	_ =	swait.ge [sflag:s22], s20  }
0x9f: {  	s4 =	ssub.s32 $0x0, s20;
	[sflag:s22] =	ssyncset.done $0x0  }
0xa0: {  	[sflag:s22] =	ssyncadd.s32 s4;
	_ =	sdelay $0x1  }
0xa1: {  	s23 =	simm.s32 $0x1B8B  }
0xa2: {  	_ =	swait.ge [sflag:s23], $0x1  }
0xa3: {  	[sflag:s23] =	ssyncset.done $0x0  }
0xa4: {  	s25 =	simm.s32 $0x1B8E;
	s24 =	sld [smem:$0x3FFE];
	[sflag:s23] =	ssyncadd.s32 $0xFFFFFFFF  }
0xa5: {  	s26 =	simm.s32 $execute0_lowered;
	[smem:$0x3FD2] =	sst s25  }
0xa6: {  	s5 =	sshll.u32 s26, $0x1;
	_ =	strace $0x8000004C;
	[dreg:$0x1] =	wrdreg $0xFFFFFFFF  }
0xa7: {  	s28 =	simm.s32 $_size_execute0_lowered;
	s3 =	sadd.s32 s3, s5;
	[dreg:$0x0] =	wrdreg $0x0  }
0xa8: {  	s5 =	sshll.u32 s28, $0x1;
	[dreg:$0x2] =	wrdreg s3  }
0xa9: {  	[dreg:$0x3] =	wrdreg s5  }
0xaa: {  	[dreg:$0x4] =	wrdreg $0xC0  }
0xab: {  	_ =	task [dreg:s7], $0x5FFFF  }
0xac: {  	[dreg:$0x1] =	wrdreg $0xFFFFFFFF  }
0xad: {  	[dreg:$0x0] =	wrdreg $0x60  }
0xae: {  	[dreg:$0x2] =	wrdreg s24  }
0xaf: {  	[dreg:$0x3] =	wrdreg s2  }
0xb0: {  	[dreg:$0x4] =	wrdreg $0x50000  }
0xb1: {  	[dreg:$0x5] =	wrdreg $0x0  }
0xb2: {  	[dreg:$0x6] =	wrdreg $0x9  }
0xb3: {  	_ =	task.clear_ibuf [dreg:s7], $0x7FFFF;
	_ =	strace $0x9000004C  }
0xb4: {  	s29 =	simm.s32 $0x9;
	_ =	strace $0x8000004E  }
0xb5: {  	_ =	swait.ge [sflag:s29], $0x1  }
0xb6: {  	[sflag:s29] =	ssyncadd.s32 $0xFFFFFFFF  }
0xb7: {  	_ =	strace $0x9000004E  }
0xb8: {  	_ =	sfence  }
0xb9: {  	s30 =	sld [smem:$0x0];
	_ =	sdelay $0x2  }
0xba: {  	s31 =	sshll.u32 s1, $0xD;
	s1 =	sshrl.u32 s1, $0x2  }
0xbb: {  	s3 =	sand.u32 $0x4000, s31;
	s1 =	sadd.s32 s1, s30  }
0xbc: {  	s0 =	sor.u32 s3, s0;
	s1 =	sshll.u32 s1, $0x11  }
0xbd: {  	s0 =	sor.u32 s1, s0  }
0xbe: {  	s0 =	sadd.s32 $0x8F2B, s0  }
0xbf: {  	[sflag:s0] =	ssyncadd.remote.s32 $0x1  }
0xc0: {  	_ =	sfence.sel $0xFFFF  }
0xc1: {  	[dreg:$0x0] =	wrdreg $0xFFFFFFFF;
	(pc) =	sbr.abs _section_cstart, $3  }
0xc2: {  	[dreg:$0x1] =	wrdreg $0xFFFFFFFF  }
0xc3: {  	_ =	task.clear_ibuf [dreg:s7], $0x2FFFF;
	_ =	strace $0x9FFFFFFF  }
0xc4: {  	(tm) =	ssettm $0x7FFFFFFF  }
0xc5: {  	_ =	shalt  }
tec
execute0_lowered:
.L_overlay_start_1:
0x0: {  	(tag) =	ssettag $0x1  }
0x1: {  	s0 =	rddreg [dreg:$0x0]  }
0x2: {  	s1 =	srdreg.scid;
	s3 =	rddreg [dreg:$0x2]  }
0x3: {  	s4 =	rddreg [dreg:$0x3];
	s6 =	stileid.u32;
	s5 =	simm.s32 $0x0  }
0x4: {  	s25 =	simm.s32 $0x19420;
	s26 =	simm.s32 $0x1B420;
	s28 =	simm.s32 $0xB400  }
0x5: {  	s29 =	simm.s32 $0xC800;
	s30 =	simm.s32 $0x80;
	s31 =	simm.s32 $0x15420  }
0x6: {  	s16 =	simm.s32 $0x8;
	s1 =	sand.u32 $0x1, s1;
	[smem:$0x7FF] =	sst s5  }
0x7: {  	s7 =	sadd.s32 $0x29C00, s0;
	s8 =	sadd.s32 $0x15C00, s0;
	s10 =	smul.u32 $0x5000, s6  }
0x8: {  	s23 =	sadd.s32 $0x3DC00, s0;
	_ =	strace $0x8000004D;
	[dreg:$0x5] =	wrdreg s25  }
0x9: {  	s19 =	sshll.u32 s6, $0x6;
	s2 =	sshll.u32 s1, $0x4;
	[dreg:$0x6] =	wrdreg s26  }
0xa: {  	s18 =	smul.u32 $0xA000, s1;
	s9 =	ssub.s32 $0x2, s1;
	[dreg:$0x7] =	wrdreg s7  }
0xb: {  	p0 =	sne.s32 s1, $0x0;
	s26 =	simm.s32 $0xA000;
	[dreg:$0x8] =	wrdreg s8  }
0xc: {  	s1 =	simm.s32 $0x18420;
	[dreg:$0x9] =	wrdreg s23;
	s2 =	sor.u32 s6, s2  }
0xd: {  	s11 =	sshrl.u32 s10, $0x3;
	s12 =	sshrl.u32 s9, $0x1;
	s15 =	sadd.s32 s10, s3  }
0xe: {  	s2 =	smul.u32 $0x500, s2;
	s5 =	sadd.s32 s18, s0;
	s13 =	sadd.s32 s11, s0  }
0xf: {  	s12 =	ssub.s32 s9, s12;
	s9 =	smul.u32 $0x280, s6;
	s6 =	sor.u32 $0x1C09, s19  }
0x10: {  	s17 =	sshrl.u32 s15, $0x3;
	s18 =	simm.s32 $0x9;
	s19 =	simm.s32 $0x1C420  }
0x11: {  	s15 =	simm.s32 $0x6;
	s14 =	sadd.s32 $0x1FC00, s13;
	[dreg:$0xb] =	wrdreg s6  }
0x12: {  	s21 =	sadd.s32 $0x51C00, s5;
	s22 =	sadd.s32 $0x47C00, s13;
	[dreg:$0x10] =	wrdreg s17  }
0x13: {  	s24 =	smax.u32 s12, $0x1;
	s12 =	simm.s32 $0x3;
	[dreg:$0xa] =	wrdreg s14  }
0x14: {  	s13 =	simm.s32 $0x4;
	s2 =	sadd.s32 s2, s0;
	[dreg:$0xe] =	wrdreg s22  }
0x15: {  	s14 =	sadd.s32 $0x33C00, s0;
	[dreg:$0xf] =	wrdreg s24;
	s0 =	sadd.s32 s11, s21  }
0x16: {  	s24 =	simm.s32 $0x10420;
	s20 =	sadd.s32 $0xBC00, s2;
	[dreg:$0x11] =	wrdreg s0  }
0x17: {  	s21 =	simm.s32 $0x1A420;
	s2 =	sadd.s32 $0x1C00, s2;
	[dreg:$0xc] =	wrdreg s20  }
0x18: {  	s11 =	simm.s32 $0x0;
	[dreg:$0xd] =	wrdreg s2;
	s2 =	sadd.s32 s10, s4  }
0x19: {  	s20 =	simm.s32 $0x17420;
	s10 =	simm.s32 $0x2;
	s0 =	sshrl.u32 @!p0 s2, $0x3  }
0x1a: {  	s2 =	simm.s32 $0x16420;
	[dreg:$0x12] =	wrdreg s0;
	s0 =	simm.s32 $0x1  }
.LBB2_1:
0x1b: {  	[dreg:$0x13] =	wrdreg s11  }
0x1c: {  	s5 =	rddreg [dreg:$0xa]  }
0x1d: {  	[spmem:s17], [sflag:s6] =	dma.local [hbm:s5], $0xA00  }
0x1e: {  	_ =	swait.ge [sflag:s18], $0xA00  }
0x1f: {  	[sflag:s18] =	ssyncset.done $0x0  }
0x20: {  	s6 =	simm.s32 $0x0;
	s25 =	rddreg [dreg:$0xc];
	[sflag:s18] =	ssyncadd.s32 $0xFFFFF600  }
0x21: {  	[tilespmem:s24], [sflag:$0x9] =	stream.linear.gather [hbm4b:s25+s6], $0x2800, $0x38;
	[tilespmem:$0x1D420] =	vst v63  }
0x22: {  	_ =	swait.ge [sflag:s18], $0x2800  }
0x23: {  	[sflag:s18] =	ssyncset.done $0x0  }
0x24: {  	s17 =	simm.s32 $0x12C20;
	s11 =	rddreg [dreg:$0xd];
	[sflag:s18] =	ssyncadd.s32 $0xFFFFD800  }
0x25: {  	[tilespmem:s17], [sflag:$0x9] =	stream.linear.gather [hbm4b:s11+s6], $0x2800, $0x38;
	[tilespmem:$0x1D420] =	vst v63  }
0x26: {  	_ =	swait.ge [sflag:s18], $0x2800  }
0x27: {  	[sflag:s18] =	ssyncset.done $0x0  }
0x28: {  	[sflag:s18] =	ssyncadd.s32 $0xFFFFD800  }
0x29: {  	s25 =	simm.s32 $0x10400;
	s22 =	rddreg [dreg:$0x1]  }
0x2a: {  	[tilespmem:s25], [sflag:$0x9] =	stream.linear.gather [hbm4b:s22+s6], $0x20, $0x38;
	[tilespmem:$0x1D420] =	vst v63  }
0x2b: {  	_ =	swait.ge [sflag:s18], $0x20  }
0x2c: {  	[sflag:s18] =	ssyncset.done $0x0  }
0x2d: {  	s5 =	simm.s32 $0x0;
	s6 =	simm.s32 $0xDC00;
	[sflag:s18] =	ssyncadd.s32 $0xFFFFFFE0  }
.LBB2_2:
0x2e: {  	s11 =	smul.u32 $0xA0, s5;
	_ =	sdelay $0x1  }
0x2f: {  	s25 =	sadd.s32 s9, s11  }
0x30: {  	s11 =	sshll.u32 s25, $0x2  }
0x31: {  	s22 =	simm.s32 $0x0;
	s17 =	sadd.s32 s7, s11  }
0x32: {  	[tilespmem:s26], [sflag:$0x9] =	stream.linear.gather [hbm4b:s17+s22], $0x1400, $0x38;
	[tilespmem:$0x1D420] =	vst v63  }
0x33: {  	_ =	swait.ge [sflag:s18], $0x1400  }
0x34: {  	[sflag:s18] =	ssyncset.done $0x0  }
0x35: {  	s17 =	sadd.s32 s11, s14;
	[sflag:s18] =	ssyncadd.s32 $0xFFFFEC00  }
0x36: {  	[tilespmem:s28], [sflag:$0x9] =	stream.linear.gather [hbm4b:s17+s22], $0x1400, $0x38;
	[tilespmem:$0x1D420] =	vst v63  }
0x37: {  	_ =	swait.ge [sflag:s18], $0x1400  }
0x38: {  	[sflag:s18] =	ssyncset.done $0x0  }
0x39: {  	s17 =	sadd.s32 s8, s11;
	[sflag:s18] =	ssyncadd.s32 $0xFFFFEC00  }
0x3a: {  	[tilespmem:s29], [sflag:$0x9] =	stream.linear.gather [hbm4b:s17+s22], $0x1400, $0x38;
	[tilespmem:$0x1D420] =	vst v63  }
0x3b: {  	_ =	swait.ge [sflag:s18], $0x1400  }
0x3c: {  	[sflag:s18] =	ssyncset.done $0x0  }
0x3d: {  	s11 =	sadd.s32 s23, s11;
	[sflag:s18] =	ssyncadd.s32 $0xFFFFEC00  }
0x3e: {  	[tilespmem:s6], [sflag:$0x9] =	stream.linear.gather [hbm4b:s11+s22], $0x1400, $0x38;
	[tilespmem:$0x1D420] =	vst v63  }
0x3f: {  	_ =	swait.ge [sflag:s18], $0x1400  }
0x40: {  	[sflag:s18] =	ssyncset.done $0x0  }
0x41: {  	s17 =	simm.s32 $0x0;
	[sflag:s18] =	ssyncadd.s32 $0xFFFFEC00  }
0x42: {  	v0 =	vld [tilespmem:s17+$0xA000]  }
0x43: {  	v1 =	vld [tilespmem:s17+$0xB400];
	_ =	sdelay $0x1  }
0x44: {  	v2 =	vld [tilespmem:s17+$0xC800];
	_ =	sdelay $0x1  }
0x45: {  	v3 =	vld [tilespmem:s17+$0xDC00]  }
0x46: {  	v0 =	vadd.f32 v1, v0  }
0x47: {  	v1 =	vld [tilespmem:$0x10400]  }
0x48: {  	v0 =	vadd.f32 v2, v0;
	_ =	sdelay $0x1  }
0x49: {  	v4 =	vld [tilespmem:s17+$0xB410];
	v0 =	vmul.f32 v0, v3  }
0x4a: {  	v2 =	vld [tilespmem:s17+$0xA010]  }
0x4b: {  	v0 =	vadd.f32 v0, v1  }
0x4c: {  	v1 =	vld [tilespmem:s17+$0xC810]  }
0x4d: {  	v5 =	vmax.f32 v0, $0.0e+00  }
0x4e: {  	v3 =	vmul.f32 v5, v3  }
0x4f: {  	v2 =	vadd.f32 v4, v2;
	v0 =	vld [tilespmem:s17+$0xDC10]  }
0x50: {  	[tilespmem:s17+$0xF000] =	vst v3  }
0x51: {  	v1 =	vadd.f32 v1, v2;
	v2 =	vld [tilespmem:$0x10410];
	_ =	sdelay $0x2  }
0x52: {  	s11 =	simm.s32 $0x20;
	v3 =	vmul.f32 v1, v0  }
0x53: {  	s22 =	simm.s32 $0x100;
	v1 =	vld [tilespmem:s11+$0xA000]  }
.LBB2_3:
0x54: {  	p1 =	sne.s32 s22, $0x4F80;
	v4 =	vld [tilespmem:s11+$0xB400];
	v2 =	vadd.f32 v3, v2;
	_ =	sdelay $0x1  }
0x55: {  	v3 =	vld [tilespmem:s11+$0xC800];
	v2 =	vmax.f32 v2, $0.0e+00  }
0x56: {  	v0 =	vmul.f32 v2, v0  }
0x57: {  	v2 =	vld [tilespmem:s11+$0xDC00]  }
0x58: {  	v1 =	vadd.f32 v4, v1;
	[tilespmem:s17+$0xF010] =	vst v0;
	s17 =	smov.u32 s11  }
0x59: {  	v0 =	vld [tilespmem:$0x10400]  }
0x5a: {  	v1 =	vadd.f32 v3, v1;
	_ =	sdelay $0x1  }
0x5b: {  	v1 =	vmul.f32 v1, v2  }
0x5c: {  	v3 =	vld [tilespmem:s17+$0xA010]  }
0x5d: {  	v0 =	vadd.f32 v1, v0;
	v1 =	vld [tilespmem:s17+$0xB410];
	_ =	sdelay $0x1  }
0x5e: {  	v0 =	vmax.f32 v0, $0.0e+00;
	v4 =	vld [tilespmem:s17+$0xC810]  }
0x5f: {  	v2 =	vmul.f32 v0, v2  }
0x60: {  	v0 =	vld [tilespmem:s17+$0xDC10]  }
0x61: {  	[tilespmem:s17+$0xF000] =	vst v2;
	v1 =	vadd.f32 v1, v3  }
.Ltmp0:
0x62: {  	v2 =	vld [tilespmem:$0x10410];
	(pc) =	sbr.rel @p1 .LBB2_3-.Ltmp0, $3  }
0x63: {  	v1 =	vadd.f32 v4, v1;
	_ =	sdelay $0x1  }
0x64: {  	s11 =	sshra.s32 s22, $0x2;
	v3 =	vmul.f32 v1, v0  }
0x65: {  	s22 =	sadd.s32 $0x80, s22;
	v1 =	vld [tilespmem:s11+$0xA000]  }
0x66: {  	v4 =	vld [tilespmem:s11+$0xB400];
	v2 =	vadd.f32 v3, v2;
	_ =	sdelay $0x1  }
0x67: {  	v56 =	vld [tilespmem:s11+$0xC800];
	v2 =	vmax.f32 v2, $0.0e+00  }
0x68: {  	v0 =	vmul.f32 v2, v0  }
0x69: {  	v57 =	vld [tilespmem:s11+$0xDC00]  }
0x6a: {  	v1 =	vadd.f32 v4, v1;
	[tilespmem:s17+$0xF010] =	vst v0  }
0x6b: {  	v0 =	vld [tilespmem:$0x10400]  }
0x6c: {  	v1 =	vadd.f32 v56, v1;
	_ =	sdelay $0x1  }
0x6d: {  	v1 =	vmul.f32 v1, v57  }
0x6e: {  	v58 =	vld [tilespmem:s11+$0xA010]  }
0x6f: {  	v59 =	vld [tilespmem:s11+$0xB410];
	v0 =	vadd.f32 v1, v0;
	_ =	sdelay $0x1  }
0x70: {  	v60 =	vld [tilespmem:s11+$0xC810];
	v0 =	vmax.f32 v0, $0.0e+00  }
0x71: {  	v0 =	vmul.f32 v0, v57  }
0x72: {  	v61 =	vld [tilespmem:s11+$0xDC10]  }
0x73: {  	v62 =	vadd.f32 v59, v58;
	[tilespmem:s11+$0xF000] =	vst v0  }
0x74: {  	v63 =	vld [tilespmem:$0x10410]  }
0x75: {  	v0 =	vadd.f32 v60, v62;
	_ =	sdelay $0x1  }
0x76: {  	v0 =	vmul.f32 v0, v61;
	_ =	sdelay $0x1  }
0x77: {  	v0 =	vadd.f32 v0, v63;
	_ =	sdelay $0x1  }
0x78: {  	v0 =	vmax.f32 v0, $0.0e+00  }
0x79: {  	s25 =	sshll.u32 s25, $0x5;
	s5 =	sadd.s32 $0x1, s5;
	v0 =	vmul.f32 v0, v61  }
0x7a: {  	p1 =	sne.s32 s5, $0x4;
	s17 =	sand.u32 $0x3FFFFFE0, s25  }
.Ltmp1:
0x7b: {  	s25 =	simm.s32 $0xF000;
	s22 =	sadd.s32 s17, s4;
	[tilespmem:s11+$0xF010] =	vst v0;
	(pc) =	sbr.rel @p1 .LBB2_2-.Ltmp1, $4  }
0x7c: {  	[spmem:s22] =	stream.linear.scatter [tilespmem:s25], [sflag:$0x9], $0x1400, $0x38;
	[tilespmem:$0x1D420] =	vst v63  }
0x7d: {  	_ =	swait.ge [sflag:s18], $0x1400  }
0x7e: {  	[sflag:s18] =	ssyncset.done $0x0  }
0x7f: {  	[sflag:s18] =	ssyncadd.s32 $0xFFFFEC00  }
0x80: {  	[bflag:$0x0] =	sbarrier.arrive $0xFFFF  }
0x81: {  	[tilespmem:s31], [sflag:$0x1] =	stream.indirect.gather [spmem:s4], $0x20, s24, s30, $0xb8;
	[tilespmem:$0x1D420] =	vst v63  }
0x82: {  	s5 =	simm.s32 $0x104A0  }
0x83: {  	[tilespmem:s2], [sflag:$0x2] =	stream.indirect.gather [spmem:s4], $0x20, s5, s30, $0xb8;
	[tilespmem:$0x1D420] =	vst v63  }
0x84: {  	s6 =	simm.s32 $0x10520  }
0x85: {  	[tilespmem:s20], [sflag:$0x3] =	stream.indirect.gather [spmem:s4], $0x20, s6, s30, $0xb8;
	[tilespmem:$0x1D420] =	vst v63  }
0x86: {  	s6 =	simm.s32 $0x105A0  }
0x87: {  	[tilespmem:s1], [sflag:$0x4] =	stream.indirect.gather [spmem:s4], $0x20, s6, s30, $0xb8;
	[tilespmem:$0x1D420] =	vst v63  }
0x88: {  	s11 =	simm.s32 $0x10620;
	s7 =	rddreg [dreg:$0x5]  }
0x89: {  	[tilespmem:s7], [sflag:$0x5] =	stream.indirect.gather [spmem:s4], $0x20, s11, s30, $0xb8;
	[tilespmem:$0x1D420] =	vst v63  }
0x8a: {  	_ =	swait.ge [sflag:s0], $0x1000  }
0x8b: {  	[sflag:s0] =	ssyncset.done $0x0  }
0x8c: {  	s8 =	simm.s32 $0x12C20;
	[sflag:s0] =	ssyncadd.s32 $0xFFFFF000  }
0x8d: {  	[spmem:s3] =	stream.indirect.scatter.add.f32 [tilespmem:s31], [sflag:$0x9], $0x20, s8, s30, $0xb8;
	[tilespmem:$0x1D420] =	vst v63  }
0x8e: {  	_ =	swait.ge [sflag:s18], $0x1000  }
0x8f: {  	[sflag:s18] =	ssyncset.done $0x0  }
0x90: {  	s11 =	simm.s32 $0x106A0;
	[sflag:s18] =	ssyncadd.s32 $0xFFFFF000  }
0x91: {  	[tilespmem:s21], [sflag:$0x6] =	stream.indirect.gather [spmem:s4], $0x20, s11, s30, $0xb8;
	[tilespmem:$0x1D420] =	vst v63  }
0x92: {  	_ =	swait.ge [sflag:s10], $0x1000  }
0x93: {  	[sflag:s10] =	ssyncset.done $0x0  }
0x94: {  	s17 =	simm.s32 $0x12CA0;
	[sflag:s10] =	ssyncadd.s32 $0xFFFFF000  }
0x95: {  	[spmem:s3] =	stream.indirect.scatter.add.f32 [tilespmem:s2], [sflag:$0x9], $0x20, s17, s30, $0xb8;
	[tilespmem:$0x1D420] =	vst v63  }
0x96: {  	_ =	swait.ge [sflag:s18], $0x1000  }
0x97: {  	[sflag:s18] =	ssyncset.done $0x0  }
0x98: {  	s23 =	simm.s32 $0x10720;
	s22 =	rddreg [dreg:$0x6];
	[sflag:s18] =	ssyncadd.s32 $0xFFFFF000  }
0x99: {  	[tilespmem:s22], [sflag:$0x7] =	stream.indirect.gather [spmem:s4], $0x20, s23, s30, $0xb8;
	[tilespmem:$0x1D420] =	vst v63  }
0x9a: {  	_ =	swait.ge [sflag:s12], $0x1000  }
0x9b: {  	[sflag:s12] =	ssyncset.done $0x0  }
0x9c: {  	s24 =	simm.s32 $0x12D20;
	[sflag:s12] =	ssyncadd.s32 $0xFFFFF000  }
0x9d: {  	[spmem:s3] =	stream.indirect.scatter.add.f32 [tilespmem:s20], [sflag:$0x9], $0x20, s24, s30, $0xb8;
	[tilespmem:$0x1D420] =	vst v63  }
0x9e: {  	_ =	swait.ge [sflag:s18], $0x1000  }
0x9f: {  	[sflag:s18] =	ssyncset.done $0x0  }
0xa0: {  	s25 =	simm.s32 $0x107A0;
	[sflag:s18] =	ssyncadd.s32 $0xFFFFF000  }
0xa1: {  	[tilespmem:s19], [sflag:$0x8] =	stream.indirect.gather [spmem:s4], $0x20, s25, s30, $0xb8;
	[tilespmem:$0x1D420] =	vst v63  }
0xa2: {  	_ =	swait.ge [sflag:s13], $0x1000  }
0xa3: {  	[sflag:s13] =	ssyncset.done $0x0  }
0xa4: {  	s26 =	simm.s32 $0x12DA0;
	[sflag:s13] =	ssyncadd.s32 $0xFFFFF000  }
0xa5: {  	[spmem:s3] =	stream.indirect.scatter.add.f32 [tilespmem:s1], [sflag:$0x9], $0x20, s26, s30, $0xb8;
	[tilespmem:$0x1D420] =	vst v63  }
0xa6: {  	_ =	swait.ge [sflag:s18], $0x1000  }
0xa7: {  	p1 =	por $0x0, $0x0;
	[sflag:s18] =	ssyncset.done $0x0  }
0xa8: {  	s5 =	simm.s32 @p1 $0x5;
	[sflag:s18] =	ssyncadd.s32 $0xFFFFF000  }
0xa9: {  	_ =	swait.ge @p1 [sflag:s5], $0x1000  }
0xaa: {  	s11 =	simm.s32 @p1 $0x12E20;
	s17 =	simm.s32 @p1 $0x9;
	[sflag:s5] =	ssyncset.done @p1 $0x0  }
0xab: {  	s22 =	simm.s32 @p1 $0x19420;
	[sflag:s5] =	ssyncadd.s32 @p1 $0xFFFFF000;
	s5 =	simm.s32 @p1 $0x80  }
0xac: {  	[spmem:s3] =	stream.indirect.scatter.add.f32 @p1 [tilespmem:s22], [sflag:$0x9], $0x20, s11, s5, $0xb8;
	[tilespmem:$0x1D420] =	vst v63  }
0xad: {  	_ =	swait.ge @p1 [sflag:s17], $0x1000  }
0xae: {  	s23 =	simm.s32 @!p1 $0x80;
	s25 =	simm.s32 @!p1 $0x15420;
	[sflag:s17] =	ssyncset.done @p1 $0x0  }
0xaf: {  	s11 =	simm.s32 @!p1 $0x10820;
	s22 =	simm.s32 @!p1 $0x5;
	[sflag:s17] =	ssyncadd.s32 @p1 $0xFFFFF000  }
0xb0: {  	[tilespmem:s25], [sflag:$0x1] =	stream.indirect.gather @!p1 [spmem:s4], $0x20, s11, s23, $0xb8;
	[tilespmem:$0x1D420] =	vst v63  }
0xb1: {  	_ =	swait.ge @!p1 [sflag:s22], $0x1000  }
0xb2: {  	s11 =	simm.s32 @!p1 $0x12E20;
	[sflag:s22] =	ssyncset.done @!p1 $0x0  }
0xb3: {  	s25 =	simm.s32 @!p1 $0x9;
	[sflag:s22] =	ssyncadd.s32 @!p1 $0xFFFFF000;
	s22 =	simm.s32 @!p1 $0x19420  }
0xb4: {  	[spmem:s3] =	stream.indirect.scatter.add.f32 @!p1 [tilespmem:s22], [sflag:$0x9], $0x20, s11, s23, $0xb8;
	[tilespmem:$0x1D420] =	vst v63  }
0xb5: {  	_ =	swait.ge @!p1 [sflag:s25], $0x1000  }
0xb6: {  	[sflag:s25] =	ssyncset.done @!p1 $0x0  }
0xb7: {  	s11 =	simm.s32 @!p1 $0x108A0;
	s22 =	simm.s32 @!p1 $0x16420;
	[sflag:s25] =	ssyncadd.s32 @!p1 $0xFFFFF000  }
0xb8: {  	[tilespmem:s22], [sflag:$0x2] =	stream.indirect.gather @!p1 [spmem:s4], $0x20, s11, s23, $0xb8;
	[tilespmem:$0x1D420] =	vst v63  }
0xb9: {  	_ =	swait.ge [sflag:s15], $0x1000  }
0xba: {  	[sflag:s15] =	ssyncset.done $0x0  }
0xbb: {  	s28 =	simm.s32 $0x12EA0;
	[sflag:s15] =	ssyncadd.s32 $0xFFFFF000  }
0xbc: {  	[spmem:s3] =	stream.indirect.scatter.add.f32 [tilespmem:s21], [sflag:$0x9], $0x20, s28, s30, $0xb8;
	[tilespmem:$0x1D420] =	vst v63  }
0xbd: {  	_ =	swait.ge [sflag:s18], $0x1000  }
0xbe: {  	[sflag:s18] =	ssyncset.done $0x0  }
0xbf: {  	s11 =	simm.s32 @p1 $0x7;
	[sflag:s18] =	ssyncadd.s32 $0xFFFFF000  }
0xc0: {  	_ =	swait.ge @p1 [sflag:s11], $0x1000  }
0xc1: {  	[sflag:s11] =	ssyncset.done @p1 $0x0  }
0xc2: {  	s22 =	simm.s32 @p1 $0x12F20;
	[sflag:s11] =	ssyncadd.s32 @p1 $0xFFFFF000;
	s11 =	simm.s32 @p1 $0x1B420  }
0xc3: {  	[spmem:s3] =	stream.indirect.scatter.add.f32 @p1 [tilespmem:s11], [sflag:$0x9], $0x20, s22, s5, $0xb8;
	[tilespmem:$0x1D420] =	vst v63  }
0xc4: {  	_ =	swait.ge @p1 [sflag:s17], $0x1000  }
0xc5: {  	[sflag:s17] =	ssyncset.done @p1 $0x0  }
0xc6: {  	s5 =	simm.s32 @!p1 $0x10920;
	s11 =	simm.s32 @!p1 $0x17420;
	[sflag:s17] =	ssyncadd.s32 @p1 $0xFFFFF000  }
0xc7: {  	[tilespmem:s11], [sflag:$0x3] =	stream.indirect.gather @!p1 [spmem:s4], $0x20, s5, s23, $0xb8;
	[tilespmem:$0x1D420] =	vst v63  }
0xc8: {  	s5 =	simm.s32 @!p1 $0x7  }
0xc9: {  	_ =	swait.ge @!p1 [sflag:s5], $0x1000  }
0xca: {  	[sflag:s5] =	ssyncset.done @!p1 $0x0  }
0xcb: {  	s11 =	simm.s32 @!p1 $0x12F20;
	[sflag:s5] =	ssyncadd.s32 @!p1 $0xFFFFF000;
	s5 =	simm.s32 @!p1 $0x1B420  }
0xcc: {  	[spmem:s3] =	stream.indirect.scatter.add.f32 @!p1 [tilespmem:s5], [sflag:$0x9], $0x20, s11, s23, $0xb8;
	[tilespmem:$0x1D420] =	vst v63  }
0xcd: {  	_ =	swait.ge @!p1 [sflag:s25], $0x1000  }
0xce: {  	[sflag:s25] =	ssyncset.done @!p1 $0x0  }
0xcf: {  	s5 =	simm.s32 @!p1 $0x109A0;
	s11 =	simm.s32 @!p1 $0x18420;
	[sflag:s25] =	ssyncadd.s32 @!p1 $0xFFFFF000  }
0xd0: {  	[tilespmem:s11], [sflag:$0x4] =	stream.indirect.gather @!p1 [spmem:s4], $0x20, s5, s23, $0xb8;
	[tilespmem:$0x1D420] =	vst v63  }
0xd1: {  	_ =	swait.ge [sflag:s16], $0x1000  }
0xd2: {  	[sflag:s16] =	ssyncset.done $0x0  }
0xd3: {  	s29 =	simm.s32 $0x12FA0;
	[sflag:s16] =	ssyncadd.s32 $0xFFFFF000  }
0xd4: {  	[spmem:s3] =	stream.indirect.scatter.add.f32 [tilespmem:s19], [sflag:$0x9], $0x20, s29, s30, $0xb8;
	[tilespmem:$0x1D420] =	vst v63  }
0xd5: {  	s25 =	simm.s32 $0x1000;
	_ =	swait.ge [sflag:s18], $0x1000  }
.LBB2_6:
0xd6: {  	s17 =	smov.u32 s25  }
0xd7: {  	[sflag:s18] =	ssyncset.done $0x0;
	s5 =	sshra.s32 s17, $0x2  }
0xd8: {  	s11 =	rddreg [dreg:$0x5];
	[sflag:s18] =	ssyncadd.s32 $0xFFFFF000;
	s22 =	sadd.s32 $0x10620, s5  }
0xd9: {  	[tilespmem:s11], [sflag:$0x5] =	stream.indirect.gather [spmem:s4], $0x20, s22, s30, $0xb8;
	[tilespmem:$0x1D420] =	vst v63  }
0xda: {  	_ =	swait.ge [sflag:s0], $0x1000  }
0xdb: {  	[sflag:s0] =	ssyncset.done $0x0  }
0xdc: {  	s6 =	sadd.s32 $0x12C20, s5;
	[sflag:s0] =	ssyncadd.s32 $0xFFFFF000  }
0xdd: {  	[spmem:s3] =	stream.indirect.scatter.add.f32 [tilespmem:s31], [sflag:$0x9], $0x20, s6, s30, $0xb8;
	[tilespmem:$0x1D420] =	vst v63  }
0xde: {  	_ =	swait.ge [sflag:s18], $0x1000  }
0xdf: {  	[sflag:s18] =	ssyncset.done $0x0  }
0xe0: {  	s7 =	sadd.s32 $0x106A0, s5;
	[sflag:s18] =	ssyncadd.s32 $0xFFFFF000  }
0xe1: {  	[tilespmem:s21], [sflag:$0x6] =	stream.indirect.gather [spmem:s4], $0x20, s7, s30, $0xb8;
	[tilespmem:$0x1D420] =	vst v63  }
0xe2: {  	_ =	swait.ge [sflag:s10], $0x1000  }
0xe3: {  	[sflag:s10] =	ssyncset.done $0x0  }
0xe4: {  	s8 =	sadd.s32 $0x12CA0, s5;
	[sflag:s10] =	ssyncadd.s32 $0xFFFFF000  }
0xe5: {  	[spmem:s3] =	stream.indirect.scatter.add.f32 [tilespmem:s2], [sflag:$0x9], $0x20, s8, s30, $0xb8;
	[tilespmem:$0x1D420] =	vst v63  }
0xe6: {  	_ =	swait.ge [sflag:s18], $0x1000  }
0xe7: {  	[sflag:s18] =	ssyncset.done $0x0  }
0xe8: {  	s23 =	sadd.s32 $0x10720, s5;
	s22 =	rddreg [dreg:$0x6];
	[sflag:s18] =	ssyncadd.s32 $0xFFFFF000  }
0xe9: {  	[tilespmem:s22], [sflag:$0x7] =	stream.indirect.gather [spmem:s4], $0x20, s23, s30, $0xb8;
	[tilespmem:$0x1D420] =	vst v63  }
0xea: {  	_ =	swait.ge [sflag:s12], $0x1000  }
0xeb: {  	[sflag:s12] =	ssyncset.done $0x0  }
0xec: {  	s24 =	sadd.s32 $0x12D20, s5;
	[sflag:s12] =	ssyncadd.s32 $0xFFFFF000  }
0xed: {  	[spmem:s3] =	stream.indirect.scatter.add.f32 [tilespmem:s20], [sflag:$0x9], $0x20, s24, s30, $0xb8;
	[tilespmem:$0x1D420] =	vst v63  }
0xee: {  	_ =	swait.ge [sflag:s18], $0x1000  }
0xef: {  	[sflag:s18] =	ssyncset.done $0x0  }
0xf0: {  	s26 =	sadd.s32 $0x107A0, s5;
	[sflag:s18] =	ssyncadd.s32 $0xFFFFF000  }
0xf1: {  	[tilespmem:s19], [sflag:$0x8] =	stream.indirect.gather [spmem:s4], $0x20, s26, s30, $0xb8;
	[tilespmem:$0x1D420] =	vst v63  }
0xf2: {  	_ =	swait.ge [sflag:s13], $0x1000  }
0xf3: {  	[sflag:s13] =	ssyncset.done $0x0  }
0xf4: {  	s28 =	sadd.s32 $0x12DA0, s5;
	[sflag:s13] =	ssyncadd.s32 $0xFFFFF000  }
0xf5: {  	[spmem:s3] =	stream.indirect.scatter.add.f32 [tilespmem:s1], [sflag:$0x9], $0x20, s28, s30, $0xb8;
	[tilespmem:$0x1D420] =	vst v63  }
0xf6: {  	_ =	swait.ge [sflag:s18], $0x1000  }
0xf7: {  	p2 =	seq.s32 s17, $0x9000;
	[sflag:s18] =	ssyncset.done $0x0  }
0xf8: {  	s22 =	simm.s32 @p2 $0x5;
	[sflag:s18] =	ssyncadd.s32 $0xFFFFF000  }
0xf9: {  	s11 =	simm.s32 @p2 $0x9;
	s23 =	sshra.s32 @p2 s17, $0x2;
	_ =	swait.ge @p2 [sflag:s22], $0x1000  }
0xfa: {  	s24 =	sadd.s32 @p2 $0x12E20, s23;
	s26 =	sshra.s32 @!p2 s17, $0x2;
	[sflag:s22] =	ssyncset.done @p2 $0x0  }
0xfb: {  	s17 =	simm.s32 @p2 $0x19420;
	[sflag:s22] =	ssyncadd.s32 @p2 $0xFFFFF000;
	s22 =	simm.s32 @p2 $0x80  }
0xfc: {  	[spmem:s3] =	stream.indirect.scatter.add.f32 @p2 [tilespmem:s17], [sflag:$0x9], $0x20, s24, s22, $0xb8;
	[tilespmem:$0x1D420] =	vst v63  }
0xfd: {  	s6 =	simm.s32 @!p2 $0x5;
	s7 =	sadd.s32 @p2 $0x12F20, s23;
	_ =	swait.ge @p2 [sflag:s11], $0x1000  }
0xfe: {  	s23 =	simm.s32 @!p2 $0x15420;
	s29 =	sadd.s32 @!p2 $0x108A0, s26;
	[sflag:s11] =	ssyncset.done @p2 $0x0  }
0xff: {  	s28 =	sadd.s32 @!p2 $0x10820, s26;
	s17 =	simm.s32 @!p2 $0x80;
	[sflag:s11] =	ssyncadd.s32 @p2 $0xFFFFF000  }
0x100: {  	[tilespmem:s23], [sflag:$0x1] =	stream.indirect.gather @!p2 [spmem:s4], $0x20, s28, s17, $0xb8;
	[tilespmem:$0x1D420] =	vst v63  }
0x101: {  	s8 =	sadd.s32 @!p2 $0x12F20, s26;
	s24 =	sadd.s32 @!p2 $0x12E20, s26;
	_ =	swait.ge @!p2 [sflag:s6], $0x1000  }
0x102: {  	s28 =	sadd.s32 @!p2 $0x10920, s26;
	s23 =	sadd.s32 @!p2 $0x109A0, s26;
	[sflag:s6] =	ssyncset.done @!p2 $0x0  }
0x103: {  	s26 =	simm.s32 @!p2 $0x9;
	[sflag:s6] =	ssyncadd.s32 @!p2 $0xFFFFF000;
	s6 =	simm.s32 @!p2 $0x19420  }
0x104: {  	[spmem:s3] =	stream.indirect.scatter.add.f32 @!p2 [tilespmem:s6], [sflag:$0x9], $0x20, s24, s17, $0xb8;
	[tilespmem:$0x1D420] =	vst v63  }
0x105: {  	_ =	swait.ge @!p2 [sflag:s26], $0x1000  }
0x106: {  	[sflag:s26] =	ssyncset.done @!p2 $0x0  }
0x107: {  	s6 =	simm.s32 @!p2 $0x16420;
	[sflag:s26] =	ssyncadd.s32 @!p2 $0xFFFFF000  }
0x108: {  	[tilespmem:s6], [sflag:$0x2] =	stream.indirect.gather @!p2 [spmem:s4], $0x20, s29, s17, $0xb8;
	[tilespmem:$0x1D420] =	vst v63  }
0x109: {  	_ =	swait.ge [sflag:s15], $0x1000  }
0x10a: {  	[sflag:s15] =	ssyncset.done $0x0  }
0x10b: {  	s29 =	sadd.s32 $0x12EA0, s5;
	[sflag:s15] =	ssyncadd.s32 $0xFFFFF000  }
0x10c: {  	[spmem:s3] =	stream.indirect.scatter.add.f32 [tilespmem:s21], [sflag:$0x9], $0x20, s29, s30, $0xb8;
	[tilespmem:$0x1D420] =	vst v63  }
0x10d: {  	_ =	swait.ge [sflag:s18], $0x1000  }
0x10e: {  	[sflag:s18] =	ssyncset.done $0x0  }
0x10f: {  	s6 =	simm.s32 @p2 $0x7;
	[sflag:s18] =	ssyncadd.s32 $0xFFFFF000  }
0x110: {  	_ =	swait.ge @p2 [sflag:s6], $0x1000  }
0x111: {  	[sflag:s6] =	ssyncset.done @p2 $0x0  }
0x112: {  	[sflag:s6] =	ssyncadd.s32 @p2 $0xFFFFF000;
	s6 =	simm.s32 @p2 $0x1B420  }
0x113: {  	[spmem:s3] =	stream.indirect.scatter.add.f32 @p2 [tilespmem:s6], [sflag:$0x9], $0x20, s7, s22, $0xb8;
	[tilespmem:$0x1D420] =	vst v63  }
0x114: {  	_ =	swait.ge @p2 [sflag:s11], $0x1000  }
0x115: {  	[sflag:s11] =	ssyncset.done @p2 $0x0  }
0x116: {  	s6 =	simm.s32 @!p2 $0x17420;
	s7 =	simm.s32 @!p2 $0x7;
	[sflag:s11] =	ssyncadd.s32 @p2 $0xFFFFF000  }
0x117: {  	[tilespmem:s6], [sflag:$0x3] =	stream.indirect.gather @!p2 [spmem:s4], $0x20, s28, s17, $0xb8;
	[tilespmem:$0x1D420] =	vst v63  }
0x118: {  	_ =	swait.ge @!p2 [sflag:s7], $0x1000  }
0x119: {  	[sflag:s7] =	ssyncset.done @!p2 $0x0  }
0x11a: {  	s6 =	simm.s32 @!p2 $0x1B420;
	[sflag:s7] =	ssyncadd.s32 @!p2 $0xFFFFF000  }
0x11b: {  	[spmem:s3] =	stream.indirect.scatter.add.f32 @!p2 [tilespmem:s6], [sflag:$0x9], $0x20, s8, s17, $0xb8;
	[tilespmem:$0x1D420] =	vst v63  }
0x11c: {  	_ =	swait.ge @!p2 [sflag:s26], $0x1000  }
0x11d: {  	s25 =	sadd.s32 $0x1000, s25;
	[sflag:s26] =	ssyncset.done @!p2 $0x0  }
0x11e: {  	p1 =	sne.s32 s25, $0xA000;
	s6 =	simm.s32 @!p2 $0x18420;
	[sflag:s26] =	ssyncadd.s32 @!p2 $0xFFFFF000  }
0x11f: {  	[tilespmem:s6], [sflag:$0x4] =	stream.indirect.gather @!p2 [spmem:s4], $0x20, s23, s17, $0xb8;
	[tilespmem:$0x1D420] =	vst v63  }
.Ltmp2:
0x120: {  	_ =	swait.ge [sflag:s16], $0x1000;
	(pc) =	sbr.rel @p1 .LBB2_6-.Ltmp2, $4  }
0x121: {  	[sflag:s16] =	ssyncset.done $0x0  }
0x122: {  	s5 =	sadd.s32 $0x12FA0, s5;
	[sflag:s16] =	ssyncadd.s32 $0xFFFFF000  }
0x123: {  	[spmem:s3] =	stream.indirect.scatter.add.f32 [tilespmem:s19], [sflag:$0x9], $0x20, s5, s30, $0xb8;
	[tilespmem:$0x1D420] =	vst v63  }
0x124: {  	_ =	swait.ge [sflag:s18], $0x1000  }
0x125: {  	[sflag:s18] =	ssyncset.done $0x0  }
0x126: {  	[sflag:s18] =	ssyncadd.s32 $0xFFFFF000  }
0x127: {  	[bflag:$0x0] =	sbarrier.arrive $0xFFFF  }
0x128: {  	s6 =	rddreg [dreg:$0xb]  }
0x129: {  	s17 =	rddreg [dreg:$0x10]  }
0x12a: {  	s5 =	rddreg [dreg:$0x11]  }
0x12b: {  	[hbm:s5], [sflag:s6] =	dma.local [spmem:s17], $0xA00  }
0x12c: {  	_ =	swait.ge [sflag:s18], $0xA00  }
0x12d: {  	[sflag:s18] =	ssyncset.done $0x0;
	s5 =	rddreg [dreg:$0xe]  }
0x12e: {  	s7 =	rddreg [dreg:$0x12];
	[sflag:s18] =	ssyncadd.s32 $0xFFFFF600  }
0x12f: {  	[hbm:s5], [sflag:s6] =	dma.local @!p0 [spmem:s7], $0xA00  }
0x130: {  	s5 =	simm.s32 @!p0 $0x9  }
0x131: {  	_ =	swait.ge @!p0 [sflag:s5], $0xA00  }
0x132: {  	s11 =	rddreg [dreg:$0x13]  }
0x133: {  	s26 =	rddreg [dreg:$0xf];
	s11 =	sadd.s32 $0x1, s11  }
0x134: {  	p1 =	sne.s32 s11, s26  }
.Ltmp3:
0x135: {  	_ = 	snop;
	(pc) =	sbr.rel @p1 .LBB2_1-.Ltmp3, $4  }
0x136: {  	_ = 	snop  }
0x137: {  	s24 =	simm.s32 $0x10420;
	s28 =	simm.s32 $0xB400;
	s7 =	rddreg [dreg:$0x7]  }
0x138: {  	s29 =	simm.s32 $0xC800;
	[sflag:s5] =	ssyncset.done @!p0 $0x0;
	s8 =	rddreg [dreg:$0x8]  }
0x139: {  	s23 =	rddreg [dreg:$0x9];
	[sflag:s5] =	ssyncadd.s32 @!p0 $0xFFFFF600;
	s26 =	simm.s32 $0xA000  }
0x13a: {  	_ =	sfence.sel $0x180000  }
0x13b: {  	[bflag:$0x0] =	sbarrier.arrive $0xFFFF  }
0x13c: {  	_ =	strace $0x9000004D  }
0x13d: {  	s0 =	stileid.u32;
	[bflag:$0x2] =	sbarrier.arrive $0xFFFF  }
0x13e: {  	p0 =	sne.s32 s0, $0x0;
	s0 =	rddreg [dreg:$0x4]  }
0x13f: {  	s0 =	sadd.s32 @!p0 $0x100000, s0  }
0x140: {  	[sflag:s0] =	ssyncadd.tile.s32 @!p0 $0x1;
	_ =	shalt  }
.Lfunc_end2:
_tile_overlayer_lowered:
.L_overlay_start_2:
0x141: {  	(tag) =	ssettag $0x2  }
0x142: {  	s0 =	rddreg [dreg:$0x0];
	s2 =	stileid.u32  }
0x143: {  	s1 =	rddreg [dreg:$0x1];
	p0 =	sne.s32 s2, $0x0  }
0x144: {  	s3 =	rddreg [dreg:$0x2];
	[bflag:$0x3] =	sbarrier.arrive $0xFFFF;
	s2 =	simm.s32 @!p0 $0x1C09  }
0x145: {  	[timem:s3], [sflag:s2] =	dma.local @!p0 [hbm:s0], s1  }
0x146: {  	s0 =	simm.s32 @!p0 $0x9  }
0x147: {  	_ =	swait.ge @!p0 [sflag:s0], s1  }
0x148: {  	s1 =	ssub.s32 @!p0 $0x0, s1;
	[sflag:s0] =	ssyncset.done @!p0 $0x0  }
0x149: {  	[sflag:s0] =	ssyncadd.s32 @!p0 s1  }
0x14a: {  	[bflag:$0x3] =	sbarrier.arrive $0xFFFF  }
0x14b: {  	_ =	shalt  }

// kernel: kernel.7.cloned.1.call-start
scs
__scs_entry_jumppad:
0x0: {  	(pc) =	sbr.rel $0x88, $3  }
0x1: {  	(tag) =	ssettag $0x0;
	lr =	simm.s32 $0x1  }
0x2: {  	[smem:$0x3F9B] =	sst lr;
	_ =	strace $0xD0000000  }
0x3: {  	_ = 	snop  }
0x4: {  	_ = 	snop  }
0x5: {  	_ = 	snop  }
0x6: {  	_ = 	snop  }
0x7: {  	_ = 	snop  }
__scs_overlays_trampoline_lowered:
0x8: {  	[smem:$0x3FAA] =	sst s0  }
0x9: {  	[smem:$0x3FAB] =	sst s1  }
0xa: {  	[smem:$0x3FAC] =	sst s2  }
0xb: {  	[smem:$0x3FAD] =	sst s3  }
0xc: {  	[smem:$0x3FAE] =	sst s4  }
0xd: {  	[smem:$0x3FAF] =	sst s5  }
0xe: {  	[smem:$0x3FB0] =	sst s6  }
0xf: {  	[smem:$0x3FB1] =	sst s7  }
0x10: {  	[smem:$0x3FB2] =	sst s8  }
0x11: {  	[smem:$0x3FB3] =	sst s9;
	s0 =	simm.s32 @!p0 $0x0  }
0x12: {  	s1 =	sld [smem:$0x3F99];
	s0 =	simm.s32 @p0 $0x1  }
0x13: {  	[smem:$0x3FB4] =	sst s0;
	s0 =	simm.s32 @!p1 $0x0  }
0x14: {  	s2 =	sld [smem:$0x3F98];
	s0 =	simm.s32 @p1 $0x1  }
0x15: {  	[smem:$0x3FB5] =	sst s0;
	s0 =	simm.s32 @!p2 $0x0  }
0x16: {  	s3 =	sld [smem:$0x3FDB];
	s0 =	simm.s32 @p2 $0x1  }
0x17: {  	s4 =	simm.s32 $0x1BF5;
	[smem:$0x3FB7] =	sst s0  }
0x18: {  	s0 =	sld [smem:$0x3F9A];
	_ =	swait.ge [sflag:s4], $0x0  }
0x19: {  	s7 =	sld [smem:$0x3F9B]  }
0x1a: {  	s8 =	sadd.s32 $0xFFFFE003, lr  }
0x1b: {  	s9 =	sadd.s32 $0xFFFFFEF7, lr;
	s5 =	simm.s32 $0xFFFFFFFF;
	p2 =	slt.u32 s8, $0xFFFFF086  }
0x1c: {  	p1 =	slt.u32 s9, $0xF7A;
	s5 =	simm.s32 @!p2 $0x0  }
0x1d: {  	s5 =	simm.s32 @p1 $0x1;
	p0 =	seq.s32 s7, s2  }
0x1e: {  	s7 =	smul.u32 @!p0 $0xF7A, s2;
	p2 =	seq.s32 @!p0 s5, $0x0  }
0x1f: {  	s9 =	smul.u32 $0xF7A, s1;
	s8 =	simm.s32 @!p0 $0x1BF5;
	p2 =	por !p2, p0  }
0x20: {  	[sflag:s8] =	ssyncset.s32 @!p0 $0xFFFFF086;
	s6 =	sadd.s32 @!p0 s3, s7;
	s7 =	simm.s32 @!p0 $0x108  }
0x21: {  	s3 =	sadd.s32 s3, s9;
	s6 =	sadd.s32 @!p0 $0x88, s6;
	s7 =	simm.s32 @p2 $0x1082  }
0x22: {  	[simem:s7], [sflag:s8] =	dma.local @!p0 [hbm:s6], $0xF7A  }
0x23: {  	s9 =	sor.u32 $0xD0000000, s2;
	s6 =	simm.s32 $0x108;
	_ =	swait.ge @!p0 [sflag:s8], $0x0  }
0x24: {  	s3 =	sadd.s32 $0x88, s3;
	s6 =	simm.s32 @!p1 $0x1082;
	[sflag:s4] =	ssyncset.s32 $0xFFFFF086  }
0x25: {  	[simem:s6], [sflag:s4] =	dma.local [hbm:s3], $0xF7A  }
0x26: {  	[smem:$0x3F9B] =	sst s1;
	(tag) =	ssettag s2;
	_ =	strace s9  }
0x27: {  	s1 =	sld [smem:$0x3FAB]  }
0x28: {  	s2 =	sld [smem:$0x3FAC]  }
0x29: {  	s4 =	sld [smem:$0x3FAE]  }
0x2a: {  	p0 =	seq.s32 s5, $0x0;
	s5 =	sld [smem:$0x3FAF]  }
0x2b: {  	s6 =	sld [smem:$0x3FB0]  }
0x2c: {  	s7 =	sld [smem:$0x3FB1]  }
0x2d: {  	s3 =	simm.s32 $0x108;
	s8 =	sld [smem:$0x3FB2]  }
0x2e: {  	s3 =	simm.s32 @!p0 $0x1082;
	s9 =	sld [smem:$0x3FB3]  }
0x2f: {  	lr =	sadd.s32 s0, s3;
	s0 =	sld [smem:$0x3FAA]  }
0x30: {  	s3 =	sld [smem:$0x3FAD]  }
0x31: {  	[smem:$0x3FB6] =	sst s10  }
0x32: {  	s10 =	sld [smem:$0x3FB4];
	_ =	sdelay $0x3  }
0x33: {  	p0 =	seq.s32 s10, $0x1;
	s10 =	sld [smem:$0x3FB6];
	_ =	sdelay $0x3  }
0x34: {  	[smem:$0x3FB6] =	sst s10  }
0x35: {  	s10 =	sld [smem:$0x3FB5];
	_ =	sdelay $0x3  }
0x36: {  	p1 =	seq.s32 s10, $0x1;
	s10 =	sld [smem:$0x3FB6];
	_ =	sdelay $0x3  }
0x37: {  	[smem:$0x3FB6] =	sst s10  }
0x38: {  	s10 =	sld [smem:$0x3FB7]  }
0x39: {  	_ = 	snop;
	(pc) =	sbr.ind lr, $3  }
0x3a: {  	_ = 	snop  }
0x3b: {  	_ = 	snop  }
0x3c: {  	p2 =	seq.s32 s10, $0x1;
	s10 =	sld [smem:$0x3FB6]  }
0x3d: {  	_ =	shalt  }
0x3e: {  	_ =	shalt  }
0x3f: {  	_ =	shalt  }
0x40: {  	_ =	shalt  }
0x41: {  	_ =	shalt  }
0x42: {  	_ =	shalt  }
0x43: {  	_ =	shalt  }
0x44: {  	_ =	shalt  }
0x45: {  	_ =	shalt  }
0x46: {  	_ =	shalt  }
0x47: {  	_ =	shalt  }
0x48: {  	_ =	shalt  }
0x49: {  	_ =	shalt  }
0x4a: {  	_ =	shalt  }
0x4b: {  	_ =	shalt  }
0x4c: {  	_ =	shalt  }
0x4d: {  	_ =	shalt  }
0x4e: {  	_ =	shalt  }
0x4f: {  	_ =	shalt  }
0x50: {  	_ =	shalt  }
0x51: {  	_ =	shalt  }
0x52: {  	_ =	shalt  }
0x53: {  	_ =	shalt  }
0x54: {  	_ =	shalt  }
0x55: {  	_ =	shalt  }
0x56: {  	_ =	shalt  }
0x57: {  	_ =	shalt  }
0x58: {  	_ =	shalt  }
0x59: {  	_ =	shalt  }
0x5a: {  	_ =	shalt  }
0x5b: {  	_ =	shalt  }
0x5c: {  	_ =	shalt  }
0x5d: {  	_ =	shalt  }
0x5e: {  	_ =	shalt  }
0x5f: {  	_ =	shalt  }
0x60: {  	_ =	shalt  }
0x61: {  	_ =	shalt  }
0x62: {  	_ =	shalt  }
0x63: {  	_ =	shalt  }
0x64: {  	_ =	shalt  }
0x65: {  	_ =	shalt  }
0x66: {  	_ =	shalt  }
0x67: {  	_ =	shalt  }
0x68: {  	_ =	shalt  }
0x69: {  	_ =	shalt  }
0x6a: {  	_ =	shalt  }
0x6b: {  	_ =	shalt  }
0x6c: {  	_ =	shalt  }
0x6d: {  	_ =	shalt  }
0x6e: {  	_ =	shalt  }
0x6f: {  	_ =	shalt  }
0x70: {  	_ =	shalt  }
0x71: {  	_ =	shalt  }
0x72: {  	_ =	shalt  }
0x73: {  	_ =	shalt  }
0x74: {  	_ =	shalt  }
0x75: {  	_ =	shalt  }
0x76: {  	_ =	shalt  }
0x77: {  	_ =	shalt  }
0x78: {  	_ =	shalt  }
0x79: {  	_ =	shalt  }
0x7a: {  	_ =	shalt  }
0x7b: {  	_ =	shalt  }
0x7c: {  	_ =	shalt  }
0x7d: {  	_ =	shalt  }
0x7e: {  	_ =	shalt  }
0x7f: {  	_ =	shalt  }
0x80: {  	_ =	shalt  }
0x81: {  	_ =	shalt  }
0x82: {  	_ =	shalt  }
0x83: {  	_ =	shalt  }
0x84: {  	_ =	shalt  }
0x85: {  	_ =	shalt  }
0x86: {  	_ =	shalt  }
0x87: {  	_ =	shalt  }
.Lfunc_end0:
.L_simem_size_0:
called_computation_lowered:
.L_overlay_start_0:
0x88: {  	s2 =	sld [smem:$0x3FD9]  }
0x89: {  	s3 =	sld [smem:$0x3FFE];
	_ =	sdelay $0x1  }
0x8a: {  	s1 =	srdreg.scid  }
0x8b: {  	s0 =	sand.u32 $0x1, s1  }
0x8c: {  	s17 =	sshll.u32 s0, $0xA;
	s2 =	sadd.s32 s3, s2  }
0x8d: {  	s2 =	sadd.s32 s2, s17  }
0x8e: {  	[smem:$0x3FC2] =	sst s2  }
0x8f: {  	_ = 	snop  }
0x90: {  	s2 =	sld [smem:$0x3FD0];
	(tm) =	ssettm $0x1  }
0x91: {  	s18 =	sld [smem:$0x3FFB];
	_ =	sdelay $0x3  }
0x92: {  	_ =	strace s18  }
0x93: {  	s3 =	sld [smem:$0x3FFC];
	_ =	sdelay $0x3  }
0x94: {  	_ =	strace s3  }
0x95: {  	s3 =	sld [smem:$0x3FFD];
	_ =	sdelay $0x3  }
0x96: {  	_ =	strace s3  }
0x97: {  	_ =	strace $0x8FFFFFFF  }
0x98: {  	s19 =	sld [smem:$0x3FDB];
	_ =	sdelay $0x1  }
0x99: {  	s4 =	simm.s32 $_scs_section_size  }
0x9a: {  	s5 =	simm.s32 $_size__tile_overlayer_lowered;
	s6 =	simm.s32 $_tile_overlayer_lowered  }
0x9b: {  	s22 =	simm.s32 $0x1BFF;
	s21 =	sshll.u32 s6, $0x1;
	s3 =	sadd.s32 s4, s19  }
0x9c: {  	s7 =	simm.s32 $0x0;
	s20 =	sshll.u32 s5, $0x1;
	s5 =	sadd.s32 s21, s3  }
0x9d: {  	[timem:s7], [sflag:s22] =	dma.local [hbm:s5], s20  }
0x9e: {  	_ =	swait.ge [sflag:s22], s20  }
0x9f: {  	s4 =	ssub.s32 $0x0, s20;
	[sflag:s22] =	ssyncset.done $0x0  }
0xa0: {  	[sflag:s22] =	ssyncadd.s32 s4;
	_ =	sdelay $0x1  }
0xa1: {  	s23 =	simm.s32 $0x1B8B  }
0xa2: {  	_ =	swait.ge [sflag:s23], $0x1  }
0xa3: {  	[sflag:s23] =	ssyncset.done $0x0  }
0xa4: {  	s25 =	simm.s32 $0x1B8E;
	s24 =	sld [smem:$0x3FFE];
	[sflag:s23] =	ssyncadd.s32 $0xFFFFFFFF  }
0xa5: {  	s26 =	simm.s32 $execute0_lowered;
	[smem:$0x3FD2] =	sst s25  }
0xa6: {  	s5 =	sshll.u32 s26, $0x1;
	_ =	strace $0x80000046;
	[dreg:$0x1] =	wrdreg $0xFFFFFFFF  }
0xa7: {  	s28 =	simm.s32 $_size_execute0_lowered;
	s3 =	sadd.s32 s3, s5;
	[dreg:$0x0] =	wrdreg $0x0  }
0xa8: {  	s5 =	sshll.u32 s28, $0x1;
	[dreg:$0x2] =	wrdreg s3  }
0xa9: {  	[dreg:$0x3] =	wrdreg s5  }
0xaa: {  	[dreg:$0x4] =	wrdreg $0xC0  }
0xab: {  	_ =	task [dreg:s7], $0x5FFFF  }
0xac: {  	[dreg:$0x1] =	wrdreg $0xFFFFFFFF  }
0xad: {  	[dreg:$0x0] =	wrdreg $0x60  }
0xae: {  	[dreg:$0x2] =	wrdreg s24  }
0xaf: {  	[dreg:$0x3] =	wrdreg s2  }
0xb0: {  	[dreg:$0x4] =	wrdreg $0x0  }
0xb1: {  	[dreg:$0x5] =	wrdreg $0x9  }
0xb2: {  	_ =	task.clear_ibuf [dreg:s7], $0x6FFFF;
	_ =	strace $0x90000046  }
0xb3: {  	s29 =	simm.s32 $0x9;
	_ =	strace $0x80000048  }
0xb4: {  	_ =	swait.ge [sflag:s29], $0x1  }
0xb5: {  	[sflag:s29] =	ssyncadd.s32 $0xFFFFFFFF  }
0xb6: {  	_ =	strace $0x90000048  }
0xb7: {  	_ =	sfence  }
0xb8: {  	s30 =	sld [smem:$0x0];
	_ =	sdelay $0x2  }
0xb9: {  	s31 =	sshll.u32 s1, $0xD;
	s1 =	sshrl.u32 s1, $0x2  }
0xba: {  	s3 =	sand.u32 $0x4000, s31;
	s1 =	sadd.s32 s1, s30  }
0xbb: {  	s0 =	sor.u32 s3, s0;
	s1 =	sshll.u32 s1, $0x11  }
0xbc: {  	s0 =	sor.u32 s1, s0  }
0xbd: {  	s0 =	sadd.s32 $0x8F2B, s0  }
0xbe: {  	[sflag:s0] =	ssyncadd.remote.s32 $0x1  }
0xbf: {  	_ =	sfence.sel $0xFFFF  }
0xc0: {  	[dreg:$0x0] =	wrdreg $0xFFFFFFFF;
	(pc) =	sbr.abs _section_cstart, $3  }
0xc1: {  	[dreg:$0x1] =	wrdreg $0xFFFFFFFF  }
0xc2: {  	_ =	task.clear_ibuf [dreg:s7], $0x2FFFF;
	_ =	strace $0x9FFFFFFF  }
0xc3: {  	(tm) =	ssettm $0x7FFFFFFF  }
tec
execute0_lowered:
.L_overlay_start_1:
0x0: {  	(tag) =	ssettag $0x1  }
0x1: {  	s5 =	rddreg [dreg:$0x0]  }
0x2: {  	s6 =	rddreg [dreg:$0x1]  }
0x3: {  	s0 =	srdreg.scid;
	s2 =	rddreg [dreg:$0x2]  }
0x4: {  	s3 =	simm.s32 $0x0;
	s12 =	simm.s32 $0x280;
	s13 =	simm.s32 $0x80  }
0x5: {  	s14 =	simm.s32 $0x1;
	s4 =	sand.u32 $0x1, s0;
	s0 =	stileid.u32  }
0x6: {  	[smem:$0x7FF] =	sst s3;
	s1 =	sshll.u32 s4, $0x4;
	s8 =	smul.u32 $0x500, s4  }
0x7: {  	s9 =	ssub.s32 $0x2, s4;
	s10 =	smul.u32 $0x280, s0;
	s4 =	sadd.s32 $0x15C00, s5  }
0x8: {  	s31 =	sshll.u32 s0, $0x6;
	s7 =	sor.u32 s0, s1;
	s1 =	rddreg [dreg:$0x3]  }
0x9: {  	_ =	strace $0x80000047;
	s11 =	sshrl.u32 s9, $0x1;
	s7 =	smul.u32 $0x500, s7  }
0xa: {  	s8 =	sadd.s32 s8, s5;
	s9 =	ssub.s32 s9, s11;
	s15 =	sshrl.u32 s10, $0x3  }
0xb: {  	s10 =	sadd.s32 s10, s2;
	s11 =	simm.s32 $0x2A80;
	s16 =	sadd.s32 $0x15E00, s8  }
0xc: {  	s8 =	smax.u32 s9, $0x1;
	s9 =	sshrl.u32 s10, $0x3;
	s10 =	simm.s32 $0x2  }
0xd: {  	s7 =	sadd.s32 s7, s5;
	s5 =	sadd.s32 s6, s15;
	s6 =	sor.u32 $0x1C02, s31  }
0xe: {  	s15 =	sadd.s32 s15, s16;
	s16 =	simm.s32 $0x0;
	s7 =	sadd.s32 $0x1C00, s7  }
.LBB2_1:
0xf: {  	[spmem:s9], [sflag:s6] =	dma.local [hbm:s5], $0x50  }
0x10: {  	_ =	swait.ge [sflag:s10], $0x50  }
0x11: {  	[sflag:s10] =	ssyncset.done $0x0  }
0x12: {  	[sflag:s10] =	ssyncadd.s32 $0xFFFFFFB0  }
0x13: {  	[tilespmem:s11], [sflag:$0x2] =	stream.linear.gather [hbm4b:s4+s3], $0x80, $0x38;
	[tilespmem:$0x2B00] =	vst v63  }
0x14: {  	_ =	swait.ge [sflag:s10], $0x80  }
0x15: {  	[sflag:s10] =	ssyncset.done $0x0  }
0x16: {  	[sflag:s10] =	ssyncadd.s32 $0xFFFFFF80  }
0x17: {  	[tilespmem:s12], [sflag:$0x2] =	stream.linear.gather [hbm4b:s7+s3], $0x2800, $0x38;
	[tilespmem:$0x2B00] =	vst v63  }
0x18: {  	_ =	swait.ge [sflag:s10], $0x2800  }
0x19: {  	[sflag:s10] =	ssyncset.done $0x0  }
0x1a: {  	[sflag:s10] =	ssyncadd.s32 $0xFFFFD800  }
0x1b: {  	s17 =	simm.s32 $0x280;
	[bflag:$0x0] =	sbarrier.arrive $0xFFFF  }
0x1c: {  	[spmem:s2] =	stream.indirect.scatter.add.f32 [tilespmem:s11], [sflag:$0x1], $0x1, s17, s13, $0xb8;
	[tilespmem:$0x2B00] =	vst v63  }
0x1d: {  	s24 =	simm.s32 $0x300  }
0x1e: {  	[spmem:s2] =	stream.indirect.scatter.add.f32 [tilespmem:s11], [sflag:$0x1], $0x1, s24, s13, $0xb8;
	[tilespmem:$0x2B00] =	vst v63  }
0x1f: {  	s25 =	simm.s32 $0x380  }
0x20: {  	[spmem:s2] =	stream.indirect.scatter.add.f32 [tilespmem:s11], [sflag:$0x1], $0x1, s25, s13, $0xb8;
	[tilespmem:$0x2B00] =	vst v63  }
0x21: {  	s26 =	simm.s32 $0x400  }
0x22: {  	[spmem:s2] =	stream.indirect.scatter.add.f32 [tilespmem:s11], [sflag:$0x1], $0x1, s26, s13, $0xb8;
	[tilespmem:$0x2B00] =	vst v63  }
0x23: {  	s28 =	simm.s32 $0x480  }
0x24: {  	[spmem:s2] =	stream.indirect.scatter.add.f32 [tilespmem:s11], [sflag:$0x1], $0x1, s28, s13, $0xb8;
	[tilespmem:$0x2B00] =	vst v63  }
0x25: {  	s29 =	simm.s32 $0x500  }
0x26: {  	[spmem:s2] =	stream.indirect.scatter.add.f32 [tilespmem:s11], [sflag:$0x1], $0x1, s29, s13, $0xb8;
	[tilespmem:$0x2B00] =	vst v63  }
0x27: {  	s30 =	simm.s32 $0x580  }
0x28: {  	[spmem:s2] =	stream.indirect.scatter.add.f32 [tilespmem:s11], [sflag:$0x1], $0x1, s30, s13, $0xb8;
	[tilespmem:$0x2B00] =	vst v63  }
0x29: {  	s31 =	simm.s32 $0x600  }
0x2a: {  	[spmem:s2] =	stream.indirect.scatter.add.f32 [tilespmem:s11], [sflag:$0x1], $0x1, s31, s13, $0xb8;
	[tilespmem:$0x2B00] =	vst v63  }
0x2b: {  	_ =	swait.ge [sflag:s14], $0x80  }
0x2c: {  	[sflag:s14] =	ssyncset.done $0x0  }
0x2d: {  	[sflag:s14] =	ssyncadd.s32 $0xFFFFFF80  }
0x2e: {  	_ =	swait.ge [sflag:s14], $0x80  }
0x2f: {  	[sflag:s14] =	ssyncset.done $0x0  }
0x30: {  	[sflag:s14] =	ssyncadd.s32 $0xFFFFFF80  }
0x31: {  	_ =	swait.ge [sflag:s14], $0x80  }
0x32: {  	[sflag:s14] =	ssyncset.done $0x0  }
0x33: {  	[sflag:s14] =	ssyncadd.s32 $0xFFFFFF80  }
0x34: {  	_ =	swait.ge [sflag:s14], $0x80  }
0x35: {  	[sflag:s14] =	ssyncset.done $0x0  }
0x36: {  	[sflag:s14] =	ssyncadd.s32 $0xFFFFFF80  }
0x37: {  	_ =	swait.ge [sflag:s14], $0x80  }
0x38: {  	[sflag:s14] =	ssyncset.done $0x0  }
0x39: {  	[sflag:s14] =	ssyncadd.s32 $0xFFFFFF80  }
0x3a: {  	_ =	swait.ge [sflag:s14], $0x80  }
0x3b: {  	[sflag:s14] =	ssyncset.done $0x0  }
0x3c: {  	[sflag:s14] =	ssyncadd.s32 $0xFFFFFF80  }
0x3d: {  	_ =	swait.ge [sflag:s14], $0x80  }
0x3e: {  	[sflag:s14] =	ssyncset.done $0x0  }
0x3f: {  	[sflag:s14] =	ssyncadd.s32 $0xFFFFFF80  }
0x40: {  	_ =	swait.ge [sflag:s14], $0x80  }
0x41: {  	s20 =	simm.s32 $0x2000;
	s19 =	simm.s32 $0x400;
	[sflag:s14] =	ssyncset.done $0x0  }
.LBB2_2:
0x42: {  	s21 =	sadd.s32 $0x280, s19  }
0x43: {  	[sflag:s14] =	ssyncadd.s32 $0xFFFFFF80;
	s18 =	smov.u32 s20;
	s17 =	sadd.s32 $0x1000, s20  }
0x44: {  	[spmem:s2] =	stream.indirect.scatter.add.f32 [tilespmem:s11], [sflag:$0x1], $0x1, s21, s13, $0xb8;
	[tilespmem:$0x2B00] =	vst v63  }
0x45: {  	p0 =	sne.s32 s20, $0x9000;
	s20 =	sadd.s32 $0x300, s19  }
0x46: {  	[spmem:s2] =	stream.indirect.scatter.add.f32 [tilespmem:s11], [sflag:$0x1], $0x1, s20, s13, $0xb8;
	[tilespmem:$0x2B00] =	vst v63  }
0x47: {  	s20 =	sadd.s32 $0x380, s19  }
0x48: {  	[spmem:s2] =	stream.indirect.scatter.add.f32 [tilespmem:s11], [sflag:$0x1], $0x1, s20, s13, $0xb8;
	[tilespmem:$0x2B00] =	vst v63  }
0x49: {  	s20 =	sadd.s32 $0x400, s19  }
0x4a: {  	[spmem:s2] =	stream.indirect.scatter.add.f32 [tilespmem:s11], [sflag:$0x1], $0x1, s20, s13, $0xb8;
	[tilespmem:$0x2B00] =	vst v63  }
0x4b: {  	s20 =	sadd.s32 $0x480, s19  }
0x4c: {  	[spmem:s2] =	stream.indirect.scatter.add.f32 [tilespmem:s11], [sflag:$0x1], $0x1, s20, s13, $0xb8;
	[tilespmem:$0x2B00] =	vst v63  }
0x4d: {  	s20 =	sadd.s32 $0x500, s19  }
0x4e: {  	[spmem:s2] =	stream.indirect.scatter.add.f32 [tilespmem:s11], [sflag:$0x1], $0x1, s20, s13, $0xb8;
	[tilespmem:$0x2B00] =	vst v63  }
0x4f: {  	s20 =	sadd.s32 $0x580, s19  }
0x50: {  	[spmem:s2] =	stream.indirect.scatter.add.f32 [tilespmem:s11], [sflag:$0x1], $0x1, s20, s13, $0xb8;
	[tilespmem:$0x2B00] =	vst v63  }
0x51: {  	s19 =	sadd.s32 $0x600, s19  }
0x52: {  	[spmem:s2] =	stream.indirect.scatter.add.f32 [tilespmem:s11], [sflag:$0x1], $0x1, s19, s13, $0xb8;
	[tilespmem:$0x2B00] =	vst v63  }
0x53: {  	_ =	swait.ge [sflag:s14], $0x80  }
0x54: {  	[sflag:s14] =	ssyncset.done $0x0  }
0x55: {  	[sflag:s14] =	ssyncadd.s32 $0xFFFFFF80  }
0x56: {  	_ =	swait.ge [sflag:s14], $0x80  }
0x57: {  	[sflag:s14] =	ssyncset.done $0x0  }
0x58: {  	[sflag:s14] =	ssyncadd.s32 $0xFFFFFF80  }
0x59: {  	_ =	swait.ge [sflag:s14], $0x80  }
0x5a: {  	[sflag:s14] =	ssyncset.done $0x0  }
0x5b: {  	[sflag:s14] =	ssyncadd.s32 $0xFFFFFF80  }
0x5c: {  	_ =	swait.ge [sflag:s14], $0x80  }
0x5d: {  	[sflag:s14] =	ssyncset.done $0x0  }
0x5e: {  	[sflag:s14] =	ssyncadd.s32 $0xFFFFFF80  }
0x5f: {  	_ =	swait.ge [sflag:s14], $0x80  }
0x60: {  	[sflag:s14] =	ssyncset.done $0x0  }
0x61: {  	[sflag:s14] =	ssyncadd.s32 $0xFFFFFF80  }
0x62: {  	_ =	swait.ge [sflag:s14], $0x80  }
0x63: {  	[sflag:s14] =	ssyncset.done $0x0  }
0x64: {  	[sflag:s14] =	ssyncadd.s32 $0xFFFFFF80  }
.Ltmp0:
0x65: {  	_ =	swait.ge [sflag:s14], $0x80;
	(pc) =	sbr.rel @p0 .LBB2_2-.Ltmp0, $4  }
0x66: {  	[sflag:s14] =	ssyncset.done $0x0  }
0x67: {  	[sflag:s14] =	ssyncadd.s32 $0xFFFFFF80  }
0x68: {  	_ =	swait.ge [sflag:s14], $0x80  }
0x69: {  	s20 =	smov.u32 s17;
	s19 =	sshra.s32 s18, $0x2;
	[sflag:s14] =	ssyncset.done $0x0  }
0x6a: {  	s17 =	sadd.s32 $0x280, s19;
	[sflag:s14] =	ssyncadd.s32 $0xFFFFFF80  }
0x6b: {  	[spmem:s2] =	stream.indirect.scatter.add.f32 [tilespmem:s11], [sflag:$0x1], $0x1, s17, s13, $0xb8;
	[tilespmem:$0x2B00] =	vst v63  }
0x6c: {  	s24 =	sadd.s32 $0x300, s19  }
0x6d: {  	[spmem:s2] =	stream.indirect.scatter.add.f32 [tilespmem:s11], [sflag:$0x1], $0x1, s24, s13, $0xb8;
	[tilespmem:$0x2B00] =	vst v63  }
0x6e: {  	s25 =	sadd.s32 $0x380, s19  }
0x6f: {  	[spmem:s2] =	stream.indirect.scatter.add.f32 [tilespmem:s11], [sflag:$0x1], $0x1, s25, s13, $0xb8;
	[tilespmem:$0x2B00] =	vst v63  }
0x70: {  	s26 =	sadd.s32 $0x400, s19  }
0x71: {  	[spmem:s2] =	stream.indirect.scatter.add.f32 [tilespmem:s11], [sflag:$0x1], $0x1, s26, s13, $0xb8;
	[tilespmem:$0x2B00] =	vst v63  }
0x72: {  	s28 =	sadd.s32 $0x480, s19  }
0x73: {  	[spmem:s2] =	stream.indirect.scatter.add.f32 [tilespmem:s11], [sflag:$0x1], $0x1, s28, s13, $0xb8;
	[tilespmem:$0x2B00] =	vst v63  }
0x74: {  	s29 =	sadd.s32 $0x500, s19  }
0x75: {  	[spmem:s2] =	stream.indirect.scatter.add.f32 [tilespmem:s11], [sflag:$0x1], $0x1, s29, s13, $0xb8;
	[tilespmem:$0x2B00] =	vst v63  }
0x76: {  	s30 =	sadd.s32 $0x580, s19  }
0x77: {  	[spmem:s2] =	stream.indirect.scatter.add.f32 [tilespmem:s11], [sflag:$0x1], $0x1, s30, s13, $0xb8;
	[tilespmem:$0x2B00] =	vst v63  }
0x78: {  	s31 =	sadd.s32 $0x600, s19  }
0x79: {  	[spmem:s2] =	stream.indirect.scatter.add.f32 [tilespmem:s11], [sflag:$0x1], $0x1, s31, s13, $0xb8;
	[tilespmem:$0x2B00] =	vst v63  }
0x7a: {  	_ =	swait.ge [sflag:s14], $0x80  }
0x7b: {  	[sflag:s14] =	ssyncset.done $0x0  }
0x7c: {  	[sflag:s14] =	ssyncadd.s32 $0xFFFFFF80  }
0x7d: {  	_ =	swait.ge [sflag:s14], $0x80  }
0x7e: {  	[sflag:s14] =	ssyncset.done $0x0  }
0x7f: {  	[sflag:s14] =	ssyncadd.s32 $0xFFFFFF80  }
0x80: {  	_ =	swait.ge [sflag:s14], $0x80  }
0x81: {  	[sflag:s14] =	ssyncset.done $0x0  }
0x82: {  	[sflag:s14] =	ssyncadd.s32 $0xFFFFFF80  }
0x83: {  	_ =	swait.ge [sflag:s14], $0x80  }
0x84: {  	[sflag:s14] =	ssyncset.done $0x0  }
0x85: {  	[sflag:s14] =	ssyncadd.s32 $0xFFFFFF80  }
0x86: {  	_ =	swait.ge [sflag:s14], $0x80  }
0x87: {  	[sflag:s14] =	ssyncset.done $0x0  }
0x88: {  	[sflag:s14] =	ssyncadd.s32 $0xFFFFFF80  }
0x89: {  	_ =	swait.ge [sflag:s14], $0x80  }
0x8a: {  	[sflag:s14] =	ssyncset.done $0x0  }
0x8b: {  	[sflag:s14] =	ssyncadd.s32 $0xFFFFFF80  }
0x8c: {  	_ =	swait.ge [sflag:s14], $0x80  }
0x8d: {  	[sflag:s14] =	ssyncset.done $0x0  }
0x8e: {  	[sflag:s14] =	ssyncadd.s32 $0xFFFFFF80  }
0x8f: {  	_ =	swait.ge [sflag:s14], $0x80  }
0x90: {  	s16 =	sadd.s32 $0x1, s16;
	[sflag:s14] =	ssyncset.done $0x0  }
0x91: {  	p0 =	sne.s32 s16, s8;
	[sflag:s14] =	ssyncadd.s32 $0xFFFFFF80  }
.Ltmp1:
0x92: {  	[bflag:$0x0] =	sbarrier.arrive $0xFFFF;
	(pc) =	sbr.rel @p0 .LBB2_1-.Ltmp1, $4  }
0x93: {  	[hbm:s15], [sflag:s6] =	dma.local [spmem:s9], $0x50  }
0x94: {  	_ =	swait.ge [sflag:s10], $0x50  }
0x95: {  	[sflag:s10] =	ssyncset.done $0x0  }
0x96: {  	[sflag:s10] =	ssyncadd.s32 $0xFFFFFFB0  }
0x97: {  	_ =	sfence.sel $0x180000  }
0x98: {  	[bflag:$0x0] =	sbarrier.arrive $0xFFFF  }
0x99: {  	p0 =	sne.s32 s0, $0x0;
	_ =	strace $0x90000047  }
0x9a: {  	s0 =	sadd.s32 @!p0 $0x100000, s1;
	[bflag:$0x2] =	sbarrier.arrive $0xFFFF  }
0x9b: {  	[sflag:s0] =	ssyncadd.tile.s32 @!p0 $0x1;
	_ =	shalt  }
.Lfunc_end2:
_tile_overlayer_lowered:
.L_overlay_start_2:
0x9c: {  	(tag) =	ssettag $0x2  }
0x9d: {  	s0 =	rddreg [dreg:$0x0];
	s2 =	stileid.u32  }
0x9e: {  	s1 =	rddreg [dreg:$0x1];
	p0 =	sne.s32 s2, $0x0  }
0x9f: {  	s3 =	rddreg [dreg:$0x2];
	[bflag:$0x3] =	sbarrier.arrive $0xFFFF;
	s2 =	simm.s32 @!p0 $0x1C02  }
0xa0: {  	[timem:s3], [sflag:s2] =	dma.local @!p0 [hbm:s0], s1  }
0xa1: {  	s0 =	simm.s32 @!p0 $0x2  }
0xa2: {  	_ =	swait.ge @!p0 [sflag:s0], s1  }
0xa3: {  	s1 =	ssub.s32 @!p0 $0x0, s1;
	[sflag:s0] =	ssyncset.done @!p0 $0x0  }
0xa4: {  	[sflag:s0] =	ssyncadd.s32 @!p0 s1  }
0xa5: {  	[bflag:$0x3] =	sbarrier.arrive $0xFFFF  }
0xa6: {  	_ =	shalt  }

</sc_bundles>
